<compile_context>
chip_gen: v7x
topology: tpu7x:2x2x1
jax: 0.10.2.dev20260603
libtpu: 0.0.44.dev20260713+nightly
codegen_flags: <defaults>
</compile_context>

<pallas_src>
import functools

import jax
import jax.numpy as jnp
from jax import lax
from jax.experimental import pallas as pl
from jax.experimental.pallas import tpu as pltpu
from jax.experimental.pallas import tpu_sc as plsc

B = 4
N = 2048 * 1024
NH = 2
HALF = N // NH
NS = 16
JPW = N // NS
SPW = HALF // NS
JBLK = 8192
NJB = JPW // JBLK

_mesh = plsc.VectorSubcoreMesh(
    core_axis_name="c", subcore_axis_name="s", num_cores=1)


@functools.partial(
    pl.kernel,
    out_type=(
        jax.ShapeDtypeStruct((NH, B, N), jnp.float32),
        jax.ShapeDtypeStruct((B, N), jnp.float32),
        jax.ShapeDtypeStruct((N,), jnp.int32),
    ),
    mesh=_mesh,
    scratch_types=[
        pltpu.VMEM((JBLK,), jnp.int32),
        pltpu.VMEM((JBLK,), jnp.int32),
        pltpu.VMEM((JBLK,), jnp.int32),
        pltpu.VMEM((JBLK,), jnp.float32),
        pltpu.VMEM((JBLK,), jnp.float32),
        pltpu.VMEM_SHARED((HALF,), jnp.float32),
        pltpu.SemaphoreType.DMA,
        pltpu.SemaphoreType.DMA,
        pltpu.SemaphoreType.DMA,
    ],
)
def _sc_gather(x_hbm, perm_hbm, part_hbm, y_hbm, loc_hbm, idx_v, loc_a,
               loc_b, vals_a, vals_b, slab_sh, sem, sem_l, sem_w):
    loc_v = (loc_a, loc_b)
    vals_v = (vals_a, vals_b)
    s = lax.axis_index("s")
    wj = pl.multiple_of(s * JPW, JPW)

    for pb in range(NJB):
        po = pl.multiple_of(wj + pb * JBLK, JBLK)
        pltpu.sync_copy(perm_hbm.at[pl.ds(po, JBLK)], idx_v)

        def _prep(i, carry):
            v = idx_v[pl.ds(i * 16, 16)]
            idx_v[pl.ds(i * 16, 16)] = lax.bitwise_and(v, HALF - 1)
            return carry

        lax.fori_loop(0, JBLK // 16, _prep, 0)
        pltpu.sync_copy(idx_v, loc_hbm.at[pl.ds(po, JBLK)])

    wjh = wj // HALF
    wjl = pl.multiple_of(lax.bitwise_and(wj, HALF - 1), JPW)

    for b in range(B):
        for h in range(NH):
            sbase = pl.multiple_of(h * HALF + s * SPW, 128)
            lbase = pl.multiple_of(s * SPW, 128)
            pltpu.sync_copy(x_hbm.at[b].at[pl.ds(sbase, SPW)],
                            slab_sh.at[pl.ds(lbase, SPW)])
            plsc.subcore_barrier()

            @pl.when(wjh == h)
            def _():
                pltpu.sync_copy(slab_sh.at[pl.ds(wjl, JPW)],
                                y_hbm.at[b].at[pl.ds(wj, JPW)])

            pltpu.async_copy(loc_hbm.at[pl.ds(wj, JBLK)], loc_v[0], sem_l)

            def _pair(jj, carry):
                for par in range(2):
                    jb = jj * 2 + par
                    jo = pl.multiple_of(jb * JBLK, JBLK)

                    @pl.when(jb > 0)
                    def _():
                        pjo = pl.multiple_of((jb - 1) * JBLK, JBLK)
                        pv = vals_v[1 - par]
                        pltpu.make_async_copy(
                            slab_sh.at[loc_v[1 - par]], pv, sem).wait()
                        pltpu.async_copy(
                            pv,
                            part_hbm.at[h].at[b].at[pl.ds(wj + pjo, JBLK)],
                            sem_w)

                    @pl.when(jb > 1)
                    def _():
                        qjo = pl.multiple_of((jb - 2) * JBLK, JBLK)
                        pltpu.make_async_copy(
                            vals_v[par],
                            part_hbm.at[h].at[b].at[pl.ds(wj + qjo, JBLK)],
                            sem_w).wait()

                    pltpu.make_async_copy(
                        loc_hbm.at[pl.ds(wj + jo, JBLK)], loc_v[par],
                        sem_l).wait()
                    pltpu.async_copy(
                        slab_sh.at[loc_v[par]], vals_v[par], sem)

                    @pl.when(jb + 1 < NJB)
                    def _():
                        njo = pl.multiple_of((jb + 1) * JBLK, JBLK)
                        pltpu.async_copy(
                            loc_hbm.at[pl.ds(wj + njo, JBLK)],
                            loc_v[1 - par], sem_l)
                return carry

            lax.fori_loop(0, NJB // 2, _pair, 0)
            ljo = pl.multiple_of((NJB - 1) * JBLK, JBLK)
            lpar = (NJB - 1) % 2
            lv = vals_v[lpar]
            pltpu.make_async_copy(
                slab_sh.at[loc_v[lpar]], lv, sem).wait()
            pltpu.async_copy(
                lv, part_hbm.at[h].at[b].at[pl.ds(wj + ljo, JBLK)], sem_w)
            kjo = pl.multiple_of((NJB - 2) * JBLK, JBLK)
            pltpu.make_async_copy(
                vals_v[1 - lpar],
                part_hbm.at[h].at[b].at[pl.ds(wj + kjo, JBLK)],
                sem_w).wait()
            pltpu.make_async_copy(
                lv, part_hbm.at[h].at[b].at[pl.ds(wj + ljo, JBLK)],
                sem_w).wait()
            plsc.subcore_barrier()


_TCB = 512


def _tc_merge_body(perm_ref, part_ref, out_ref):
    hi = (perm_ref[...] >> 20)[None]
    out_ref[...] = jnp.where(hi == 0, part_ref[0], part_ref[1])


_tc_merge = pl.pallas_call(
    _tc_merge_body,
    grid=(N // 128 // _TCB,),
    in_specs=[
        pl.BlockSpec((_TCB, 128), lambda i: (i, 0)),
        pl.BlockSpec((NH, B, _TCB, 128), lambda i: (0, 0, i, 0)),
    ],
    out_specs=pl.BlockSpec((B, _TCB, 128), lambda i: (0, i, 0)),
    out_shape=jax.ShapeDtypeStruct((B, N // 128, 128), jnp.float32),
)


def kernel(x, perm):
    xf = x.reshape(B, N)
    part, y, _unused_loc = _sc_gather(xf, perm)
    xp = _tc_merge(
        perm.reshape(N // 128, 128),
        part.reshape(NH, B, N // 128, 128),
    )
    return xp.reshape(x.shape), y.reshape(x.shape)

# --- scband reference (transcript-rebuilt; emitter-appended) ---
"""Pipeline reference for scband-interleaver-30889404792874 (READ-ONLY COPY).

The authoritative reference and input builder live on the scoring server;
editing this copy changes nothing except your own understanding.
"""

import jax, jax.numpy as jnp
import numpy as np


def setup_inputs(seed: int = 0) -> dict:
    key = jax.random.key(seed)
    k1, k2 = jax.random.split(key)
    x = jax.random.normal(k1, (4, 2048, 1024), dtype=jnp.float32)
    x_len = 2048 * 1024
    # perm must be a true permutation (the TF module uses tf.random.shuffle(tf.range(x_len)));
    # jax.random.permutation guarantees unique, in-range indices so the scatter round-trips.
    perm = jax.random.permutation(k2, x_len).astype(jnp.int32)
    return {"x": x, "perm": perm}


def reference(x, perm):
    # interleave(): reshape to [B, -1], gather along axis 1 with perm, reshape back
    x_shape = x.shape
    batch_size = x_shape[0]
    flat = x.reshape(batch_size, -1)
    x_perm_flat = jnp.take(flat, perm, axis=1)
    x_perm = x_perm_flat.reshape(x_shape)

    # de_interleave(): scatter_nd writes y[b, perm[j]] = y_perm[b, j]
    # (tf.scatter_nd accumulates duplicates; perm is a permutation so .add == .set)
    y_flat = jnp.zeros_like(flat).at[:, perm].add(x_perm_flat)
    y = y_flat.reshape(x_shape)

    return (x_perm, y)

if __name__ == "__main__":
    import jax
    _d = setup_inputs()
    print(jax.jit(kernel)(*tuple(_d.values())))

</pallas_src>

<mosaic_0001>
#map = affine_map<(d0, d1) -> (0, 0)>
#map1 = affine_map<(d0, d1) -> (0)>
#map2 = affine_map<(d0, d1) -> (0, 0, 0)>
module attributes {stable_mosaic.version = 14 : i64} {
  func.func @_sc_gather(%arg0: i32, %arg1: i32, %arg2: memref<4x2097152xf32, #tpu.memory_space<hbm>>, %arg3: memref<2097152xi32, #tpu.memory_space<hbm>>, %arg4: memref<2x4x2097152xf32, #tpu.memory_space<hbm>>, %arg5: memref<4x2097152xf32, #tpu.memory_space<hbm>>, %arg6: memref<2097152xi32, #tpu.memory_space<hbm>>, %arg7: memref<8192xi32, #tpu.memory_space<vmem>>, %arg8: memref<8192xi32, #tpu.memory_space<vmem>>, %arg9: memref<8192xi32, #tpu.memory_space<vmem>>, %arg10: memref<8192xf32, #tpu.memory_space<vmem>>, %arg11: memref<8192xf32, #tpu.memory_space<vmem>>, %arg12: memref<1048576xf32, #tpu.memory_space<vmem_shared>>, %arg13: memref<!tpu.dma_semaphore, #tpu.memory_space<semaphore_mem>>, %arg14: memref<!tpu.dma_semaphore, #tpu.memory_space<semaphore_mem>>, %arg15: memref<!tpu.dma_semaphore, #tpu.memory_space<semaphore_mem>>) attributes {dimension_semantics = [#tpu.dimension_semantics<core_parallel>, #tpu.dimension_semantics<subcore_parallel>], iteration_bounds = array<i64: 1, 16>, scalar_prefetch = 0 : i64, scratch_operands = 9 : i64, tpu.core_type = #tpu.core_type<sc_vector_subcore>, window_params = [{transform_indices = #map}, {transform_indices = #map1}, {transform_indices = #map2}, {transform_indices = #map}, {transform_indices = #map1}]} {
    %mul3A = arith.constant 131072 : i32
    %mul3A_0 = arith.muli %arg1, %mul3A : i32
    %multiple_of3A = tpu.assume_multiple %mul3A_0, 131072 : i32
    %add3A = arith.constant 0 : i32
    %add3A_1 = arith.addi %multiple_of3A, %add3A : i32
    %multiple_of3A_2 = tpu.assume_multiple %add3A_1, 8192 : i32
    "tpu.region"() ({
      %run_scoped3A_851 = tpu.sem_alloc : memref<!tpu.dma_semaphore, #tpu.memory_space<semaphore_mem>>
      %dma_start3A_852 = tpu.memref_slice %arg3[%multiple_of3A_2] : memref<2097152xi32, #tpu.memory_space<hbm>> -> memref<8192xi32, #tpu.memory_space<hbm>>
      %dma_start3A_853 = tpu.memref_slice %arg3[%multiple_of3A_2] : memref<2097152xi32, #tpu.memory_space<hbm>> -> memref<8192xi32, #tpu.memory_space<hbm>>
      tpu.enqueue_dma source(%dma_start3A_853 : memref<8192xi32, #tpu.memory_space<hbm>>) target(%arg7 : memref<8192xi32, #tpu.memory_space<vmem>>) target_semaphore(%run_scoped3A_851 : memref<!tpu.dma_semaphore, #tpu.memory_space<semaphore_mem>>)
      %dma_wait3A_854 = tpu.memref_slice %arg3[%multiple_of3A_2] : memref<2097152xi32, #tpu.memory_space<hbm>> -> memref<8192xi32, #tpu.memory_space<hbm>>
      %dma_wait3A_855 = tpu.memref_slice %arg3[%multiple_of3A_2] : memref<2097152xi32, #tpu.memory_space<hbm>> -> memref<8192xi32, #tpu.memory_space<hbm>>
      tpu.wait_dma2 semaphore(%run_scoped3A_851 : memref<!tpu.dma_semaphore, #tpu.memory_space<semaphore_mem>>) src(%dma_wait3A_855 : memref<8192xi32, #tpu.memory_space<hbm>>) dst(%arg7 : memref<8192xi32, #tpu.memory_space<vmem>>)
      tpu.yield
    }) : () -> ()
    %scan3A = arith.constant 0 : i32
    %scan3A_3 = arith.constant 0 : i32
    %scan3A_4 = arith.constant 512 : i32
    %scan3A_5 = arith.addi %scan3A_3, %scan3A_4 : i32
    %scan3A_6 = arith.constant 1 : i32
    scf.for %scan3A_851 = %scan3A_3 to %scan3A_5 step %scan3A_6  : i32 {
      %mul3A_852 = arith.constant 16 : i32
      %mul3A_853 = arith.muli %scan3A_851, %mul3A_852 : i32
      %get3A = arith.index_cast %mul3A_853 : i32 to index
      %get3A_854 = tpu.vector_load %arg7[%get3A] {strides = array<i32>} : memref<8192xi32, #tpu.memory_space<vmem>>, vector<16xi32>,
      %get3A_855 = vector.shape_cast %get3A_854 : vector<16xi32> to vector<16xi32>
      %and3A_856 = arith.constant 1048575 : i32
      %and3A_857 = vector.broadcast %and3A_856 : i32 to vector<16xi32>
      %and3A_858 = arith.andi %get3A_855, %and3A_857 : vector<16xi32>
      %mul3A_859 = arith.constant 16 : i32
      %mul3A_860 = arith.muli %scan3A_851, %mul3A_859 : i32
      %swap3A = arith.index_cast %mul3A_860 : i32 to index
      %swap3A_861 = tpu.vector_load %arg7[%swap3A] {strides = array<i32>} : memref<8192xi32, #tpu.memory_space<vmem>>, vector<16xi32>,
      %swap3A_862 = vector.shape_cast %swap3A_861 : vector<16xi32> to vector<16xi32>
      %swap3A_863 = vector.shape_cast %and3A_858 : vector<16xi32> to vector<16xi32>
      tpu.vector_store %arg7[%swap3A], %swap3A_863 {strides = array<i32>} : memref<8192xi32, #tpu.memory_space<vmem>>, vector<16xi32>,
    }
    %scan3A_7 = arith.constant 512 : i32
    "tpu.region"() ({
      %run_scoped3A_851 = tpu.sem_alloc : memref<!tpu.dma_semaphore, #tpu.memory_space<semaphore_mem>>
      %dma_start3A_852 = tpu.memref_slice %arg6[%multiple_of3A_2] : memref<2097152xi32, #tpu.memory_space<hbm>> -> memref<8192xi32, #tpu.memory_space<hbm>>
      %dma_start3A_853 = tpu.memref_slice %arg6[%multiple_of3A_2] : memref<2097152xi32, #tpu.memory_space<hbm>> -> memref<8192xi32, #tpu.memory_space<hbm>>
      tpu.enqueue_dma source(%arg7 : memref<8192xi32, #tpu.memory_space<vmem>>) target(%dma_start3A_853 : memref<8192xi32, #tpu.memory_space<hbm>>) target_semaphore(%run_scoped3A_851 : memref<!tpu.dma_semaphore, #tpu.memory_space<semaphore_mem>>)
      %dma_wait3A_854 = tpu.memref_slice %arg6[%multiple_of3A_2] : memref<2097152xi32, #tpu.memory_space<hbm>> -> memref<8192xi32, #tpu.memory_space<hbm>>
      %dma_wait3A_855 = tpu.memref_slice %arg6[%multiple_of3A_2] : memref<2097152xi32, #tpu.memory_space<hbm>> -> memref<8192xi32, #tpu.memory_space<hbm>>
      tpu.wait_dma2 semaphore(%run_scoped3A_851 : memref<!tpu.dma_semaphore, #tpu.memory_space<semaphore_mem>>) src(%arg7 : memref<8192xi32, #tpu.memory_space<vmem>>) dst(%dma_wait3A_855 : memref<8192xi32, #tpu.memory_space<hbm>>)
      tpu.yield
    }) : () -> ()
    %add3A_8 = arith.constant 8192 : i32
    %add3A_9 = arith.addi %multiple_of3A, %add3A_8 : i32
    %multiple_of3A_10 = tpu.assume_multiple %add3A_9, 8192 : i32
    "tpu.region"() ({
      %run_scoped3A_851 = tpu.sem_alloc : memref<!tpu.dma_semaphore, #tpu.memory_space<semaphore_mem>>
      %dma_start3A_852 = tpu.memref_slice %arg3[%multiple_of3A_10] : memref<2097152xi32, #tpu.memory_space<hbm>> -> memref<8192xi32, #tpu.memory_space<hbm>>
      %dma_start3A_853 = tpu.memref_slice %arg3[%multiple_of3A_10] : memref<2097152xi32, #tpu.memory_space<hbm>> -> memref<8192xi32, #tpu.memory_space<hbm>>
      tpu.enqueue_dma source(%dma_start3A_853 : memref<8192xi32, #tpu.memory_space<hbm>>) target(%arg7 : memref<8192xi32, #tpu.memory_space<vmem>>) target_semaphore(%run_scoped3A_851 : memref<!tpu.dma_semaphore, #tpu.memory_space<semaphore_mem>>)
      %dma_wait3A_854 = tpu.memref_slice %arg3[%multiple_of3A_10] : memref<2097152xi32, #tpu.memory_space<hbm>> -> memref<8192xi32, #tpu.memory_space<hbm>>
      %dma_wait3A_855 = tpu.memref_slice %arg3[%multiple_of3A_10] : memref<2097152xi32, #tpu.memory_space<hbm>> -> memref<8192xi32, #tpu.memory_space<hbm>>
      tpu.wait_dma2 semaphore(%run_scoped3A_851 : memref<!tpu.dma_semaphore, #tpu.memory_space<semaphore_mem>>) src(%dma_wait3A_855 : memref<8192xi32, #tpu.memory_space<hbm>>) dst(%arg7 : memref<8192xi32, #tpu.memory_space<vmem>>)
      tpu.yield
    }) : () -> ()
    %scan3A_11 = arith.constant 0 : i32
    %scan3A_12 = arith.constant 0 : i32
    %scan3A_13 = arith.constant 512 : i32
    %scan3A_14 = arith.addi %scan3A_12, %scan3A_13 : i32
    %scan3A_15 = arith.constant 1 : i32
    scf.for %scan3A_851 = %scan3A_12 to %scan3A_14 step %scan3A_15  : i32 {
      %mul3A_852 = arith.constant 16 : i32
      %mul3A_853 = arith.muli %scan3A_851, %mul3A_852 : i32
      %get3A = arith.index_cast %mul3A_853 : i32 to index
      %get3A_854 = tpu.vector_load %arg7[%get3A] {strides = array<i32>} : memref<8192xi32, #tpu.memory_space<vmem>>, vector<16xi32>,
      %get3A_855 = vector.shape_cast %get3A_854 : vector<16xi32> to vector<16xi32>
      %and3A_856 = arith.constant 1048575 : i32
      %and3A_857 = vector.broadcast %and3A_856 : i32 to vector<16xi32>
      %and3A_858 = arith.andi %get3A_855, %and3A_857 : vector<16xi32>
      %mul3A_859 = arith.constant 16 : i32
      %mul3A_860 = arith.muli %scan3A_851, %mul3A_859 : i32
      %swap3A = arith.index_cast %mul3A_860 : i32 to index
      %swap3A_861 = tpu.vector_load %arg7[%swap3A] {strides = array<i32>} : memref<8192xi32, #tpu.memory_space<vmem>>, vector<16xi32>,
      %swap3A_862 = vector.shape_cast %swap3A_861 : vector<16xi32> to vector<16xi32>
      %swap3A_863 = vector.shape_cast %and3A_858 : vector<16xi32> to vector<16xi32>
      tpu.vector_store %arg7[%swap3A], %swap3A_863 {strides = array<i32>} : memref<8192xi32, #tpu.memory_space<vmem>>, vector<16xi32>,
    }
    %scan3A_16 = arith.constant 512 : i32
    "tpu.region"() ({
      %run_scoped3A_851 = tpu.sem_alloc : memref<!tpu.dma_semaphore, #tpu.memory_space<semaphore_mem>>
      %dma_start3A_852 = tpu.memref_slice %arg6[%multiple_of3A_10] : memref<2097152xi32, #tpu.memory_space<hbm>> -> memref<8192xi32, #tpu.memory_space<hbm>>
      %dma_start3A_853 = tpu.memref_slice %arg6[%multiple_of3A_10] : memref<2097152xi32, #tpu.memory_space<hbm>> -> memref<8192xi32, #tpu.memory_space<hbm>>
      tpu.enqueue_dma source(%arg7 : memref<8192xi32, #tpu.memory_space<vmem>>) target(%dma_start3A_853 : memref<8192xi32, #tpu.memory_space<hbm>>) target_semaphore(%run_scoped3A_851 : memref<!tpu.dma_semaphore, #tpu.memory_space<semaphore_mem>>)
      %dma_wait3A_854 = tpu.memref_slice %arg6[%multiple_of3A_10] : memref<2097152xi32, #tpu.memory_space<hbm>> -> memref<8192xi32, #tpu.memory_space<hbm>>
      %dma_wait3A_855 = tpu.memref_slice %arg6[%multiple_of3A_10] : memref<2097152xi32, #tpu.memory_space<hbm>> -> memref<8192xi32, #tpu.memory_space<hbm>>
      tpu.wait_dma2 semaphore(%run_scoped3A_851 : memref<!tpu.dma_semaphore, #tpu.memory_space<semaphore_mem>>) src(%arg7 : memref<8192xi32, #tpu.memory_space<vmem>>) dst(%dma_wait3A_855 : memref<8192xi32, #tpu.memory_space<hbm>>)
      tpu.yield
    }) : () -> ()
    %add3A_17 = arith.constant 16384 : i32
    %add3A_18 = arith.addi %multiple_of3A, %add3A_17 : i32
    %multiple_of3A_19 = tpu.assume_multiple %add3A_18, 8192 : i32
    "tpu.region"() ({
      %run_scoped3A_851 = tpu.sem_alloc : memref<!tpu.dma_semaphore, #tpu.memory_space<semaphore_mem>>
      %dma_start3A_852 = tpu.memref_slice %arg3[%multiple_of3A_19] : memref<2097152xi32, #tpu.memory_space<hbm>> -> memref<8192xi32, #tpu.memory_space<hbm>>
      %dma_start3A_853 = tpu.memref_slice %arg3[%multiple_of3A_19] : memref<2097152xi32, #tpu.memory_space<hbm>> -> memref<8192xi32, #tpu.memory_space<hbm>>
      tpu.enqueue_dma source(%dma_start3A_853 : memref<8192xi32, #tpu.memory_space<hbm>>) target(%arg7 : memref<8192xi32, #tpu.memory_space<vmem>>) target_semaphore(%run_scoped3A_851 : memref<!tpu.dma_semaphore, #tpu.memory_space<semaphore_mem>>)
      %dma_wait3A_854 = tpu.memref_slice %arg3[%multiple_of3A_19] : memref<2097152xi32, #tpu.memory_space<hbm>> -> memref<8192xi32, #tpu.memory_space<hbm>>
      %dma_wait3A_855 = tpu.memref_slice %arg3[%multiple_of3A_19] : memref<2097152xi32, #tpu.memory_space<hbm>> -> memref<8192xi32, #tpu.memory_space<hbm>>
      tpu.wait_dma2 semaphore(%run_scoped3A_851 : memref<!tpu.dma_semaphore, #tpu.memory_space<semaphore_mem>>) src(%dma_wait3A_855 : memref<8192xi32, #tpu.memory_space<hbm>>) dst(%arg7 : memref<8192xi32, #tpu.memory_space<vmem>>)
      tpu.yield
    }) : () -> ()
    %scan3A_20 = arith.constant 0 : i32
    %scan3A_21 = arith.constant 0 : i32
    %scan3A_22 = arith.constant 512 : i32
    %scan3A_23 = arith.addi %scan3A_21, %scan3A_22 : i32
    %scan3A_24 = arith.constant 1 : i32
    scf.for %scan3A_851 = %scan3A_21 to %scan3A_23 step %scan3A_24  : i32 {
      %mul3A_852 = arith.constant 16 : i32
      %mul3A_853 = arith.muli %scan3A_851, %mul3A_852 : i32
      %get3A = arith.index_cast %mul3A_853 : i32 to index
      %get3A_854 = tpu.vector_load %arg7[%get3A] {strides = array<i32>} : memref<8192xi32, #tpu.memory_space<vmem>>, vector<16xi32>,
      %get3A_855 = vector.shape_cast %get3A_854 : vector<16xi32> to vector<16xi32>
      %and3A_856 = arith.constant 1048575 : i32
      %and3A_857 = vector.broadcast %and3A_856 : i32 to vector<16xi32>
      %and3A_858 = arith.andi %get3A_855, %and3A_857 : vector<16xi32>
      %mul3A_859 = arith.constant 16 : i32
      %mul3A_860 = arith.muli %scan3A_851, %mul3A_859 : i32
      %swap3A = arith.index_cast %mul3A_860 : i32 to index
      %swap3A_861 = tpu.vector_load %arg7[%swap3A] {strides = array<i32>} : memref<8192xi32, #tpu.memory_space<vmem>>, vector<16xi32>,
      %swap3A_862 = vector.shape_cast %swap3A_861 : vector<16xi32> to vector<16xi32>
      %swap3A_863 = vector.shape_cast %and3A_858 : vector<16xi32> to vector<16xi32>
      tpu.vector_store %arg7[%swap3A], %swap3A_863 {strides = array<i32>} : memref<8192xi32, #tpu.memory_space<vmem>>, vector<16xi32>,
    }
    %scan3A_25 = arith.constant 512 : i32
    "tpu.region"() ({
      %run_scoped3A_851 = tpu.sem_alloc : memref<!tpu.dma_semaphore, #tpu.memory_space<semaphore_mem>>
      %dma_start3A_852 = tpu.memref_slice %arg6[%multiple_of3A_19] : memref<2097152xi32, #tpu.memory_space<hbm>> -> memref<8192xi32, #tpu.memory_space<hbm>>
      %dma_start3A_853 = tpu.memref_slice %arg6[%multiple_of3A_19] : memref<2097152xi32, #tpu.memory_space<hbm>> -> memref<8192xi32, #tpu.memory_space<hbm>>
      tpu.enqueue_dma source(%arg7 : memref<8192xi32, #tpu.memory_space<vmem>>) target(%dma_start3A_853 : memref<8192xi32, #tpu.memory_space<hbm>>) target_semaphore(%run_scoped3A_851 : memref<!tpu.dma_semaphore, #tpu.memory_space<semaphore_mem>>)
      %dma_wait3A_854 = tpu.memref_slice %arg6[%multiple_of3A_19] : memref<2097152xi32, #tpu.memory_space<hbm>> -> memref<8192xi32, #tpu.memory_space<hbm>>
      %dma_wait3A_855 = tpu.memref_slice %arg6[%multiple_of3A_19] : memref<2097152xi32, #tpu.memory_space<hbm>> -> memref<8192xi32, #tpu.memory_space<hbm>>
      tpu.wait_dma2 semaphore(%run_scoped3A_851 : memref<!tpu.dma_semaphore, #tpu.memory_space<semaphore_mem>>) src(%arg7 : memref<8192xi32, #tpu.memory_space<vmem>>) dst(%dma_wait3A_855 : memref<8192xi32, #tpu.memory_space<hbm>>)
      tpu.yield
    }) : () -> ()
    %add3A_26 = arith.constant 24576 : i32
    %add3A_27 = arith.addi %multiple_of3A, %add3A_26 : i32
    %multiple_of3A_28 = tpu.assume_multiple %add3A_27, 8192 : i32
    "tpu.region"() ({
      %run_scoped3A_851 = tpu.sem_alloc : memref<!tpu.dma_semaphore, #tpu.memory_space<semaphore_mem>>
      %dma_start3A_852 = tpu.memref_slice %arg3[%multiple_of3A_28] : memref<2097152xi32, #tpu.memory_space<hbm>> -> memref<8192xi32, #tpu.memory_space<hbm>>
      %dma_start3A_853 = tpu.memref_slice %arg3[%multiple_of3A_28] : memref<2097152xi32, #tpu.memory_space<hbm>> -> memref<8192xi32, #tpu.memory_space<hbm>>
      tpu.enqueue_dma source(%dma_start3A_853 : memref<8192xi32, #tpu.memory_space<hbm>>) target(%arg7 : memref<8192xi32, #tpu.memory_space<vmem>>) target_semaphore(%run_scoped3A_851 : memref<!tpu.dma_semaphore, #tpu.memory_space<semaphore_mem>>)
      %dma_wait3A_854 = tpu.memref_slice %arg3[%multiple_of3A_28] : memref<2097152xi32, #tpu.memory_space<hbm>> -> memref<8192xi32, #tpu.memory_space<hbm>>
      %dma_wait3A_855 = tpu.memref_slice %arg3[%multiple_of3A_28] : memref<2097152xi32, #tpu.memory_space<hbm>> -> memref<8192xi32, #tpu.memory_space<hbm>>
      tpu.wait_dma2 semaphore(%run_scoped3A_851 : memref<!tpu.dma_semaphore, #tpu.memory_space<semaphore_mem>>) src(%dma_wait3A_855 : memref<8192xi32, #tpu.memory_space<hbm>>) dst(%arg7 : memref<8192xi32, #tpu.memory_space<vmem>>)
      tpu.yield
    }) : () -> ()
    %scan3A_29 = arith.constant 0 : i32
    %scan3A_30 = arith.constant 0 : i32
    %scan3A_31 = arith.constant 512 : i32
    %scan3A_32 = arith.addi %scan3A_30, %scan3A_31 : i32
    %scan3A_33 = arith.constant 1 : i32
    scf.for %scan3A_851 = %scan3A_30 to %scan3A_32 step %scan3A_33  : i32 {
      %mul3A_852 = arith.constant 16 : i32
      %mul3A_853 = arith.muli %scan3A_851, %mul3A_852 : i32
      %get3A = arith.index_cast %mul3A_853 : i32 to index
      %get3A_854 = tpu.vector_load %arg7[%get3A] {strides = array<i32>} : memref<8192xi32, #tpu.memory_space<vmem>>, vector<16xi32>,
      %get3A_855 = vector.shape_cast %get3A_854 : vector<16xi32> to vector<16xi32>
      %and3A_856 = arith.constant 1048575 : i32
      %and3A_857 = vector.broadcast %and3A_856 : i32 to vector<16xi32>
      %and3A_858 = arith.andi %get3A_855, %and3A_857 : vector<16xi32>
      %mul3A_859 = arith.constant 16 : i32
      %mul3A_860 = arith.muli %scan3A_851, %mul3A_859 : i32
      %swap3A = arith.index_cast %mul3A_860 : i32 to index
      %swap3A_861 = tpu.vector_load %arg7[%swap3A] {strides = array<i32>} : memref<8192xi32, #tpu.memory_space<vmem>>, vector<16xi32>,
      %swap3A_862 = vector.shape_cast %swap3A_861 : vector<16xi32> to vector<16xi32>
      %swap3A_863 = vector.shape_cast %and3A_858 : vector<16xi32> to vector<16xi32>
      tpu.vector_store %arg7[%swap3A], %swap3A_863 {strides = array<i32>} : memref<8192xi32, #tpu.memory_space<vmem>>, vector<16xi32>,
    }
    %scan3A_34 = arith.constant 512 : i32
    "tpu.region"() ({
      %run_scoped3A_851 = tpu.sem_alloc : memref<!tpu.dma_semaphore, #tpu.memory_space<semaphore_mem>>
      %dma_start3A_852 = tpu.memref_slice %arg6[%multiple_of3A_28] : memref<2097152xi32, #tpu.memory_space<hbm>> -> memref<8192xi32, #tpu.memory_space<hbm>>
      %dma_start3A_853 = tpu.memref_slice %arg6[%multiple_of3A_28] : memref<2097152xi32, #tpu.memory_space<hbm>> -> memref<8192xi32, #tpu.memory_space<hbm>>
      tpu.enqueue_dma source(%arg7 : memref<8192xi32, #tpu.memory_space<vmem>>) target(%dma_start3A_853 : memref<8192xi32, #tpu.memory_space<hbm>>) target_semaphore(%run_scoped3A_851 : memref<!tpu.dma_semaphore, #tpu.memory_space<semaphore_mem>>)
      %dma_wait3A_854 = tpu.memref_slice %arg6[%multiple_of3A_28] : memref<2097152xi32, #tpu.memory_space<hbm>> -> memref<8192xi32, #tpu.memory_space<hbm>>
      %dma_wait3A_855 = tpu.memref_slice %arg6[%multiple_of3A_28] : memref<2097152xi32, #tpu.memory_space<hbm>> -> memref<8192xi32, #tpu.memory_space<hbm>>
      tpu.wait_dma2 semaphore(%run_scoped3A_851 : memref<!tpu.dma_semaphore, #tpu.memory_space<semaphore_mem>>) src(%arg7 : memref<8192xi32, #tpu.memory_space<vmem>>) dst(%dma_wait3A_855 : memref<8192xi32, #tpu.memory_space<hbm>>)
      tpu.yield
    }) : () -> ()
    %add3A_35 = arith.constant 32768 : i32
    %add3A_36 = arith.addi %multiple_of3A, %add3A_35 : i32
    %multiple_of3A_37 = tpu.assume_multiple %add3A_36, 8192 : i32
    "tpu.region"() ({
      %run_scoped3A_851 = tpu.sem_alloc : memref<!tpu.dma_semaphore, #tpu.memory_space<semaphore_mem>>
      %dma_start3A_852 = tpu.memref_slice %arg3[%multiple_of3A_37] : memref<2097152xi32, #tpu.memory_space<hbm>> -> memref<8192xi32, #tpu.memory_space<hbm>>
      %dma_start3A_853 = tpu.memref_slice %arg3[%multiple_of3A_37] : memref<2097152xi32, #tpu.memory_space<hbm>> -> memref<8192xi32, #tpu.memory_space<hbm>>
      tpu.enqueue_dma source(%dma_start3A_853 : memref<8192xi32, #tpu.memory_space<hbm>>) target(%arg7 : memref<8192xi32, #tpu.memory_space<vmem>>) target_semaphore(%run_scoped3A_851 : memref<!tpu.dma_semaphore, #tpu.memory_space<semaphore_mem>>)
      %dma_wait3A_854 = tpu.memref_slice %arg3[%multiple_of3A_37] : memref<2097152xi32, #tpu.memory_space<hbm>> -> memref<8192xi32, #tpu.memory_space<hbm>>
      %dma_wait3A_855 = tpu.memref_slice %arg3[%multiple_of3A_37] : memref<2097152xi32, #tpu.memory_space<hbm>> -> memref<8192xi32, #tpu.memory_space<hbm>>
      tpu.wait_dma2 semaphore(%run_scoped3A_851 : memref<!tpu.dma_semaphore, #tpu.memory_space<semaphore_mem>>) src(%dma_wait3A_855 : memref<8192xi32, #tpu.memory_space<hbm>>) dst(%arg7 : memref<8192xi32, #tpu.memory_space<vmem>>)
      tpu.yield
    }) : () -> ()
    %scan3A_38 = arith.constant 0 : i32
    %scan3A_39 = arith.constant 0 : i32
    %scan3A_40 = arith.constant 512 : i32
    %scan3A_41 = arith.addi %scan3A_39, %scan3A_40 : i32
    %scan3A_42 = arith.constant 1 : i32
    scf.for %scan3A_851 = %scan3A_39 to %scan3A_41 step %scan3A_42  : i32 {
      %mul3A_852 = arith.constant 16 : i32
      %mul3A_853 = arith.muli %scan3A_851, %mul3A_852 : i32
      %get3A = arith.index_cast %mul3A_853 : i32 to index
      %get3A_854 = tpu.vector_load %arg7[%get3A] {strides = array<i32>} : memref<8192xi32, #tpu.memory_space<vmem>>, vector<16xi32>,
      %get3A_855 = vector.shape_cast %get3A_854 : vector<16xi32> to vector<16xi32>
      %and3A_856 = arith.constant 1048575 : i32
      %and3A_857 = vector.broadcast %and3A_856 : i32 to vector<16xi32>
      %and3A_858 = arith.andi %get3A_855, %and3A_857 : vector<16xi32>
      %mul3A_859 = arith.constant 16 : i32
      %mul3A_860 = arith.muli %scan3A_851, %mul3A_859 : i32
      %swap3A = arith.index_cast %mul3A_860 : i32 to index
      %swap3A_861 = tpu.vector_load %arg7[%swap3A] {strides = array<i32>} : memref<8192xi32, #tpu.memory_space<vmem>>, vector<16xi32>,
      %swap3A_862 = vector.shape_cast %swap3A_861 : vector<16xi32> to vector<16xi32>
      %swap3A_863 = vector.shape_cast %and3A_858 : vector<16xi32> to vector<16xi32>
      tpu.vector_store %arg7[%swap3A], %swap3A_863 {strides = array<i32>} : memref<8192xi32, #tpu.memory_space<vmem>>, vector<16xi32>,
    }
    %scan3A_43 = arith.constant 512 : i32
    "tpu.region"() ({
      %run_scoped3A_851 = tpu.sem_alloc : memref<!tpu.dma_semaphore, #tpu.memory_space<semaphore_mem>>
      %dma_start3A_852 = tpu.memref_slice %arg6[%multiple_of3A_37] : memref<2097152xi32, #tpu.memory_space<hbm>> -> memref<8192xi32, #tpu.memory_space<hbm>>
      %dma_start3A_853 = tpu.memref_slice %arg6[%multiple_of3A_37] : memref<2097152xi32, #tpu.memory_space<hbm>> -> memref<8192xi32, #tpu.memory_space<hbm>>
      tpu.enqueue_dma source(%arg7 : memref<8192xi32, #tpu.memory_space<vmem>>) target(%dma_start3A_853 : memref<8192xi32, #tpu.memory_space<hbm>>) target_semaphore(%run_scoped3A_851 : memref<!tpu.dma_semaphore, #tpu.memory_space<semaphore_mem>>)
      %dma_wait3A_854 = tpu.memref_slice %arg6[%multiple_of3A_37] : memref<2097152xi32, #tpu.memory_space<hbm>> -> memref<8192xi32, #tpu.memory_space<hbm>>
      %dma_wait3A_855 = tpu.memref_slice %arg6[%multiple_of3A_37] : memref<2097152xi32, #tpu.memory_space<hbm>> -> memref<8192xi32, #tpu.memory_space<hbm>>
      tpu.wait_dma2 semaphore(%run_scoped3A_851 : memref<!tpu.dma_semaphore, #tpu.memory_space<semaphore_mem>>) src(%arg7 : memref<8192xi32, #tpu.memory_space<vmem>>) dst(%dma_wait3A_855 : memref<8192xi32, #tpu.memory_space<hbm>>)
      tpu.yield
    }) : () -> ()
    %add3A_44 = arith.constant 40960 : i32
    %add3A_45 = arith.addi %multiple_of3A, %add3A_44 : i32
    %multiple_of3A_46 = tpu.assume_multiple %add3A_45, 8192 : i32
    "tpu.region"() ({
      %run_scoped3A_851 = tpu.sem_alloc : memref<!tpu.dma_semaphore, #tpu.memory_space<semaphore_mem>>
      %dma_start3A_852 = tpu.memref_slice %arg3[%multiple_of3A_46] : memref<2097152xi32, #tpu.memory_space<hbm>> -> memref<8192xi32, #tpu.memory_space<hbm>>
      %dma_start3A_853 = tpu.memref_slice %arg3[%multiple_of3A_46] : memref<2097152xi32, #tpu.memory_space<hbm>> -> memref<8192xi32, #tpu.memory_space<hbm>>
      tpu.enqueue_dma source(%dma_start3A_853 : memref<8192xi32, #tpu.memory_space<hbm>>) target(%arg7 : memref<8192xi32, #tpu.memory_space<vmem>>) target_semaphore(%run_scoped3A_851 : memref<!tpu.dma_semaphore, #tpu.memory_space<semaphore_mem>>)
      %dma_wait3A_854 = tpu.memref_slice %arg3[%multiple_of3A_46] : memref<2097152xi32, #tpu.memory_space<hbm>> -> memref<8192xi32, #tpu.memory_space<hbm>>
      %dma_wait3A_855 = tpu.memref_slice %arg3[%multiple_of3A_46] : memref<2097152xi32, #tpu.memory_space<hbm>> -> memref<8192xi32, #tpu.memory_space<hbm>>
      tpu.wait_dma2 semaphore(%run_scoped3A_851 : memref<!tpu.dma_semaphore, #tpu.memory_space<semaphore_mem>>) src(%dma_wait3A_855 : memref<8192xi32, #tpu.memory_space<hbm>>) dst(%arg7 : memref<8192xi32, #tpu.memory_space<vmem>>)
      tpu.yield
    }) : () -> ()
    %scan3A_47 = arith.constant 0 : i32
    %scan3A_48 = arith.constant 0 : i32
    %scan3A_49 = arith.constant 512 : i32
    %scan3A_50 = arith.addi %scan3A_48, %scan3A_49 : i32
    %scan3A_51 = arith.constant 1 : i32
    scf.for %scan3A_851 = %scan3A_48 to %scan3A_50 step %scan3A_51  : i32 {
      %mul3A_852 = arith.constant 16 : i32
      %mul3A_853 = arith.muli %scan3A_851, %mul3A_852 : i32
      %get3A = arith.index_cast %mul3A_853 : i32 to index
      %get3A_854 = tpu.vector_load %arg7[%get3A] {strides = array<i32>} : memref<8192xi32, #tpu.memory_space<vmem>>, vector<16xi32>,
      %get3A_855 = vector.shape_cast %get3A_854 : vector<16xi32> to vector<16xi32>
      %and3A_856 = arith.constant 1048575 : i32
      %and3A_857 = vector.broadcast %and3A_856 : i32 to vector<16xi32>
      %and3A_858 = arith.andi %get3A_855, %and3A_857 : vector<16xi32>
      %mul3A_859 = arith.constant 16 : i32
      %mul3A_860 = arith.muli %scan3A_851, %mul3A_859 : i32
      %swap3A = arith.index_cast %mul3A_860 : i32 to index
      %swap3A_861 = tpu.vector_load %arg7[%swap3A] {strides = array<i32>} : memref<8192xi32, #tpu.memory_space<vmem>>, vector<16xi32>,
      %swap3A_862 = vector.shape_cast %swap3A_861 : vector<16xi32> to vector<16xi32>
      %swap3A_863 = vector.shape_cast %and3A_858 : vector<16xi32> to vector<16xi32>
      tpu.vector_store %arg7[%swap3A], %swap3A_863 {strides = array<i32>} : memref<8192xi32, #tpu.memory_space<vmem>>, vector<16xi32>,
    }
    %scan3A_52 = arith.constant 512 : i32
    "tpu.region"() ({
      %run_scoped3A_851 = tpu.sem_alloc : memref<!tpu.dma_semaphore, #tpu.memory_space<semaphore_mem>>
      %dma_start3A_852 = tpu.memref_slice %arg6[%multiple_of3A_46] : memref<2097152xi32, #tpu.memory_space<hbm>> -> memref<8192xi32, #tpu.memory_space<hbm>>
      %dma_start3A_853 = tpu.memref_slice %arg6[%multiple_of3A_46] : memref<2097152xi32, #tpu.memory_space<hbm>> -> memref<8192xi32, #tpu.memory_space<hbm>>
      tpu.enqueue_dma source(%arg7 : memref<8192xi32, #tpu.memory_space<vmem>>) target(%dma_start3A_853 : memref<8192xi32, #tpu.memory_space<hbm>>) target_semaphore(%run_scoped3A_851 : memref<!tpu.dma_semaphore, #tpu.memory_space<semaphore_mem>>)
      %dma_wait3A_854 = tpu.memref_slice %arg6[%multiple_of3A_46] : memref<2097152xi32, #tpu.memory_space<hbm>> -> memref<8192xi32, #tpu.memory_space<hbm>>
      %dma_wait3A_855 = tpu.memref_slice %arg6[%multiple_of3A_46] : memref<2097152xi32, #tpu.memory_space<hbm>> -> memref<8192xi32, #tpu.memory_space<hbm>>
      tpu.wait_dma2 semaphore(%run_scoped3A_851 : memref<!tpu.dma_semaphore, #tpu.memory_space<semaphore_mem>>) src(%arg7 : memref<8192xi32, #tpu.memory_space<vmem>>) dst(%dma_wait3A_855 : memref<8192xi32, #tpu.memory_space<hbm>>)
      tpu.yield
    }) : () -> ()
    %add3A_53 = arith.constant 49152 : i32
    %add3A_54 = arith.addi %multiple_of3A, %add3A_53 : i32
    %multiple_of3A_55 = tpu.assume_multiple %add3A_54, 8192 : i32
    "tpu.region"() ({
      %run_scoped3A_851 = tpu.sem_alloc : memref<!tpu.dma_semaphore, #tpu.memory_space<semaphore_mem>>
      %dma_start3A_852 = tpu.memref_slice %arg3[%multiple_of3A_55] : memref<2097152xi32, #tpu.memory_space<hbm>> -> memref<8192xi32, #tpu.memory_space<hbm>>
      %dma_start3A_853 = tpu.memref_slice %arg3[%multiple_of3A_55] : memref<2097152xi32, #tpu.memory_space<hbm>> -> memref<8192xi32, #tpu.memory_space<hbm>>
      tpu.enqueue_dma source(%dma_start3A_853 : memref<8192xi32, #tpu.memory_space<hbm>>) target(%arg7 : memref<8192xi32, #tpu.memory_space<vmem>>) target_semaphore(%run_scoped3A_851 : memref<!tpu.dma_semaphore, #tpu.memory_space<semaphore_mem>>)
      %dma_wait3A_854 = tpu.memref_slice %arg3[%multiple_of3A_55] : memref<2097152xi32, #tpu.memory_space<hbm>> -> memref<8192xi32, #tpu.memory_space<hbm>>
      %dma_wait3A_855 = tpu.memref_slice %arg3[%multiple_of3A_55] : memref<2097152xi32, #tpu.memory_space<hbm>> -> memref<8192xi32, #tpu.memory_space<hbm>>
      tpu.wait_dma2 semaphore(%run_scoped3A_851 : memref<!tpu.dma_semaphore, #tpu.memory_space<semaphore_mem>>) src(%dma_wait3A_855 : memref<8192xi32, #tpu.memory_space<hbm>>) dst(%arg7 : memref<8192xi32, #tpu.memory_space<vmem>>)
      tpu.yield
    }) : () -> ()
    %scan3A_56 = arith.constant 0 : i32
    %scan3A_57 = arith.constant 0 : i32
    %scan3A_58 = arith.constant 512 : i32
    %scan3A_59 = arith.addi %scan3A_57, %scan3A_58 : i32
    %scan3A_60 = arith.constant 1 : i32
    scf.for %scan3A_851 = %scan3A_57 to %scan3A_59 step %scan3A_60  : i32 {
      %mul3A_852 = arith.constant 16 : i32
      %mul3A_853 = arith.muli %scan3A_851, %mul3A_852 : i32
      %get3A = arith.index_cast %mul3A_853 : i32 to index
      %get3A_854 = tpu.vector_load %arg7[%get3A] {strides = array<i32>} : memref<8192xi32, #tpu.memory_space<vmem>>, vector<16xi32>,
      %get3A_855 = vector.shape_cast %get3A_854 : vector<16xi32> to vector<16xi32>
      %and3A_856 = arith.constant 1048575 : i32
      %and3A_857 = vector.broadcast %and3A_856 : i32 to vector<16xi32>
      %and3A_858 = arith.andi %get3A_855, %and3A_857 : vector<16xi32>
      %mul3A_859 = arith.constant 16 : i32
      %mul3A_860 = arith.muli %scan3A_851, %mul3A_859 : i32
      %swap3A = arith.index_cast %mul3A_860 : i32 to index
      %swap3A_861 = tpu.vector_load %arg7[%swap3A] {strides = array<i32>} : memref<8192xi32, #tpu.memory_space<vmem>>, vector<16xi32>,
      %swap3A_862 = vector.shape_cast %swap3A_861 : vector<16xi32> to vector<16xi32>
      %swap3A_863 = vector.shape_cast %and3A_858 : vector<16xi32> to vector<16xi32>
      tpu.vector_store %arg7[%swap3A], %swap3A_863 {strides = array<i32>} : memref<8192xi32, #tpu.memory_space<vmem>>, vector<16xi32>,
    }
    %scan3A_61 = arith.constant 512 : i32
    "tpu.region"() ({
      %run_scoped3A_851 = tpu.sem_alloc : memref<!tpu.dma_semaphore, #tpu.memory_space<semaphore_mem>>
      %dma_start3A_852 = tpu.memref_slice %arg6[%multiple_of3A_55] : memref<2097152xi32, #tpu.memory_space<hbm>> -> memref<8192xi32, #tpu.memory_space<hbm>>
      %dma_start3A_853 = tpu.memref_slice %arg6[%multiple_of3A_55] : memref<2097152xi32, #tpu.memory_space<hbm>> -> memref<8192xi32, #tpu.memory_space<hbm>>
      tpu.enqueue_dma source(%arg7 : memref<8192xi32, #tpu.memory_space<vmem>>) target(%dma_start3A_853 : memref<8192xi32, #tpu.memory_space<hbm>>) target_semaphore(%run_scoped3A_851 : memref<!tpu.dma_semaphore, #tpu.memory_space<semaphore_mem>>)
      %dma_wait3A_854 = tpu.memref_slice %arg6[%multiple_of3A_55] : memref<2097152xi32, #tpu.memory_space<hbm>> -> memref<8192xi32, #tpu.memory_space<hbm>>
      %dma_wait3A_855 = tpu.memref_slice %arg6[%multiple_of3A_55] : memref<2097152xi32, #tpu.memory_space<hbm>> -> memref<8192xi32, #tpu.memory_space<hbm>>
      tpu.wait_dma2 semaphore(%run_scoped3A_851 : memref<!tpu.dma_semaphore, #tpu.memory_space<semaphore_mem>>) src(%arg7 : memref<8192xi32, #tpu.memory_space<vmem>>) dst(%dma_wait3A_855 : memref<8192xi32, #tpu.memory_space<hbm>>)
      tpu.yield
    }) : () -> ()
    %add3A_62 = arith.constant 57344 : i32
    %add3A_63 = arith.addi %multiple_of3A, %add3A_62 : i32
    %multiple_of3A_64 = tpu.assume_multiple %add3A_63, 8192 : i32
    "tpu.region"() ({
      %run_scoped3A_851 = tpu.sem_alloc : memref<!tpu.dma_semaphore, #tpu.memory_space<semaphore_mem>>
      %dma_start3A_852 = tpu.memref_slice %arg3[%multiple_of3A_64] : memref<2097152xi32, #tpu.memory_space<hbm>> -> memref<8192xi32, #tpu.memory_space<hbm>>
      %dma_start3A_853 = tpu.memref_slice %arg3[%multiple_of3A_64] : memref<2097152xi32, #tpu.memory_space<hbm>> -> memref<8192xi32, #tpu.memory_space<hbm>>
      tpu.enqueue_dma source(%dma_start3A_853 : memref<8192xi32, #tpu.memory_space<hbm>>) target(%arg7 : memref<8192xi32, #tpu.memory_space<vmem>>) target_semaphore(%run_scoped3A_851 : memref<!tpu.dma_semaphore, #tpu.memory_space<semaphore_mem>>)
      %dma_wait3A_854 = tpu.memref_slice %arg3[%multiple_of3A_64] : memref<2097152xi32, #tpu.memory_space<hbm>> -> memref<8192xi32, #tpu.memory_space<hbm>>
      %dma_wait3A_855 = tpu.memref_slice %arg3[%multiple_of3A_64] : memref<2097152xi32, #tpu.memory_space<hbm>> -> memref<8192xi32, #tpu.memory_space<hbm>>
      tpu.wait_dma2 semaphore(%run_scoped3A_851 : memref<!tpu.dma_semaphore, #tpu.memory_space<semaphore_mem>>) src(%dma_wait3A_855 : memref<8192xi32, #tpu.memory_space<hbm>>) dst(%arg7 : memref<8192xi32, #tpu.memory_space<vmem>>)
      tpu.yield
    }) : () -> ()
    %scan3A_65 = arith.constant 0 : i32
    %scan3A_66 = arith.constant 0 : i32
    %scan3A_67 = arith.constant 512 : i32
    %scan3A_68 = arith.addi %scan3A_66, %scan3A_67 : i32
    %scan3A_69 = arith.constant 1 : i32
    scf.for %scan3A_851 = %scan3A_66 to %scan3A_68 step %scan3A_69  : i32 {
      %mul3A_852 = arith.constant 16 : i32
      %mul3A_853 = arith.muli %scan3A_851, %mul3A_852 : i32
      %get3A = arith.index_cast %mul3A_853 : i32 to index
      %get3A_854 = tpu.vector_load %arg7[%get3A] {strides = array<i32>} : memref<8192xi32, #tpu.memory_space<vmem>>, vector<16xi32>,
      %get3A_855 = vector.shape_cast %get3A_854 : vector<16xi32> to vector<16xi32>
      %and3A_856 = arith.constant 1048575 : i32
      %and3A_857 = vector.broadcast %and3A_856 : i32 to vector<16xi32>
      %and3A_858 = arith.andi %get3A_855, %and3A_857 : vector<16xi32>
      %mul3A_859 = arith.constant 16 : i32
      %mul3A_860 = arith.muli %scan3A_851, %mul3A_859 : i32
      %swap3A = arith.index_cast %mul3A_860 : i32 to index
      %swap3A_861 = tpu.vector_load %arg7[%swap3A] {strides = array<i32>} : memref<8192xi32, #tpu.memory_space<vmem>>, vector<16xi32>,
      %swap3A_862 = vector.shape_cast %swap3A_861 : vector<16xi32> to vector<16xi32>
      %swap3A_863 = vector.shape_cast %and3A_858 : vector<16xi32> to vector<16xi32>
      tpu.vector_store %arg7[%swap3A], %swap3A_863 {strides = array<i32>} : memref<8192xi32, #tpu.memory_space<vmem>>, vector<16xi32>,
    }
    %scan3A_70 = arith.constant 512 : i32
    "tpu.region"() ({
      %run_scoped3A_851 = tpu.sem_alloc : memref<!tpu.dma_semaphore, #tpu.memory_space<semaphore_mem>>
      %dma_start3A_852 = tpu.memref_slice %arg6[%multiple_of3A_64] : memref<2097152xi32, #tpu.memory_space<hbm>> -> memref<8192xi32, #tpu.memory_space<hbm>>
      %dma_start3A_853 = tpu.memref_slice %arg6[%multiple_of3A_64] : memref<2097152xi32, #tpu.memory_space<hbm>> -> memref<8192xi32, #tpu.memory_space<hbm>>
      tpu.enqueue_dma source(%arg7 : memref<8192xi32, #tpu.memory_space<vmem>>) target(%dma_start3A_853 : memref<8192xi32, #tpu.memory_space<hbm>>) target_semaphore(%run_scoped3A_851 : memref<!tpu.dma_semaphore, #tpu.memory_space<semaphore_mem>>)
      %dma_wait3A_854 = tpu.memref_slice %arg6[%multiple_of3A_64] : memref<2097152xi32, #tpu.memory_space<hbm>> -> memref<8192xi32, #tpu.memory_space<hbm>>
      %dma_wait3A_855 = tpu.memref_slice %arg6[%multiple_of3A_64] : memref<2097152xi32, #tpu.memory_space<hbm>> -> memref<8192xi32, #tpu.memory_space<hbm>>
      tpu.wait_dma2 semaphore(%run_scoped3A_851 : memref<!tpu.dma_semaphore, #tpu.memory_space<semaphore_mem>>) src(%arg7 : memref<8192xi32, #tpu.memory_space<vmem>>) dst(%dma_wait3A_855 : memref<8192xi32, #tpu.memory_space<hbm>>)
      tpu.yield
    }) : () -> ()
    %add3A_71 = arith.constant 65536 : i32
    %add3A_72 = arith.addi %multiple_of3A, %add3A_71 : i32
    %multiple_of3A_73 = tpu.assume_multiple %add3A_72, 8192 : i32
    "tpu.region"() ({
      %run_scoped3A_851 = tpu.sem_alloc : memref<!tpu.dma_semaphore, #tpu.memory_space<semaphore_mem>>
      %dma_start3A_852 = tpu.memref_slice %arg3[%multiple_of3A_73] : memref<2097152xi32, #tpu.memory_space<hbm>> -> memref<8192xi32, #tpu.memory_space<hbm>>
      %dma_start3A_853 = tpu.memref_slice %arg3[%multiple_of3A_73] : memref<2097152xi32, #tpu.memory_space<hbm>> -> memref<8192xi32, #tpu.memory_space<hbm>>
      tpu.enqueue_dma source(%dma_start3A_853 : memref<8192xi32, #tpu.memory_space<hbm>>) target(%arg7 : memref<8192xi32, #tpu.memory_space<vmem>>) target_semaphore(%run_scoped3A_851 : memref<!tpu.dma_semaphore, #tpu.memory_space<semaphore_mem>>)
      %dma_wait3A_854 = tpu.memref_slice %arg3[%multiple_of3A_73] : memref<2097152xi32, #tpu.memory_space<hbm>> -> memref<8192xi32, #tpu.memory_space<hbm>>
      %dma_wait3A_855 = tpu.memref_slice %arg3[%multiple_of3A_73] : memref<2097152xi32, #tpu.memory_space<hbm>> -> memref<8192xi32, #tpu.memory_space<hbm>>
      tpu.wait_dma2 semaphore(%run_scoped3A_851 : memref<!tpu.dma_semaphore, #tpu.memory_space<semaphore_mem>>) src(%dma_wait3A_855 : memref<8192xi32, #tpu.memory_space<hbm>>) dst(%arg7 : memref<8192xi32, #tpu.memory_space<vmem>>)
      tpu.yield
    }) : () -> ()
    %scan3A_74 = arith.constant 0 : i32
    %scan3A_75 = arith.constant 0 : i32
    %scan3A_76 = arith.constant 512 : i32
    %scan3A_77 = arith.addi %scan3A_75, %scan3A_76 : i32
    %scan3A_78 = arith.constant 1 : i32
    scf.for %scan3A_851 = %scan3A_75 to %scan3A_77 step %scan3A_78  : i32 {
      %mul3A_852 = arith.constant 16 : i32
      %mul3A_853 = arith.muli %scan3A_851, %mul3A_852 : i32
      %get3A = arith.index_cast %mul3A_853 : i32 to index
      %get3A_854 = tpu.vector_load %arg7[%get3A] {strides = array<i32>} : memref<8192xi32, #tpu.memory_space<vmem>>, vector<16xi32>,
      %get3A_855 = vector.shape_cast %get3A_854 : vector<16xi32> to vector<16xi32>
      %and3A_856 = arith.constant 1048575 : i32
      %and3A_857 = vector.broadcast %and3A_856 : i32 to vector<16xi32>
      %and3A_858 = arith.andi %get3A_855, %and3A_857 : vector<16xi32>
      %mul3A_859 = arith.constant 16 : i32
      %mul3A_860 = arith.muli %scan3A_851, %mul3A_859 : i32
      %swap3A = arith.index_cast %mul3A_860 : i32 to index
      %swap3A_861 = tpu.vector_load %arg7[%swap3A] {strides = array<i32>} : memref<8192xi32, #tpu.memory_space<vmem>>, vector<16xi32>,
      %swap3A_862 = vector.shape_cast %swap3A_861 : vector<16xi32> to vector<16xi32>
      %swap3A_863 = vector.shape_cast %and3A_858 : vector<16xi32> to vector<16xi32>
      tpu.vector_store %arg7[%swap3A], %swap3A_863 {strides = array<i32>} : memref<8192xi32, #tpu.memory_space<vmem>>, vector<16xi32>,
    }
    %scan3A_79 = arith.constant 512 : i32
    "tpu.region"() ({
      %run_scoped3A_851 = tpu.sem_alloc : memref<!tpu.dma_semaphore, #tpu.memory_space<semaphore_mem>>
      %dma_start3A_852 = tpu.memref_slice %arg6[%multiple_of3A_73] : memref<2097152xi32, #tpu.memory_space<hbm>> -> memref<8192xi32, #tpu.memory_space<hbm>>
      %dma_start3A_853 = tpu.memref_slice %arg6[%multiple_of3A_73] : memref<2097152xi32, #tpu.memory_space<hbm>> -> memref<8192xi32, #tpu.memory_space<hbm>>
      tpu.enqueue_dma source(%arg7 : memref<8192xi32, #tpu.memory_space<vmem>>) target(%dma_start3A_853 : memref<8192xi32, #tpu.memory_space<hbm>>) target_semaphore(%run_scoped3A_851 : memref<!tpu.dma_semaphore, #tpu.memory_space<semaphore_mem>>)
      %dma_wait3A_854 = tpu.memref_slice %arg6[%multiple_of3A_73] : memref<2097152xi32, #tpu.memory_space<hbm>> -> memref<8192xi32, #tpu.memory_space<hbm>>
      %dma_wait3A_855 = tpu.memref_slice %arg6[%multiple_of3A_73] : memref<2097152xi32, #tpu.memory_space<hbm>> -> memref<8192xi32, #tpu.memory_space<hbm>>
      tpu.wait_dma2 semaphore(%run_scoped3A_851 : memref<!tpu.dma_semaphore, #tpu.memory_space<semaphore_mem>>) src(%arg7 : memref<8192xi32, #tpu.memory_space<vmem>>) dst(%dma_wait3A_855 : memref<8192xi32, #tpu.memory_space<hbm>>)
      tpu.yield
    }) : () -> ()
    %add3A_80 = arith.constant 73728 : i32
    %add3A_81 = arith.addi %multiple_of3A, %add3A_80 : i32
    %multiple_of3A_82 = tpu.assume_multiple %add3A_81, 8192 : i32
    "tpu.region"() ({
      %run_scoped3A_851 = tpu.sem_alloc : memref<!tpu.dma_semaphore, #tpu.memory_space<semaphore_mem>>
      %dma_start3A_852 = tpu.memref_slice %arg3[%multiple_of3A_82] : memref<2097152xi32, #tpu.memory_space<hbm>> -> memref<8192xi32, #tpu.memory_space<hbm>>
      %dma_start3A_853 = tpu.memref_slice %arg3[%multiple_of3A_82] : memref<2097152xi32, #tpu.memory_space<hbm>> -> memref<8192xi32, #tpu.memory_space<hbm>>
      tpu.enqueue_dma source(%dma_start3A_853 : memref<8192xi32, #tpu.memory_space<hbm>>) target(%arg7 : memref<8192xi32, #tpu.memory_space<vmem>>) target_semaphore(%run_scoped3A_851 : memref<!tpu.dma_semaphore, #tpu.memory_space<semaphore_mem>>)
      %dma_wait3A_854 = tpu.memref_slice %arg3[%multiple_of3A_82] : memref<2097152xi32, #tpu.memory_space<hbm>> -> memref<8192xi32, #tpu.memory_space<hbm>>
      %dma_wait3A_855 = tpu.memref_slice %arg3[%multiple_of3A_82] : memref<2097152xi32, #tpu.memory_space<hbm>> -> memref<8192xi32, #tpu.memory_space<hbm>>
      tpu.wait_dma2 semaphore(%run_scoped3A_851 : memref<!tpu.dma_semaphore, #tpu.memory_space<semaphore_mem>>) src(%dma_wait3A_855 : memref<8192xi32, #tpu.memory_space<hbm>>) dst(%arg7 : memref<8192xi32, #tpu.memory_space<vmem>>)
      tpu.yield
    }) : () -> ()
    %scan3A_83 = arith.constant 0 : i32
    %scan3A_84 = arith.constant 0 : i32
    %scan3A_85 = arith.constant 512 : i32
    %scan3A_86 = arith.addi %scan3A_84, %scan3A_85 : i32
    %scan3A_87 = arith.constant 1 : i32
    scf.for %scan3A_851 = %scan3A_84 to %scan3A_86 step %scan3A_87  : i32 {
      %mul3A_852 = arith.constant 16 : i32
      %mul3A_853 = arith.muli %scan3A_851, %mul3A_852 : i32
      %get3A = arith.index_cast %mul3A_853 : i32 to index
      %get3A_854 = tpu.vector_load %arg7[%get3A] {strides = array<i32>} : memref<8192xi32, #tpu.memory_space<vmem>>, vector<16xi32>,
      %get3A_855 = vector.shape_cast %get3A_854 : vector<16xi32> to vector<16xi32>
      %and3A_856 = arith.constant 1048575 : i32
      %and3A_857 = vector.broadcast %and3A_856 : i32 to vector<16xi32>
      %and3A_858 = arith.andi %get3A_855, %and3A_857 : vector<16xi32>
      %mul3A_859 = arith.constant 16 : i32
      %mul3A_860 = arith.muli %scan3A_851, %mul3A_859 : i32
      %swap3A = arith.index_cast %mul3A_860 : i32 to index
      %swap3A_861 = tpu.vector_load %arg7[%swap3A] {strides = array<i32>} : memref<8192xi32, #tpu.memory_space<vmem>>, vector<16xi32>,
      %swap3A_862 = vector.shape_cast %swap3A_861 : vector<16xi32> to vector<16xi32>
      %swap3A_863 = vector.shape_cast %and3A_858 : vector<16xi32> to vector<16xi32>
      tpu.vector_store %arg7[%swap3A], %swap3A_863 {strides = array<i32>} : memref<8192xi32, #tpu.memory_space<vmem>>, vector<16xi32>,
    }
    %scan3A_88 = arith.constant 512 : i32
    "tpu.region"() ({
      %run_scoped3A_851 = tpu.sem_alloc : memref<!tpu.dma_semaphore, #tpu.memory_space<semaphore_mem>>
      %dma_start3A_852 = tpu.memref_slice %arg6[%multiple_of3A_82] : memref<2097152xi32, #tpu.memory_space<hbm>> -> memref<8192xi32, #tpu.memory_space<hbm>>
      %dma_start3A_853 = tpu.memref_slice %arg6[%multiple_of3A_82] : memref<2097152xi32, #tpu.memory_space<hbm>> -> memref<8192xi32, #tpu.memory_space<hbm>>
      tpu.enqueue_dma source(%arg7 : memref<8192xi32, #tpu.memory_space<vmem>>) target(%dma_start3A_853 : memref<8192xi32, #tpu.memory_space<hbm>>) target_semaphore(%run_scoped3A_851 : memref<!tpu.dma_semaphore, #tpu.memory_space<semaphore_mem>>)
      %dma_wait3A_854 = tpu.memref_slice %arg6[%multiple_of3A_82] : memref<2097152xi32, #tpu.memory_space<hbm>> -> memref<8192xi32, #tpu.memory_space<hbm>>
      %dma_wait3A_855 = tpu.memref_slice %arg6[%multiple_of3A_82] : memref<2097152xi32, #tpu.memory_space<hbm>> -> memref<8192xi32, #tpu.memory_space<hbm>>
      tpu.wait_dma2 semaphore(%run_scoped3A_851 : memref<!tpu.dma_semaphore, #tpu.memory_space<semaphore_mem>>) src(%arg7 : memref<8192xi32, #tpu.memory_space<vmem>>) dst(%dma_wait3A_855 : memref<8192xi32, #tpu.memory_space<hbm>>)
      tpu.yield
    }) : () -> ()
    %add3A_89 = arith.constant 81920 : i32
    %add3A_90 = arith.addi %multiple_of3A, %add3A_89 : i32
    %multiple_of3A_91 = tpu.assume_multiple %add3A_90, 8192 : i32
    "tpu.region"() ({
      %run_scoped3A_851 = tpu.sem_alloc : memref<!tpu.dma_semaphore, #tpu.memory_space<semaphore_mem>>
      %dma_start3A_852 = tpu.memref_slice %arg3[%multiple_of3A_91] : memref<2097152xi32, #tpu.memory_space<hbm>> -> memref<8192xi32, #tpu.memory_space<hbm>>
      %dma_start3A_853 = tpu.memref_slice %arg3[%multiple_of3A_91] : memref<2097152xi32, #tpu.memory_space<hbm>> -> memref<8192xi32, #tpu.memory_space<hbm>>
      tpu.enqueue_dma source(%dma_start3A_853 : memref<8192xi32, #tpu.memory_space<hbm>>) target(%arg7 : memref<8192xi32, #tpu.memory_space<vmem>>) target_semaphore(%run_scoped3A_851 : memref<!tpu.dma_semaphore, #tpu.memory_space<semaphore_mem>>)
      %dma_wait3A_854 = tpu.memref_slice %arg3[%multiple_of3A_91] : memref<2097152xi32, #tpu.memory_space<hbm>> -> memref<8192xi32, #tpu.memory_space<hbm>>
      %dma_wait3A_855 = tpu.memref_slice %arg3[%multiple_of3A_91] : memref<2097152xi32, #tpu.memory_space<hbm>> -> memref<8192xi32, #tpu.memory_space<hbm>>
      tpu.wait_dma2 semaphore(%run_scoped3A_851 : memref<!tpu.dma_semaphore, #tpu.memory_space<semaphore_mem>>) src(%dma_wait3A_855 : memref<8192xi32, #tpu.memory_space<hbm>>) dst(%arg7 : memref<8192xi32, #tpu.memory_space<vmem>>)
      tpu.yield
    }) : () -> ()
    %scan3A_92 = arith.constant 0 : i32
    %scan3A_93 = arith.constant 0 : i32
    %scan3A_94 = arith.constant 512 : i32
    %scan3A_95 = arith.addi %scan3A_93, %scan3A_94 : i32
    %scan3A_96 = arith.constant 1 : i32
    scf.for %scan3A_851 = %scan3A_93 to %scan3A_95 step %scan3A_96  : i32 {
      %mul3A_852 = arith.constant 16 : i32
      %mul3A_853 = arith.muli %scan3A_851, %mul3A_852 : i32
      %get3A = arith.index_cast %mul3A_853 : i32 to index
      %get3A_854 = tpu.vector_load %arg7[%get3A] {strides = array<i32>} : memref<8192xi32, #tpu.memory_space<vmem>>, vector<16xi32>,
      %get3A_855 = vector.shape_cast %get3A_854 : vector<16xi32> to vector<16xi32>
      %and3A_856 = arith.constant 1048575 : i32
      %and3A_857 = vector.broadcast %and3A_856 : i32 to vector<16xi32>
      %and3A_858 = arith.andi %get3A_855, %and3A_857 : vector<16xi32>
      %mul3A_859 = arith.constant 16 : i32
      %mul3A_860 = arith.muli %scan3A_851, %mul3A_859 : i32
      %swap3A = arith.index_cast %mul3A_860 : i32 to index
      %swap3A_861 = tpu.vector_load %arg7[%swap3A] {strides = array<i32>} : memref<8192xi32, #tpu.memory_space<vmem>>, vector<16xi32>,
      %swap3A_862 = vector.shape_cast %swap3A_861 : vector<16xi32> to vector<16xi32>
      %swap3A_863 = vector.shape_cast %and3A_858 : vector<16xi32> to vector<16xi32>
      tpu.vector_store %arg7[%swap3A], %swap3A_863 {strides = array<i32>} : memref<8192xi32, #tpu.memory_space<vmem>>, vector<16xi32>,
    }
    %scan3A_97 = arith.constant 512 : i32
    "tpu.region"() ({
      %run_scoped3A_851 = tpu.sem_alloc : memref<!tpu.dma_semaphore, #tpu.memory_space<semaphore_mem>>
      %dma_start3A_852 = tpu.memref_slice %arg6[%multiple_of3A_91] : memref<2097152xi32, #tpu.memory_space<hbm>> -> memref<8192xi32, #tpu.memory_space<hbm>>
      %dma_start3A_853 = tpu.memref_slice %arg6[%multiple_of3A_91] : memref<2097152xi32, #tpu.memory_space<hbm>> -> memref<8192xi32, #tpu.memory_space<hbm>>
      tpu.enqueue_dma source(%arg7 : memref<8192xi32, #tpu.memory_space<vmem>>) target(%dma_start3A_853 : memref<8192xi32, #tpu.memory_space<hbm>>) target_semaphore(%run_scoped3A_851 : memref<!tpu.dma_semaphore, #tpu.memory_space<semaphore_mem>>)
      %dma_wait3A_854 = tpu.memref_slice %arg6[%multiple_of3A_91] : memref<2097152xi32, #tpu.memory_space<hbm>> -> memref<8192xi32, #tpu.memory_space<hbm>>
      %dma_wait3A_855 = tpu.memref_slice %arg6[%multiple_of3A_91] : memref<2097152xi32, #tpu.memory_space<hbm>> -> memref<8192xi32, #tpu.memory_space<hbm>>
      tpu.wait_dma2 semaphore(%run_scoped3A_851 : memref<!tpu.dma_semaphore, #tpu.memory_space<semaphore_mem>>) src(%arg7 : memref<8192xi32, #tpu.memory_space<vmem>>) dst(%dma_wait3A_855 : memref<8192xi32, #tpu.memory_space<hbm>>)
      tpu.yield
    }) : () -> ()
    %add3A_98 = arith.constant 90112 : i32
    %add3A_99 = arith.addi %multiple_of3A, %add3A_98 : i32
    %multiple_of3A_100 = tpu.assume_multiple %add3A_99, 8192 : i32
    "tpu.region"() ({
      %run_scoped3A_851 = tpu.sem_alloc : memref<!tpu.dma_semaphore, #tpu.memory_space<semaphore_mem>>
      %dma_start3A_852 = tpu.memref_slice %arg3[%multiple_of3A_100] : memref<2097152xi32, #tpu.memory_space<hbm>> -> memref<8192xi32, #tpu.memory_space<hbm>>
      %dma_start3A_853 = tpu.memref_slice %arg3[%multiple_of3A_100] : memref<2097152xi32, #tpu.memory_space<hbm>> -> memref<8192xi32, #tpu.memory_space<hbm>>
      tpu.enqueue_dma source(%dma_start3A_853 : memref<8192xi32, #tpu.memory_space<hbm>>) target(%arg7 : memref<8192xi32, #tpu.memory_space<vmem>>) target_semaphore(%run_scoped3A_851 : memref<!tpu.dma_semaphore, #tpu.memory_space<semaphore_mem>>)
      %dma_wait3A_854 = tpu.memref_slice %arg3[%multiple_of3A_100] : memref<2097152xi32, #tpu.memory_space<hbm>> -> memref<8192xi32, #tpu.memory_space<hbm>>
      %dma_wait3A_855 = tpu.memref_slice %arg3[%multiple_of3A_100] : memref<2097152xi32, #tpu.memory_space<hbm>> -> memref<8192xi32, #tpu.memory_space<hbm>>
      tpu.wait_dma2 semaphore(%run_scoped3A_851 : memref<!tpu.dma_semaphore, #tpu.memory_space<semaphore_mem>>) src(%dma_wait3A_855 : memref<8192xi32, #tpu.memory_space<hbm>>) dst(%arg7 : memref<8192xi32, #tpu.memory_space<vmem>>)
      tpu.yield
    }) : () -> ()
    %scan3A_101 = arith.constant 0 : i32
    %scan3A_102 = arith.constant 0 : i32
    %scan3A_103 = arith.constant 512 : i32
    %scan3A_104 = arith.addi %scan3A_102, %scan3A_103 : i32
    %scan3A_105 = arith.constant 1 : i32
    scf.for %scan3A_851 = %scan3A_102 to %scan3A_104 step %scan3A_105  : i32 {
      %mul3A_852 = arith.constant 16 : i32
      %mul3A_853 = arith.muli %scan3A_851, %mul3A_852 : i32
      %get3A = arith.index_cast %mul3A_853 : i32 to index
      %get3A_854 = tpu.vector_load %arg7[%get3A] {strides = array<i32>} : memref<8192xi32, #tpu.memory_space<vmem>>, vector<16xi32>,
      %get3A_855 = vector.shape_cast %get3A_854 : vector<16xi32> to vector<16xi32>
      %and3A_856 = arith.constant 1048575 : i32
      %and3A_857 = vector.broadcast %and3A_856 : i32 to vector<16xi32>
      %and3A_858 = arith.andi %get3A_855, %and3A_857 : vector<16xi32>
      %mul3A_859 = arith.constant 16 : i32
      %mul3A_860 = arith.muli %scan3A_851, %mul3A_859 : i32
      %swap3A = arith.index_cast %mul3A_860 : i32 to index
      %swap3A_861 = tpu.vector_load %arg7[%swap3A] {strides = array<i32>} : memref<8192xi32, #tpu.memory_space<vmem>>, vector<16xi32>,
      %swap3A_862 = vector.shape_cast %swap3A_861 : vector<16xi32> to vector<16xi32>
      %swap3A_863 = vector.shape_cast %and3A_858 : vector<16xi32> to vector<16xi32>
      tpu.vector_store %arg7[%swap3A], %swap3A_863 {strides = array<i32>} : memref<8192xi32, #tpu.memory_space<vmem>>, vector<16xi32>,
    }
    %scan3A_106 = arith.constant 512 : i32
    "tpu.region"() ({
      %run_scoped3A_851 = tpu.sem_alloc : memref<!tpu.dma_semaphore, #tpu.memory_space<semaphore_mem>>
      %dma_start3A_852 = tpu.memref_slice %arg6[%multiple_of3A_100] : memref<2097152xi32, #tpu.memory_space<hbm>> -> memref<8192xi32, #tpu.memory_space<hbm>>
      %dma_start3A_853 = tpu.memref_slice %arg6[%multiple_of3A_100] : memref<2097152xi32, #tpu.memory_space<hbm>> -> memref<8192xi32, #tpu.memory_space<hbm>>
      tpu.enqueue_dma source(%arg7 : memref<8192xi32, #tpu.memory_space<vmem>>) target(%dma_start3A_853 : memref<8192xi32, #tpu.memory_space<hbm>>) target_semaphore(%run_scoped3A_851 : memref<!tpu.dma_semaphore, #tpu.memory_space<semaphore_mem>>)
      %dma_wait3A_854 = tpu.memref_slice %arg6[%multiple_of3A_100] : memref<2097152xi32, #tpu.memory_space<hbm>> -> memref<8192xi32, #tpu.memory_space<hbm>>
      %dma_wait3A_855 = tpu.memref_slice %arg6[%multiple_of3A_100] : memref<2097152xi32, #tpu.memory_space<hbm>> -> memref<8192xi32, #tpu.memory_space<hbm>>
      tpu.wait_dma2 semaphore(%run_scoped3A_851 : memref<!tpu.dma_semaphore, #tpu.memory_space<semaphore_mem>>) src(%arg7 : memref<8192xi32, #tpu.memory_space<vmem>>) dst(%dma_wait3A_855 : memref<8192xi32, #tpu.memory_space<hbm>>)
      tpu.yield
    }) : () -> ()
    %add3A_107 = arith.constant 98304 : i32
    %add3A_108 = arith.addi %multiple_of3A, %add3A_107 : i32
    %multiple_of3A_109 = tpu.assume_multiple %add3A_108, 8192 : i32
    "tpu.region"() ({
      %run_scoped3A_851 = tpu.sem_alloc : memref<!tpu.dma_semaphore, #tpu.memory_space<semaphore_mem>>
      %dma_start3A_852 = tpu.memref_slice %arg3[%multiple_of3A_109] : memref<2097152xi32, #tpu.memory_space<hbm>> -> memref<8192xi32, #tpu.memory_space<hbm>>
      %dma_start3A_853 = tpu.memref_slice %arg3[%multiple_of3A_109] : memref<2097152xi32, #tpu.memory_space<hbm>> -> memref<8192xi32, #tpu.memory_space<hbm>>
      tpu.enqueue_dma source(%dma_start3A_853 : memref<8192xi32, #tpu.memory_space<hbm>>) target(%arg7 : memref<8192xi32, #tpu.memory_space<vmem>>) target_semaphore(%run_scoped3A_851 : memref<!tpu.dma_semaphore, #tpu.memory_space<semaphore_mem>>)
      %dma_wait3A_854 = tpu.memref_slice %arg3[%multiple_of3A_109] : memref<2097152xi32, #tpu.memory_space<hbm>> -> memref<8192xi32, #tpu.memory_space<hbm>>
      %dma_wait3A_855 = tpu.memref_slice %arg3[%multiple_of3A_109] : memref<2097152xi32, #tpu.memory_space<hbm>> -> memref<8192xi32, #tpu.memory_space<hbm>>
      tpu.wait_dma2 semaphore(%run_scoped3A_851 : memref<!tpu.dma_semaphore, #tpu.memory_space<semaphore_mem>>) src(%dma_wait3A_855 : memref<8192xi32, #tpu.memory_space<hbm>>) dst(%arg7 : memref<8192xi32, #tpu.memory_space<vmem>>)
      tpu.yield
    }) : () -> ()
    %scan3A_110 = arith.constant 0 : i32
    %scan3A_111 = arith.constant 0 : i32
    %scan3A_112 = arith.constant 512 : i32
    %scan3A_113 = arith.addi %scan3A_111, %scan3A_112 : i32
    %scan3A_114 = arith.constant 1 : i32
    scf.for %scan3A_851 = %scan3A_111 to %scan3A_113 step %scan3A_114  : i32 {
      %mul3A_852 = arith.constant 16 : i32
      %mul3A_853 = arith.muli %scan3A_851, %mul3A_852 : i32
      %get3A = arith.index_cast %mul3A_853 : i32 to index
      %get3A_854 = tpu.vector_load %arg7[%get3A] {strides = array<i32>} : memref<8192xi32, #tpu.memory_space<vmem>>, vector<16xi32>,
      %get3A_855 = vector.shape_cast %get3A_854 : vector<16xi32> to vector<16xi32>
      %and3A_856 = arith.constant 1048575 : i32
      %and3A_857 = vector.broadcast %and3A_856 : i32 to vector<16xi32>
      %and3A_858 = arith.andi %get3A_855, %and3A_857 : vector<16xi32>
      %mul3A_859 = arith.constant 16 : i32
      %mul3A_860 = arith.muli %scan3A_851, %mul3A_859 : i32
      %swap3A = arith.index_cast %mul3A_860 : i32 to index
      %swap3A_861 = tpu.vector_load %arg7[%swap3A] {strides = array<i32>} : memref<8192xi32, #tpu.memory_space<vmem>>, vector<16xi32>,
      %swap3A_862 = vector.shape_cast %swap3A_861 : vector<16xi32> to vector<16xi32>
      %swap3A_863 = vector.shape_cast %and3A_858 : vector<16xi32> to vector<16xi32>
      tpu.vector_store %arg7[%swap3A], %swap3A_863 {strides = array<i32>} : memref<8192xi32, #tpu.memory_space<vmem>>, vector<16xi32>,
    }
    %scan3A_115 = arith.constant 512 : i32
    "tpu.region"() ({
      %run_scoped3A_851 = tpu.sem_alloc : memref<!tpu.dma_semaphore, #tpu.memory_space<semaphore_mem>>
      %dma_start3A_852 = tpu.memref_slice %arg6[%multiple_of3A_109] : memref<2097152xi32, #tpu.memory_space<hbm>> -> memref<8192xi32, #tpu.memory_space<hbm>>
      %dma_start3A_853 = tpu.memref_slice %arg6[%multiple_of3A_109] : memref<2097152xi32, #tpu.memory_space<hbm>> -> memref<8192xi32, #tpu.memory_space<hbm>>
      tpu.enqueue_dma source(%arg7 : memref<8192xi32, #tpu.memory_space<vmem>>) target(%dma_start3A_853 : memref<8192xi32, #tpu.memory_space<hbm>>) target_semaphore(%run_scoped3A_851 : memref<!tpu.dma_semaphore, #tpu.memory_space<semaphore_mem>>)
      %dma_wait3A_854 = tpu.memref_slice %arg6[%multiple_of3A_109] : memref<2097152xi32, #tpu.memory_space<hbm>> -> memref<8192xi32, #tpu.memory_space<hbm>>
      %dma_wait3A_855 = tpu.memref_slice %arg6[%multiple_of3A_109] : memref<2097152xi32, #tpu.memory_space<hbm>> -> memref<8192xi32, #tpu.memory_space<hbm>>
      tpu.wait_dma2 semaphore(%run_scoped3A_851 : memref<!tpu.dma_semaphore, #tpu.memory_space<semaphore_mem>>) src(%arg7 : memref<8192xi32, #tpu.memory_space<vmem>>) dst(%dma_wait3A_855 : memref<8192xi32, #tpu.memory_space<hbm>>)
      tpu.yield
    }) : () -> ()
    %add3A_116 = arith.constant 106496 : i32
    %add3A_117 = arith.addi %multiple_of3A, %add3A_116 : i32
    %multiple_of3A_118 = tpu.assume_multiple %add3A_117, 8192 : i32
    "tpu.region"() ({
      %run_scoped3A_851 = tpu.sem_alloc : memref<!tpu.dma_semaphore, #tpu.memory_space<semaphore_mem>>
      %dma_start3A_852 = tpu.memref_slice %arg3[%multiple_of3A_118] : memref<2097152xi32, #tpu.memory_space<hbm>> -> memref<8192xi32, #tpu.memory_space<hbm>>
      %dma_start3A_853 = tpu.memref_slice %arg3[%multiple_of3A_118] : memref<2097152xi32, #tpu.memory_space<hbm>> -> memref<8192xi32, #tpu.memory_space<hbm>>
      tpu.enqueue_dma source(%dma_start3A_853 : memref<8192xi32, #tpu.memory_space<hbm>>) target(%arg7 : memref<8192xi32, #tpu.memory_space<vmem>>) target_semaphore(%run_scoped3A_851 : memref<!tpu.dma_semaphore, #tpu.memory_space<semaphore_mem>>)
      %dma_wait3A_854 = tpu.memref_slice %arg3[%multiple_of3A_118] : memref<2097152xi32, #tpu.memory_space<hbm>> -> memref<8192xi32, #tpu.memory_space<hbm>>
      %dma_wait3A_855 = tpu.memref_slice %arg3[%multiple_of3A_118] : memref<2097152xi32, #tpu.memory_space<hbm>> -> memref<8192xi32, #tpu.memory_space<hbm>>
      tpu.wait_dma2 semaphore(%run_scoped3A_851 : memref<!tpu.dma_semaphore, #tpu.memory_space<semaphore_mem>>) src(%dma_wait3A_855 : memref<8192xi32, #tpu.memory_space<hbm>>) dst(%arg7 : memref<8192xi32, #tpu.memory_space<vmem>>)
      tpu.yield
    }) : () -> ()
    %scan3A_119 = arith.constant 0 : i32
    %scan3A_120 = arith.constant 0 : i32
    %scan3A_121 = arith.constant 512 : i32
    %scan3A_122 = arith.addi %scan3A_120, %scan3A_121 : i32
    %scan3A_123 = arith.constant 1 : i32
    scf.for %scan3A_851 = %scan3A_120 to %scan3A_122 step %scan3A_123  : i32 {
      %mul3A_852 = arith.constant 16 : i32
      %mul3A_853 = arith.muli %scan3A_851, %mul3A_852 : i32
      %get3A = arith.index_cast %mul3A_853 : i32 to index
      %get3A_854 = tpu.vector_load %arg7[%get3A] {strides = array<i32>} : memref<8192xi32, #tpu.memory_space<vmem>>, vector<16xi32>,
      %get3A_855 = vector.shape_cast %get3A_854 : vector<16xi32> to vector<16xi32>
      %and3A_856 = arith.constant 1048575 : i32
      %and3A_857 = vector.broadcast %and3A_856 : i32 to vector<16xi32>
      %and3A_858 = arith.andi %get3A_855, %and3A_857 : vector<16xi32>
      %mul3A_859 = arith.constant 16 : i32
      %mul3A_860 = arith.muli %scan3A_851, %mul3A_859 : i32
      %swap3A = arith.index_cast %mul3A_860 : i32 to index
      %swap3A_861 = tpu.vector_load %arg7[%swap3A] {strides = array<i32>} : memref<8192xi32, #tpu.memory_space<vmem>>, vector<16xi32>,
      %swap3A_862 = vector.shape_cast %swap3A_861 : vector<16xi32> to vector<16xi32>
      %swap3A_863 = vector.shape_cast %and3A_858 : vector<16xi32> to vector<16xi32>
      tpu.vector_store %arg7[%swap3A], %swap3A_863 {strides = array<i32>} : memref<8192xi32, #tpu.memory_space<vmem>>, vector<16xi32>,
    }
    %scan3A_124 = arith.constant 512 : i32
    "tpu.region"() ({
      %run_scoped3A_851 = tpu.sem_alloc : memref<!tpu.dma_semaphore, #tpu.memory_space<semaphore_mem>>
      %dma_start3A_852 = tpu.memref_slice %arg6[%multiple_of3A_118] : memref<2097152xi32, #tpu.memory_space<hbm>> -> memref<8192xi32, #tpu.memory_space<hbm>>
      %dma_start3A_853 = tpu.memref_slice %arg6[%multiple_of3A_118] : memref<2097152xi32, #tpu.memory_space<hbm>> -> memref<8192xi32, #tpu.memory_space<hbm>>
      tpu.enqueue_dma source(%arg7 : memref<8192xi32, #tpu.memory_space<vmem>>) target(%dma_start3A_853 : memref<8192xi32, #tpu.memory_space<hbm>>) target_semaphore(%run_scoped3A_851 : memref<!tpu.dma_semaphore, #tpu.memory_space<semaphore_mem>>)
      %dma_wait3A_854 = tpu.memref_slice %arg6[%multiple_of3A_118] : memref<2097152xi32, #tpu.memory_space<hbm>> -> memref<8192xi32, #tpu.memory_space<hbm>>
      %dma_wait3A_855 = tpu.memref_slice %arg6[%multiple_of3A_118] : memref<2097152xi32, #tpu.memory_space<hbm>> -> memref<8192xi32, #tpu.memory_space<hbm>>
      tpu.wait_dma2 semaphore(%run_scoped3A_851 : memref<!tpu.dma_semaphore, #tpu.memory_space<semaphore_mem>>) src(%arg7 : memref<8192xi32, #tpu.memory_space<vmem>>) dst(%dma_wait3A_855 : memref<8192xi32, #tpu.memory_space<hbm>>)
      tpu.yield
    }) : () -> ()
    %add3A_125 = arith.constant 114688 : i32
    %add3A_126 = arith.addi %multiple_of3A, %add3A_125 : i32
    %multiple_of3A_127 = tpu.assume_multiple %add3A_126, 8192 : i32
    "tpu.region"() ({
      %run_scoped3A_851 = tpu.sem_alloc : memref<!tpu.dma_semaphore, #tpu.memory_space<semaphore_mem>>
      %dma_start3A_852 = tpu.memref_slice %arg3[%multiple_of3A_127] : memref<2097152xi32, #tpu.memory_space<hbm>> -> memref<8192xi32, #tpu.memory_space<hbm>>
      %dma_start3A_853 = tpu.memref_slice %arg3[%multiple_of3A_127] : memref<2097152xi32, #tpu.memory_space<hbm>> -> memref<8192xi32, #tpu.memory_space<hbm>>
      tpu.enqueue_dma source(%dma_start3A_853 : memref<8192xi32, #tpu.memory_space<hbm>>) target(%arg7 : memref<8192xi32, #tpu.memory_space<vmem>>) target_semaphore(%run_scoped3A_851 : memref<!tpu.dma_semaphore, #tpu.memory_space<semaphore_mem>>)
      %dma_wait3A_854 = tpu.memref_slice %arg3[%multiple_of3A_127] : memref<2097152xi32, #tpu.memory_space<hbm>> -> memref<8192xi32, #tpu.memory_space<hbm>>
      %dma_wait3A_855 = tpu.memref_slice %arg3[%multiple_of3A_127] : memref<2097152xi32, #tpu.memory_space<hbm>> -> memref<8192xi32, #tpu.memory_space<hbm>>
      tpu.wait_dma2 semaphore(%run_scoped3A_851 : memref<!tpu.dma_semaphore, #tpu.memory_space<semaphore_mem>>) src(%dma_wait3A_855 : memref<8192xi32, #tpu.memory_space<hbm>>) dst(%arg7 : memref<8192xi32, #tpu.memory_space<vmem>>)
      tpu.yield
    }) : () -> ()
    %scan3A_128 = arith.constant 0 : i32
    %scan3A_129 = arith.constant 0 : i32
    %scan3A_130 = arith.constant 512 : i32
    %scan3A_131 = arith.addi %scan3A_129, %scan3A_130 : i32
    %scan3A_132 = arith.constant 1 : i32
    scf.for %scan3A_851 = %scan3A_129 to %scan3A_131 step %scan3A_132  : i32 {
      %mul3A_852 = arith.constant 16 : i32
      %mul3A_853 = arith.muli %scan3A_851, %mul3A_852 : i32
      %get3A = arith.index_cast %mul3A_853 : i32 to index
      %get3A_854 = tpu.vector_load %arg7[%get3A] {strides = array<i32>} : memref<8192xi32, #tpu.memory_space<vmem>>, vector<16xi32>,
      %get3A_855 = vector.shape_cast %get3A_854 : vector<16xi32> to vector<16xi32>
      %and3A_856 = arith.constant 1048575 : i32
      %and3A_857 = vector.broadcast %and3A_856 : i32 to vector<16xi32>
      %and3A_858 = arith.andi %get3A_855, %and3A_857 : vector<16xi32>
      %mul3A_859 = arith.constant 16 : i32
      %mul3A_860 = arith.muli %scan3A_851, %mul3A_859 : i32
      %swap3A = arith.index_cast %mul3A_860 : i32 to index
      %swap3A_861 = tpu.vector_load %arg7[%swap3A] {strides = array<i32>} : memref<8192xi32, #tpu.memory_space<vmem>>, vector<16xi32>,
      %swap3A_862 = vector.shape_cast %swap3A_861 : vector<16xi32> to vector<16xi32>
      %swap3A_863 = vector.shape_cast %and3A_858 : vector<16xi32> to vector<16xi32>
      tpu.vector_store %arg7[%swap3A], %swap3A_863 {strides = array<i32>} : memref<8192xi32, #tpu.memory_space<vmem>>, vector<16xi32>,
    }
    %scan3A_133 = arith.constant 512 : i32
    "tpu.region"() ({
      %run_scoped3A_851 = tpu.sem_alloc : memref<!tpu.dma_semaphore, #tpu.memory_space<semaphore_mem>>
      %dma_start3A_852 = tpu.memref_slice %arg6[%multiple_of3A_127] : memref<2097152xi32, #tpu.memory_space<hbm>> -> memref<8192xi32, #tpu.memory_space<hbm>>
      %dma_start3A_853 = tpu.memref_slice %arg6[%multiple_of3A_127] : memref<2097152xi32, #tpu.memory_space<hbm>> -> memref<8192xi32, #tpu.memory_space<hbm>>
      tpu.enqueue_dma source(%arg7 : memref<8192xi32, #tpu.memory_space<vmem>>) target(%dma_start3A_853 : memref<8192xi32, #tpu.memory_space<hbm>>) target_semaphore(%run_scoped3A_851 : memref<!tpu.dma_semaphore, #tpu.memory_space<semaphore_mem>>)
      %dma_wait3A_854 = tpu.memref_slice %arg6[%multiple_of3A_127] : memref<2097152xi32, #tpu.memory_space<hbm>> -> memref<8192xi32, #tpu.memory_space<hbm>>
      %dma_wait3A_855 = tpu.memref_slice %arg6[%multiple_of3A_127] : memref<2097152xi32, #tpu.memory_space<hbm>> -> memref<8192xi32, #tpu.memory_space<hbm>>
      tpu.wait_dma2 semaphore(%run_scoped3A_851 : memref<!tpu.dma_semaphore, #tpu.memory_space<semaphore_mem>>) src(%arg7 : memref<8192xi32, #tpu.memory_space<vmem>>) dst(%dma_wait3A_855 : memref<8192xi32, #tpu.memory_space<hbm>>)
      tpu.yield
    }) : () -> ()
    %add3A_134 = arith.constant 122880 : i32
    %add3A_135 = arith.addi %multiple_of3A, %add3A_134 : i32
    %multiple_of3A_136 = tpu.assume_multiple %add3A_135, 8192 : i32
    "tpu.region"() ({
      %run_scoped3A_851 = tpu.sem_alloc : memref<!tpu.dma_semaphore, #tpu.memory_space<semaphore_mem>>
      %dma_start3A_852 = tpu.memref_slice %arg3[%multiple_of3A_136] : memref<2097152xi32, #tpu.memory_space<hbm>> -> memref<8192xi32, #tpu.memory_space<hbm>>
      %dma_start3A_853 = tpu.memref_slice %arg3[%multiple_of3A_136] : memref<2097152xi32, #tpu.memory_space<hbm>> -> memref<8192xi32, #tpu.memory_space<hbm>>
      tpu.enqueue_dma source(%dma_start3A_853 : memref<8192xi32, #tpu.memory_space<hbm>>) target(%arg7 : memref<8192xi32, #tpu.memory_space<vmem>>) target_semaphore(%run_scoped3A_851 : memref<!tpu.dma_semaphore, #tpu.memory_space<semaphore_mem>>)
      %dma_wait3A_854 = tpu.memref_slice %arg3[%multiple_of3A_136] : memref<2097152xi32, #tpu.memory_space<hbm>> -> memref<8192xi32, #tpu.memory_space<hbm>>
      %dma_wait3A_855 = tpu.memref_slice %arg3[%multiple_of3A_136] : memref<2097152xi32, #tpu.memory_space<hbm>> -> memref<8192xi32, #tpu.memory_space<hbm>>
      tpu.wait_dma2 semaphore(%run_scoped3A_851 : memref<!tpu.dma_semaphore, #tpu.memory_space<semaphore_mem>>) src(%dma_wait3A_855 : memref<8192xi32, #tpu.memory_space<hbm>>) dst(%arg7 : memref<8192xi32, #tpu.memory_space<vmem>>)
      tpu.yield
    }) : () -> ()
    %scan3A_137 = arith.constant 0 : i32
    %scan3A_138 = arith.constant 0 : i32
    %scan3A_139 = arith.constant 512 : i32
    %scan3A_140 = arith.addi %scan3A_138, %scan3A_139 : i32
    %scan3A_141 = arith.constant 1 : i32
    scf.for %scan3A_851 = %scan3A_138 to %scan3A_140 step %scan3A_141  : i32 {
      %mul3A_852 = arith.constant 16 : i32
      %mul3A_853 = arith.muli %scan3A_851, %mul3A_852 : i32
      %get3A = arith.index_cast %mul3A_853 : i32 to index
      %get3A_854 = tpu.vector_load %arg7[%get3A] {strides = array<i32>} : memref<8192xi32, #tpu.memory_space<vmem>>, vector<16xi32>,
      %get3A_855 = vector.shape_cast %get3A_854 : vector<16xi32> to vector<16xi32>
      %and3A_856 = arith.constant 1048575 : i32
      %and3A_857 = vector.broadcast %and3A_856 : i32 to vector<16xi32>
      %and3A_858 = arith.andi %get3A_855, %and3A_857 : vector<16xi32>
      %mul3A_859 = arith.constant 16 : i32
      %mul3A_860 = arith.muli %scan3A_851, %mul3A_859 : i32
      %swap3A = arith.index_cast %mul3A_860 : i32 to index
      %swap3A_861 = tpu.vector_load %arg7[%swap3A] {strides = array<i32>} : memref<8192xi32, #tpu.memory_space<vmem>>, vector<16xi32>,
      %swap3A_862 = vector.shape_cast %swap3A_861 : vector<16xi32> to vector<16xi32>
      %swap3A_863 = vector.shape_cast %and3A_858 : vector<16xi32> to vector<16xi32>
      tpu.vector_store %arg7[%swap3A], %swap3A_863 {strides = array<i32>} : memref<8192xi32, #tpu.memory_space<vmem>>, vector<16xi32>,
    }
    %scan3A_142 = arith.constant 512 : i32
    "tpu.region"() ({
      %run_scoped3A_851 = tpu.sem_alloc : memref<!tpu.dma_semaphore, #tpu.memory_space<semaphore_mem>>
      %dma_start3A_852 = tpu.memref_slice %arg6[%multiple_of3A_136] : memref<2097152xi32, #tpu.memory_space<hbm>> -> memref<8192xi32, #tpu.memory_space<hbm>>
      %dma_start3A_853 = tpu.memref_slice %arg6[%multiple_of3A_136] : memref<2097152xi32, #tpu.memory_space<hbm>> -> memref<8192xi32, #tpu.memory_space<hbm>>
      tpu.enqueue_dma source(%arg7 : memref<8192xi32, #tpu.memory_space<vmem>>) target(%dma_start3A_853 : memref<8192xi32, #tpu.memory_space<hbm>>) target_semaphore(%run_scoped3A_851 : memref<!tpu.dma_semaphore, #tpu.memory_space<semaphore_mem>>)
      %dma_wait3A_854 = tpu.memref_slice %arg6[%multiple_of3A_136] : memref<2097152xi32, #tpu.memory_space<hbm>> -> memref<8192xi32, #tpu.memory_space<hbm>>
      %dma_wait3A_855 = tpu.memref_slice %arg6[%multiple_of3A_136] : memref<2097152xi32, #tpu.memory_space<hbm>> -> memref<8192xi32, #tpu.memory_space<hbm>>
      tpu.wait_dma2 semaphore(%run_scoped3A_851 : memref<!tpu.dma_semaphore, #tpu.memory_space<semaphore_mem>>) src(%arg7 : memref<8192xi32, #tpu.memory_space<vmem>>) dst(%dma_wait3A_855 : memref<8192xi32, #tpu.memory_space<hbm>>)
      tpu.yield
    }) : () -> ()
    %jit3A = arith.constant 1048576 : i32
    %div3A = arith.divsi %multiple_of3A, %jit3A : i32
    %sign3A = arith.constant 0 : i32
    %sign3A_143 = arith.cmpi sgt, %multiple_of3A, %sign3A : i32
    %sign3A_144 = arith.extui %sign3A_143 : i1 to i32
    %sign3A_145 = arith.constant 0 : i32
    %sign3A_146 = arith.cmpi slt, %multiple_of3A, %sign3A_145 : i32
    %sign3A_147 = arith.extui %sign3A_146 : i1 to i32
    %sign3A_148 = arith.subi %sign3A_144, %sign3A_147 : i32
    %sign3A_149 = arith.constant 0 : i32
    %sign3A_150 = arith.cmpi sgt, %jit3A, %sign3A_149 : i32
    %sign3A_151 = arith.extui %sign3A_150 : i1 to i32
    %sign3A_152 = arith.constant 0 : i32
    %sign3A_153 = arith.cmpi slt, %jit3A, %sign3A_152 : i32
    %sign3A_154 = arith.extui %sign3A_153 : i1 to i32
    %sign3A_155 = arith.subi %sign3A_151, %sign3A_154 : i32
    %ne3A = arith.cmpi ne, %sign3A_148, %sign3A_155 : i32
    %rem3A = arith.remsi %multiple_of3A, %jit3A : i32
    %ne3A_156 = arith.constant 0 : i32
    %ne3A_157 = arith.cmpi ne, %rem3A, %ne3A_156 : i32
    %and3A = arith.andi %ne3A, %ne3A_157 : i1
    %sub3A = arith.constant 1 : i32
    %sub3A_158 = arith.subi %div3A, %sub3A : i32
    %select_n3A = arith.select %and3A, %sub3A_158, %div3A : i32
    %and3A_159 = arith.constant 1048575 : i32
    %and3A_160 = arith.andi %multiple_of3A, %and3A_159 : i32
    %multiple_of3A_161 = tpu.assume_multiple %and3A_160, 131072 : i32
    %mul3A_162 = arith.constant 65536 : i32
    %mul3A_163 = arith.muli %arg1, %mul3A_162 : i32
    %add3A_164 = arith.constant 0 : i32
    %add3A_165 = arith.addi %add3A_164, %mul3A_163 : i32
    %multiple_of3A_166 = tpu.assume_multiple %add3A_165, 128 : i32
    %mul3A_167 = arith.constant 65536 : i32
    %mul3A_168 = arith.muli %arg1, %mul3A_167 : i32
    %multiple_of3A_169 = tpu.assume_multiple %mul3A_168, 128 : i32
    %run_scoped3A = arith.constant 0 : i32
    "tpu.region"() ({
      %run_scoped3A_851 = tpu.sem_alloc : memref<!tpu.dma_semaphore, #tpu.memory_space<semaphore_mem>>
      %dma_start3A_852 = tpu.memref_slice %arg12[%multiple_of3A_169] : memref<1048576xf32, #tpu.memory_space<vmem_shared>> -> memref<65536xf32, #tpu.memory_space<vmem_shared>>
      %dma_start3A_853 = arith.constant 0 : i32
      %dma_start3A_854 = tpu.memref_slice %arg2[%run_scoped3A, %dma_start3A_853] : memref<4x2097152xf32, #tpu.memory_space<hbm>> -> memref<1x2097152xf32, #tpu.memory_space<hbm>>
      %dma_start3A_855 = tpu.memref_squeeze %dma_start3A_854 : memref<1x2097152xf32, #tpu.memory_space<hbm>> -> memref<2097152xf32, #tpu.memory_space<hbm>>
      %dma_start3A_856 = tpu.memref_slice %dma_start3A_855[%multiple_of3A_166] : memref<2097152xf32, #tpu.memory_space<hbm>> -> memref<65536xf32, #tpu.memory_space<hbm>>
      tpu.enqueue_dma source(%dma_start3A_856 : memref<65536xf32, #tpu.memory_space<hbm>>) target(%dma_start3A_852 : memref<65536xf32, #tpu.memory_space<vmem_shared>>) target_semaphore(%run_scoped3A_851 : memref<!tpu.dma_semaphore, #tpu.memory_space<semaphore_mem>>)
      %dma_wait3A_857 = tpu.memref_slice %arg12[%multiple_of3A_169] : memref<1048576xf32, #tpu.memory_space<vmem_shared>> -> memref<65536xf32, #tpu.memory_space<vmem_shared>>
      %dma_wait3A_858 = arith.constant 0 : i32
      %dma_wait3A_859 = tpu.memref_slice %arg2[%run_scoped3A, %dma_wait3A_858] : memref<4x2097152xf32, #tpu.memory_space<hbm>> -> memref<1x2097152xf32, #tpu.memory_space<hbm>>
      %dma_wait3A_860 = tpu.memref_squeeze %dma_wait3A_859 : memref<1x2097152xf32, #tpu.memory_space<hbm>> -> memref<2097152xf32, #tpu.memory_space<hbm>>
      %dma_wait3A_861 = tpu.memref_slice %dma_wait3A_860[%multiple_of3A_166] : memref<2097152xf32, #tpu.memory_space<hbm>> -> memref<65536xf32, #tpu.memory_space<hbm>>
      tpu.wait_dma2 semaphore(%run_scoped3A_851 : memref<!tpu.dma_semaphore, #tpu.memory_space<semaphore_mem>>) src(%dma_wait3A_861 : memref<65536xf32, #tpu.memory_space<hbm>>) dst(%dma_wait3A_857 : memref<65536xf32, #tpu.memory_space<vmem_shared>>)
      tpu.yield
    }) : () -> ()
    %barrier3A = arith.constant 0 : index
    tpu.barrier barrier_id(%barrier3A)
    %eq3A = arith.constant 0 : i32
    %eq3A_170 = arith.cmpi eq, %select_n3A, %eq3A : i32
    %convert_element_type3A = arith.extui %eq3A_170 : i1 to i32
    %cond3A = arith.constant 0 : i32
    %cond3A_171 = arith.cmpi ne, %convert_element_type3A, %cond3A : i32
    scf.if %cond3A_171 {
      %run_scoped3A_851 = arith.constant 0 : i32
      "tpu.region"() ({
        %run_scoped3A_852 = tpu.sem_alloc : memref<!tpu.dma_semaphore, #tpu.memory_space<semaphore_mem>>
        %dma_start3A_853 = arith.constant 0 : i32
        %dma_start3A_854 = tpu.memref_slice %arg5[%run_scoped3A_851, %dma_start3A_853] : memref<4x2097152xf32, #tpu.memory_space<hbm>> -> memref<1x2097152xf32, #tpu.memory_space<hbm>>
        %dma_start3A_855 = tpu.memref_squeeze %dma_start3A_854 : memref<1x2097152xf32, #tpu.memory_space<hbm>> -> memref<2097152xf32, #tpu.memory_space<hbm>>
        %dma_start3A_856 = tpu.memref_slice %dma_start3A_855[%multiple_of3A] : memref<2097152xf32, #tpu.memory_space<hbm>> -> memref<131072xf32, #tpu.memory_space<hbm>>
        %dma_start3A_857 = tpu.memref_slice %arg12[%multiple_of3A_161] : memref<1048576xf32, #tpu.memory_space<vmem_shared>> -> memref<131072xf32, #tpu.memory_space<vmem_shared>>
        tpu.enqueue_dma source(%dma_start3A_857 : memref<131072xf32, #tpu.memory_space<vmem_shared>>) target(%dma_start3A_856 : memref<131072xf32, #tpu.memory_space<hbm>>) target_semaphore(%run_scoped3A_852 : memref<!tpu.dma_semaphore, #tpu.memory_space<semaphore_mem>>)
        %dma_wait3A_858 = arith.constant 0 : i32
        %dma_wait3A_859 = tpu.memref_slice %arg5[%run_scoped3A_851, %dma_wait3A_858] : memref<4x2097152xf32, #tpu.memory_space<hbm>> -> memref<1x2097152xf32, #tpu.memory_space<hbm>>
        %dma_wait3A_860 = tpu.memref_squeeze %dma_wait3A_859 : memref<1x2097152xf32, #tpu.memory_space<hbm>> -> memref<2097152xf32, #tpu.memory_space<hbm>>
        %dma_wait3A_861 = tpu.memref_slice %dma_wait3A_860[%multiple_of3A] : memref<2097152xf32, #tpu.memory_space<hbm>> -> memref<131072xf32, #tpu.memory_space<hbm>>
        %dma_wait3A_862 = tpu.memref_slice %arg12[%multiple_of3A_161] : memref<1048576xf32, #tpu.memory_space<vmem_shared>> -> memref<131072xf32, #tpu.memory_space<vmem_shared>>
        tpu.wait_dma2 semaphore(%run_scoped3A_852 : memref<!tpu.dma_semaphore, #tpu.memory_space<semaphore_mem>>) src(%dma_wait3A_862 : memref<131072xf32, #tpu.memory_space<vmem_shared>>) dst(%dma_wait3A_861 : memref<131072xf32, #tpu.memory_space<hbm>>)
        tpu.yield
      }) : () -> ()
    } else {
    }
    %dma_start3A = tpu.memref_slice %arg6[%multiple_of3A] : memref<2097152xi32, #tpu.memory_space<hbm>> -> memref<8192xi32, #tpu.memory_space<hbm>>
    %dma_start3A_172 = tpu.memref_slice %arg6[%multiple_of3A] : memref<2097152xi32, #tpu.memory_space<hbm>> -> memref<8192xi32, #tpu.memory_space<hbm>>
    tpu.enqueue_dma source(%dma_start3A_172 : memref<8192xi32, #tpu.memory_space<hbm>>) target(%arg8 : memref<8192xi32, #tpu.memory_space<vmem>>) target_semaphore(%arg14 : memref<!tpu.dma_semaphore, #tpu.memory_space<semaphore_mem>>)
    %scan3A_173 = arith.constant 0 : i32
    %scan3A_174 = arith.constant 0 : i32
    %scan3A_175 = arith.constant 8 : i32
    %scan3A_176 = arith.addi %scan3A_174, %scan3A_175 : i32
    %scan3A_177 = arith.constant 1 : i32
    scf.for %scan3A_851 = %scan3A_174 to %scan3A_176 step %scan3A_177  : i32 {
      %mul3A_852 = arith.constant 2 : i32
      %mul3A_853 = arith.muli %scan3A_851, %mul3A_852 : i32
      %add3A_854 = arith.constant 0 : i32
      %add3A_855 = arith.addi %mul3A_853, %add3A_854 : i32
      %mul3A_856 = arith.constant 8192 : i32
      %mul3A_857 = arith.muli %add3A_855, %mul3A_856 : i32
      %multiple_of3A_858 = tpu.assume_multiple %mul3A_857, 8192 : i32
      %gt3A = arith.constant 0 : i32
      %gt3A_859 = arith.cmpi sgt, %add3A_855, %gt3A : i32
      %convert_element_type3A_860 = arith.extui %gt3A_859 : i1 to i32
      %cond3A_861 = arith.constant 0 : i32
      %cond3A_862 = arith.cmpi ne, %convert_element_type3A_860, %cond3A_861 : i32
      scf.if %cond3A_862 {
        %sub3A_908 = arith.constant 1 : i32
        %sub3A_909 = arith.subi %add3A_855, %sub3A_908 : i32
        %mul3A_910 = arith.constant 8192 : i32
        %mul3A_911 = arith.muli %sub3A_909, %mul3A_910 : i32
        %multiple_of3A_912 = tpu.assume_multiple %mul3A_911, 8192 : i32
        %dma_wait3A_913 = arith.constant 0 : i32
        %dma_wait3A_914 = tpu.memref_slice %arg12[%dma_wait3A_913] : memref<1048576xf32, #tpu.memory_space<vmem_shared>> -> memref<1048576xf32, #tpu.memory_space<vmem_shared>>
        tpu.wait_indirect_dma semaphore(%arg13 : memref<!tpu.dma_semaphore, #tpu.memory_space<semaphore_mem>>) src(%dma_wait3A_914 : memref<1048576xf32, #tpu.memory_space<vmem_shared>>) dst(%arg11 : memref<8192xf32, #tpu.memory_space<vmem>>)
        %add3A_915 = arith.addi %multiple_of3A, %multiple_of3A_912 : i32
        %dma_start3A_916 = arith.constant 0 : i32
        %dma_start3A_917 = arith.constant 0 : i32
        %dma_start3A_918 = arith.constant 0 : i32
        %dma_start3A_919 = arith.constant 0 : i32
        %dma_start3A_920 = tpu.memref_slice %arg4[%dma_start3A_916, %dma_start3A_918, %dma_start3A_919] : memref<2x4x2097152xf32, #tpu.memory_space<hbm>> -> memref<1x4x2097152xf32, #tpu.memory_space<hbm>>
        %dma_start3A_921 = tpu.memref_squeeze %dma_start3A_920 : memref<1x4x2097152xf32, #tpu.memory_space<hbm>> -> memref<4x2097152xf32, #tpu.memory_space<hbm>>
        %dma_start3A_922 = arith.constant 0 : i32
        %dma_start3A_923 = tpu.memref_slice %dma_start3A_921[%dma_start3A_917, %dma_start3A_922] : memref<4x2097152xf32, #tpu.memory_space<hbm>> -> memref<1x2097152xf32, #tpu.memory_space<hbm>>
        %dma_start3A_924 = tpu.memref_squeeze %dma_start3A_923 : memref<1x2097152xf32, #tpu.memory_space<hbm>> -> memref<2097152xf32, #tpu.memory_space<hbm>>
        %dma_start3A_925 = tpu.memref_slice %dma_start3A_924[%add3A_915] : memref<2097152xf32, #tpu.memory_space<hbm>> -> memref<8192xf32, #tpu.memory_space<hbm>>
        %dma_start3A_926 = arith.constant 0 : i32
        %dma_start3A_927 = arith.constant 0 : i32
        %dma_start3A_928 = tpu.memref_slice %arg4[%dma_start3A_916, %dma_start3A_926, %dma_start3A_927] : memref<2x4x2097152xf32, #tpu.memory_space<hbm>> -> memref<1x4x2097152xf32, #tpu.memory_space<hbm>>
        %dma_start3A_929 = tpu.memref_squeeze %dma_start3A_928 : memref<1x4x2097152xf32, #tpu.memory_space<hbm>> -> memref<4x2097152xf32, #tpu.memory_space<hbm>>
        %dma_start3A_930 = arith.constant 0 : i32
        %dma_start3A_931 = tpu.memref_slice %dma_start3A_929[%dma_start3A_917, %dma_start3A_930] : memref<4x2097152xf32, #tpu.memory_space<hbm>> -> memref<1x2097152xf32, #tpu.memory_space<hbm>>
        %dma_start3A_932 = tpu.memref_squeeze %dma_start3A_931 : memref<1x2097152xf32, #tpu.memory_space<hbm>> -> memref<2097152xf32, #tpu.memory_space<hbm>>
        %dma_start3A_933 = tpu.memref_slice %dma_start3A_932[%add3A_915] : memref<2097152xf32, #tpu.memory_space<hbm>> -> memref<8192xf32, #tpu.memory_space<hbm>>
        tpu.enqueue_dma source(%arg11 : memref<8192xf32, #tpu.memory_space<vmem>>) target(%dma_start3A_933 : memref<8192xf32, #tpu.memory_space<hbm>>) target_semaphore(%arg15 : memref<!tpu.dma_semaphore, #tpu.memory_space<semaphore_mem>>)
      } else {
      }
      %gt3A_863 = arith.constant 1 : i32
      %gt3A_864 = arith.cmpi sgt, %add3A_855, %gt3A_863 : i32
      %convert_element_type3A_865 = arith.extui %gt3A_864 : i1 to i32
      %cond3A_866 = arith.constant 0 : i32
      %cond3A_867 = arith.cmpi ne, %convert_element_type3A_865, %cond3A_866 : i32
      scf.if %cond3A_867 {
        %sub3A_908 = arith.constant 2 : i32
        %sub3A_909 = arith.subi %add3A_855, %sub3A_908 : i32
        %mul3A_910 = arith.constant 8192 : i32
        %mul3A_911 = arith.muli %sub3A_909, %mul3A_910 : i32
        %multiple_of3A_912 = tpu.assume_multiple %mul3A_911, 8192 : i32
        %add3A_913 = arith.addi %multiple_of3A, %multiple_of3A_912 : i32
        %dma_wait3A_914 = arith.constant 0 : i32
        %dma_wait3A_915 = arith.constant 0 : i32
        %dma_wait3A_916 = arith.constant 0 : i32
        %dma_wait3A_917 = arith.constant 0 : i32
        %dma_wait3A_918 = tpu.memref_slice %arg4[%dma_wait3A_914, %dma_wait3A_916, %dma_wait3A_917] : memref<2x4x2097152xf32, #tpu.memory_space<hbm>> -> memref<1x4x2097152xf32, #tpu.memory_space<hbm>>
        %dma_wait3A_919 = tpu.memref_squeeze %dma_wait3A_918 : memref<1x4x2097152xf32, #tpu.memory_space<hbm>> -> memref<4x2097152xf32, #tpu.memory_space<hbm>>
        %dma_wait3A_920 = arith.constant 0 : i32
        %dma_wait3A_921 = tpu.memref_slice %dma_wait3A_919[%dma_wait3A_915, %dma_wait3A_920] : memref<4x2097152xf32, #tpu.memory_space<hbm>> -> memref<1x2097152xf32, #tpu.memory_space<hbm>>
        %dma_wait3A_922 = tpu.memref_squeeze %dma_wait3A_921 : memref<1x2097152xf32, #tpu.memory_space<hbm>> -> memref<2097152xf32, #tpu.memory_space<hbm>>
        %dma_wait3A_923 = tpu.memref_slice %dma_wait3A_922[%add3A_913] : memref<2097152xf32, #tpu.memory_space<hbm>> -> memref<8192xf32, #tpu.memory_space<hbm>>
        %dma_wait3A_924 = arith.constant 0 : i32
        %dma_wait3A_925 = arith.constant 0 : i32
        %dma_wait3A_926 = tpu.memref_slice %arg4[%dma_wait3A_914, %dma_wait3A_924, %dma_wait3A_925] : memref<2x4x2097152xf32, #tpu.memory_space<hbm>> -> memref<1x4x2097152xf32, #tpu.memory_space<hbm>>
        %dma_wait3A_927 = tpu.memref_squeeze %dma_wait3A_926 : memref<1x4x2097152xf32, #tpu.memory_space<hbm>> -> memref<4x2097152xf32, #tpu.memory_space<hbm>>
        %dma_wait3A_928 = arith.constant 0 : i32
        %dma_wait3A_929 = tpu.memref_slice %dma_wait3A_927[%dma_wait3A_915, %dma_wait3A_928] : memref<4x2097152xf32, #tpu.memory_space<hbm>> -> memref<1x2097152xf32, #tpu.memory_space<hbm>>
        %dma_wait3A_930 = tpu.memref_squeeze %dma_wait3A_929 : memref<1x2097152xf32, #tpu.memory_space<hbm>> -> memref<2097152xf32, #tpu.memory_space<hbm>>
        %dma_wait3A_931 = tpu.memref_slice %dma_wait3A_930[%add3A_913] : memref<2097152xf32, #tpu.memory_space<hbm>> -> memref<8192xf32, #tpu.memory_space<hbm>>
        tpu.wait_dma2 semaphore(%arg15 : memref<!tpu.dma_semaphore, #tpu.memory_space<semaphore_mem>>) src(%arg10 : memref<8192xf32, #tpu.memory_space<vmem>>) dst(%dma_wait3A_931 : memref<8192xf32, #tpu.memory_space<hbm>>)
      } else {
      }
      %add3A_868 = arith.addi %multiple_of3A, %multiple_of3A_858 : i32
      %dma_wait3A_869 = tpu.memref_slice %arg6[%add3A_868] : memref<2097152xi32, #tpu.memory_space<hbm>> -> memref<8192xi32, #tpu.memory_space<hbm>>
      %dma_wait3A_870 = tpu.memref_slice %arg6[%add3A_868] : memref<2097152xi32, #tpu.memory_space<hbm>> -> memref<8192xi32, #tpu.memory_space<hbm>>
      tpu.wait_dma2 semaphore(%arg14 : memref<!tpu.dma_semaphore, #tpu.memory_space<semaphore_mem>>) src(%dma_wait3A_870 : memref<8192xi32, #tpu.memory_space<hbm>>) dst(%arg8 : memref<8192xi32, #tpu.memory_space<vmem>>)
      %dma_start3A_871 = arith.constant 0 : i32
      %dma_start3A_872 = tpu.memref_slice %arg12[%dma_start3A_871] : memref<1048576xf32, #tpu.memory_space<vmem_shared>> -> memref<1048576xf32, #tpu.memory_space<vmem_shared>>
      tpu.enqueue_indirect_dma source(%dma_start3A_872 : memref<1048576xf32, #tpu.memory_space<vmem_shared>>) target(%arg10 : memref<8192xf32, #tpu.memory_space<vmem>>) offsets(%arg8 : memref<8192xi32, #tpu.memory_space<vmem>>) semaphore(%arg13 : memref<!tpu.dma_semaphore, #tpu.memory_space<semaphore_mem>>)
      %add3A_873 = arith.constant 1 : i32
      %add3A_874 = arith.addi %add3A_855, %add3A_873 : i32
      %lt3A = arith.constant 16 : i32
      %lt3A_875 = arith.cmpi slt, %add3A_874, %lt3A : i32
      %convert_element_type3A_876 = arith.extui %lt3A_875 : i1 to i32
      %cond3A_877 = arith.constant 0 : i32
      %cond3A_878 = arith.cmpi ne, %convert_element_type3A_876, %cond3A_877 : i32
      scf.if %cond3A_878 {
        %add3A_908 = arith.constant 1 : i32
        %add3A_909 = arith.addi %add3A_855, %add3A_908 : i32
        %mul3A_910 = arith.constant 8192 : i32
        %mul3A_911 = arith.muli %add3A_909, %mul3A_910 : i32
        %multiple_of3A_912 = tpu.assume_multiple %mul3A_911, 8192 : i32
        %add3A_913 = arith.addi %multiple_of3A, %multiple_of3A_912 : i32
        %dma_start3A_914 = tpu.memref_slice %arg6[%add3A_913] : memref<2097152xi32, #tpu.memory_space<hbm>> -> memref<8192xi32, #tpu.memory_space<hbm>>
        %dma_start3A_915 = tpu.memref_slice %arg6[%add3A_913] : memref<2097152xi32, #tpu.memory_space<hbm>> -> memref<8192xi32, #tpu.memory_space<hbm>>
        tpu.enqueue_dma source(%dma_start3A_915 : memref<8192xi32, #tpu.memory_space<hbm>>) target(%arg9 : memref<8192xi32, #tpu.memory_space<vmem>>) target_semaphore(%arg14 : memref<!tpu.dma_semaphore, #tpu.memory_space<semaphore_mem>>)
      } else {
      }
      %mul3A_879 = arith.constant 2 : i32
      %mul3A_880 = arith.muli %scan3A_851, %mul3A_879 : i32
      %add3A_881 = arith.constant 1 : i32
      %add3A_882 = arith.addi %mul3A_880, %add3A_881 : i32
      %mul3A_883 = arith.constant 8192 : i32
      %mul3A_884 = arith.muli %add3A_882, %mul3A_883 : i32
      %multiple_of3A_885 = tpu.assume_multiple %mul3A_884, 8192 : i32
      %gt3A_886 = arith.constant 0 : i32
      %gt3A_887 = arith.cmpi sgt, %add3A_882, %gt3A_886 : i32
      %convert_element_type3A_888 = arith.extui %gt3A_887 : i1 to i32
      %cond3A_889 = arith.constant 0 : i32
      %cond3A_890 = arith.cmpi ne, %convert_element_type3A_888, %cond3A_889 : i32
      scf.if %cond3A_890 {
        %sub3A_908 = arith.constant 1 : i32
        %sub3A_909 = arith.subi %add3A_882, %sub3A_908 : i32
        %mul3A_910 = arith.constant 8192 : i32
        %mul3A_911 = arith.muli %sub3A_909, %mul3A_910 : i32
        %multiple_of3A_912 = tpu.assume_multiple %mul3A_911, 8192 : i32
        %dma_wait3A_913 = arith.constant 0 : i32
        %dma_wait3A_914 = tpu.memref_slice %arg12[%dma_wait3A_913] : memref<1048576xf32, #tpu.memory_space<vmem_shared>> -> memref<1048576xf32, #tpu.memory_space<vmem_shared>>
        tpu.wait_indirect_dma semaphore(%arg13 : memref<!tpu.dma_semaphore, #tpu.memory_space<semaphore_mem>>) src(%dma_wait3A_914 : memref<1048576xf32, #tpu.memory_space<vmem_shared>>) dst(%arg10 : memref<8192xf32, #tpu.memory_space<vmem>>)
        %add3A_915 = arith.addi %multiple_of3A, %multiple_of3A_912 : i32
        %dma_start3A_916 = arith.constant 0 : i32
        %dma_start3A_917 = arith.constant 0 : i32
        %dma_start3A_918 = arith.constant 0 : i32
        %dma_start3A_919 = arith.constant 0 : i32
        %dma_start3A_920 = tpu.memref_slice %arg4[%dma_start3A_916, %dma_start3A_918, %dma_start3A_919] : memref<2x4x2097152xf32, #tpu.memory_space<hbm>> -> memref<1x4x2097152xf32, #tpu.memory_space<hbm>>
        %dma_start3A_921 = tpu.memref_squeeze %dma_start3A_920 : memref<1x4x2097152xf32, #tpu.memory_space<hbm>> -> memref<4x2097152xf32, #tpu.memory_space<hbm>>
        %dma_start3A_922 = arith.constant 0 : i32
        %dma_start3A_923 = tpu.memref_slice %dma_start3A_921[%dma_start3A_917, %dma_start3A_922] : memref<4x2097152xf32, #tpu.memory_space<hbm>> -> memref<1x2097152xf32, #tpu.memory_space<hbm>>
        %dma_start3A_924 = tpu.memref_squeeze %dma_start3A_923 : memref<1x2097152xf32, #tpu.memory_space<hbm>> -> memref<2097152xf32, #tpu.memory_space<hbm>>
        %dma_start3A_925 = tpu.memref_slice %dma_start3A_924[%add3A_915] : memref<2097152xf32, #tpu.memory_space<hbm>> -> memref<8192xf32, #tpu.memory_space<hbm>>
        %dma_start3A_926 = arith.constant 0 : i32
        %dma_start3A_927 = arith.constant 0 : i32
        %dma_start3A_928 = tpu.memref_slice %arg4[%dma_start3A_916, %dma_start3A_926, %dma_start3A_927] : memref<2x4x2097152xf32, #tpu.memory_space<hbm>> -> memref<1x4x2097152xf32, #tpu.memory_space<hbm>>
        %dma_start3A_929 = tpu.memref_squeeze %dma_start3A_928 : memref<1x4x2097152xf32, #tpu.memory_space<hbm>> -> memref<4x2097152xf32, #tpu.memory_space<hbm>>
        %dma_start3A_930 = arith.constant 0 : i32
        %dma_start3A_931 = tpu.memref_slice %dma_start3A_929[%dma_start3A_917, %dma_start3A_930] : memref<4x2097152xf32, #tpu.memory_space<hbm>> -> memref<1x2097152xf32, #tpu.memory_space<hbm>>
        %dma_start3A_932 = tpu.memref_squeeze %dma_start3A_931 : memref<1x2097152xf32, #tpu.memory_space<hbm>> -> memref<2097152xf32, #tpu.memory_space<hbm>>
        %dma_start3A_933 = tpu.memref_slice %dma_start3A_932[%add3A_915] : memref<2097152xf32, #tpu.memory_space<hbm>> -> memref<8192xf32, #tpu.memory_space<hbm>>
        tpu.enqueue_dma source(%arg10 : memref<8192xf32, #tpu.memory_space<vmem>>) target(%dma_start3A_933 : memref<8192xf32, #tpu.memory_space<hbm>>) target_semaphore(%arg15 : memref<!tpu.dma_semaphore, #tpu.memory_space<semaphore_mem>>)
      } else {
      }
      %gt3A_891 = arith.constant 1 : i32
      %gt3A_892 = arith.cmpi sgt, %add3A_882, %gt3A_891 : i32
      %convert_element_type3A_893 = arith.extui %gt3A_892 : i1 to i32
      %cond3A_894 = arith.constant 0 : i32
      %cond3A_895 = arith.cmpi ne, %convert_element_type3A_893, %cond3A_894 : i32
      scf.if %cond3A_895 {
        %sub3A_908 = arith.constant 2 : i32
        %sub3A_909 = arith.subi %add3A_882, %sub3A_908 : i32
        %mul3A_910 = arith.constant 8192 : i32
        %mul3A_911 = arith.muli %sub3A_909, %mul3A_910 : i32
        %multiple_of3A_912 = tpu.assume_multiple %mul3A_911, 8192 : i32
        %add3A_913 = arith.addi %multiple_of3A, %multiple_of3A_912 : i32
        %dma_wait3A_914 = arith.constant 0 : i32
        %dma_wait3A_915 = arith.constant 0 : i32
        %dma_wait3A_916 = arith.constant 0 : i32
        %dma_wait3A_917 = arith.constant 0 : i32
        %dma_wait3A_918 = tpu.memref_slice %arg4[%dma_wait3A_914, %dma_wait3A_916, %dma_wait3A_917] : memref<2x4x2097152xf32, #tpu.memory_space<hbm>> -> memref<1x4x2097152xf32, #tpu.memory_space<hbm>>
        %dma_wait3A_919 = tpu.memref_squeeze %dma_wait3A_918 : memref<1x4x2097152xf32, #tpu.memory_space<hbm>> -> memref<4x2097152xf32, #tpu.memory_space<hbm>>
        %dma_wait3A_920 = arith.constant 0 : i32
        %dma_wait3A_921 = tpu.memref_slice %dma_wait3A_919[%dma_wait3A_915, %dma_wait3A_920] : memref<4x2097152xf32, #tpu.memory_space<hbm>> -> memref<1x2097152xf32, #tpu.memory_space<hbm>>
        %dma_wait3A_922 = tpu.memref_squeeze %dma_wait3A_921 : memref<1x2097152xf32, #tpu.memory_space<hbm>> -> memref<2097152xf32, #tpu.memory_space<hbm>>
        %dma_wait3A_923 = tpu.memref_slice %dma_wait3A_922[%add3A_913] : memref<2097152xf32, #tpu.memory_space<hbm>> -> memref<8192xf32, #tpu.memory_space<hbm>>
        %dma_wait3A_924 = arith.constant 0 : i32
        %dma_wait3A_925 = arith.constant 0 : i32
        %dma_wait3A_926 = tpu.memref_slice %arg4[%dma_wait3A_914, %dma_wait3A_924, %dma_wait3A_925] : memref<2x4x2097152xf32, #tpu.memory_space<hbm>> -> memref<1x4x2097152xf32, #tpu.memory_space<hbm>>
        %dma_wait3A_927 = tpu.memref_squeeze %dma_wait3A_926 : memref<1x4x2097152xf32, #tpu.memory_space<hbm>> -> memref<4x2097152xf32, #tpu.memory_space<hbm>>
        %dma_wait3A_928 = arith.constant 0 : i32
        %dma_wait3A_929 = tpu.memref_slice %dma_wait3A_927[%dma_wait3A_915, %dma_wait3A_928] : memref<4x2097152xf32, #tpu.memory_space<hbm>> -> memref<1x2097152xf32, #tpu.memory_space<hbm>>
        %dma_wait3A_930 = tpu.memref_squeeze %dma_wait3A_929 : memref<1x2097152xf32, #tpu.memory_space<hbm>> -> memref<2097152xf32, #tpu.memory_space<hbm>>
        %dma_wait3A_931 = tpu.memref_slice %dma_wait3A_930[%add3A_913] : memref<2097152xf32, #tpu.memory_space<hbm>> -> memref<8192xf32, #tpu.memory_space<hbm>>
        tpu.wait_dma2 semaphore(%arg15 : memref<!tpu.dma_semaphore, #tpu.memory_space<semaphore_mem>>) src(%arg11 : memref<8192xf32, #tpu.memory_space<vmem>>) dst(%dma_wait3A_931 : memref<8192xf32, #tpu.memory_space<hbm>>)
      } else {
      }
      %add3A_896 = arith.addi %multiple_of3A, %multiple_of3A_885 : i32
      %dma_wait3A_897 = tpu.memref_slice %arg6[%add3A_896] : memref<2097152xi32, #tpu.memory_space<hbm>> -> memref<8192xi32, #tpu.memory_space<hbm>>
      %dma_wait3A_898 = tpu.memref_slice %arg6[%add3A_896] : memref<2097152xi32, #tpu.memory_space<hbm>> -> memref<8192xi32, #tpu.memory_space<hbm>>
      tpu.wait_dma2 semaphore(%arg14 : memref<!tpu.dma_semaphore, #tpu.memory_space<semaphore_mem>>) src(%dma_wait3A_898 : memref<8192xi32, #tpu.memory_space<hbm>>) dst(%arg9 : memref<8192xi32, #tpu.memory_space<vmem>>)
      %dma_start3A_899 = arith.constant 0 : i32
      %dma_start3A_900 = tpu.memref_slice %arg12[%dma_start3A_899] : memref<1048576xf32, #tpu.memory_space<vmem_shared>> -> memref<1048576xf32, #tpu.memory_space<vmem_shared>>
      tpu.enqueue_indirect_dma source(%dma_start3A_900 : memref<1048576xf32, #tpu.memory_space<vmem_shared>>) target(%arg11 : memref<8192xf32, #tpu.memory_space<vmem>>) offsets(%arg9 : memref<8192xi32, #tpu.memory_space<vmem>>) semaphore(%arg13 : memref<!tpu.dma_semaphore, #tpu.memory_space<semaphore_mem>>)
      %add3A_901 = arith.constant 1 : i32
      %add3A_902 = arith.addi %add3A_882, %add3A_901 : i32
      %lt3A_903 = arith.constant 16 : i32
      %lt3A_904 = arith.cmpi slt, %add3A_902, %lt3A_903 : i32
      %convert_element_type3A_905 = arith.extui %lt3A_904 : i1 to i32
      %cond3A_906 = arith.constant 0 : i32
      %cond3A_907 = arith.cmpi ne, %convert_element_type3A_905, %cond3A_906 : i32
      scf.if %cond3A_907 {
        %add3A_908 = arith.constant 1 : i32
        %add3A_909 = arith.addi %add3A_882, %add3A_908 : i32
        %mul3A_910 = arith.constant 8192 : i32
        %mul3A_911 = arith.muli %add3A_909, %mul3A_910 : i32
        %multiple_of3A_912 = tpu.assume_multiple %mul3A_911, 8192 : i32
        %add3A_913 = arith.addi %multiple_of3A, %multiple_of3A_912 : i32
        %dma_start3A_914 = tpu.memref_slice %arg6[%add3A_913] : memref<2097152xi32, #tpu.memory_space<hbm>> -> memref<8192xi32, #tpu.memory_space<hbm>>
        %dma_start3A_915 = tpu.memref_slice %arg6[%add3A_913] : memref<2097152xi32, #tpu.memory_space<hbm>> -> memref<8192xi32, #tpu.memory_space<hbm>>
        tpu.enqueue_dma source(%dma_start3A_915 : memref<8192xi32, #tpu.memory_space<hbm>>) target(%arg8 : memref<8192xi32, #tpu.memory_space<vmem>>) target_semaphore(%arg14 : memref<!tpu.dma_semaphore, #tpu.memory_space<semaphore_mem>>)
      } else {
      }
    }
    %scan3A_178 = arith.constant 8 : i32
    %multiple_of3A_179 = arith.constant 122880 : i32
    %multiple_of3A_180 = tpu.assume_multiple %multiple_of3A_179, 8192 : i32
    %dma_wait3A = arith.constant 0 : i32
    %dma_wait3A_181 = tpu.memref_slice %arg12[%dma_wait3A] : memref<1048576xf32, #tpu.memory_space<vmem_shared>> -> memref<1048576xf32, #tpu.memory_space<vmem_shared>>
    tpu.wait_indirect_dma semaphore(%arg13 : memref<!tpu.dma_semaphore, #tpu.memory_space<semaphore_mem>>) src(%dma_wait3A_181 : memref<1048576xf32, #tpu.memory_space<vmem_shared>>) dst(%arg11 : memref<8192xf32, #tpu.memory_space<vmem>>)
    %add3A_182 = arith.addi %multiple_of3A, %multiple_of3A_180 : i32
    %dma_start3A_183 = arith.constant 0 : i32
    %dma_start3A_184 = arith.constant 0 : i32
    %dma_start3A_185 = arith.constant 0 : i32
    %dma_start3A_186 = arith.constant 0 : i32
    %dma_start3A_187 = tpu.memref_slice %arg4[%dma_start3A_183, %dma_start3A_185, %dma_start3A_186] : memref<2x4x2097152xf32, #tpu.memory_space<hbm>> -> memref<1x4x2097152xf32, #tpu.memory_space<hbm>>
    %dma_start3A_188 = tpu.memref_squeeze %dma_start3A_187 : memref<1x4x2097152xf32, #tpu.memory_space<hbm>> -> memref<4x2097152xf32, #tpu.memory_space<hbm>>
    %dma_start3A_189 = arith.constant 0 : i32
    %dma_start3A_190 = tpu.memref_slice %dma_start3A_188[%dma_start3A_184, %dma_start3A_189] : memref<4x2097152xf32, #tpu.memory_space<hbm>> -> memref<1x2097152xf32, #tpu.memory_space<hbm>>
    %dma_start3A_191 = tpu.memref_squeeze %dma_start3A_190 : memref<1x2097152xf32, #tpu.memory_space<hbm>> -> memref<2097152xf32, #tpu.memory_space<hbm>>
    %dma_start3A_192 = tpu.memref_slice %dma_start3A_191[%add3A_182] : memref<2097152xf32, #tpu.memory_space<hbm>> -> memref<8192xf32, #tpu.memory_space<hbm>>
    %dma_start3A_193 = arith.constant 0 : i32
    %dma_start3A_194 = arith.constant 0 : i32
    %dma_start3A_195 = tpu.memref_slice %arg4[%dma_start3A_183, %dma_start3A_193, %dma_start3A_194] : memref<2x4x2097152xf32, #tpu.memory_space<hbm>> -> memref<1x4x2097152xf32, #tpu.memory_space<hbm>>
    %dma_start3A_196 = tpu.memref_squeeze %dma_start3A_195 : memref<1x4x2097152xf32, #tpu.memory_space<hbm>> -> memref<4x2097152xf32, #tpu.memory_space<hbm>>
    %dma_start3A_197 = arith.constant 0 : i32
    %dma_start3A_198 = tpu.memref_slice %dma_start3A_196[%dma_start3A_184, %dma_start3A_197] : memref<4x2097152xf32, #tpu.memory_space<hbm>> -> memref<1x2097152xf32, #tpu.memory_space<hbm>>
    %dma_start3A_199 = tpu.memref_squeeze %dma_start3A_198 : memref<1x2097152xf32, #tpu.memory_space<hbm>> -> memref<2097152xf32, #tpu.memory_space<hbm>>
    %dma_start3A_200 = tpu.memref_slice %dma_start3A_199[%add3A_182] : memref<2097152xf32, #tpu.memory_space<hbm>> -> memref<8192xf32, #tpu.memory_space<hbm>>
    tpu.enqueue_dma source(%arg11 : memref<8192xf32, #tpu.memory_space<vmem>>) target(%dma_start3A_200 : memref<8192xf32, #tpu.memory_space<hbm>>) target_semaphore(%arg15 : memref<!tpu.dma_semaphore, #tpu.memory_space<semaphore_mem>>)
    %multiple_of3A_201 = arith.constant 114688 : i32
    %multiple_of3A_202 = tpu.assume_multiple %multiple_of3A_201, 8192 : i32
    %add3A_203 = arith.addi %multiple_of3A, %multiple_of3A_202 : i32
    %dma_wait3A_204 = arith.constant 0 : i32
    %dma_wait3A_205 = arith.constant 0 : i32
    %dma_wait3A_206 = arith.constant 0 : i32
    %dma_wait3A_207 = arith.constant 0 : i32
    %dma_wait3A_208 = tpu.memref_slice %arg4[%dma_wait3A_204, %dma_wait3A_206, %dma_wait3A_207] : memref<2x4x2097152xf32, #tpu.memory_space<hbm>> -> memref<1x4x2097152xf32, #tpu.memory_space<hbm>>
    %dma_wait3A_209 = tpu.memref_squeeze %dma_wait3A_208 : memref<1x4x2097152xf32, #tpu.memory_space<hbm>> -> memref<4x2097152xf32, #tpu.memory_space<hbm>>
    %dma_wait3A_210 = arith.constant 0 : i32
    %dma_wait3A_211 = tpu.memref_slice %dma_wait3A_209[%dma_wait3A_205, %dma_wait3A_210] : memref<4x2097152xf32, #tpu.memory_space<hbm>> -> memref<1x2097152xf32, #tpu.memory_space<hbm>>
    %dma_wait3A_212 = tpu.memref_squeeze %dma_wait3A_211 : memref<1x2097152xf32, #tpu.memory_space<hbm>> -> memref<2097152xf32, #tpu.memory_space<hbm>>
    %dma_wait3A_213 = tpu.memref_slice %dma_wait3A_212[%add3A_203] : memref<2097152xf32, #tpu.memory_space<hbm>> -> memref<8192xf32, #tpu.memory_space<hbm>>
    %dma_wait3A_214 = arith.constant 0 : i32
    %dma_wait3A_215 = arith.constant 0 : i32
    %dma_wait3A_216 = tpu.memref_slice %arg4[%dma_wait3A_204, %dma_wait3A_214, %dma_wait3A_215] : memref<2x4x2097152xf32, #tpu.memory_space<hbm>> -> memref<1x4x2097152xf32, #tpu.memory_space<hbm>>
    %dma_wait3A_217 = tpu.memref_squeeze %dma_wait3A_216 : memref<1x4x2097152xf32, #tpu.memory_space<hbm>> -> memref<4x2097152xf32, #tpu.memory_space<hbm>>
    %dma_wait3A_218 = arith.constant 0 : i32
    %dma_wait3A_219 = tpu.memref_slice %dma_wait3A_217[%dma_wait3A_205, %dma_wait3A_218] : memref<4x2097152xf32, #tpu.memory_space<hbm>> -> memref<1x2097152xf32, #tpu.memory_space<hbm>>
    %dma_wait3A_220 = tpu.memref_squeeze %dma_wait3A_219 : memref<1x2097152xf32, #tpu.memory_space<hbm>> -> memref<2097152xf32, #tpu.memory_space<hbm>>
    %dma_wait3A_221 = tpu.memref_slice %dma_wait3A_220[%add3A_203] : memref<2097152xf32, #tpu.memory_space<hbm>> -> memref<8192xf32, #tpu.memory_space<hbm>>
    tpu.wait_dma2 semaphore(%arg15 : memref<!tpu.dma_semaphore, #tpu.memory_space<semaphore_mem>>) src(%arg10 : memref<8192xf32, #tpu.memory_space<vmem>>) dst(%dma_wait3A_221 : memref<8192xf32, #tpu.memory_space<hbm>>)
    %add3A_222 = arith.addi %multiple_of3A, %multiple_of3A_180 : i32
    %dma_wait3A_223 = arith.constant 0 : i32
    %dma_wait3A_224 = arith.constant 0 : i32
    %dma_wait3A_225 = arith.constant 0 : i32
    %dma_wait3A_226 = arith.constant 0 : i32
    %dma_wait3A_227 = tpu.memref_slice %arg4[%dma_wait3A_223, %dma_wait3A_225, %dma_wait3A_226] : memref<2x4x2097152xf32, #tpu.memory_space<hbm>> -> memref<1x4x2097152xf32, #tpu.memory_space<hbm>>
    %dma_wait3A_228 = tpu.memref_squeeze %dma_wait3A_227 : memref<1x4x2097152xf32, #tpu.memory_space<hbm>> -> memref<4x2097152xf32, #tpu.memory_space<hbm>>
    %dma_wait3A_229 = arith.constant 0 : i32
    %dma_wait3A_230 = tpu.memref_slice %dma_wait3A_228[%dma_wait3A_224, %dma_wait3A_229] : memref<4x2097152xf32, #tpu.memory_space<hbm>> -> memref<1x2097152xf32, #tpu.memory_space<hbm>>
    %dma_wait3A_231 = tpu.memref_squeeze %dma_wait3A_230 : memref<1x2097152xf32, #tpu.memory_space<hbm>> -> memref<2097152xf32, #tpu.memory_space<hbm>>
    %dma_wait3A_232 = tpu.memref_slice %dma_wait3A_231[%add3A_222] : memref<2097152xf32, #tpu.memory_space<hbm>> -> memref<8192xf32, #tpu.memory_space<hbm>>
    %dma_wait3A_233 = arith.constant 0 : i32
    %dma_wait3A_234 = arith.constant 0 : i32
    %dma_wait3A_235 = tpu.memref_slice %arg4[%dma_wait3A_223, %dma_wait3A_233, %dma_wait3A_234] : memref<2x4x2097152xf32, #tpu.memory_space<hbm>> -> memref<1x4x2097152xf32, #tpu.memory_space<hbm>>
    %dma_wait3A_236 = tpu.memref_squeeze %dma_wait3A_235 : memref<1x4x2097152xf32, #tpu.memory_space<hbm>> -> memref<4x2097152xf32, #tpu.memory_space<hbm>>
    %dma_wait3A_237 = arith.constant 0 : i32
    %dma_wait3A_238 = tpu.memref_slice %dma_wait3A_236[%dma_wait3A_224, %dma_wait3A_237] : memref<4x2097152xf32, #tpu.memory_space<hbm>> -> memref<1x2097152xf32, #tpu.memory_space<hbm>>
    %dma_wait3A_239 = tpu.memref_squeeze %dma_wait3A_238 : memref<1x2097152xf32, #tpu.memory_space<hbm>> -> memref<2097152xf32, #tpu.memory_space<hbm>>
    %dma_wait3A_240 = tpu.memref_slice %dma_wait3A_239[%add3A_222] : memref<2097152xf32, #tpu.memory_space<hbm>> -> memref<8192xf32, #tpu.memory_space<hbm>>
    tpu.wait_dma2 semaphore(%arg15 : memref<!tpu.dma_semaphore, #tpu.memory_space<semaphore_mem>>) src(%arg11 : memref<8192xf32, #tpu.memory_space<vmem>>) dst(%dma_wait3A_240 : memref<8192xf32, #tpu.memory_space<hbm>>)
    %barrier3A_241 = arith.constant 0 : index
    tpu.barrier barrier_id(%barrier3A_241)
    %mul3A_242 = arith.constant 65536 : i32
    %mul3A_243 = arith.muli %arg1, %mul3A_242 : i32
    %add3A_244 = arith.constant 1048576 : i32
    %add3A_245 = arith.addi %add3A_244, %mul3A_243 : i32
    %multiple_of3A_246 = tpu.assume_multiple %add3A_245, 128 : i32
    %mul3A_247 = arith.constant 65536 : i32
    %mul3A_248 = arith.muli %arg1, %mul3A_247 : i32
    %multiple_of3A_249 = tpu.assume_multiple %mul3A_248, 128 : i32
    %run_scoped3A_250 = arith.constant 0 : i32
    "tpu.region"() ({
      %run_scoped3A_851 = tpu.sem_alloc : memref<!tpu.dma_semaphore, #tpu.memory_space<semaphore_mem>>
      %dma_start3A_852 = tpu.memref_slice %arg12[%multiple_of3A_249] : memref<1048576xf32, #tpu.memory_space<vmem_shared>> -> memref<65536xf32, #tpu.memory_space<vmem_shared>>
      %dma_start3A_853 = arith.constant 0 : i32
      %dma_start3A_854 = tpu.memref_slice %arg2[%run_scoped3A_250, %dma_start3A_853] : memref<4x2097152xf32, #tpu.memory_space<hbm>> -> memref<1x2097152xf32, #tpu.memory_space<hbm>>
      %dma_start3A_855 = tpu.memref_squeeze %dma_start3A_854 : memref<1x2097152xf32, #tpu.memory_space<hbm>> -> memref<2097152xf32, #tpu.memory_space<hbm>>
      %dma_start3A_856 = tpu.memref_slice %dma_start3A_855[%multiple_of3A_246] : memref<2097152xf32, #tpu.memory_space<hbm>> -> memref<65536xf32, #tpu.memory_space<hbm>>
      tpu.enqueue_dma source(%dma_start3A_856 : memref<65536xf32, #tpu.memory_space<hbm>>) target(%dma_start3A_852 : memref<65536xf32, #tpu.memory_space<vmem_shared>>) target_semaphore(%run_scoped3A_851 : memref<!tpu.dma_semaphore, #tpu.memory_space<semaphore_mem>>)
      %dma_wait3A_857 = tpu.memref_slice %arg12[%multiple_of3A_249] : memref<1048576xf32, #tpu.memory_space<vmem_shared>> -> memref<65536xf32, #tpu.memory_space<vmem_shared>>
      %dma_wait3A_858 = arith.constant 0 : i32
      %dma_wait3A_859 = tpu.memref_slice %arg2[%run_scoped3A_250, %dma_wait3A_858] : memref<4x2097152xf32, #tpu.memory_space<hbm>> -> memref<1x2097152xf32, #tpu.memory_space<hbm>>
      %dma_wait3A_860 = tpu.memref_squeeze %dma_wait3A_859 : memref<1x2097152xf32, #tpu.memory_space<hbm>> -> memref<2097152xf32, #tpu.memory_space<hbm>>
      %dma_wait3A_861 = tpu.memref_slice %dma_wait3A_860[%multiple_of3A_246] : memref<2097152xf32, #tpu.memory_space<hbm>> -> memref<65536xf32, #tpu.memory_space<hbm>>
      tpu.wait_dma2 semaphore(%run_scoped3A_851 : memref<!tpu.dma_semaphore, #tpu.memory_space<semaphore_mem>>) src(%dma_wait3A_861 : memref<65536xf32, #tpu.memory_space<hbm>>) dst(%dma_wait3A_857 : memref<65536xf32, #tpu.memory_space<vmem_shared>>)
      tpu.yield
    }) : () -> ()
    %barrier3A_251 = arith.constant 0 : index
    tpu.barrier barrier_id(%barrier3A_251)
    %eq3A_252 = arith.constant 1 : i32
    %eq3A_253 = arith.cmpi eq, %select_n3A, %eq3A_252 : i32
    %convert_element_type3A_254 = arith.extui %eq3A_253 : i1 to i32
    %cond3A_255 = arith.constant 0 : i32
    %cond3A_256 = arith.cmpi ne, %convert_element_type3A_254, %cond3A_255 : i32
    scf.if %cond3A_256 {
      %run_scoped3A_851 = arith.constant 0 : i32
      "tpu.region"() ({
        %run_scoped3A_852 = tpu.sem_alloc : memref<!tpu.dma_semaphore, #tpu.memory_space<semaphore_mem>>
        %dma_start3A_853 = arith.constant 0 : i32
        %dma_start3A_854 = tpu.memref_slice %arg5[%run_scoped3A_851, %dma_start3A_853] : memref<4x2097152xf32, #tpu.memory_space<hbm>> -> memref<1x2097152xf32, #tpu.memory_space<hbm>>
        %dma_start3A_855 = tpu.memref_squeeze %dma_start3A_854 : memref<1x2097152xf32, #tpu.memory_space<hbm>> -> memref<2097152xf32, #tpu.memory_space<hbm>>
        %dma_start3A_856 = tpu.memref_slice %dma_start3A_855[%multiple_of3A] : memref<2097152xf32, #tpu.memory_space<hbm>> -> memref<131072xf32, #tpu.memory_space<hbm>>
        %dma_start3A_857 = tpu.memref_slice %arg12[%multiple_of3A_161] : memref<1048576xf32, #tpu.memory_space<vmem_shared>> -> memref<131072xf32, #tpu.memory_space<vmem_shared>>
        tpu.enqueue_dma source(%dma_start3A_857 : memref<131072xf32, #tpu.memory_space<vmem_shared>>) target(%dma_start3A_856 : memref<131072xf32, #tpu.memory_space<hbm>>) target_semaphore(%run_scoped3A_852 : memref<!tpu.dma_semaphore, #tpu.memory_space<semaphore_mem>>)
        %dma_wait3A_858 = arith.constant 0 : i32
        %dma_wait3A_859 = tpu.memref_slice %arg5[%run_scoped3A_851, %dma_wait3A_858] : memref<4x2097152xf32, #tpu.memory_space<hbm>> -> memref<1x2097152xf32, #tpu.memory_space<hbm>>
        %dma_wait3A_860 = tpu.memref_squeeze %dma_wait3A_859 : memref<1x2097152xf32, #tpu.memory_space<hbm>> -> memref<2097152xf32, #tpu.memory_space<hbm>>
        %dma_wait3A_861 = tpu.memref_slice %dma_wait3A_860[%multiple_of3A] : memref<2097152xf32, #tpu.memory_space<hbm>> -> memref<131072xf32, #tpu.memory_space<hbm>>
        %dma_wait3A_862 = tpu.memref_slice %arg12[%multiple_of3A_161] : memref<1048576xf32, #tpu.memory_space<vmem_shared>> -> memref<131072xf32, #tpu.memory_space<vmem_shared>>
        tpu.wait_dma2 semaphore(%run_scoped3A_852 : memref<!tpu.dma_semaphore, #tpu.memory_space<semaphore_mem>>) src(%dma_wait3A_862 : memref<131072xf32, #tpu.memory_space<vmem_shared>>) dst(%dma_wait3A_861 : memref<131072xf32, #tpu.memory_space<hbm>>)
        tpu.yield
      }) : () -> ()
    } else {
    }
    %dma_start3A_257 = tpu.memref_slice %arg6[%multiple_of3A] : memref<2097152xi32, #tpu.memory_space<hbm>> -> memref<8192xi32, #tpu.memory_space<hbm>>
    %dma_start3A_258 = tpu.memref_slice %arg6[%multiple_of3A] : memref<2097152xi32, #tpu.memory_space<hbm>> -> memref<8192xi32, #tpu.memory_space<hbm>>
    tpu.enqueue_dma source(%dma_start3A_258 : memref<8192xi32, #tpu.memory_space<hbm>>) target(%arg8 : memref<8192xi32, #tpu.memory_space<vmem>>) target_semaphore(%arg14 : memref<!tpu.dma_semaphore, #tpu.memory_space<semaphore_mem>>)
    %scan3A_259 = arith.constant 0 : i32
    %scan3A_260 = arith.constant 0 : i32
    %scan3A_261 = arith.constant 8 : i32
    %scan3A_262 = arith.addi %scan3A_260, %scan3A_261 : i32
    %scan3A_263 = arith.constant 1 : i32
    scf.for %scan3A_851 = %scan3A_260 to %scan3A_262 step %scan3A_263  : i32 {
      %mul3A_852 = arith.constant 2 : i32
      %mul3A_853 = arith.muli %scan3A_851, %mul3A_852 : i32
      %add3A_854 = arith.constant 0 : i32
      %add3A_855 = arith.addi %mul3A_853, %add3A_854 : i32
      %mul3A_856 = arith.constant 8192 : i32
      %mul3A_857 = arith.muli %add3A_855, %mul3A_856 : i32
      %multiple_of3A_858 = tpu.assume_multiple %mul3A_857, 8192 : i32
      %gt3A = arith.constant 0 : i32
      %gt3A_859 = arith.cmpi sgt, %add3A_855, %gt3A : i32
      %convert_element_type3A_860 = arith.extui %gt3A_859 : i1 to i32
      %cond3A_861 = arith.constant 0 : i32
      %cond3A_862 = arith.cmpi ne, %convert_element_type3A_860, %cond3A_861 : i32
      scf.if %cond3A_862 {
        %sub3A_908 = arith.constant 1 : i32
        %sub3A_909 = arith.subi %add3A_855, %sub3A_908 : i32
        %mul3A_910 = arith.constant 8192 : i32
        %mul3A_911 = arith.muli %sub3A_909, %mul3A_910 : i32
        %multiple_of3A_912 = tpu.assume_multiple %mul3A_911, 8192 : i32
        %dma_wait3A_913 = arith.constant 0 : i32
        %dma_wait3A_914 = tpu.memref_slice %arg12[%dma_wait3A_913] : memref<1048576xf32, #tpu.memory_space<vmem_shared>> -> memref<1048576xf32, #tpu.memory_space<vmem_shared>>
        tpu.wait_indirect_dma semaphore(%arg13 : memref<!tpu.dma_semaphore, #tpu.memory_space<semaphore_mem>>) src(%dma_wait3A_914 : memref<1048576xf32, #tpu.memory_space<vmem_shared>>) dst(%arg11 : memref<8192xf32, #tpu.memory_space<vmem>>)
        %add3A_915 = arith.addi %multiple_of3A, %multiple_of3A_912 : i32
        %dma_start3A_916 = arith.constant 1 : i32
        %dma_start3A_917 = arith.constant 0 : i32
        %dma_start3A_918 = arith.constant 0 : i32
        %dma_start3A_919 = arith.constant 0 : i32
        %dma_start3A_920 = tpu.memref_slice %arg4[%dma_start3A_916, %dma_start3A_918, %dma_start3A_919] : memref<2x4x2097152xf32, #tpu.memory_space<hbm>> -> memref<1x4x2097152xf32, #tpu.memory_space<hbm>>
        %dma_start3A_921 = tpu.memref_squeeze %dma_start3A_920 : memref<1x4x2097152xf32, #tpu.memory_space<hbm>> -> memref<4x2097152xf32, #tpu.memory_space<hbm>>
        %dma_start3A_922 = arith.constant 0 : i32
        %dma_start3A_923 = tpu.memref_slice %dma_start3A_921[%dma_start3A_917, %dma_start3A_922] : memref<4x2097152xf32, #tpu.memory_space<hbm>> -> memref<1x2097152xf32, #tpu.memory_space<hbm>>
        %dma_start3A_924 = tpu.memref_squeeze %dma_start3A_923 : memref<1x2097152xf32, #tpu.memory_space<hbm>> -> memref<2097152xf32, #tpu.memory_space<hbm>>
        %dma_start3A_925 = tpu.memref_slice %dma_start3A_924[%add3A_915] : memref<2097152xf32, #tpu.memory_space<hbm>> -> memref<8192xf32, #tpu.memory_space<hbm>>
        %dma_start3A_926 = arith.constant 0 : i32
        %dma_start3A_927 = arith.constant 0 : i32
        %dma_start3A_928 = tpu.memref_slice %arg4[%dma_start3A_916, %dma_start3A_926, %dma_start3A_927] : memref<2x4x2097152xf32, #tpu.memory_space<hbm>> -> memref<1x4x2097152xf32, #tpu.memory_space<hbm>>
        %dma_start3A_929 = tpu.memref_squeeze %dma_start3A_928 : memref<1x4x2097152xf32, #tpu.memory_space<hbm>> -> memref<4x2097152xf32, #tpu.memory_space<hbm>>
        %dma_start3A_930 = arith.constant 0 : i32
        %dma_start3A_931 = tpu.memref_slice %dma_start3A_929[%dma_start3A_917, %dma_start3A_930] : memref<4x2097152xf32, #tpu.memory_space<hbm>> -> memref<1x2097152xf32, #tpu.memory_space<hbm>>
        %dma_start3A_932 = tpu.memref_squeeze %dma_start3A_931 : memref<1x2097152xf32, #tpu.memory_space<hbm>> -> memref<2097152xf32, #tpu.memory_space<hbm>>
        %dma_start3A_933 = tpu.memref_slice %dma_start3A_932[%add3A_915] : memref<2097152xf32, #tpu.memory_space<hbm>> -> memref<8192xf32, #tpu.memory_space<hbm>>
        tpu.enqueue_dma source(%arg11 : memref<8192xf32, #tpu.memory_space<vmem>>) target(%dma_start3A_933 : memref<8192xf32, #tpu.memory_space<hbm>>) target_semaphore(%arg15 : memref<!tpu.dma_semaphore, #tpu.memory_space<semaphore_mem>>)
      } else {
      }
      %gt3A_863 = arith.constant 1 : i32
      %gt3A_864 = arith.cmpi sgt, %add3A_855, %gt3A_863 : i32
      %convert_element_type3A_865 = arith.extui %gt3A_864 : i1 to i32
      %cond3A_866 = arith.constant 0 : i32
      %cond3A_867 = arith.cmpi ne, %convert_element_type3A_865, %cond3A_866 : i32
      scf.if %cond3A_867 {
        %sub3A_908 = arith.constant 2 : i32
        %sub3A_909 = arith.subi %add3A_855, %sub3A_908 : i32
        %mul3A_910 = arith.constant 8192 : i32
        %mul3A_911 = arith.muli %sub3A_909, %mul3A_910 : i32
        %multiple_of3A_912 = tpu.assume_multiple %mul3A_911, 8192 : i32
        %add3A_913 = arith.addi %multiple_of3A, %multiple_of3A_912 : i32
        %dma_wait3A_914 = arith.constant 1 : i32
        %dma_wait3A_915 = arith.constant 0 : i32
        %dma_wait3A_916 = arith.constant 0 : i32
        %dma_wait3A_917 = arith.constant 0 : i32
        %dma_wait3A_918 = tpu.memref_slice %arg4[%dma_wait3A_914, %dma_wait3A_916, %dma_wait3A_917] : memref<2x4x2097152xf32, #tpu.memory_space<hbm>> -> memref<1x4x2097152xf32, #tpu.memory_space<hbm>>
        %dma_wait3A_919 = tpu.memref_squeeze %dma_wait3A_918 : memref<1x4x2097152xf32, #tpu.memory_space<hbm>> -> memref<4x2097152xf32, #tpu.memory_space<hbm>>
        %dma_wait3A_920 = arith.constant 0 : i32
        %dma_wait3A_921 = tpu.memref_slice %dma_wait3A_919[%dma_wait3A_915, %dma_wait3A_920] : memref<4x2097152xf32, #tpu.memory_space<hbm>> -> memref<1x2097152xf32, #tpu.memory_space<hbm>>
        %dma_wait3A_922 = tpu.memref_squeeze %dma_wait3A_921 : memref<1x2097152xf32, #tpu.memory_space<hbm>> -> memref<2097152xf32, #tpu.memory_space<hbm>>
        %dma_wait3A_923 = tpu.memref_slice %dma_wait3A_922[%add3A_913] : memref<2097152xf32, #tpu.memory_space<hbm>> -> memref<8192xf32, #tpu.memory_space<hbm>>
        %dma_wait3A_924 = arith.constant 0 : i32
        %dma_wait3A_925 = arith.constant 0 : i32
        %dma_wait3A_926 = tpu.memref_slice %arg4[%dma_wait3A_914, %dma_wait3A_924, %dma_wait3A_925] : memref<2x4x2097152xf32, #tpu.memory_space<hbm>> -> memref<1x4x2097152xf32, #tpu.memory_space<hbm>>
        %dma_wait3A_927 = tpu.memref_squeeze %dma_wait3A_926 : memref<1x4x2097152xf32, #tpu.memory_space<hbm>> -> memref<4x2097152xf32, #tpu.memory_space<hbm>>
        %dma_wait3A_928 = arith.constant 0 : i32
        %dma_wait3A_929 = tpu.memref_slice %dma_wait3A_927[%dma_wait3A_915, %dma_wait3A_928] : memref<4x2097152xf32, #tpu.memory_space<hbm>> -> memref<1x2097152xf32, #tpu.memory_space<hbm>>
        %dma_wait3A_930 = tpu.memref_squeeze %dma_wait3A_929 : memref<1x2097152xf32, #tpu.memory_space<hbm>> -> memref<2097152xf32, #tpu.memory_space<hbm>>
        %dma_wait3A_931 = tpu.memref_slice %dma_wait3A_930[%add3A_913] : memref<2097152xf32, #tpu.memory_space<hbm>> -> memref<8192xf32, #tpu.memory_space<hbm>>
        tpu.wait_dma2 semaphore(%arg15 : memref<!tpu.dma_semaphore, #tpu.memory_space<semaphore_mem>>) src(%arg10 : memref<8192xf32, #tpu.memory_space<vmem>>) dst(%dma_wait3A_931 : memref<8192xf32, #tpu.memory_space<hbm>>)
      } else {
      }
      %add3A_868 = arith.addi %multiple_of3A, %multiple_of3A_858 : i32
      %dma_wait3A_869 = tpu.memref_slice %arg6[%add3A_868] : memref<2097152xi32, #tpu.memory_space<hbm>> -> memref<8192xi32, #tpu.memory_space<hbm>>
      %dma_wait3A_870 = tpu.memref_slice %arg6[%add3A_868] : memref<2097152xi32, #tpu.memory_space<hbm>> -> memref<8192xi32, #tpu.memory_space<hbm>>
      tpu.wait_dma2 semaphore(%arg14 : memref<!tpu.dma_semaphore, #tpu.memory_space<semaphore_mem>>) src(%dma_wait3A_870 : memref<8192xi32, #tpu.memory_space<hbm>>) dst(%arg8 : memref<8192xi32, #tpu.memory_space<vmem>>)
      %dma_start3A_871 = arith.constant 0 : i32
      %dma_start3A_872 = tpu.memref_slice %arg12[%dma_start3A_871] : memref<1048576xf32, #tpu.memory_space<vmem_shared>> -> memref<1048576xf32, #tpu.memory_space<vmem_shared>>
      tpu.enqueue_indirect_dma source(%dma_start3A_872 : memref<1048576xf32, #tpu.memory_space<vmem_shared>>) target(%arg10 : memref<8192xf32, #tpu.memory_space<vmem>>) offsets(%arg8 : memref<8192xi32, #tpu.memory_space<vmem>>) semaphore(%arg13 : memref<!tpu.dma_semaphore, #tpu.memory_space<semaphore_mem>>)
      %add3A_873 = arith.constant 1 : i32
      %add3A_874 = arith.addi %add3A_855, %add3A_873 : i32
      %lt3A = arith.constant 16 : i32
      %lt3A_875 = arith.cmpi slt, %add3A_874, %lt3A : i32
      %convert_element_type3A_876 = arith.extui %lt3A_875 : i1 to i32
      %cond3A_877 = arith.constant 0 : i32
      %cond3A_878 = arith.cmpi ne, %convert_element_type3A_876, %cond3A_877 : i32
      scf.if %cond3A_878 {
        %add3A_908 = arith.constant 1 : i32
        %add3A_909 = arith.addi %add3A_855, %add3A_908 : i32
        %mul3A_910 = arith.constant 8192 : i32
        %mul3A_911 = arith.muli %add3A_909, %mul3A_910 : i32
        %multiple_of3A_912 = tpu.assume_multiple %mul3A_911, 8192 : i32
        %add3A_913 = arith.addi %multiple_of3A, %multiple_of3A_912 : i32
        %dma_start3A_914 = tpu.memref_slice %arg6[%add3A_913] : memref<2097152xi32, #tpu.memory_space<hbm>> -> memref<8192xi32, #tpu.memory_space<hbm>>
        %dma_start3A_915 = tpu.memref_slice %arg6[%add3A_913] : memref<2097152xi32, #tpu.memory_space<hbm>> -> memref<8192xi32, #tpu.memory_space<hbm>>
        tpu.enqueue_dma source(%dma_start3A_915 : memref<8192xi32, #tpu.memory_space<hbm>>) target(%arg9 : memref<8192xi32, #tpu.memory_space<vmem>>) target_semaphore(%arg14 : memref<!tpu.dma_semaphore, #tpu.memory_space<semaphore_mem>>)
      } else {
      }
      %mul3A_879 = arith.constant 2 : i32
      %mul3A_880 = arith.muli %scan3A_851, %mul3A_879 : i32
      %add3A_881 = arith.constant 1 : i32
      %add3A_882 = arith.addi %mul3A_880, %add3A_881 : i32
      %mul3A_883 = arith.constant 8192 : i32
      %mul3A_884 = arith.muli %add3A_882, %mul3A_883 : i32
      %multiple_of3A_885 = tpu.assume_multiple %mul3A_884, 8192 : i32
      %gt3A_886 = arith.constant 0 : i32
      %gt3A_887 = arith.cmpi sgt, %add3A_882, %gt3A_886 : i32
      %convert_element_type3A_888 = arith.extui %gt3A_887 : i1 to i32
      %cond3A_889 = arith.constant 0 : i32
      %cond3A_890 = arith.cmpi ne, %convert_element_type3A_888, %cond3A_889 : i32
      scf.if %cond3A_890 {
        %sub3A_908 = arith.constant 1 : i32
        %sub3A_909 = arith.subi %add3A_882, %sub3A_908 : i32
        %mul3A_910 = arith.constant 8192 : i32
        %mul3A_911 = arith.muli %sub3A_909, %mul3A_910 : i32
        %multiple_of3A_912 = tpu.assume_multiple %mul3A_911, 8192 : i32
        %dma_wait3A_913 = arith.constant 0 : i32
        %dma_wait3A_914 = tpu.memref_slice %arg12[%dma_wait3A_913] : memref<1048576xf32, #tpu.memory_space<vmem_shared>> -> memref<1048576xf32, #tpu.memory_space<vmem_shared>>
        tpu.wait_indirect_dma semaphore(%arg13 : memref<!tpu.dma_semaphore, #tpu.memory_space<semaphore_mem>>) src(%dma_wait3A_914 : memref<1048576xf32, #tpu.memory_space<vmem_shared>>) dst(%arg10 : memref<8192xf32, #tpu.memory_space<vmem>>)
        %add3A_915 = arith.addi %multiple_of3A, %multiple_of3A_912 : i32
        %dma_start3A_916 = arith.constant 1 : i32
        %dma_start3A_917 = arith.constant 0 : i32
        %dma_start3A_918 = arith.constant 0 : i32
        %dma_start3A_919 = arith.constant 0 : i32
        %dma_start3A_920 = tpu.memref_slice %arg4[%dma_start3A_916, %dma_start3A_918, %dma_start3A_919] : memref<2x4x2097152xf32, #tpu.memory_space<hbm>> -> memref<1x4x2097152xf32, #tpu.memory_space<hbm>>
        %dma_start3A_921 = tpu.memref_squeeze %dma_start3A_920 : memref<1x4x2097152xf32, #tpu.memory_space<hbm>> -> memref<4x2097152xf32, #tpu.memory_space<hbm>>
        %dma_start3A_922 = arith.constant 0 : i32
        %dma_start3A_923 = tpu.memref_slice %dma_start3A_921[%dma_start3A_917, %dma_start3A_922] : memref<4x2097152xf32, #tpu.memory_space<hbm>> -> memref<1x2097152xf32, #tpu.memory_space<hbm>>
        %dma_start3A_924 = tpu.memref_squeeze %dma_start3A_923 : memref<1x2097152xf32, #tpu.memory_space<hbm>> -> memref<2097152xf32, #tpu.memory_space<hbm>>
        %dma_start3A_925 = tpu.memref_slice %dma_start3A_924[%add3A_915] : memref<2097152xf32, #tpu.memory_space<hbm>> -> memref<8192xf32, #tpu.memory_space<hbm>>
        %dma_start3A_926 = arith.constant 0 : i32
        %dma_start3A_927 = arith.constant 0 : i32
        %dma_start3A_928 = tpu.memref_slice %arg4[%dma_start3A_916, %dma_start3A_926, %dma_start3A_927] : memref<2x4x2097152xf32, #tpu.memory_space<hbm>> -> memref<1x4x2097152xf32, #tpu.memory_space<hbm>>
        %dma_start3A_929 = tpu.memref_squeeze %dma_start3A_928 : memref<1x4x2097152xf32, #tpu.memory_space<hbm>> -> memref<4x2097152xf32, #tpu.memory_space<hbm>>
        %dma_start3A_930 = arith.constant 0 : i32
        %dma_start3A_931 = tpu.memref_slice %dma_start3A_929[%dma_start3A_917, %dma_start3A_930] : memref<4x2097152xf32, #tpu.memory_space<hbm>> -> memref<1x2097152xf32, #tpu.memory_space<hbm>>
        %dma_start3A_932 = tpu.memref_squeeze %dma_start3A_931 : memref<1x2097152xf32, #tpu.memory_space<hbm>> -> memref<2097152xf32, #tpu.memory_space<hbm>>
        %dma_start3A_933 = tpu.memref_slice %dma_start3A_932[%add3A_915] : memref<2097152xf32, #tpu.memory_space<hbm>> -> memref<8192xf32, #tpu.memory_space<hbm>>
        tpu.enqueue_dma source(%arg10 : memref<8192xf32, #tpu.memory_space<vmem>>) target(%dma_start3A_933 : memref<8192xf32, #tpu.memory_space<hbm>>) target_semaphore(%arg15 : memref<!tpu.dma_semaphore, #tpu.memory_space<semaphore_mem>>)
      } else {
      }
      %gt3A_891 = arith.constant 1 : i32
      %gt3A_892 = arith.cmpi sgt, %add3A_882, %gt3A_891 : i32
      %convert_element_type3A_893 = arith.extui %gt3A_892 : i1 to i32
      %cond3A_894 = arith.constant 0 : i32
      %cond3A_895 = arith.cmpi ne, %convert_element_type3A_893, %cond3A_894 : i32
      scf.if %cond3A_895 {
        %sub3A_908 = arith.constant 2 : i32
        %sub3A_909 = arith.subi %add3A_882, %sub3A_908 : i32
        %mul3A_910 = arith.constant 8192 : i32
        %mul3A_911 = arith.muli %sub3A_909, %mul3A_910 : i32
        %multiple_of3A_912 = tpu.assume_multiple %mul3A_911, 8192 : i32
        %add3A_913 = arith.addi %multiple_of3A, %multiple_of3A_912 : i32
        %dma_wait3A_914 = arith.constant 1 : i32
        %dma_wait3A_915 = arith.constant 0 : i32
        %dma_wait3A_916 = arith.constant 0 : i32
        %dma_wait3A_917 = arith.constant 0 : i32
        %dma_wait3A_918 = tpu.memref_slice %arg4[%dma_wait3A_914, %dma_wait3A_916, %dma_wait3A_917] : memref<2x4x2097152xf32, #tpu.memory_space<hbm>> -> memref<1x4x2097152xf32, #tpu.memory_space<hbm>>
        %dma_wait3A_919 = tpu.memref_squeeze %dma_wait3A_918 : memref<1x4x2097152xf32, #tpu.memory_space<hbm>> -> memref<4x2097152xf32, #tpu.memory_space<hbm>>
        %dma_wait3A_920 = arith.constant 0 : i32
        %dma_wait3A_921 = tpu.memref_slice %dma_wait3A_919[%dma_wait3A_915, %dma_wait3A_920] : memref<4x2097152xf32, #tpu.memory_space<hbm>> -> memref<1x2097152xf32, #tpu.memory_space<hbm>>
        %dma_wait3A_922 = tpu.memref_squeeze %dma_wait3A_921 : memref<1x2097152xf32, #tpu.memory_space<hbm>> -> memref<2097152xf32, #tpu.memory_space<hbm>>
        %dma_wait3A_923 = tpu.memref_slice %dma_wait3A_922[%add3A_913] : memref<2097152xf32, #tpu.memory_space<hbm>> -> memref<8192xf32, #tpu.memory_space<hbm>>
        %dma_wait3A_924 = arith.constant 0 : i32
        %dma_wait3A_925 = arith.constant 0 : i32
        %dma_wait3A_926 = tpu.memref_slice %arg4[%dma_wait3A_914, %dma_wait3A_924, %dma_wait3A_925] : memref<2x4x2097152xf32, #tpu.memory_space<hbm>> -> memref<1x4x2097152xf32, #tpu.memory_space<hbm>>
        %dma_wait3A_927 = tpu.memref_squeeze %dma_wait3A_926 : memref<1x4x2097152xf32, #tpu.memory_space<hbm>> -> memref<4x2097152xf32, #tpu.memory_space<hbm>>
        %dma_wait3A_928 = arith.constant 0 : i32
        %dma_wait3A_929 = tpu.memref_slice %dma_wait3A_927[%dma_wait3A_915, %dma_wait3A_928] : memref<4x2097152xf32, #tpu.memory_space<hbm>> -> memref<1x2097152xf32, #tpu.memory_space<hbm>>
        %dma_wait3A_930 = tpu.memref_squeeze %dma_wait3A_929 : memref<1x2097152xf32, #tpu.memory_space<hbm>> -> memref<2097152xf32, #tpu.memory_space<hbm>>
        %dma_wait3A_931 = tpu.memref_slice %dma_wait3A_930[%add3A_913] : memref<2097152xf32, #tpu.memory_space<hbm>> -> memref<8192xf32, #tpu.memory_space<hbm>>
        tpu.wait_dma2 semaphore(%arg15 : memref<!tpu.dma_semaphore, #tpu.memory_space<semaphore_mem>>) src(%arg11 : memref<8192xf32, #tpu.memory_space<vmem>>) dst(%dma_wait3A_931 : memref<8192xf32, #tpu.memory_space<hbm>>)
      } else {
      }
      %add3A_896 = arith.addi %multiple_of3A, %multiple_of3A_885 : i32
      %dma_wait3A_897 = tpu.memref_slice %arg6[%add3A_896] : memref<2097152xi32, #tpu.memory_space<hbm>> -> memref<8192xi32, #tpu.memory_space<hbm>>
      %dma_wait3A_898 = tpu.memref_slice %arg6[%add3A_896] : memref<2097152xi32, #tpu.memory_space<hbm>> -> memref<8192xi32, #tpu.memory_space<hbm>>
      tpu.wait_dma2 semaphore(%arg14 : memref<!tpu.dma_semaphore, #tpu.memory_space<semaphore_mem>>) src(%dma_wait3A_898 : memref<8192xi32, #tpu.memory_space<hbm>>) dst(%arg9 : memref<8192xi32, #tpu.memory_space<vmem>>)
      %dma_start3A_899 = arith.constant 0 : i32
      %dma_start3A_900 = tpu.memref_slice %arg12[%dma_start3A_899] : memref<1048576xf32, #tpu.memory_space<vmem_shared>> -> memref<1048576xf32, #tpu.memory_space<vmem_shared>>
      tpu.enqueue_indirect_dma source(%dma_start3A_900 : memref<1048576xf32, #tpu.memory_space<vmem_shared>>) target(%arg11 : memref<8192xf32, #tpu.memory_space<vmem>>) offsets(%arg9 : memref<8192xi32, #tpu.memory_space<vmem>>) semaphore(%arg13 : memref<!tpu.dma_semaphore, #tpu.memory_space<semaphore_mem>>)
      %add3A_901 = arith.constant 1 : i32
      %add3A_902 = arith.addi %add3A_882, %add3A_901 : i32
      %lt3A_903 = arith.constant 16 : i32
      %lt3A_904 = arith.cmpi slt, %add3A_902, %lt3A_903 : i32
      %convert_element_type3A_905 = arith.extui %lt3A_904 : i1 to i32
      %cond3A_906 = arith.constant 0 : i32
      %cond3A_907 = arith.cmpi ne, %convert_element_type3A_905, %cond3A_906 : i32
      scf.if %cond3A_907 {
        %add3A_908 = arith.constant 1 : i32
        %add3A_909 = arith.addi %add3A_882, %add3A_908 : i32
        %mul3A_910 = arith.constant 8192 : i32
        %mul3A_911 = arith.muli %add3A_909, %mul3A_910 : i32
        %multiple_of3A_912 = tpu.assume_multiple %mul3A_911, 8192 : i32
        %add3A_913 = arith.addi %multiple_of3A, %multiple_of3A_912 : i32
        %dma_start3A_914 = tpu.memref_slice %arg6[%add3A_913] : memref<2097152xi32, #tpu.memory_space<hbm>> -> memref<8192xi32, #tpu.memory_space<hbm>>
        %dma_start3A_915 = tpu.memref_slice %arg6[%add3A_913] : memref<2097152xi32, #tpu.memory_space<hbm>> -> memref<8192xi32, #tpu.memory_space<hbm>>
        tpu.enqueue_dma source(%dma_start3A_915 : memref<8192xi32, #tpu.memory_space<hbm>>) target(%arg8 : memref<8192xi32, #tpu.memory_space<vmem>>) target_semaphore(%arg14 : memref<!tpu.dma_semaphore, #tpu.memory_space<semaphore_mem>>)
      } else {
      }
    }
    %scan3A_264 = arith.constant 8 : i32
    %multiple_of3A_265 = arith.constant 122880 : i32
    %multiple_of3A_266 = tpu.assume_multiple %multiple_of3A_265, 8192 : i32
    %dma_wait3A_267 = arith.constant 0 : i32
    %dma_wait3A_268 = tpu.memref_slice %arg12[%dma_wait3A_267] : memref<1048576xf32, #tpu.memory_space<vmem_shared>> -> memref<1048576xf32, #tpu.memory_space<vmem_shared>>
    tpu.wait_indirect_dma semaphore(%arg13 : memref<!tpu.dma_semaphore, #tpu.memory_space<semaphore_mem>>) src(%dma_wait3A_268 : memref<1048576xf32, #tpu.memory_space<vmem_shared>>) dst(%arg11 : memref<8192xf32, #tpu.memory_space<vmem>>)
    %add3A_269 = arith.addi %multiple_of3A, %multiple_of3A_266 : i32
    %dma_start3A_270 = arith.constant 1 : i32
    %dma_start3A_271 = arith.constant 0 : i32
    %dma_start3A_272 = arith.constant 0 : i32
    %dma_start3A_273 = arith.constant 0 : i32
    %dma_start3A_274 = tpu.memref_slice %arg4[%dma_start3A_270, %dma_start3A_272, %dma_start3A_273] : memref<2x4x2097152xf32, #tpu.memory_space<hbm>> -> memref<1x4x2097152xf32, #tpu.memory_space<hbm>>
    %dma_start3A_275 = tpu.memref_squeeze %dma_start3A_274 : memref<1x4x2097152xf32, #tpu.memory_space<hbm>> -> memref<4x2097152xf32, #tpu.memory_space<hbm>>
    %dma_start3A_276 = arith.constant 0 : i32
    %dma_start3A_277 = tpu.memref_slice %dma_start3A_275[%dma_start3A_271, %dma_start3A_276] : memref<4x2097152xf32, #tpu.memory_space<hbm>> -> memref<1x2097152xf32, #tpu.memory_space<hbm>>
    %dma_start3A_278 = tpu.memref_squeeze %dma_start3A_277 : memref<1x2097152xf32, #tpu.memory_space<hbm>> -> memref<2097152xf32, #tpu.memory_space<hbm>>
    %dma_start3A_279 = tpu.memref_slice %dma_start3A_278[%add3A_269] : memref<2097152xf32, #tpu.memory_space<hbm>> -> memref<8192xf32, #tpu.memory_space<hbm>>
    %dma_start3A_280 = arith.constant 0 : i32
    %dma_start3A_281 = arith.constant 0 : i32
    %dma_start3A_282 = tpu.memref_slice %arg4[%dma_start3A_270, %dma_start3A_280, %dma_start3A_281] : memref<2x4x2097152xf32, #tpu.memory_space<hbm>> -> memref<1x4x2097152xf32, #tpu.memory_space<hbm>>
    %dma_start3A_283 = tpu.memref_squeeze %dma_start3A_282 : memref<1x4x2097152xf32, #tpu.memory_space<hbm>> -> memref<4x2097152xf32, #tpu.memory_space<hbm>>
    %dma_start3A_284 = arith.constant 0 : i32
    %dma_start3A_285 = tpu.memref_slice %dma_start3A_283[%dma_start3A_271, %dma_start3A_284] : memref<4x2097152xf32, #tpu.memory_space<hbm>> -> memref<1x2097152xf32, #tpu.memory_space<hbm>>
    %dma_start3A_286 = tpu.memref_squeeze %dma_start3A_285 : memref<1x2097152xf32, #tpu.memory_space<hbm>> -> memref<2097152xf32, #tpu.memory_space<hbm>>
    %dma_start3A_287 = tpu.memref_slice %dma_start3A_286[%add3A_269] : memref<2097152xf32, #tpu.memory_space<hbm>> -> memref<8192xf32, #tpu.memory_space<hbm>>
    tpu.enqueue_dma source(%arg11 : memref<8192xf32, #tpu.memory_space<vmem>>) target(%dma_start3A_287 : memref<8192xf32, #tpu.memory_space<hbm>>) target_semaphore(%arg15 : memref<!tpu.dma_semaphore, #tpu.memory_space<semaphore_mem>>)
    %multiple_of3A_288 = arith.constant 114688 : i32
    %multiple_of3A_289 = tpu.assume_multiple %multiple_of3A_288, 8192 : i32
    %add3A_290 = arith.addi %multiple_of3A, %multiple_of3A_289 : i32
    %dma_wait3A_291 = arith.constant 1 : i32
    %dma_wait3A_292 = arith.constant 0 : i32
    %dma_wait3A_293 = arith.constant 0 : i32
    %dma_wait3A_294 = arith.constant 0 : i32
    %dma_wait3A_295 = tpu.memref_slice %arg4[%dma_wait3A_291, %dma_wait3A_293, %dma_wait3A_294] : memref<2x4x2097152xf32, #tpu.memory_space<hbm>> -> memref<1x4x2097152xf32, #tpu.memory_space<hbm>>
    %dma_wait3A_296 = tpu.memref_squeeze %dma_wait3A_295 : memref<1x4x2097152xf32, #tpu.memory_space<hbm>> -> memref<4x2097152xf32, #tpu.memory_space<hbm>>
    %dma_wait3A_297 = arith.constant 0 : i32
    %dma_wait3A_298 = tpu.memref_slice %dma_wait3A_296[%dma_wait3A_292, %dma_wait3A_297] : memref<4x2097152xf32, #tpu.memory_space<hbm>> -> memref<1x2097152xf32, #tpu.memory_space<hbm>>
    %dma_wait3A_299 = tpu.memref_squeeze %dma_wait3A_298 : memref<1x2097152xf32, #tpu.memory_space<hbm>> -> memref<2097152xf32, #tpu.memory_space<hbm>>
    %dma_wait3A_300 = tpu.memref_slice %dma_wait3A_299[%add3A_290] : memref<2097152xf32, #tpu.memory_space<hbm>> -> memref<8192xf32, #tpu.memory_space<hbm>>
    %dma_wait3A_301 = arith.constant 0 : i32
    %dma_wait3A_302 = arith.constant 0 : i32
    %dma_wait3A_303 = tpu.memref_slice %arg4[%dma_wait3A_291, %dma_wait3A_301, %dma_wait3A_302] : memref<2x4x2097152xf32, #tpu.memory_space<hbm>> -> memref<1x4x2097152xf32, #tpu.memory_space<hbm>>
    %dma_wait3A_304 = tpu.memref_squeeze %dma_wait3A_303 : memref<1x4x2097152xf32, #tpu.memory_space<hbm>> -> memref<4x2097152xf32, #tpu.memory_space<hbm>>
    %dma_wait3A_305 = arith.constant 0 : i32
    %dma_wait3A_306 = tpu.memref_slice %dma_wait3A_304[%dma_wait3A_292, %dma_wait3A_305] : memref<4x2097152xf32, #tpu.memory_space<hbm>> -> memref<1x2097152xf32, #tpu.memory_space<hbm>>
    %dma_wait3A_307 = tpu.memref_squeeze %dma_wait3A_306 : memref<1x2097152xf32, #tpu.memory_space<hbm>> -> memref<2097152xf32, #tpu.memory_space<hbm>>
    %dma_wait3A_308 = tpu.memref_slice %dma_wait3A_307[%add3A_290] : memref<2097152xf32, #tpu.memory_space<hbm>> -> memref<8192xf32, #tpu.memory_space<hbm>>
    tpu.wait_dma2 semaphore(%arg15 : memref<!tpu.dma_semaphore, #tpu.memory_space<semaphore_mem>>) src(%arg10 : memref<8192xf32, #tpu.memory_space<vmem>>) dst(%dma_wait3A_308 : memref<8192xf32, #tpu.memory_space<hbm>>)
    %add3A_309 = arith.addi %multiple_of3A, %multiple_of3A_266 : i32
    %dma_wait3A_310 = arith.constant 1 : i32
    %dma_wait3A_311 = arith.constant 0 : i32
    %dma_wait3A_312 = arith.constant 0 : i32
    %dma_wait3A_313 = arith.constant 0 : i32
    %dma_wait3A_314 = tpu.memref_slice %arg4[%dma_wait3A_310, %dma_wait3A_312, %dma_wait3A_313] : memref<2x4x2097152xf32, #tpu.memory_space<hbm>> -> memref<1x4x2097152xf32, #tpu.memory_space<hbm>>
    %dma_wait3A_315 = tpu.memref_squeeze %dma_wait3A_314 : memref<1x4x2097152xf32, #tpu.memory_space<hbm>> -> memref<4x2097152xf32, #tpu.memory_space<hbm>>
    %dma_wait3A_316 = arith.constant 0 : i32
    %dma_wait3A_317 = tpu.memref_slice %dma_wait3A_315[%dma_wait3A_311, %dma_wait3A_316] : memref<4x2097152xf32, #tpu.memory_space<hbm>> -> memref<1x2097152xf32, #tpu.memory_space<hbm>>
    %dma_wait3A_318 = tpu.memref_squeeze %dma_wait3A_317 : memref<1x2097152xf32, #tpu.memory_space<hbm>> -> memref<2097152xf32, #tpu.memory_space<hbm>>
    %dma_wait3A_319 = tpu.memref_slice %dma_wait3A_318[%add3A_309] : memref<2097152xf32, #tpu.memory_space<hbm>> -> memref<8192xf32, #tpu.memory_space<hbm>>
    %dma_wait3A_320 = arith.constant 0 : i32
    %dma_wait3A_321 = arith.constant 0 : i32
    %dma_wait3A_322 = tpu.memref_slice %arg4[%dma_wait3A_310, %dma_wait3A_320, %dma_wait3A_321] : memref<2x4x2097152xf32, #tpu.memory_space<hbm>> -> memref<1x4x2097152xf32, #tpu.memory_space<hbm>>
    %dma_wait3A_323 = tpu.memref_squeeze %dma_wait3A_322 : memref<1x4x2097152xf32, #tpu.memory_space<hbm>> -> memref<4x2097152xf32, #tpu.memory_space<hbm>>
    %dma_wait3A_324 = arith.constant 0 : i32
    %dma_wait3A_325 = tpu.memref_slice %dma_wait3A_323[%dma_wait3A_311, %dma_wait3A_324] : memref<4x2097152xf32, #tpu.memory_space<hbm>> -> memref<1x2097152xf32, #tpu.memory_space<hbm>>
    %dma_wait3A_326 = tpu.memref_squeeze %dma_wait3A_325 : memref<1x2097152xf32, #tpu.memory_space<hbm>> -> memref<2097152xf32, #tpu.memory_space<hbm>>
    %dma_wait3A_327 = tpu.memref_slice %dma_wait3A_326[%add3A_309] : memref<2097152xf32, #tpu.memory_space<hbm>> -> memref<8192xf32, #tpu.memory_space<hbm>>
    tpu.wait_dma2 semaphore(%arg15 : memref<!tpu.dma_semaphore, #tpu.memory_space<semaphore_mem>>) src(%arg11 : memref<8192xf32, #tpu.memory_space<vmem>>) dst(%dma_wait3A_327 : memref<8192xf32, #tpu.memory_space<hbm>>)
    %barrier3A_328 = arith.constant 0 : index
    tpu.barrier barrier_id(%barrier3A_328)
    %mul3A_329 = arith.constant 65536 : i32
    %mul3A_330 = arith.muli %arg1, %mul3A_329 : i32
    %add3A_331 = arith.constant 0 : i32
    %add3A_332 = arith.addi %add3A_331, %mul3A_330 : i32
    %multiple_of3A_333 = tpu.assume_multiple %add3A_332, 128 : i32
    %mul3A_334 = arith.constant 65536 : i32
    %mul3A_335 = arith.muli %arg1, %mul3A_334 : i32
    %multiple_of3A_336 = tpu.assume_multiple %mul3A_335, 128 : i32
    %run_scoped3A_337 = arith.constant 1 : i32
    "tpu.region"() ({
      %run_scoped3A_851 = tpu.sem_alloc : memref<!tpu.dma_semaphore, #tpu.memory_space<semaphore_mem>>
      %dma_start3A_852 = tpu.memref_slice %arg12[%multiple_of3A_336] : memref<1048576xf32, #tpu.memory_space<vmem_shared>> -> memref<65536xf32, #tpu.memory_space<vmem_shared>>
      %dma_start3A_853 = arith.constant 0 : i32
      %dma_start3A_854 = tpu.memref_slice %arg2[%run_scoped3A_337, %dma_start3A_853] : memref<4x2097152xf32, #tpu.memory_space<hbm>> -> memref<1x2097152xf32, #tpu.memory_space<hbm>>
      %dma_start3A_855 = tpu.memref_squeeze %dma_start3A_854 : memref<1x2097152xf32, #tpu.memory_space<hbm>> -> memref<2097152xf32, #tpu.memory_space<hbm>>
      %dma_start3A_856 = tpu.memref_slice %dma_start3A_855[%multiple_of3A_333] : memref<2097152xf32, #tpu.memory_space<hbm>> -> memref<65536xf32, #tpu.memory_space<hbm>>
      tpu.enqueue_dma source(%dma_start3A_856 : memref<65536xf32, #tpu.memory_space<hbm>>) target(%dma_start3A_852 : memref<65536xf32, #tpu.memory_space<vmem_shared>>) target_semaphore(%run_scoped3A_851 : memref<!tpu.dma_semaphore, #tpu.memory_space<semaphore_mem>>)
      %dma_wait3A_857 = tpu.memref_slice %arg12[%multiple_of3A_336] : memref<1048576xf32, #tpu.memory_space<vmem_shared>> -> memref<65536xf32, #tpu.memory_space<vmem_shared>>
      %dma_wait3A_858 = arith.constant 0 : i32
      %dma_wait3A_859 = tpu.memref_slice %arg2[%run_scoped3A_337, %dma_wait3A_858] : memref<4x2097152xf32, #tpu.memory_space<hbm>> -> memref<1x2097152xf32, #tpu.memory_space<hbm>>
      %dma_wait3A_860 = tpu.memref_squeeze %dma_wait3A_859 : memref<1x2097152xf32, #tpu.memory_space<hbm>> -> memref<2097152xf32, #tpu.memory_space<hbm>>
      %dma_wait3A_861 = tpu.memref_slice %dma_wait3A_860[%multiple_of3A_333] : memref<2097152xf32, #tpu.memory_space<hbm>> -> memref<65536xf32, #tpu.memory_space<hbm>>
      tpu.wait_dma2 semaphore(%run_scoped3A_851 : memref<!tpu.dma_semaphore, #tpu.memory_space<semaphore_mem>>) src(%dma_wait3A_861 : memref<65536xf32, #tpu.memory_space<hbm>>) dst(%dma_wait3A_857 : memref<65536xf32, #tpu.memory_space<vmem_shared>>)
      tpu.yield
    }) : () -> ()
    %barrier3A_338 = arith.constant 0 : index
    tpu.barrier barrier_id(%barrier3A_338)
    %eq3A_339 = arith.constant 0 : i32
    %eq3A_340 = arith.cmpi eq, %select_n3A, %eq3A_339 : i32
    %convert_element_type3A_341 = arith.extui %eq3A_340 : i1 to i32
    %cond3A_342 = arith.constant 0 : i32
    %cond3A_343 = arith.cmpi ne, %convert_element_type3A_341, %cond3A_342 : i32
    scf.if %cond3A_343 {
      %run_scoped3A_851 = arith.constant 1 : i32
      "tpu.region"() ({
        %run_scoped3A_852 = tpu.sem_alloc : memref<!tpu.dma_semaphore, #tpu.memory_space<semaphore_mem>>
        %dma_start3A_853 = arith.constant 0 : i32
        %dma_start3A_854 = tpu.memref_slice %arg5[%run_scoped3A_851, %dma_start3A_853] : memref<4x2097152xf32, #tpu.memory_space<hbm>> -> memref<1x2097152xf32, #tpu.memory_space<hbm>>
        %dma_start3A_855 = tpu.memref_squeeze %dma_start3A_854 : memref<1x2097152xf32, #tpu.memory_space<hbm>> -> memref<2097152xf32, #tpu.memory_space<hbm>>
        %dma_start3A_856 = tpu.memref_slice %dma_start3A_855[%multiple_of3A] : memref<2097152xf32, #tpu.memory_space<hbm>> -> memref<131072xf32, #tpu.memory_space<hbm>>
        %dma_start3A_857 = tpu.memref_slice %arg12[%multiple_of3A_161] : memref<1048576xf32, #tpu.memory_space<vmem_shared>> -> memref<131072xf32, #tpu.memory_space<vmem_shared>>
        tpu.enqueue_dma source(%dma_start3A_857 : memref<131072xf32, #tpu.memory_space<vmem_shared>>) target(%dma_start3A_856 : memref<131072xf32, #tpu.memory_space<hbm>>) target_semaphore(%run_scoped3A_852 : memref<!tpu.dma_semaphore, #tpu.memory_space<semaphore_mem>>)
        %dma_wait3A_858 = arith.constant 0 : i32
        %dma_wait3A_859 = tpu.memref_slice %arg5[%run_scoped3A_851, %dma_wait3A_858] : memref<4x2097152xf32, #tpu.memory_space<hbm>> -> memref<1x2097152xf32, #tpu.memory_space<hbm>>
        %dma_wait3A_860 = tpu.memref_squeeze %dma_wait3A_859 : memref<1x2097152xf32, #tpu.memory_space<hbm>> -> memref<2097152xf32, #tpu.memory_space<hbm>>
        %dma_wait3A_861 = tpu.memref_slice %dma_wait3A_860[%multiple_of3A] : memref<2097152xf32, #tpu.memory_space<hbm>> -> memref<131072xf32, #tpu.memory_space<hbm>>
        %dma_wait3A_862 = tpu.memref_slice %arg12[%multiple_of3A_161] : memref<1048576xf32, #tpu.memory_space<vmem_shared>> -> memref<131072xf32, #tpu.memory_space<vmem_shared>>
        tpu.wait_dma2 semaphore(%run_scoped3A_852 : memref<!tpu.dma_semaphore, #tpu.memory_space<semaphore_mem>>) src(%dma_wait3A_862 : memref<131072xf32, #tpu.memory_space<vmem_shared>>) dst(%dma_wait3A_861 : memref<131072xf32, #tpu.memory_space<hbm>>)
        tpu.yield
      }) : () -> ()
    } else {
    }
    %dma_start3A_344 = tpu.memref_slice %arg6[%multiple_of3A] : memref<2097152xi32, #tpu.memory_space<hbm>> -> memref<8192xi32, #tpu.memory_space<hbm>>
    %dma_start3A_345 = tpu.memref_slice %arg6[%multiple_of3A] : memref<2097152xi32, #tpu.memory_space<hbm>> -> memref<8192xi32, #tpu.memory_space<hbm>>
    tpu.enqueue_dma source(%dma_start3A_345 : memref<8192xi32, #tpu.memory_space<hbm>>) target(%arg8 : memref<8192xi32, #tpu.memory_space<vmem>>) target_semaphore(%arg14 : memref<!tpu.dma_semaphore, #tpu.memory_space<semaphore_mem>>)
    %scan3A_346 = arith.constant 0 : i32
    %scan3A_347 = arith.constant 0 : i32
    %scan3A_348 = arith.constant 8 : i32
    %scan3A_349 = arith.addi %scan3A_347, %scan3A_348 : i32
    %scan3A_350 = arith.constant 1 : i32
    scf.for %scan3A_851 = %scan3A_347 to %scan3A_349 step %scan3A_350  : i32 {
      %mul3A_852 = arith.constant 2 : i32
      %mul3A_853 = arith.muli %scan3A_851, %mul3A_852 : i32
      %add3A_854 = arith.constant 0 : i32
      %add3A_855 = arith.addi %mul3A_853, %add3A_854 : i32
      %mul3A_856 = arith.constant 8192 : i32
      %mul3A_857 = arith.muli %add3A_855, %mul3A_856 : i32
      %multiple_of3A_858 = tpu.assume_multiple %mul3A_857, 8192 : i32
      %gt3A = arith.constant 0 : i32
      %gt3A_859 = arith.cmpi sgt, %add3A_855, %gt3A : i32
      %convert_element_type3A_860 = arith.extui %gt3A_859 : i1 to i32
      %cond3A_861 = arith.constant 0 : i32
      %cond3A_862 = arith.cmpi ne, %convert_element_type3A_860, %cond3A_861 : i32
      scf.if %cond3A_862 {
        %sub3A_908 = arith.constant 1 : i32
        %sub3A_909 = arith.subi %add3A_855, %sub3A_908 : i32
        %mul3A_910 = arith.constant 8192 : i32
        %mul3A_911 = arith.muli %sub3A_909, %mul3A_910 : i32
        %multiple_of3A_912 = tpu.assume_multiple %mul3A_911, 8192 : i32
        %dma_wait3A_913 = arith.constant 0 : i32
        %dma_wait3A_914 = tpu.memref_slice %arg12[%dma_wait3A_913] : memref<1048576xf32, #tpu.memory_space<vmem_shared>> -> memref<1048576xf32, #tpu.memory_space<vmem_shared>>
        tpu.wait_indirect_dma semaphore(%arg13 : memref<!tpu.dma_semaphore, #tpu.memory_space<semaphore_mem>>) src(%dma_wait3A_914 : memref<1048576xf32, #tpu.memory_space<vmem_shared>>) dst(%arg11 : memref<8192xf32, #tpu.memory_space<vmem>>)
        %add3A_915 = arith.addi %multiple_of3A, %multiple_of3A_912 : i32
        %dma_start3A_916 = arith.constant 0 : i32
        %dma_start3A_917 = arith.constant 1 : i32
        %dma_start3A_918 = arith.constant 0 : i32
        %dma_start3A_919 = arith.constant 0 : i32
        %dma_start3A_920 = tpu.memref_slice %arg4[%dma_start3A_916, %dma_start3A_918, %dma_start3A_919] : memref<2x4x2097152xf32, #tpu.memory_space<hbm>> -> memref<1x4x2097152xf32, #tpu.memory_space<hbm>>
        %dma_start3A_921 = tpu.memref_squeeze %dma_start3A_920 : memref<1x4x2097152xf32, #tpu.memory_space<hbm>> -> memref<4x2097152xf32, #tpu.memory_space<hbm>>
        %dma_start3A_922 = arith.constant 0 : i32
        %dma_start3A_923 = tpu.memref_slice %dma_start3A_921[%dma_start3A_917, %dma_start3A_922] : memref<4x2097152xf32, #tpu.memory_space<hbm>> -> memref<1x2097152xf32, #tpu.memory_space<hbm>>
        %dma_start3A_924 = tpu.memref_squeeze %dma_start3A_923 : memref<1x2097152xf32, #tpu.memory_space<hbm>> -> memref<2097152xf32, #tpu.memory_space<hbm>>
        %dma_start3A_925 = tpu.memref_slice %dma_start3A_924[%add3A_915] : memref<2097152xf32, #tpu.memory_space<hbm>> -> memref<8192xf32, #tpu.memory_space<hbm>>
        %dma_start3A_926 = arith.constant 0 : i32
        %dma_start3A_927 = arith.constant 0 : i32
        %dma_start3A_928 = tpu.memref_slice %arg4[%dma_start3A_916, %dma_start3A_926, %dma_start3A_927] : memref<2x4x2097152xf32, #tpu.memory_space<hbm>> -> memref<1x4x2097152xf32, #tpu.memory_space<hbm>>
        %dma_start3A_929 = tpu.memref_squeeze %dma_start3A_928 : memref<1x4x2097152xf32, #tpu.memory_space<hbm>> -> memref<4x2097152xf32, #tpu.memory_space<hbm>>
        %dma_start3A_930 = arith.constant 0 : i32
        %dma_start3A_931 = tpu.memref_slice %dma_start3A_929[%dma_start3A_917, %dma_start3A_930] : memref<4x2097152xf32, #tpu.memory_space<hbm>> -> memref<1x2097152xf32, #tpu.memory_space<hbm>>
        %dma_start3A_932 = tpu.memref_squeeze %dma_start3A_931 : memref<1x2097152xf32, #tpu.memory_space<hbm>> -> memref<2097152xf32, #tpu.memory_space<hbm>>
        %dma_start3A_933 = tpu.memref_slice %dma_start3A_932[%add3A_915] : memref<2097152xf32, #tpu.memory_space<hbm>> -> memref<8192xf32, #tpu.memory_space<hbm>>
        tpu.enqueue_dma source(%arg11 : memref<8192xf32, #tpu.memory_space<vmem>>) target(%dma_start3A_933 : memref<8192xf32, #tpu.memory_space<hbm>>) target_semaphore(%arg15 : memref<!tpu.dma_semaphore, #tpu.memory_space<semaphore_mem>>)
      } else {
      }
      %gt3A_863 = arith.constant 1 : i32
      %gt3A_864 = arith.cmpi sgt, %add3A_855, %gt3A_863 : i32
      %convert_element_type3A_865 = arith.extui %gt3A_864 : i1 to i32
      %cond3A_866 = arith.constant 0 : i32
      %cond3A_867 = arith.cmpi ne, %convert_element_type3A_865, %cond3A_866 : i32
      scf.if %cond3A_867 {
        %sub3A_908 = arith.constant 2 : i32
        %sub3A_909 = arith.subi %add3A_855, %sub3A_908 : i32
        %mul3A_910 = arith.constant 8192 : i32
        %mul3A_911 = arith.muli %sub3A_909, %mul3A_910 : i32
        %multiple_of3A_912 = tpu.assume_multiple %mul3A_911, 8192 : i32
        %add3A_913 = arith.addi %multiple_of3A, %multiple_of3A_912 : i32
        %dma_wait3A_914 = arith.constant 0 : i32
        %dma_wait3A_915 = arith.constant 1 : i32
        %dma_wait3A_916 = arith.constant 0 : i32
        %dma_wait3A_917 = arith.constant 0 : i32
        %dma_wait3A_918 = tpu.memref_slice %arg4[%dma_wait3A_914, %dma_wait3A_916, %dma_wait3A_917] : memref<2x4x2097152xf32, #tpu.memory_space<hbm>> -> memref<1x4x2097152xf32, #tpu.memory_space<hbm>>
        %dma_wait3A_919 = tpu.memref_squeeze %dma_wait3A_918 : memref<1x4x2097152xf32, #tpu.memory_space<hbm>> -> memref<4x2097152xf32, #tpu.memory_space<hbm>>
        %dma_wait3A_920 = arith.constant 0 : i32
        %dma_wait3A_921 = tpu.memref_slice %dma_wait3A_919[%dma_wait3A_915, %dma_wait3A_920] : memref<4x2097152xf32, #tpu.memory_space<hbm>> -> memref<1x2097152xf32, #tpu.memory_space<hbm>>
        %dma_wait3A_922 = tpu.memref_squeeze %dma_wait3A_921 : memref<1x2097152xf32, #tpu.memory_space<hbm>> -> memref<2097152xf32, #tpu.memory_space<hbm>>
        %dma_wait3A_923 = tpu.memref_slice %dma_wait3A_922[%add3A_913] : memref<2097152xf32, #tpu.memory_space<hbm>> -> memref<8192xf32, #tpu.memory_space<hbm>>
        %dma_wait3A_924 = arith.constant 0 : i32
        %dma_wait3A_925 = arith.constant 0 : i32
        %dma_wait3A_926 = tpu.memref_slice %arg4[%dma_wait3A_914, %dma_wait3A_924, %dma_wait3A_925] : memref<2x4x2097152xf32, #tpu.memory_space<hbm>> -> memref<1x4x2097152xf32, #tpu.memory_space<hbm>>
        %dma_wait3A_927 = tpu.memref_squeeze %dma_wait3A_926 : memref<1x4x2097152xf32, #tpu.memory_space<hbm>> -> memref<4x2097152xf32, #tpu.memory_space<hbm>>
        %dma_wait3A_928 = arith.constant 0 : i32
        %dma_wait3A_929 = tpu.memref_slice %dma_wait3A_927[%dma_wait3A_915, %dma_wait3A_928] : memref<4x2097152xf32, #tpu.memory_space<hbm>> -> memref<1x2097152xf32, #tpu.memory_space<hbm>>
        %dma_wait3A_930 = tpu.memref_squeeze %dma_wait3A_929 : memref<1x2097152xf32, #tpu.memory_space<hbm>> -> memref<2097152xf32, #tpu.memory_space<hbm>>
        %dma_wait3A_931 = tpu.memref_slice %dma_wait3A_930[%add3A_913] : memref<2097152xf32, #tpu.memory_space<hbm>> -> memref<8192xf32, #tpu.memory_space<hbm>>
        tpu.wait_dma2 semaphore(%arg15 : memref<!tpu.dma_semaphore, #tpu.memory_space<semaphore_mem>>) src(%arg10 : memref<8192xf32, #tpu.memory_space<vmem>>) dst(%dma_wait3A_931 : memref<8192xf32, #tpu.memory_space<hbm>>)
      } else {
      }
      %add3A_868 = arith.addi %multiple_of3A, %multiple_of3A_858 : i32
      %dma_wait3A_869 = tpu.memref_slice %arg6[%add3A_868] : memref<2097152xi32, #tpu.memory_space<hbm>> -> memref<8192xi32, #tpu.memory_space<hbm>>
      %dma_wait3A_870 = tpu.memref_slice %arg6[%add3A_868] : memref<2097152xi32, #tpu.memory_space<hbm>> -> memref<8192xi32, #tpu.memory_space<hbm>>
      tpu.wait_dma2 semaphore(%arg14 : memref<!tpu.dma_semaphore, #tpu.memory_space<semaphore_mem>>) src(%dma_wait3A_870 : memref<8192xi32, #tpu.memory_space<hbm>>) dst(%arg8 : memref<8192xi32, #tpu.memory_space<vmem>>)
      %dma_start3A_871 = arith.constant 0 : i32
      %dma_start3A_872 = tpu.memref_slice %arg12[%dma_start3A_871] : memref<1048576xf32, #tpu.memory_space<vmem_shared>> -> memref<1048576xf32, #tpu.memory_space<vmem_shared>>
      tpu.enqueue_indirect_dma source(%dma_start3A_872 : memref<1048576xf32, #tpu.memory_space<vmem_shared>>) target(%arg10 : memref<8192xf32, #tpu.memory_space<vmem>>) offsets(%arg8 : memref<8192xi32, #tpu.memory_space<vmem>>) semaphore(%arg13 : memref<!tpu.dma_semaphore, #tpu.memory_space<semaphore_mem>>)
      %add3A_873 = arith.constant 1 : i32
      %add3A_874 = arith.addi %add3A_855, %add3A_873 : i32
      %lt3A = arith.constant 16 : i32
      %lt3A_875 = arith.cmpi slt, %add3A_874, %lt3A : i32
      %convert_element_type3A_876 = arith.extui %lt3A_875 : i1 to i32
      %cond3A_877 = arith.constant 0 : i32
      %cond3A_878 = arith.cmpi ne, %convert_element_type3A_876, %cond3A_877 : i32
      scf.if %cond3A_878 {
        %add3A_908 = arith.constant 1 : i32
        %add3A_909 = arith.addi %add3A_855, %add3A_908 : i32
        %mul3A_910 = arith.constant 8192 : i32
        %mul3A_911 = arith.muli %add3A_909, %mul3A_910 : i32
        %multiple_of3A_912 = tpu.assume_multiple %mul3A_911, 8192 : i32
        %add3A_913 = arith.addi %multiple_of3A, %multiple_of3A_912 : i32
        %dma_start3A_914 = tpu.memref_slice %arg6[%add3A_913] : memref<2097152xi32, #tpu.memory_space<hbm>> -> memref<8192xi32, #tpu.memory_space<hbm>>
        %dma_start3A_915 = tpu.memref_slice %arg6[%add3A_913] : memref<2097152xi32, #tpu.memory_space<hbm>> -> memref<8192xi32, #tpu.memory_space<hbm>>
        tpu.enqueue_dma source(%dma_start3A_915 : memref<8192xi32, #tpu.memory_space<hbm>>) target(%arg9 : memref<8192xi32, #tpu.memory_space<vmem>>) target_semaphore(%arg14 : memref<!tpu.dma_semaphore, #tpu.memory_space<semaphore_mem>>)
      } else {
      }
      %mul3A_879 = arith.constant 2 : i32
      %mul3A_880 = arith.muli %scan3A_851, %mul3A_879 : i32
      %add3A_881 = arith.constant 1 : i32
      %add3A_882 = arith.addi %mul3A_880, %add3A_881 : i32
      %mul3A_883 = arith.constant 8192 : i32
      %mul3A_884 = arith.muli %add3A_882, %mul3A_883 : i32
      %multiple_of3A_885 = tpu.assume_multiple %mul3A_884, 8192 : i32
      %gt3A_886 = arith.constant 0 : i32
      %gt3A_887 = arith.cmpi sgt, %add3A_882, %gt3A_886 : i32
      %convert_element_type3A_888 = arith.extui %gt3A_887 : i1 to i32
      %cond3A_889 = arith.constant 0 : i32
      %cond3A_890 = arith.cmpi ne, %convert_element_type3A_888, %cond3A_889 : i32
      scf.if %cond3A_890 {
        %sub3A_908 = arith.constant 1 : i32
        %sub3A_909 = arith.subi %add3A_882, %sub3A_908 : i32
        %mul3A_910 = arith.constant 8192 : i32
        %mul3A_911 = arith.muli %sub3A_909, %mul3A_910 : i32
        %multiple_of3A_912 = tpu.assume_multiple %mul3A_911, 8192 : i32
        %dma_wait3A_913 = arith.constant 0 : i32
        %dma_wait3A_914 = tpu.memref_slice %arg12[%dma_wait3A_913] : memref<1048576xf32, #tpu.memory_space<vmem_shared>> -> memref<1048576xf32, #tpu.memory_space<vmem_shared>>
        tpu.wait_indirect_dma semaphore(%arg13 : memref<!tpu.dma_semaphore, #tpu.memory_space<semaphore_mem>>) src(%dma_wait3A_914 : memref<1048576xf32, #tpu.memory_space<vmem_shared>>) dst(%arg10 : memref<8192xf32, #tpu.memory_space<vmem>>)
        %add3A_915 = arith.addi %multiple_of3A, %multiple_of3A_912 : i32
        %dma_start3A_916 = arith.constant 0 : i32
        %dma_start3A_917 = arith.constant 1 : i32
        %dma_start3A_918 = arith.constant 0 : i32
        %dma_start3A_919 = arith.constant 0 : i32
        %dma_start3A_920 = tpu.memref_slice %arg4[%dma_start3A_916, %dma_start3A_918, %dma_start3A_919] : memref<2x4x2097152xf32, #tpu.memory_space<hbm>> -> memref<1x4x2097152xf32, #tpu.memory_space<hbm>>
        %dma_start3A_921 = tpu.memref_squeeze %dma_start3A_920 : memref<1x4x2097152xf32, #tpu.memory_space<hbm>> -> memref<4x2097152xf32, #tpu.memory_space<hbm>>
        %dma_start3A_922 = arith.constant 0 : i32
        %dma_start3A_923 = tpu.memref_slice %dma_start3A_921[%dma_start3A_917, %dma_start3A_922] : memref<4x2097152xf32, #tpu.memory_space<hbm>> -> memref<1x2097152xf32, #tpu.memory_space<hbm>>
        %dma_start3A_924 = tpu.memref_squeeze %dma_start3A_923 : memref<1x2097152xf32, #tpu.memory_space<hbm>> -> memref<2097152xf32, #tpu.memory_space<hbm>>
        %dma_start3A_925 = tpu.memref_slice %dma_start3A_924[%add3A_915] : memref<2097152xf32, #tpu.memory_space<hbm>> -> memref<8192xf32, #tpu.memory_space<hbm>>
        %dma_start3A_926 = arith.constant 0 : i32
        %dma_start3A_927 = arith.constant 0 : i32
        %dma_start3A_928 = tpu.memref_slice %arg4[%dma_start3A_916, %dma_start3A_926, %dma_start3A_927] : memref<2x4x2097152xf32, #tpu.memory_space<hbm>> -> memref<1x4x2097152xf32, #tpu.memory_space<hbm>>
        %dma_start3A_929 = tpu.memref_squeeze %dma_start3A_928 : memref<1x4x2097152xf32, #tpu.memory_space<hbm>> -> memref<4x2097152xf32, #tpu.memory_space<hbm>>
        %dma_start3A_930 = arith.constant 0 : i32
        %dma_start3A_931 = tpu.memref_slice %dma_start3A_929[%dma_start3A_917, %dma_start3A_930] : memref<4x2097152xf32, #tpu.memory_space<hbm>> -> memref<1x2097152xf32, #tpu.memory_space<hbm>>
        %dma_start3A_932 = tpu.memref_squeeze %dma_start3A_931 : memref<1x2097152xf32, #tpu.memory_space<hbm>> -> memref<2097152xf32, #tpu.memory_space<hbm>>
        %dma_start3A_933 = tpu.memref_slice %dma_start3A_932[%add3A_915] : memref<2097152xf32, #tpu.memory_space<hbm>> -> memref<8192xf32, #tpu.memory_space<hbm>>
        tpu.enqueue_dma source(%arg10 : memref<8192xf32, #tpu.memory_space<vmem>>) target(%dma_start3A_933 : memref<8192xf32, #tpu.memory_space<hbm>>) target_semaphore(%arg15 : memref<!tpu.dma_semaphore, #tpu.memory_space<semaphore_mem>>)
      } else {
      }
      %gt3A_891 = arith.constant 1 : i32
      %gt3A_892 = arith.cmpi sgt, %add3A_882, %gt3A_891 : i32
      %convert_element_type3A_893 = arith.extui %gt3A_892 : i1 to i32
      %cond3A_894 = arith.constant 0 : i32
      %cond3A_895 = arith.cmpi ne, %convert_element_type3A_893, %cond3A_894 : i32
      scf.if %cond3A_895 {
        %sub3A_908 = arith.constant 2 : i32
        %sub3A_909 = arith.subi %add3A_882, %sub3A_908 : i32
        %mul3A_910 = arith.constant 8192 : i32
        %mul3A_911 = arith.muli %sub3A_909, %mul3A_910 : i32
        %multiple_of3A_912 = tpu.assume_multiple %mul3A_911, 8192 : i32
        %add3A_913 = arith.addi %multiple_of3A, %multiple_of3A_912 : i32
        %dma_wait3A_914 = arith.constant 0 : i32
        %dma_wait3A_915 = arith.constant 1 : i32
        %dma_wait3A_916 = arith.constant 0 : i32
        %dma_wait3A_917 = arith.constant 0 : i32
        %dma_wait3A_918 = tpu.memref_slice %arg4[%dma_wait3A_914, %dma_wait3A_916, %dma_wait3A_917] : memref<2x4x2097152xf32, #tpu.memory_space<hbm>> -> memref<1x4x2097152xf32, #tpu.memory_space<hbm>>
        %dma_wait3A_919 = tpu.memref_squeeze %dma_wait3A_918 : memref<1x4x2097152xf32, #tpu.memory_space<hbm>> -> memref<4x2097152xf32, #tpu.memory_space<hbm>>
        %dma_wait3A_920 = arith.constant 0 : i32
        %dma_wait3A_921 = tpu.memref_slice %dma_wait3A_919[%dma_wait3A_915, %dma_wait3A_920] : memref<4x2097152xf32, #tpu.memory_space<hbm>> -> memref<1x2097152xf32, #tpu.memory_space<hbm>>
        %dma_wait3A_922 = tpu.memref_squeeze %dma_wait3A_921 : memref<1x2097152xf32, #tpu.memory_space<hbm>> -> memref<2097152xf32, #tpu.memory_space<hbm>>
        %dma_wait3A_923 = tpu.memref_slice %dma_wait3A_922[%add3A_913] : memref<2097152xf32, #tpu.memory_space<hbm>> -> memref<8192xf32, #tpu.memory_space<hbm>>
        %dma_wait3A_924 = arith.constant 0 : i32
        %dma_wait3A_925 = arith.constant 0 : i32
        %dma_wait3A_926 = tpu.memref_slice %arg4[%dma_wait3A_914, %dma_wait3A_924, %dma_wait3A_925] : memref<2x4x2097152xf32, #tpu.memory_space<hbm>> -> memref<1x4x2097152xf32, #tpu.memory_space<hbm>>
        %dma_wait3A_927 = tpu.memref_squeeze %dma_wait3A_926 : memref<1x4x2097152xf32, #tpu.memory_space<hbm>> -> memref<4x2097152xf32, #tpu.memory_space<hbm>>
        %dma_wait3A_928 = arith.constant 0 : i32
        %dma_wait3A_929 = tpu.memref_slice %dma_wait3A_927[%dma_wait3A_915, %dma_wait3A_928] : memref<4x2097152xf32, #tpu.memory_space<hbm>> -> memref<1x2097152xf32, #tpu.memory_space<hbm>>
        %dma_wait3A_930 = tpu.memref_squeeze %dma_wait3A_929 : memref<1x2097152xf32, #tpu.memory_space<hbm>> -> memref<2097152xf32, #tpu.memory_space<hbm>>
        %dma_wait3A_931 = tpu.memref_slice %dma_wait3A_930[%add3A_913] : memref<2097152xf32, #tpu.memory_space<hbm>> -> memref<8192xf32, #tpu.memory_space<hbm>>
        tpu.wait_dma2 semaphore(%arg15 : memref<!tpu.dma_semaphore, #tpu.memory_space<semaphore_mem>>) src(%arg11 : memref<8192xf32, #tpu.memory_space<vmem>>) dst(%dma_wait3A_931 : memref<8192xf32, #tpu.memory_space<hbm>>)
      } else {
      }
      %add3A_896 = arith.addi %multiple_of3A, %multiple_of3A_885 : i32
      %dma_wait3A_897 = tpu.memref_slice %arg6[%add3A_896] : memref<2097152xi32, #tpu.memory_space<hbm>> -> memref<8192xi32, #tpu.memory_space<hbm>>
      %dma_wait3A_898 = tpu.memref_slice %arg6[%add3A_896] : memref<2097152xi32, #tpu.memory_space<hbm>> -> memref<8192xi32, #tpu.memory_space<hbm>>
      tpu.wait_dma2 semaphore(%arg14 : memref<!tpu.dma_semaphore, #tpu.memory_space<semaphore_mem>>) src(%dma_wait3A_898 : memref<8192xi32, #tpu.memory_space<hbm>>) dst(%arg9 : memref<8192xi32, #tpu.memory_space<vmem>>)
      %dma_start3A_899 = arith.constant 0 : i32
      %dma_start3A_900 = tpu.memref_slice %arg12[%dma_start3A_899] : memref<1048576xf32, #tpu.memory_space<vmem_shared>> -> memref<1048576xf32, #tpu.memory_space<vmem_shared>>
      tpu.enqueue_indirect_dma source(%dma_start3A_900 : memref<1048576xf32, #tpu.memory_space<vmem_shared>>) target(%arg11 : memref<8192xf32, #tpu.memory_space<vmem>>) offsets(%arg9 : memref<8192xi32, #tpu.memory_space<vmem>>) semaphore(%arg13 : memref<!tpu.dma_semaphore, #tpu.memory_space<semaphore_mem>>)
      %add3A_901 = arith.constant 1 : i32
      %add3A_902 = arith.addi %add3A_882, %add3A_901 : i32
      %lt3A_903 = arith.constant 16 : i32
      %lt3A_904 = arith.cmpi slt, %add3A_902, %lt3A_903 : i32
      %convert_element_type3A_905 = arith.extui %lt3A_904 : i1 to i32
      %cond3A_906 = arith.constant 0 : i32
      %cond3A_907 = arith.cmpi ne, %convert_element_type3A_905, %cond3A_906 : i32
      scf.if %cond3A_907 {
        %add3A_908 = arith.constant 1 : i32
        %add3A_909 = arith.addi %add3A_882, %add3A_908 : i32
        %mul3A_910 = arith.constant 8192 : i32
        %mul3A_911 = arith.muli %add3A_909, %mul3A_910 : i32
        %multiple_of3A_912 = tpu.assume_multiple %mul3A_911, 8192 : i32
        %add3A_913 = arith.addi %multiple_of3A, %multiple_of3A_912 : i32
        %dma_start3A_914 = tpu.memref_slice %arg6[%add3A_913] : memref<2097152xi32, #tpu.memory_space<hbm>> -> memref<8192xi32, #tpu.memory_space<hbm>>
        %dma_start3A_915 = tpu.memref_slice %arg6[%add3A_913] : memref<2097152xi32, #tpu.memory_space<hbm>> -> memref<8192xi32, #tpu.memory_space<hbm>>
        tpu.enqueue_dma source(%dma_start3A_915 : memref<8192xi32, #tpu.memory_space<hbm>>) target(%arg8 : memref<8192xi32, #tpu.memory_space<vmem>>) target_semaphore(%arg14 : memref<!tpu.dma_semaphore, #tpu.memory_space<semaphore_mem>>)
      } else {
      }
    }
    %scan3A_351 = arith.constant 8 : i32
    %multiple_of3A_352 = arith.constant 122880 : i32
    %multiple_of3A_353 = tpu.assume_multiple %multiple_of3A_352, 8192 : i32
    %dma_wait3A_354 = arith.constant 0 : i32
    %dma_wait3A_355 = tpu.memref_slice %arg12[%dma_wait3A_354] : memref<1048576xf32, #tpu.memory_space<vmem_shared>> -> memref<1048576xf32, #tpu.memory_space<vmem_shared>>
    tpu.wait_indirect_dma semaphore(%arg13 : memref<!tpu.dma_semaphore, #tpu.memory_space<semaphore_mem>>) src(%dma_wait3A_355 : memref<1048576xf32, #tpu.memory_space<vmem_shared>>) dst(%arg11 : memref<8192xf32, #tpu.memory_space<vmem>>)
    %add3A_356 = arith.addi %multiple_of3A, %multiple_of3A_353 : i32
    %dma_start3A_357 = arith.constant 0 : i32
    %dma_start3A_358 = arith.constant 1 : i32
    %dma_start3A_359 = arith.constant 0 : i32
    %dma_start3A_360 = arith.constant 0 : i32
    %dma_start3A_361 = tpu.memref_slice %arg4[%dma_start3A_357, %dma_start3A_359, %dma_start3A_360] : memref<2x4x2097152xf32, #tpu.memory_space<hbm>> -> memref<1x4x2097152xf32, #tpu.memory_space<hbm>>
    %dma_start3A_362 = tpu.memref_squeeze %dma_start3A_361 : memref<1x4x2097152xf32, #tpu.memory_space<hbm>> -> memref<4x2097152xf32, #tpu.memory_space<hbm>>
    %dma_start3A_363 = arith.constant 0 : i32
    %dma_start3A_364 = tpu.memref_slice %dma_start3A_362[%dma_start3A_358, %dma_start3A_363] : memref<4x2097152xf32, #tpu.memory_space<hbm>> -> memref<1x2097152xf32, #tpu.memory_space<hbm>>
    %dma_start3A_365 = tpu.memref_squeeze %dma_start3A_364 : memref<1x2097152xf32, #tpu.memory_space<hbm>> -> memref<2097152xf32, #tpu.memory_space<hbm>>
    %dma_start3A_366 = tpu.memref_slice %dma_start3A_365[%add3A_356] : memref<2097152xf32, #tpu.memory_space<hbm>> -> memref<8192xf32, #tpu.memory_space<hbm>>
    %dma_start3A_367 = arith.constant 0 : i32
    %dma_start3A_368 = arith.constant 0 : i32
    %dma_start3A_369 = tpu.memref_slice %arg4[%dma_start3A_357, %dma_start3A_367, %dma_start3A_368] : memref<2x4x2097152xf32, #tpu.memory_space<hbm>> -> memref<1x4x2097152xf32, #tpu.memory_space<hbm>>
    %dma_start3A_370 = tpu.memref_squeeze %dma_start3A_369 : memref<1x4x2097152xf32, #tpu.memory_space<hbm>> -> memref<4x2097152xf32, #tpu.memory_space<hbm>>
    %dma_start3A_371 = arith.constant 0 : i32
    %dma_start3A_372 = tpu.memref_slice %dma_start3A_370[%dma_start3A_358, %dma_start3A_371] : memref<4x2097152xf32, #tpu.memory_space<hbm>> -> memref<1x2097152xf32, #tpu.memory_space<hbm>>
    %dma_start3A_373 = tpu.memref_squeeze %dma_start3A_372 : memref<1x2097152xf32, #tpu.memory_space<hbm>> -> memref<2097152xf32, #tpu.memory_space<hbm>>
    %dma_start3A_374 = tpu.memref_slice %dma_start3A_373[%add3A_356] : memref<2097152xf32, #tpu.memory_space<hbm>> -> memref<8192xf32, #tpu.memory_space<hbm>>
    tpu.enqueue_dma source(%arg11 : memref<8192xf32, #tpu.memory_space<vmem>>) target(%dma_start3A_374 : memref<8192xf32, #tpu.memory_space<hbm>>) target_semaphore(%arg15 : memref<!tpu.dma_semaphore, #tpu.memory_space<semaphore_mem>>)
    %multiple_of3A_375 = arith.constant 114688 : i32
    %multiple_of3A_376 = tpu.assume_multiple %multiple_of3A_375, 8192 : i32
    %add3A_377 = arith.addi %multiple_of3A, %multiple_of3A_376 : i32
    %dma_wait3A_378 = arith.constant 0 : i32
    %dma_wait3A_379 = arith.constant 1 : i32
    %dma_wait3A_380 = arith.constant 0 : i32
    %dma_wait3A_381 = arith.constant 0 : i32
    %dma_wait3A_382 = tpu.memref_slice %arg4[%dma_wait3A_378, %dma_wait3A_380, %dma_wait3A_381] : memref<2x4x2097152xf32, #tpu.memory_space<hbm>> -> memref<1x4x2097152xf32, #tpu.memory_space<hbm>>
    %dma_wait3A_383 = tpu.memref_squeeze %dma_wait3A_382 : memref<1x4x2097152xf32, #tpu.memory_space<hbm>> -> memref<4x2097152xf32, #tpu.memory_space<hbm>>
    %dma_wait3A_384 = arith.constant 0 : i32
    %dma_wait3A_385 = tpu.memref_slice %dma_wait3A_383[%dma_wait3A_379, %dma_wait3A_384] : memref<4x2097152xf32, #tpu.memory_space<hbm>> -> memref<1x2097152xf32, #tpu.memory_space<hbm>>
    %dma_wait3A_386 = tpu.memref_squeeze %dma_wait3A_385 : memref<1x2097152xf32, #tpu.memory_space<hbm>> -> memref<2097152xf32, #tpu.memory_space<hbm>>
    %dma_wait3A_387 = tpu.memref_slice %dma_wait3A_386[%add3A_377] : memref<2097152xf32, #tpu.memory_space<hbm>> -> memref<8192xf32, #tpu.memory_space<hbm>>
    %dma_wait3A_388 = arith.constant 0 : i32
    %dma_wait3A_389 = arith.constant 0 : i32
    %dma_wait3A_390 = tpu.memref_slice %arg4[%dma_wait3A_378, %dma_wait3A_388, %dma_wait3A_389] : memref<2x4x2097152xf32, #tpu.memory_space<hbm>> -> memref<1x4x2097152xf32, #tpu.memory_space<hbm>>
    %dma_wait3A_391 = tpu.memref_squeeze %dma_wait3A_390 : memref<1x4x2097152xf32, #tpu.memory_space<hbm>> -> memref<4x2097152xf32, #tpu.memory_space<hbm>>
    %dma_wait3A_392 = arith.constant 0 : i32
    %dma_wait3A_393 = tpu.memref_slice %dma_wait3A_391[%dma_wait3A_379, %dma_wait3A_392] : memref<4x2097152xf32, #tpu.memory_space<hbm>> -> memref<1x2097152xf32, #tpu.memory_space<hbm>>
    %dma_wait3A_394 = tpu.memref_squeeze %dma_wait3A_393 : memref<1x2097152xf32, #tpu.memory_space<hbm>> -> memref<2097152xf32, #tpu.memory_space<hbm>>
    %dma_wait3A_395 = tpu.memref_slice %dma_wait3A_394[%add3A_377] : memref<2097152xf32, #tpu.memory_space<hbm>> -> memref<8192xf32, #tpu.memory_space<hbm>>
    tpu.wait_dma2 semaphore(%arg15 : memref<!tpu.dma_semaphore, #tpu.memory_space<semaphore_mem>>) src(%arg10 : memref<8192xf32, #tpu.memory_space<vmem>>) dst(%dma_wait3A_395 : memref<8192xf32, #tpu.memory_space<hbm>>)
    %add3A_396 = arith.addi %multiple_of3A, %multiple_of3A_353 : i32
    %dma_wait3A_397 = arith.constant 0 : i32
    %dma_wait3A_398 = arith.constant 1 : i32
    %dma_wait3A_399 = arith.constant 0 : i32
    %dma_wait3A_400 = arith.constant 0 : i32
    %dma_wait3A_401 = tpu.memref_slice %arg4[%dma_wait3A_397, %dma_wait3A_399, %dma_wait3A_400] : memref<2x4x2097152xf32, #tpu.memory_space<hbm>> -> memref<1x4x2097152xf32, #tpu.memory_space<hbm>>
    %dma_wait3A_402 = tpu.memref_squeeze %dma_wait3A_401 : memref<1x4x2097152xf32, #tpu.memory_space<hbm>> -> memref<4x2097152xf32, #tpu.memory_space<hbm>>
    %dma_wait3A_403 = arith.constant 0 : i32
    %dma_wait3A_404 = tpu.memref_slice %dma_wait3A_402[%dma_wait3A_398, %dma_wait3A_403] : memref<4x2097152xf32, #tpu.memory_space<hbm>> -> memref<1x2097152xf32, #tpu.memory_space<hbm>>
    %dma_wait3A_405 = tpu.memref_squeeze %dma_wait3A_404 : memref<1x2097152xf32, #tpu.memory_space<hbm>> -> memref<2097152xf32, #tpu.memory_space<hbm>>
    %dma_wait3A_406 = tpu.memref_slice %dma_wait3A_405[%add3A_396] : memref<2097152xf32, #tpu.memory_space<hbm>> -> memref<8192xf32, #tpu.memory_space<hbm>>
    %dma_wait3A_407 = arith.constant 0 : i32
    %dma_wait3A_408 = arith.constant 0 : i32
    %dma_wait3A_409 = tpu.memref_slice %arg4[%dma_wait3A_397, %dma_wait3A_407, %dma_wait3A_408] : memref<2x4x2097152xf32, #tpu.memory_space<hbm>> -> memref<1x4x2097152xf32, #tpu.memory_space<hbm>>
    %dma_wait3A_410 = tpu.memref_squeeze %dma_wait3A_409 : memref<1x4x2097152xf32, #tpu.memory_space<hbm>> -> memref<4x2097152xf32, #tpu.memory_space<hbm>>
    %dma_wait3A_411 = arith.constant 0 : i32
    %dma_wait3A_412 = tpu.memref_slice %dma_wait3A_410[%dma_wait3A_398, %dma_wait3A_411] : memref<4x2097152xf32, #tpu.memory_space<hbm>> -> memref<1x2097152xf32, #tpu.memory_space<hbm>>
    %dma_wait3A_413 = tpu.memref_squeeze %dma_wait3A_412 : memref<1x2097152xf32, #tpu.memory_space<hbm>> -> memref<2097152xf32, #tpu.memory_space<hbm>>
    %dma_wait3A_414 = tpu.memref_slice %dma_wait3A_413[%add3A_396] : memref<2097152xf32, #tpu.memory_space<hbm>> -> memref<8192xf32, #tpu.memory_space<hbm>>
    tpu.wait_dma2 semaphore(%arg15 : memref<!tpu.dma_semaphore, #tpu.memory_space<semaphore_mem>>) src(%arg11 : memref<8192xf32, #tpu.memory_space<vmem>>) dst(%dma_wait3A_414 : memref<8192xf32, #tpu.memory_space<hbm>>)
    %barrier3A_415 = arith.constant 0 : index
    tpu.barrier barrier_id(%barrier3A_415)
    %mul3A_416 = arith.constant 65536 : i32
    %mul3A_417 = arith.muli %arg1, %mul3A_416 : i32
    %add3A_418 = arith.constant 1048576 : i32
    %add3A_419 = arith.addi %add3A_418, %mul3A_417 : i32
    %multiple_of3A_420 = tpu.assume_multiple %add3A_419, 128 : i32
    %mul3A_421 = arith.constant 65536 : i32
    %mul3A_422 = arith.muli %arg1, %mul3A_421 : i32
    %multiple_of3A_423 = tpu.assume_multiple %mul3A_422, 128 : i32
    %run_scoped3A_424 = arith.constant 1 : i32
    "tpu.region"() ({
      %run_scoped3A_851 = tpu.sem_alloc : memref<!tpu.dma_semaphore, #tpu.memory_space<semaphore_mem>>
      %dma_start3A_852 = tpu.memref_slice %arg12[%multiple_of3A_423] : memref<1048576xf32, #tpu.memory_space<vmem_shared>> -> memref<65536xf32, #tpu.memory_space<vmem_shared>>
      %dma_start3A_853 = arith.constant 0 : i32
      %dma_start3A_854 = tpu.memref_slice %arg2[%run_scoped3A_424, %dma_start3A_853] : memref<4x2097152xf32, #tpu.memory_space<hbm>> -> memref<1x2097152xf32, #tpu.memory_space<hbm>>
      %dma_start3A_855 = tpu.memref_squeeze %dma_start3A_854 : memref<1x2097152xf32, #tpu.memory_space<hbm>> -> memref<2097152xf32, #tpu.memory_space<hbm>>
      %dma_start3A_856 = tpu.memref_slice %dma_start3A_855[%multiple_of3A_420] : memref<2097152xf32, #tpu.memory_space<hbm>> -> memref<65536xf32, #tpu.memory_space<hbm>>
      tpu.enqueue_dma source(%dma_start3A_856 : memref<65536xf32, #tpu.memory_space<hbm>>) target(%dma_start3A_852 : memref<65536xf32, #tpu.memory_space<vmem_shared>>) target_semaphore(%run_scoped3A_851 : memref<!tpu.dma_semaphore, #tpu.memory_space<semaphore_mem>>)
      %dma_wait3A_857 = tpu.memref_slice %arg12[%multiple_of3A_423] : memref<1048576xf32, #tpu.memory_space<vmem_shared>> -> memref<65536xf32, #tpu.memory_space<vmem_shared>>
      %dma_wait3A_858 = arith.constant 0 : i32
      %dma_wait3A_859 = tpu.memref_slice %arg2[%run_scoped3A_424, %dma_wait3A_858] : memref<4x2097152xf32, #tpu.memory_space<hbm>> -> memref<1x2097152xf32, #tpu.memory_space<hbm>>
      %dma_wait3A_860 = tpu.memref_squeeze %dma_wait3A_859 : memref<1x2097152xf32, #tpu.memory_space<hbm>> -> memref<2097152xf32, #tpu.memory_space<hbm>>
      %dma_wait3A_861 = tpu.memref_slice %dma_wait3A_860[%multiple_of3A_420] : memref<2097152xf32, #tpu.memory_space<hbm>> -> memref<65536xf32, #tpu.memory_space<hbm>>
      tpu.wait_dma2 semaphore(%run_scoped3A_851 : memref<!tpu.dma_semaphore, #tpu.memory_space<semaphore_mem>>) src(%dma_wait3A_861 : memref<65536xf32, #tpu.memory_space<hbm>>) dst(%dma_wait3A_857 : memref<65536xf32, #tpu.memory_space<vmem_shared>>)
      tpu.yield
    }) : () -> ()
    %barrier3A_425 = arith.constant 0 : index
    tpu.barrier barrier_id(%barrier3A_425)
    %eq3A_426 = arith.constant 1 : i32
    %eq3A_427 = arith.cmpi eq, %select_n3A, %eq3A_426 : i32
    %convert_element_type3A_428 = arith.extui %eq3A_427 : i1 to i32
    %cond3A_429 = arith.constant 0 : i32
    %cond3A_430 = arith.cmpi ne, %convert_element_type3A_428, %cond3A_429 : i32
    scf.if %cond3A_430 {
      %run_scoped3A_851 = arith.constant 1 : i32
      "tpu.region"() ({
        %run_scoped3A_852 = tpu.sem_alloc : memref<!tpu.dma_semaphore, #tpu.memory_space<semaphore_mem>>
        %dma_start3A_853 = arith.constant 0 : i32
        %dma_start3A_854 = tpu.memref_slice %arg5[%run_scoped3A_851, %dma_start3A_853] : memref<4x2097152xf32, #tpu.memory_space<hbm>> -> memref<1x2097152xf32, #tpu.memory_space<hbm>>
        %dma_start3A_855 = tpu.memref_squeeze %dma_start3A_854 : memref<1x2097152xf32, #tpu.memory_space<hbm>> -> memref<2097152xf32, #tpu.memory_space<hbm>>
        %dma_start3A_856 = tpu.memref_slice %dma_start3A_855[%multiple_of3A] : memref<2097152xf32, #tpu.memory_space<hbm>> -> memref<131072xf32, #tpu.memory_space<hbm>>
        %dma_start3A_857 = tpu.memref_slice %arg12[%multiple_of3A_161] : memref<1048576xf32, #tpu.memory_space<vmem_shared>> -> memref<131072xf32, #tpu.memory_space<vmem_shared>>
        tpu.enqueue_dma source(%dma_start3A_857 : memref<131072xf32, #tpu.memory_space<vmem_shared>>) target(%dma_start3A_856 : memref<131072xf32, #tpu.memory_space<hbm>>) target_semaphore(%run_scoped3A_852 : memref<!tpu.dma_semaphore, #tpu.memory_space<semaphore_mem>>)
        %dma_wait3A_858 = arith.constant 0 : i32
        %dma_wait3A_859 = tpu.memref_slice %arg5[%run_scoped3A_851, %dma_wait3A_858] : memref<4x2097152xf32, #tpu.memory_space<hbm>> -> memref<1x2097152xf32, #tpu.memory_space<hbm>>
        %dma_wait3A_860 = tpu.memref_squeeze %dma_wait3A_859 : memref<1x2097152xf32, #tpu.memory_space<hbm>> -> memref<2097152xf32, #tpu.memory_space<hbm>>
        %dma_wait3A_861 = tpu.memref_slice %dma_wait3A_860[%multiple_of3A] : memref<2097152xf32, #tpu.memory_space<hbm>> -> memref<131072xf32, #tpu.memory_space<hbm>>
        %dma_wait3A_862 = tpu.memref_slice %arg12[%multiple_of3A_161] : memref<1048576xf32, #tpu.memory_space<vmem_shared>> -> memref<131072xf32, #tpu.memory_space<vmem_shared>>
        tpu.wait_dma2 semaphore(%run_scoped3A_852 : memref<!tpu.dma_semaphore, #tpu.memory_space<semaphore_mem>>) src(%dma_wait3A_862 : memref<131072xf32, #tpu.memory_space<vmem_shared>>) dst(%dma_wait3A_861 : memref<131072xf32, #tpu.memory_space<hbm>>)
        tpu.yield
      }) : () -> ()
    } else {
    }
    %dma_start3A_431 = tpu.memref_slice %arg6[%multiple_of3A] : memref<2097152xi32, #tpu.memory_space<hbm>> -> memref<8192xi32, #tpu.memory_space<hbm>>
    %dma_start3A_432 = tpu.memref_slice %arg6[%multiple_of3A] : memref<2097152xi32, #tpu.memory_space<hbm>> -> memref<8192xi32, #tpu.memory_space<hbm>>
    tpu.enqueue_dma source(%dma_start3A_432 : memref<8192xi32, #tpu.memory_space<hbm>>) target(%arg8 : memref<8192xi32, #tpu.memory_space<vmem>>) target_semaphore(%arg14 : memref<!tpu.dma_semaphore, #tpu.memory_space<semaphore_mem>>)
    %scan3A_433 = arith.constant 0 : i32
    %scan3A_434 = arith.constant 0 : i32
    %scan3A_435 = arith.constant 8 : i32
    %scan3A_436 = arith.addi %scan3A_434, %scan3A_435 : i32
    %scan3A_437 = arith.constant 1 : i32
    scf.for %scan3A_851 = %scan3A_434 to %scan3A_436 step %scan3A_437  : i32 {
      %mul3A_852 = arith.constant 2 : i32
      %mul3A_853 = arith.muli %scan3A_851, %mul3A_852 : i32
      %add3A_854 = arith.constant 0 : i32
      %add3A_855 = arith.addi %mul3A_853, %add3A_854 : i32
      %mul3A_856 = arith.constant 8192 : i32
      %mul3A_857 = arith.muli %add3A_855, %mul3A_856 : i32
      %multiple_of3A_858 = tpu.assume_multiple %mul3A_857, 8192 : i32
      %gt3A = arith.constant 0 : i32
      %gt3A_859 = arith.cmpi sgt, %add3A_855, %gt3A : i32
      %convert_element_type3A_860 = arith.extui %gt3A_859 : i1 to i32
      %cond3A_861 = arith.constant 0 : i32
      %cond3A_862 = arith.cmpi ne, %convert_element_type3A_860, %cond3A_861 : i32
      scf.if %cond3A_862 {
        %sub3A_908 = arith.constant 1 : i32
        %sub3A_909 = arith.subi %add3A_855, %sub3A_908 : i32
        %mul3A_910 = arith.constant 8192 : i32
        %mul3A_911 = arith.muli %sub3A_909, %mul3A_910 : i32
        %multiple_of3A_912 = tpu.assume_multiple %mul3A_911, 8192 : i32
        %dma_wait3A_913 = arith.constant 0 : i32
        %dma_wait3A_914 = tpu.memref_slice %arg12[%dma_wait3A_913] : memref<1048576xf32, #tpu.memory_space<vmem_shared>> -> memref<1048576xf32, #tpu.memory_space<vmem_shared>>
        tpu.wait_indirect_dma semaphore(%arg13 : memref<!tpu.dma_semaphore, #tpu.memory_space<semaphore_mem>>) src(%dma_wait3A_914 : memref<1048576xf32, #tpu.memory_space<vmem_shared>>) dst(%arg11 : memref<8192xf32, #tpu.memory_space<vmem>>)
        %add3A_915 = arith.addi %multiple_of3A, %multiple_of3A_912 : i32
        %dma_start3A_916 = arith.constant 1 : i32
        %dma_start3A_917 = arith.constant 1 : i32
        %dma_start3A_918 = arith.constant 0 : i32
        %dma_start3A_919 = arith.constant 0 : i32
        %dma_start3A_920 = tpu.memref_slice %arg4[%dma_start3A_916, %dma_start3A_918, %dma_start3A_919] : memref<2x4x2097152xf32, #tpu.memory_space<hbm>> -> memref<1x4x2097152xf32, #tpu.memory_space<hbm>>
        %dma_start3A_921 = tpu.memref_squeeze %dma_start3A_920 : memref<1x4x2097152xf32, #tpu.memory_space<hbm>> -> memref<4x2097152xf32, #tpu.memory_space<hbm>>
        %dma_start3A_922 = arith.constant 0 : i32
        %dma_start3A_923 = tpu.memref_slice %dma_start3A_921[%dma_start3A_917, %dma_start3A_922] : memref<4x2097152xf32, #tpu.memory_space<hbm>> -> memref<1x2097152xf32, #tpu.memory_space<hbm>>
        %dma_start3A_924 = tpu.memref_squeeze %dma_start3A_923 : memref<1x2097152xf32, #tpu.memory_space<hbm>> -> memref<2097152xf32, #tpu.memory_space<hbm>>
        %dma_start3A_925 = tpu.memref_slice %dma_start3A_924[%add3A_915] : memref<2097152xf32, #tpu.memory_space<hbm>> -> memref<8192xf32, #tpu.memory_space<hbm>>
        %dma_start3A_926 = arith.constant 0 : i32
        %dma_start3A_927 = arith.constant 0 : i32
        %dma_start3A_928 = tpu.memref_slice %arg4[%dma_start3A_916, %dma_start3A_926, %dma_start3A_927] : memref<2x4x2097152xf32, #tpu.memory_space<hbm>> -> memref<1x4x2097152xf32, #tpu.memory_space<hbm>>
        %dma_start3A_929 = tpu.memref_squeeze %dma_start3A_928 : memref<1x4x2097152xf32, #tpu.memory_space<hbm>> -> memref<4x2097152xf32, #tpu.memory_space<hbm>>
        %dma_start3A_930 = arith.constant 0 : i32
        %dma_start3A_931 = tpu.memref_slice %dma_start3A_929[%dma_start3A_917, %dma_start3A_930] : memref<4x2097152xf32, #tpu.memory_space<hbm>> -> memref<1x2097152xf32, #tpu.memory_space<hbm>>
        %dma_start3A_932 = tpu.memref_squeeze %dma_start3A_931 : memref<1x2097152xf32, #tpu.memory_space<hbm>> -> memref<2097152xf32, #tpu.memory_space<hbm>>
        %dma_start3A_933 = tpu.memref_slice %dma_start3A_932[%add3A_915] : memref<2097152xf32, #tpu.memory_space<hbm>> -> memref<8192xf32, #tpu.memory_space<hbm>>
        tpu.enqueue_dma source(%arg11 : memref<8192xf32, #tpu.memory_space<vmem>>) target(%dma_start3A_933 : memref<8192xf32, #tpu.memory_space<hbm>>) target_semaphore(%arg15 : memref<!tpu.dma_semaphore, #tpu.memory_space<semaphore_mem>>)
      } else {
      }
      %gt3A_863 = arith.constant 1 : i32
      %gt3A_864 = arith.cmpi sgt, %add3A_855, %gt3A_863 : i32
      %convert_element_type3A_865 = arith.extui %gt3A_864 : i1 to i32
      %cond3A_866 = arith.constant 0 : i32
      %cond3A_867 = arith.cmpi ne, %convert_element_type3A_865, %cond3A_866 : i32
      scf.if %cond3A_867 {
        %sub3A_908 = arith.constant 2 : i32
        %sub3A_909 = arith.subi %add3A_855, %sub3A_908 : i32
        %mul3A_910 = arith.constant 8192 : i32
        %mul3A_911 = arith.muli %sub3A_909, %mul3A_910 : i32
        %multiple_of3A_912 = tpu.assume_multiple %mul3A_911, 8192 : i32
        %add3A_913 = arith.addi %multiple_of3A, %multiple_of3A_912 : i32
        %dma_wait3A_914 = arith.constant 1 : i32
        %dma_wait3A_915 = arith.constant 1 : i32
        %dma_wait3A_916 = arith.constant 0 : i32
        %dma_wait3A_917 = arith.constant 0 : i32
        %dma_wait3A_918 = tpu.memref_slice %arg4[%dma_wait3A_914, %dma_wait3A_916, %dma_wait3A_917] : memref<2x4x2097152xf32, #tpu.memory_space<hbm>> -> memref<1x4x2097152xf32, #tpu.memory_space<hbm>>
        %dma_wait3A_919 = tpu.memref_squeeze %dma_wait3A_918 : memref<1x4x2097152xf32, #tpu.memory_space<hbm>> -> memref<4x2097152xf32, #tpu.memory_space<hbm>>
        %dma_wait3A_920 = arith.constant 0 : i32
        %dma_wait3A_921 = tpu.memref_slice %dma_wait3A_919[%dma_wait3A_915, %dma_wait3A_920] : memref<4x2097152xf32, #tpu.memory_space<hbm>> -> memref<1x2097152xf32, #tpu.memory_space<hbm>>
        %dma_wait3A_922 = tpu.memref_squeeze %dma_wait3A_921 : memref<1x2097152xf32, #tpu.memory_space<hbm>> -> memref<2097152xf32, #tpu.memory_space<hbm>>
        %dma_wait3A_923 = tpu.memref_slice %dma_wait3A_922[%add3A_913] : memref<2097152xf32, #tpu.memory_space<hbm>> -> memref<8192xf32, #tpu.memory_space<hbm>>
        %dma_wait3A_924 = arith.constant 0 : i32
        %dma_wait3A_925 = arith.constant 0 : i32
        %dma_wait3A_926 = tpu.memref_slice %arg4[%dma_wait3A_914, %dma_wait3A_924, %dma_wait3A_925] : memref<2x4x2097152xf32, #tpu.memory_space<hbm>> -> memref<1x4x2097152xf32, #tpu.memory_space<hbm>>
        %dma_wait3A_927 = tpu.memref_squeeze %dma_wait3A_926 : memref<1x4x2097152xf32, #tpu.memory_space<hbm>> -> memref<4x2097152xf32, #tpu.memory_space<hbm>>
        %dma_wait3A_928 = arith.constant 0 : i32
        %dma_wait3A_929 = tpu.memref_slice %dma_wait3A_927[%dma_wait3A_915, %dma_wait3A_928] : memref<4x2097152xf32, #tpu.memory_space<hbm>> -> memref<1x2097152xf32, #tpu.memory_space<hbm>>
        %dma_wait3A_930 = tpu.memref_squeeze %dma_wait3A_929 : memref<1x2097152xf32, #tpu.memory_space<hbm>> -> memref<2097152xf32, #tpu.memory_space<hbm>>
        %dma_wait3A_931 = tpu.memref_slice %dma_wait3A_930[%add3A_913] : memref<2097152xf32, #tpu.memory_space<hbm>> -> memref<8192xf32, #tpu.memory_space<hbm>>
        tpu.wait_dma2 semaphore(%arg15 : memref<!tpu.dma_semaphore, #tpu.memory_space<semaphore_mem>>) src(%arg10 : memref<8192xf32, #tpu.memory_space<vmem>>) dst(%dma_wait3A_931 : memref<8192xf32, #tpu.memory_space<hbm>>)
      } else {
      }
      %add3A_868 = arith.addi %multiple_of3A, %multiple_of3A_858 : i32
      %dma_wait3A_869 = tpu.memref_slice %arg6[%add3A_868] : memref<2097152xi32, #tpu.memory_space<hbm>> -> memref<8192xi32, #tpu.memory_space<hbm>>
      %dma_wait3A_870 = tpu.memref_slice %arg6[%add3A_868] : memref<2097152xi32, #tpu.memory_space<hbm>> -> memref<8192xi32, #tpu.memory_space<hbm>>
      tpu.wait_dma2 semaphore(%arg14 : memref<!tpu.dma_semaphore, #tpu.memory_space<semaphore_mem>>) src(%dma_wait3A_870 : memref<8192xi32, #tpu.memory_space<hbm>>) dst(%arg8 : memref<8192xi32, #tpu.memory_space<vmem>>)
      %dma_start3A_871 = arith.constant 0 : i32
      %dma_start3A_872 = tpu.memref_slice %arg12[%dma_start3A_871] : memref<1048576xf32, #tpu.memory_space<vmem_shared>> -> memref<1048576xf32, #tpu.memory_space<vmem_shared>>
      tpu.enqueue_indirect_dma source(%dma_start3A_872 : memref<1048576xf32, #tpu.memory_space<vmem_shared>>) target(%arg10 : memref<8192xf32, #tpu.memory_space<vmem>>) offsets(%arg8 : memref<8192xi32, #tpu.memory_space<vmem>>) semaphore(%arg13 : memref<!tpu.dma_semaphore, #tpu.memory_space<semaphore_mem>>)
      %add3A_873 = arith.constant 1 : i32
      %add3A_874 = arith.addi %add3A_855, %add3A_873 : i32
      %lt3A = arith.constant 16 : i32
      %lt3A_875 = arith.cmpi slt, %add3A_874, %lt3A : i32
      %convert_element_type3A_876 = arith.extui %lt3A_875 : i1 to i32
      %cond3A_877 = arith.constant 0 : i32
      %cond3A_878 = arith.cmpi ne, %convert_element_type3A_876, %cond3A_877 : i32
      scf.if %cond3A_878 {
        %add3A_908 = arith.constant 1 : i32
        %add3A_909 = arith.addi %add3A_855, %add3A_908 : i32
        %mul3A_910 = arith.constant 8192 : i32
        %mul3A_911 = arith.muli %add3A_909, %mul3A_910 : i32
        %multiple_of3A_912 = tpu.assume_multiple %mul3A_911, 8192 : i32
        %add3A_913 = arith.addi %multiple_of3A, %multiple_of3A_912 : i32
        %dma_start3A_914 = tpu.memref_slice %arg6[%add3A_913] : memref<2097152xi32, #tpu.memory_space<hbm>> -> memref<8192xi32, #tpu.memory_space<hbm>>
        %dma_start3A_915 = tpu.memref_slice %arg6[%add3A_913] : memref<2097152xi32, #tpu.memory_space<hbm>> -> memref<8192xi32, #tpu.memory_space<hbm>>
        tpu.enqueue_dma source(%dma_start3A_915 : memref<8192xi32, #tpu.memory_space<hbm>>) target(%arg9 : memref<8192xi32, #tpu.memory_space<vmem>>) target_semaphore(%arg14 : memref<!tpu.dma_semaphore, #tpu.memory_space<semaphore_mem>>)
      } else {
      }
      %mul3A_879 = arith.constant 2 : i32
      %mul3A_880 = arith.muli %scan3A_851, %mul3A_879 : i32
      %add3A_881 = arith.constant 1 : i32
      %add3A_882 = arith.addi %mul3A_880, %add3A_881 : i32
      %mul3A_883 = arith.constant 8192 : i32
      %mul3A_884 = arith.muli %add3A_882, %mul3A_883 : i32
      %multiple_of3A_885 = tpu.assume_multiple %mul3A_884, 8192 : i32
      %gt3A_886 = arith.constant 0 : i32
      %gt3A_887 = arith.cmpi sgt, %add3A_882, %gt3A_886 : i32
      %convert_element_type3A_888 = arith.extui %gt3A_887 : i1 to i32
      %cond3A_889 = arith.constant 0 : i32
      %cond3A_890 = arith.cmpi ne, %convert_element_type3A_888, %cond3A_889 : i32
      scf.if %cond3A_890 {
        %sub3A_908 = arith.constant 1 : i32
        %sub3A_909 = arith.subi %add3A_882, %sub3A_908 : i32
        %mul3A_910 = arith.constant 8192 : i32
        %mul3A_911 = arith.muli %sub3A_909, %mul3A_910 : i32
        %multiple_of3A_912 = tpu.assume_multiple %mul3A_911, 8192 : i32
        %dma_wait3A_913 = arith.constant 0 : i32
        %dma_wait3A_914 = tpu.memref_slice %arg12[%dma_wait3A_913] : memref<1048576xf32, #tpu.memory_space<vmem_shared>> -> memref<1048576xf32, #tpu.memory_space<vmem_shared>>
        tpu.wait_indirect_dma semaphore(%arg13 : memref<!tpu.dma_semaphore, #tpu.memory_space<semaphore_mem>>) src(%dma_wait3A_914 : memref<1048576xf32, #tpu.memory_space<vmem_shared>>) dst(%arg10 : memref<8192xf32, #tpu.memory_space<vmem>>)
        %add3A_915 = arith.addi %multiple_of3A, %multiple_of3A_912 : i32
        %dma_start3A_916 = arith.constant 1 : i32
        %dma_start3A_917 = arith.constant 1 : i32
        %dma_start3A_918 = arith.constant 0 : i32
        %dma_start3A_919 = arith.constant 0 : i32
        %dma_start3A_920 = tpu.memref_slice %arg4[%dma_start3A_916, %dma_start3A_918, %dma_start3A_919] : memref<2x4x2097152xf32, #tpu.memory_space<hbm>> -> memref<1x4x2097152xf32, #tpu.memory_space<hbm>>
        %dma_start3A_921 = tpu.memref_squeeze %dma_start3A_920 : memref<1x4x2097152xf32, #tpu.memory_space<hbm>> -> memref<4x2097152xf32, #tpu.memory_space<hbm>>
        %dma_start3A_922 = arith.constant 0 : i32
        %dma_start3A_923 = tpu.memref_slice %dma_start3A_921[%dma_start3A_917, %dma_start3A_922] : memref<4x2097152xf32, #tpu.memory_space<hbm>> -> memref<1x2097152xf32, #tpu.memory_space<hbm>>
        %dma_start3A_924 = tpu.memref_squeeze %dma_start3A_923 : memref<1x2097152xf32, #tpu.memory_space<hbm>> -> memref<2097152xf32, #tpu.memory_space<hbm>>
        %dma_start3A_925 = tpu.memref_slice %dma_start3A_924[%add3A_915] : memref<2097152xf32, #tpu.memory_space<hbm>> -> memref<8192xf32, #tpu.memory_space<hbm>>
        %dma_start3A_926 = arith.constant 0 : i32
        %dma_start3A_927 = arith.constant 0 : i32
        %dma_start3A_928 = tpu.memref_slice %arg4[%dma_start3A_916, %dma_start3A_926, %dma_start3A_927] : memref<2x4x2097152xf32, #tpu.memory_space<hbm>> -> memref<1x4x2097152xf32, #tpu.memory_space<hbm>>
        %dma_start3A_929 = tpu.memref_squeeze %dma_start3A_928 : memref<1x4x2097152xf32, #tpu.memory_space<hbm>> -> memref<4x2097152xf32, #tpu.memory_space<hbm>>
        %dma_start3A_930 = arith.constant 0 : i32
        %dma_start3A_931 = tpu.memref_slice %dma_start3A_929[%dma_start3A_917, %dma_start3A_930] : memref<4x2097152xf32, #tpu.memory_space<hbm>> -> memref<1x2097152xf32, #tpu.memory_space<hbm>>
        %dma_start3A_932 = tpu.memref_squeeze %dma_start3A_931 : memref<1x2097152xf32, #tpu.memory_space<hbm>> -> memref<2097152xf32, #tpu.memory_space<hbm>>
        %dma_start3A_933 = tpu.memref_slice %dma_start3A_932[%add3A_915] : memref<2097152xf32, #tpu.memory_space<hbm>> -> memref<8192xf32, #tpu.memory_space<hbm>>
        tpu.enqueue_dma source(%arg10 : memref<8192xf32, #tpu.memory_space<vmem>>) target(%dma_start3A_933 : memref<8192xf32, #tpu.memory_space<hbm>>) target_semaphore(%arg15 : memref<!tpu.dma_semaphore, #tpu.memory_space<semaphore_mem>>)
      } else {
      }
      %gt3A_891 = arith.constant 1 : i32
      %gt3A_892 = arith.cmpi sgt, %add3A_882, %gt3A_891 : i32
      %convert_element_type3A_893 = arith.extui %gt3A_892 : i1 to i32
      %cond3A_894 = arith.constant 0 : i32
      %cond3A_895 = arith.cmpi ne, %convert_element_type3A_893, %cond3A_894 : i32
      scf.if %cond3A_895 {
        %sub3A_908 = arith.constant 2 : i32
        %sub3A_909 = arith.subi %add3A_882, %sub3A_908 : i32
        %mul3A_910 = arith.constant 8192 : i32
        %mul3A_911 = arith.muli %sub3A_909, %mul3A_910 : i32
        %multiple_of3A_912 = tpu.assume_multiple %mul3A_911, 8192 : i32
        %add3A_913 = arith.addi %multiple_of3A, %multiple_of3A_912 : i32
        %dma_wait3A_914 = arith.constant 1 : i32
        %dma_wait3A_915 = arith.constant 1 : i32
        %dma_wait3A_916 = arith.constant 0 : i32
        %dma_wait3A_917 = arith.constant 0 : i32
        %dma_wait3A_918 = tpu.memref_slice %arg4[%dma_wait3A_914, %dma_wait3A_916, %dma_wait3A_917] : memref<2x4x2097152xf32, #tpu.memory_space<hbm>> -> memref<1x4x2097152xf32, #tpu.memory_space<hbm>>
        %dma_wait3A_919 = tpu.memref_squeeze %dma_wait3A_918 : memref<1x4x2097152xf32, #tpu.memory_space<hbm>> -> memref<4x2097152xf32, #tpu.memory_space<hbm>>
        %dma_wait3A_920 = arith.constant 0 : i32
        %dma_wait3A_921 = tpu.memref_slice %dma_wait3A_919[%dma_wait3A_915, %dma_wait3A_920] : memref<4x2097152xf32, #tpu.memory_space<hbm>> -> memref<1x2097152xf32, #tpu.memory_space<hbm>>
        %dma_wait3A_922 = tpu.memref_squeeze %dma_wait3A_921 : memref<1x2097152xf32, #tpu.memory_space<hbm>> -> memref<2097152xf32, #tpu.memory_space<hbm>>
        %dma_wait3A_923 = tpu.memref_slice %dma_wait3A_922[%add3A_913] : memref<2097152xf32, #tpu.memory_space<hbm>> -> memref<8192xf32, #tpu.memory_space<hbm>>
        %dma_wait3A_924 = arith.constant 0 : i32
        %dma_wait3A_925 = arith.constant 0 : i32
        %dma_wait3A_926 = tpu.memref_slice %arg4[%dma_wait3A_914, %dma_wait3A_924, %dma_wait3A_925] : memref<2x4x2097152xf32, #tpu.memory_space<hbm>> -> memref<1x4x2097152xf32, #tpu.memory_space<hbm>>
        %dma_wait3A_927 = tpu.memref_squeeze %dma_wait3A_926 : memref<1x4x2097152xf32, #tpu.memory_space<hbm>> -> memref<4x2097152xf32, #tpu.memory_space<hbm>>
        %dma_wait3A_928 = arith.constant 0 : i32
        %dma_wait3A_929 = tpu.memref_slice %dma_wait3A_927[%dma_wait3A_915, %dma_wait3A_928] : memref<4x2097152xf32, #tpu.memory_space<hbm>> -> memref<1x2097152xf32, #tpu.memory_space<hbm>>
        %dma_wait3A_930 = tpu.memref_squeeze %dma_wait3A_929 : memref<1x2097152xf32, #tpu.memory_space<hbm>> -> memref<2097152xf32, #tpu.memory_space<hbm>>
        %dma_wait3A_931 = tpu.memref_slice %dma_wait3A_930[%add3A_913] : memref<2097152xf32, #tpu.memory_space<hbm>> -> memref<8192xf32, #tpu.memory_space<hbm>>
        tpu.wait_dma2 semaphore(%arg15 : memref<!tpu.dma_semaphore, #tpu.memory_space<semaphore_mem>>) src(%arg11 : memref<8192xf32, #tpu.memory_space<vmem>>) dst(%dma_wait3A_931 : memref<8192xf32, #tpu.memory_space<hbm>>)
      } else {
      }
      %add3A_896 = arith.addi %multiple_of3A, %multiple_of3A_885 : i32
      %dma_wait3A_897 = tpu.memref_slice %arg6[%add3A_896] : memref<2097152xi32, #tpu.memory_space<hbm>> -> memref<8192xi32, #tpu.memory_space<hbm>>
      %dma_wait3A_898 = tpu.memref_slice %arg6[%add3A_896] : memref<2097152xi32, #tpu.memory_space<hbm>> -> memref<8192xi32, #tpu.memory_space<hbm>>
      tpu.wait_dma2 semaphore(%arg14 : memref<!tpu.dma_semaphore, #tpu.memory_space<semaphore_mem>>) src(%dma_wait3A_898 : memref<8192xi32, #tpu.memory_space<hbm>>) dst(%arg9 : memref<8192xi32, #tpu.memory_space<vmem>>)
      %dma_start3A_899 = arith.constant 0 : i32
      %dma_start3A_900 = tpu.memref_slice %arg12[%dma_start3A_899] : memref<1048576xf32, #tpu.memory_space<vmem_shared>> -> memref<1048576xf32, #tpu.memory_space<vmem_shared>>
      tpu.enqueue_indirect_dma source(%dma_start3A_900 : memref<1048576xf32, #tpu.memory_space<vmem_shared>>) target(%arg11 : memref<8192xf32, #tpu.memory_space<vmem>>) offsets(%arg9 : memref<8192xi32, #tpu.memory_space<vmem>>) semaphore(%arg13 : memref<!tpu.dma_semaphore, #tpu.memory_space<semaphore_mem>>)
      %add3A_901 = arith.constant 1 : i32
      %add3A_902 = arith.addi %add3A_882, %add3A_901 : i32
      %lt3A_903 = arith.constant 16 : i32
      %lt3A_904 = arith.cmpi slt, %add3A_902, %lt3A_903 : i32
      %convert_element_type3A_905 = arith.extui %lt3A_904 : i1 to i32
      %cond3A_906 = arith.constant 0 : i32
      %cond3A_907 = arith.cmpi ne, %convert_element_type3A_905, %cond3A_906 : i32
      scf.if %cond3A_907 {
        %add3A_908 = arith.constant 1 : i32
        %add3A_909 = arith.addi %add3A_882, %add3A_908 : i32
        %mul3A_910 = arith.constant 8192 : i32
        %mul3A_911 = arith.muli %add3A_909, %mul3A_910 : i32
        %multiple_of3A_912 = tpu.assume_multiple %mul3A_911, 8192 : i32
        %add3A_913 = arith.addi %multiple_of3A, %multiple_of3A_912 : i32
        %dma_start3A_914 = tpu.memref_slice %arg6[%add3A_913] : memref<2097152xi32, #tpu.memory_space<hbm>> -> memref<8192xi32, #tpu.memory_space<hbm>>
        %dma_start3A_915 = tpu.memref_slice %arg6[%add3A_913] : memref<2097152xi32, #tpu.memory_space<hbm>> -> memref<8192xi32, #tpu.memory_space<hbm>>
        tpu.enqueue_dma source(%dma_start3A_915 : memref<8192xi32, #tpu.memory_space<hbm>>) target(%arg8 : memref<8192xi32, #tpu.memory_space<vmem>>) target_semaphore(%arg14 : memref<!tpu.dma_semaphore, #tpu.memory_space<semaphore_mem>>)
      } else {
      }
    }
    %scan3A_438 = arith.constant 8 : i32
    %multiple_of3A_439 = arith.constant 122880 : i32
    %multiple_of3A_440 = tpu.assume_multiple %multiple_of3A_439, 8192 : i32
    %dma_wait3A_441 = arith.constant 0 : i32
    %dma_wait3A_442 = tpu.memref_slice %arg12[%dma_wait3A_441] : memref<1048576xf32, #tpu.memory_space<vmem_shared>> -> memref<1048576xf32, #tpu.memory_space<vmem_shared>>
    tpu.wait_indirect_dma semaphore(%arg13 : memref<!tpu.dma_semaphore, #tpu.memory_space<semaphore_mem>>) src(%dma_wait3A_442 : memref<1048576xf32, #tpu.memory_space<vmem_shared>>) dst(%arg11 : memref<8192xf32, #tpu.memory_space<vmem>>)
    %add3A_443 = arith.addi %multiple_of3A, %multiple_of3A_440 : i32
    %dma_start3A_444 = arith.constant 1 : i32
    %dma_start3A_445 = arith.constant 1 : i32
    %dma_start3A_446 = arith.constant 0 : i32
    %dma_start3A_447 = arith.constant 0 : i32
    %dma_start3A_448 = tpu.memref_slice %arg4[%dma_start3A_444, %dma_start3A_446, %dma_start3A_447] : memref<2x4x2097152xf32, #tpu.memory_space<hbm>> -> memref<1x4x2097152xf32, #tpu.memory_space<hbm>>
    %dma_start3A_449 = tpu.memref_squeeze %dma_start3A_448 : memref<1x4x2097152xf32, #tpu.memory_space<hbm>> -> memref<4x2097152xf32, #tpu.memory_space<hbm>>
    %dma_start3A_450 = arith.constant 0 : i32
    %dma_start3A_451 = tpu.memref_slice %dma_start3A_449[%dma_start3A_445, %dma_start3A_450] : memref<4x2097152xf32, #tpu.memory_space<hbm>> -> memref<1x2097152xf32, #tpu.memory_space<hbm>>
    %dma_start3A_452 = tpu.memref_squeeze %dma_start3A_451 : memref<1x2097152xf32, #tpu.memory_space<hbm>> -> memref<2097152xf32, #tpu.memory_space<hbm>>
    %dma_start3A_453 = tpu.memref_slice %dma_start3A_452[%add3A_443] : memref<2097152xf32, #tpu.memory_space<hbm>> -> memref<8192xf32, #tpu.memory_space<hbm>>
    %dma_start3A_454 = arith.constant 0 : i32
    %dma_start3A_455 = arith.constant 0 : i32
    %dma_start3A_456 = tpu.memref_slice %arg4[%dma_start3A_444, %dma_start3A_454, %dma_start3A_455] : memref<2x4x2097152xf32, #tpu.memory_space<hbm>> -> memref<1x4x2097152xf32, #tpu.memory_space<hbm>>
    %dma_start3A_457 = tpu.memref_squeeze %dma_start3A_456 : memref<1x4x2097152xf32, #tpu.memory_space<hbm>> -> memref<4x2097152xf32, #tpu.memory_space<hbm>>
    %dma_start3A_458 = arith.constant 0 : i32
    %dma_start3A_459 = tpu.memref_slice %dma_start3A_457[%dma_start3A_445, %dma_start3A_458] : memref<4x2097152xf32, #tpu.memory_space<hbm>> -> memref<1x2097152xf32, #tpu.memory_space<hbm>>
    %dma_start3A_460 = tpu.memref_squeeze %dma_start3A_459 : memref<1x2097152xf32, #tpu.memory_space<hbm>> -> memref<2097152xf32, #tpu.memory_space<hbm>>
    %dma_start3A_461 = tpu.memref_slice %dma_start3A_460[%add3A_443] : memref<2097152xf32, #tpu.memory_space<hbm>> -> memref<8192xf32, #tpu.memory_space<hbm>>
    tpu.enqueue_dma source(%arg11 : memref<8192xf32, #tpu.memory_space<vmem>>) target(%dma_start3A_461 : memref<8192xf32, #tpu.memory_space<hbm>>) target_semaphore(%arg15 : memref<!tpu.dma_semaphore, #tpu.memory_space<semaphore_mem>>)
    %multiple_of3A_462 = arith.constant 114688 : i32
    %multiple_of3A_463 = tpu.assume_multiple %multiple_of3A_462, 8192 : i32
    %add3A_464 = arith.addi %multiple_of3A, %multiple_of3A_463 : i32
    %dma_wait3A_465 = arith.constant 1 : i32
    %dma_wait3A_466 = arith.constant 1 : i32
    %dma_wait3A_467 = arith.constant 0 : i32
    %dma_wait3A_468 = arith.constant 0 : i32
    %dma_wait3A_469 = tpu.memref_slice %arg4[%dma_wait3A_465, %dma_wait3A_467, %dma_wait3A_468] : memref<2x4x2097152xf32, #tpu.memory_space<hbm>> -> memref<1x4x2097152xf32, #tpu.memory_space<hbm>>
    %dma_wait3A_470 = tpu.memref_squeeze %dma_wait3A_469 : memref<1x4x2097152xf32, #tpu.memory_space<hbm>> -> memref<4x2097152xf32, #tpu.memory_space<hbm>>
    %dma_wait3A_471 = arith.constant 0 : i32
    %dma_wait3A_472 = tpu.memref_slice %dma_wait3A_470[%dma_wait3A_466, %dma_wait3A_471] : memref<4x2097152xf32, #tpu.memory_space<hbm>> -> memref<1x2097152xf32, #tpu.memory_space<hbm>>
    %dma_wait3A_473 = tpu.memref_squeeze %dma_wait3A_472 : memref<1x2097152xf32, #tpu.memory_space<hbm>> -> memref<2097152xf32, #tpu.memory_space<hbm>>
    %dma_wait3A_474 = tpu.memref_slice %dma_wait3A_473[%add3A_464] : memref<2097152xf32, #tpu.memory_space<hbm>> -> memref<8192xf32, #tpu.memory_space<hbm>>
    %dma_wait3A_475 = arith.constant 0 : i32
    %dma_wait3A_476 = arith.constant 0 : i32
    %dma_wait3A_477 = tpu.memref_slice %arg4[%dma_wait3A_465, %dma_wait3A_475, %dma_wait3A_476] : memref<2x4x2097152xf32, #tpu.memory_space<hbm>> -> memref<1x4x2097152xf32, #tpu.memory_space<hbm>>
    %dma_wait3A_478 = tpu.memref_squeeze %dma_wait3A_477 : memref<1x4x2097152xf32, #tpu.memory_space<hbm>> -> memref<4x2097152xf32, #tpu.memory_space<hbm>>
    %dma_wait3A_479 = arith.constant 0 : i32
    %dma_wait3A_480 = tpu.memref_slice %dma_wait3A_478[%dma_wait3A_466, %dma_wait3A_479] : memref<4x2097152xf32, #tpu.memory_space<hbm>> -> memref<1x2097152xf32, #tpu.memory_space<hbm>>
    %dma_wait3A_481 = tpu.memref_squeeze %dma_wait3A_480 : memref<1x2097152xf32, #tpu.memory_space<hbm>> -> memref<2097152xf32, #tpu.memory_space<hbm>>
    %dma_wait3A_482 = tpu.memref_slice %dma_wait3A_481[%add3A_464] : memref<2097152xf32, #tpu.memory_space<hbm>> -> memref<8192xf32, #tpu.memory_space<hbm>>
    tpu.wait_dma2 semaphore(%arg15 : memref<!tpu.dma_semaphore, #tpu.memory_space<semaphore_mem>>) src(%arg10 : memref<8192xf32, #tpu.memory_space<vmem>>) dst(%dma_wait3A_482 : memref<8192xf32, #tpu.memory_space<hbm>>)
    %add3A_483 = arith.addi %multiple_of3A, %multiple_of3A_440 : i32
    %dma_wait3A_484 = arith.constant 1 : i32
    %dma_wait3A_485 = arith.constant 1 : i32
    %dma_wait3A_486 = arith.constant 0 : i32
    %dma_wait3A_487 = arith.constant 0 : i32
    %dma_wait3A_488 = tpu.memref_slice %arg4[%dma_wait3A_484, %dma_wait3A_486, %dma_wait3A_487] : memref<2x4x2097152xf32, #tpu.memory_space<hbm>> -> memref<1x4x2097152xf32, #tpu.memory_space<hbm>>
    %dma_wait3A_489 = tpu.memref_squeeze %dma_wait3A_488 : memref<1x4x2097152xf32, #tpu.memory_space<hbm>> -> memref<4x2097152xf32, #tpu.memory_space<hbm>>
    %dma_wait3A_490 = arith.constant 0 : i32
    %dma_wait3A_491 = tpu.memref_slice %dma_wait3A_489[%dma_wait3A_485, %dma_wait3A_490] : memref<4x2097152xf32, #tpu.memory_space<hbm>> -> memref<1x2097152xf32, #tpu.memory_space<hbm>>
    %dma_wait3A_492 = tpu.memref_squeeze %dma_wait3A_491 : memref<1x2097152xf32, #tpu.memory_space<hbm>> -> memref<2097152xf32, #tpu.memory_space<hbm>>
    %dma_wait3A_493 = tpu.memref_slice %dma_wait3A_492[%add3A_483] : memref<2097152xf32, #tpu.memory_space<hbm>> -> memref<8192xf32, #tpu.memory_space<hbm>>
    %dma_wait3A_494 = arith.constant 0 : i32
    %dma_wait3A_495 = arith.constant 0 : i32
    %dma_wait3A_496 = tpu.memref_slice %arg4[%dma_wait3A_484, %dma_wait3A_494, %dma_wait3A_495] : memref<2x4x2097152xf32, #tpu.memory_space<hbm>> -> memref<1x4x2097152xf32, #tpu.memory_space<hbm>>
    %dma_wait3A_497 = tpu.memref_squeeze %dma_wait3A_496 : memref<1x4x2097152xf32, #tpu.memory_space<hbm>> -> memref<4x2097152xf32, #tpu.memory_space<hbm>>
    %dma_wait3A_498 = arith.constant 0 : i32
    %dma_wait3A_499 = tpu.memref_slice %dma_wait3A_497[%dma_wait3A_485, %dma_wait3A_498] : memref<4x2097152xf32, #tpu.memory_space<hbm>> -> memref<1x2097152xf32, #tpu.memory_space<hbm>>
    %dma_wait3A_500 = tpu.memref_squeeze %dma_wait3A_499 : memref<1x2097152xf32, #tpu.memory_space<hbm>> -> memref<2097152xf32, #tpu.memory_space<hbm>>
    %dma_wait3A_501 = tpu.memref_slice %dma_wait3A_500[%add3A_483] : memref<2097152xf32, #tpu.memory_space<hbm>> -> memref<8192xf32, #tpu.memory_space<hbm>>
    tpu.wait_dma2 semaphore(%arg15 : memref<!tpu.dma_semaphore, #tpu.memory_space<semaphore_mem>>) src(%arg11 : memref<8192xf32, #tpu.memory_space<vmem>>) dst(%dma_wait3A_501 : memref<8192xf32, #tpu.memory_space<hbm>>)
    %barrier3A_502 = arith.constant 0 : index
    tpu.barrier barrier_id(%barrier3A_502)
    %mul3A_503 = arith.constant 65536 : i32
    %mul3A_504 = arith.muli %arg1, %mul3A_503 : i32
    %add3A_505 = arith.constant 0 : i32
    %add3A_506 = arith.addi %add3A_505, %mul3A_504 : i32
    %multiple_of3A_507 = tpu.assume_multiple %add3A_506, 128 : i32
    %mul3A_508 = arith.constant 65536 : i32
    %mul3A_509 = arith.muli %arg1, %mul3A_508 : i32
    %multiple_of3A_510 = tpu.assume_multiple %mul3A_509, 128 : i32
    %run_scoped3A_511 = arith.constant 2 : i32
    "tpu.region"() ({
      %run_scoped3A_851 = tpu.sem_alloc : memref<!tpu.dma_semaphore, #tpu.memory_space<semaphore_mem>>
      %dma_start3A_852 = tpu.memref_slice %arg12[%multiple_of3A_510] : memref<1048576xf32, #tpu.memory_space<vmem_shared>> -> memref<65536xf32, #tpu.memory_space<vmem_shared>>
      %dma_start3A_853 = arith.constant 0 : i32
      %dma_start3A_854 = tpu.memref_slice %arg2[%run_scoped3A_511, %dma_start3A_853] : memref<4x2097152xf32, #tpu.memory_space<hbm>> -> memref<1x2097152xf32, #tpu.memory_space<hbm>>
      %dma_start3A_855 = tpu.memref_squeeze %dma_start3A_854 : memref<1x2097152xf32, #tpu.memory_space<hbm>> -> memref<2097152xf32, #tpu.memory_space<hbm>>
      %dma_start3A_856 = tpu.memref_slice %dma_start3A_855[%multiple_of3A_507] : memref<2097152xf32, #tpu.memory_space<hbm>> -> memref<65536xf32, #tpu.memory_space<hbm>>
      tpu.enqueue_dma source(%dma_start3A_856 : memref<65536xf32, #tpu.memory_space<hbm>>) target(%dma_start3A_852 : memref<65536xf32, #tpu.memory_space<vmem_shared>>) target_semaphore(%run_scoped3A_851 : memref<!tpu.dma_semaphore, #tpu.memory_space<semaphore_mem>>)
      %dma_wait3A_857 = tpu.memref_slice %arg12[%multiple_of3A_510] : memref<1048576xf32, #tpu.memory_space<vmem_shared>> -> memref<65536xf32, #tpu.memory_space<vmem_shared>>
      %dma_wait3A_858 = arith.constant 0 : i32
      %dma_wait3A_859 = tpu.memref_slice %arg2[%run_scoped3A_511, %dma_wait3A_858] : memref<4x2097152xf32, #tpu.memory_space<hbm>> -> memref<1x2097152xf32, #tpu.memory_space<hbm>>
      %dma_wait3A_860 = tpu.memref_squeeze %dma_wait3A_859 : memref<1x2097152xf32, #tpu.memory_space<hbm>> -> memref<2097152xf32, #tpu.memory_space<hbm>>
      %dma_wait3A_861 = tpu.memref_slice %dma_wait3A_860[%multiple_of3A_507] : memref<2097152xf32, #tpu.memory_space<hbm>> -> memref<65536xf32, #tpu.memory_space<hbm>>
      tpu.wait_dma2 semaphore(%run_scoped3A_851 : memref<!tpu.dma_semaphore, #tpu.memory_space<semaphore_mem>>) src(%dma_wait3A_861 : memref<65536xf32, #tpu.memory_space<hbm>>) dst(%dma_wait3A_857 : memref<65536xf32, #tpu.memory_space<vmem_shared>>)
      tpu.yield
    }) : () -> ()
    %barrier3A_512 = arith.constant 0 : index
    tpu.barrier barrier_id(%barrier3A_512)
    %eq3A_513 = arith.constant 0 : i32
    %eq3A_514 = arith.cmpi eq, %select_n3A, %eq3A_513 : i32
    %convert_element_type3A_515 = arith.extui %eq3A_514 : i1 to i32
    %cond3A_516 = arith.constant 0 : i32
    %cond3A_517 = arith.cmpi ne, %convert_element_type3A_515, %cond3A_516 : i32
    scf.if %cond3A_517 {
      %run_scoped3A_851 = arith.constant 2 : i32
      "tpu.region"() ({
        %run_scoped3A_852 = tpu.sem_alloc : memref<!tpu.dma_semaphore, #tpu.memory_space<semaphore_mem>>
        %dma_start3A_853 = arith.constant 0 : i32
        %dma_start3A_854 = tpu.memref_slice %arg5[%run_scoped3A_851, %dma_start3A_853] : memref<4x2097152xf32, #tpu.memory_space<hbm>> -> memref<1x2097152xf32, #tpu.memory_space<hbm>>
        %dma_start3A_855 = tpu.memref_squeeze %dma_start3A_854 : memref<1x2097152xf32, #tpu.memory_space<hbm>> -> memref<2097152xf32, #tpu.memory_space<hbm>>
        %dma_start3A_856 = tpu.memref_slice %dma_start3A_855[%multiple_of3A] : memref<2097152xf32, #tpu.memory_space<hbm>> -> memref<131072xf32, #tpu.memory_space<hbm>>
        %dma_start3A_857 = tpu.memref_slice %arg12[%multiple_of3A_161] : memref<1048576xf32, #tpu.memory_space<vmem_shared>> -> memref<131072xf32, #tpu.memory_space<vmem_shared>>
        tpu.enqueue_dma source(%dma_start3A_857 : memref<131072xf32, #tpu.memory_space<vmem_shared>>) target(%dma_start3A_856 : memref<131072xf32, #tpu.memory_space<hbm>>) target_semaphore(%run_scoped3A_852 : memref<!tpu.dma_semaphore, #tpu.memory_space<semaphore_mem>>)
        %dma_wait3A_858 = arith.constant 0 : i32
        %dma_wait3A_859 = tpu.memref_slice %arg5[%run_scoped3A_851, %dma_wait3A_858] : memref<4x2097152xf32, #tpu.memory_space<hbm>> -> memref<1x2097152xf32, #tpu.memory_space<hbm>>
        %dma_wait3A_860 = tpu.memref_squeeze %dma_wait3A_859 : memref<1x2097152xf32, #tpu.memory_space<hbm>> -> memref<2097152xf32, #tpu.memory_space<hbm>>
        %dma_wait3A_861 = tpu.memref_slice %dma_wait3A_860[%multiple_of3A] : memref<2097152xf32, #tpu.memory_space<hbm>> -> memref<131072xf32, #tpu.memory_space<hbm>>
        %dma_wait3A_862 = tpu.memref_slice %arg12[%multiple_of3A_161] : memref<1048576xf32, #tpu.memory_space<vmem_shared>> -> memref<131072xf32, #tpu.memory_space<vmem_shared>>
        tpu.wait_dma2 semaphore(%run_scoped3A_852 : memref<!tpu.dma_semaphore, #tpu.memory_space<semaphore_mem>>) src(%dma_wait3A_862 : memref<131072xf32, #tpu.memory_space<vmem_shared>>) dst(%dma_wait3A_861 : memref<131072xf32, #tpu.memory_space<hbm>>)
        tpu.yield
      }) : () -> ()
    } else {
    }
    %dma_start3A_518 = tpu.memref_slice %arg6[%multiple_of3A] : memref<2097152xi32, #tpu.memory_space<hbm>> -> memref<8192xi32, #tpu.memory_space<hbm>>
    %dma_start3A_519 = tpu.memref_slice %arg6[%multiple_of3A] : memref<2097152xi32, #tpu.memory_space<hbm>> -> memref<8192xi32, #tpu.memory_space<hbm>>
    tpu.enqueue_dma source(%dma_start3A_519 : memref<8192xi32, #tpu.memory_space<hbm>>) target(%arg8 : memref<8192xi32, #tpu.memory_space<vmem>>) target_semaphore(%arg14 : memref<!tpu.dma_semaphore, #tpu.memory_space<semaphore_mem>>)
    %scan3A_520 = arith.constant 0 : i32
    %scan3A_521 = arith.constant 0 : i32
    %scan3A_522 = arith.constant 8 : i32
    %scan3A_523 = arith.addi %scan3A_521, %scan3A_522 : i32
    %scan3A_524 = arith.constant 1 : i32
    scf.for %scan3A_851 = %scan3A_521 to %scan3A_523 step %scan3A_524  : i32 {
      %mul3A_852 = arith.constant 2 : i32
      %mul3A_853 = arith.muli %scan3A_851, %mul3A_852 : i32
      %add3A_854 = arith.constant 0 : i32
      %add3A_855 = arith.addi %mul3A_853, %add3A_854 : i32
      %mul3A_856 = arith.constant 8192 : i32
      %mul3A_857 = arith.muli %add3A_855, %mul3A_856 : i32
      %multiple_of3A_858 = tpu.assume_multiple %mul3A_857, 8192 : i32
      %gt3A = arith.constant 0 : i32
      %gt3A_859 = arith.cmpi sgt, %add3A_855, %gt3A : i32
      %convert_element_type3A_860 = arith.extui %gt3A_859 : i1 to i32
      %cond3A_861 = arith.constant 0 : i32
      %cond3A_862 = arith.cmpi ne, %convert_element_type3A_860, %cond3A_861 : i32
      scf.if %cond3A_862 {
        %sub3A_908 = arith.constant 1 : i32
        %sub3A_909 = arith.subi %add3A_855, %sub3A_908 : i32
        %mul3A_910 = arith.constant 8192 : i32
        %mul3A_911 = arith.muli %sub3A_909, %mul3A_910 : i32
        %multiple_of3A_912 = tpu.assume_multiple %mul3A_911, 8192 : i32
        %dma_wait3A_913 = arith.constant 0 : i32
        %dma_wait3A_914 = tpu.memref_slice %arg12[%dma_wait3A_913] : memref<1048576xf32, #tpu.memory_space<vmem_shared>> -> memref<1048576xf32, #tpu.memory_space<vmem_shared>>
        tpu.wait_indirect_dma semaphore(%arg13 : memref<!tpu.dma_semaphore, #tpu.memory_space<semaphore_mem>>) src(%dma_wait3A_914 : memref<1048576xf32, #tpu.memory_space<vmem_shared>>) dst(%arg11 : memref<8192xf32, #tpu.memory_space<vmem>>)
        %add3A_915 = arith.addi %multiple_of3A, %multiple_of3A_912 : i32
        %dma_start3A_916 = arith.constant 0 : i32
        %dma_start3A_917 = arith.constant 2 : i32
        %dma_start3A_918 = arith.constant 0 : i32
        %dma_start3A_919 = arith.constant 0 : i32
        %dma_start3A_920 = tpu.memref_slice %arg4[%dma_start3A_916, %dma_start3A_918, %dma_start3A_919] : memref<2x4x2097152xf32, #tpu.memory_space<hbm>> -> memref<1x4x2097152xf32, #tpu.memory_space<hbm>>
        %dma_start3A_921 = tpu.memref_squeeze %dma_start3A_920 : memref<1x4x2097152xf32, #tpu.memory_space<hbm>> -> memref<4x2097152xf32, #tpu.memory_space<hbm>>
        %dma_start3A_922 = arith.constant 0 : i32
        %dma_start3A_923 = tpu.memref_slice %dma_start3A_921[%dma_start3A_917, %dma_start3A_922] : memref<4x2097152xf32, #tpu.memory_space<hbm>> -> memref<1x2097152xf32, #tpu.memory_space<hbm>>
        %dma_start3A_924 = tpu.memref_squeeze %dma_start3A_923 : memref<1x2097152xf32, #tpu.memory_space<hbm>> -> memref<2097152xf32, #tpu.memory_space<hbm>>
        %dma_start3A_925 = tpu.memref_slice %dma_start3A_924[%add3A_915] : memref<2097152xf32, #tpu.memory_space<hbm>> -> memref<8192xf32, #tpu.memory_space<hbm>>
        %dma_start3A_926 = arith.constant 0 : i32
        %dma_start3A_927 = arith.constant 0 : i32
        %dma_start3A_928 = tpu.memref_slice %arg4[%dma_start3A_916, %dma_start3A_926, %dma_start3A_927] : memref<2x4x2097152xf32, #tpu.memory_space<hbm>> -> memref<1x4x2097152xf32, #tpu.memory_space<hbm>>
        %dma_start3A_929 = tpu.memref_squeeze %dma_start3A_928 : memref<1x4x2097152xf32, #tpu.memory_space<hbm>> -> memref<4x2097152xf32, #tpu.memory_space<hbm>>
        %dma_start3A_930 = arith.constant 0 : i32
        %dma_start3A_931 = tpu.memref_slice %dma_start3A_929[%dma_start3A_917, %dma_start3A_930] : memref<4x2097152xf32, #tpu.memory_space<hbm>> -> memref<1x2097152xf32, #tpu.memory_space<hbm>>
        %dma_start3A_932 = tpu.memref_squeeze %dma_start3A_931 : memref<1x2097152xf32, #tpu.memory_space<hbm>> -> memref<2097152xf32, #tpu.memory_space<hbm>>
        %dma_start3A_933 = tpu.memref_slice %dma_start3A_932[%add3A_915] : memref<2097152xf32, #tpu.memory_space<hbm>> -> memref<8192xf32, #tpu.memory_space<hbm>>
        tpu.enqueue_dma source(%arg11 : memref<8192xf32, #tpu.memory_space<vmem>>) target(%dma_start3A_933 : memref<8192xf32, #tpu.memory_space<hbm>>) target_semaphore(%arg15 : memref<!tpu.dma_semaphore, #tpu.memory_space<semaphore_mem>>)
      } else {
      }
      %gt3A_863 = arith.constant 1 : i32
      %gt3A_864 = arith.cmpi sgt, %add3A_855, %gt3A_863 : i32
      %convert_element_type3A_865 = arith.extui %gt3A_864 : i1 to i32
      %cond3A_866 = arith.constant 0 : i32
      %cond3A_867 = arith.cmpi ne, %convert_element_type3A_865, %cond3A_866 : i32
      scf.if %cond3A_867 {
        %sub3A_908 = arith.constant 2 : i32
        %sub3A_909 = arith.subi %add3A_855, %sub3A_908 : i32
        %mul3A_910 = arith.constant 8192 : i32
        %mul3A_911 = arith.muli %sub3A_909, %mul3A_910 : i32
        %multiple_of3A_912 = tpu.assume_multiple %mul3A_911, 8192 : i32
        %add3A_913 = arith.addi %multiple_of3A, %multiple_of3A_912 : i32
        %dma_wait3A_914 = arith.constant 0 : i32
        %dma_wait3A_915 = arith.constant 2 : i32
        %dma_wait3A_916 = arith.constant 0 : i32
        %dma_wait3A_917 = arith.constant 0 : i32
        %dma_wait3A_918 = tpu.memref_slice %arg4[%dma_wait3A_914, %dma_wait3A_916, %dma_wait3A_917] : memref<2x4x2097152xf32, #tpu.memory_space<hbm>> -> memref<1x4x2097152xf32, #tpu.memory_space<hbm>>
        %dma_wait3A_919 = tpu.memref_squeeze %dma_wait3A_918 : memref<1x4x2097152xf32, #tpu.memory_space<hbm>> -> memref<4x2097152xf32, #tpu.memory_space<hbm>>
        %dma_wait3A_920 = arith.constant 0 : i32
        %dma_wait3A_921 = tpu.memref_slice %dma_wait3A_919[%dma_wait3A_915, %dma_wait3A_920] : memref<4x2097152xf32, #tpu.memory_space<hbm>> -> memref<1x2097152xf32, #tpu.memory_space<hbm>>
        %dma_wait3A_922 = tpu.memref_squeeze %dma_wait3A_921 : memref<1x2097152xf32, #tpu.memory_space<hbm>> -> memref<2097152xf32, #tpu.memory_space<hbm>>
        %dma_wait3A_923 = tpu.memref_slice %dma_wait3A_922[%add3A_913] : memref<2097152xf32, #tpu.memory_space<hbm>> -> memref<8192xf32, #tpu.memory_space<hbm>>
        %dma_wait3A_924 = arith.constant 0 : i32
        %dma_wait3A_925 = arith.constant 0 : i32
        %dma_wait3A_926 = tpu.memref_slice %arg4[%dma_wait3A_914, %dma_wait3A_924, %dma_wait3A_925] : memref<2x4x2097152xf32, #tpu.memory_space<hbm>> -> memref<1x4x2097152xf32, #tpu.memory_space<hbm>>
        %dma_wait3A_927 = tpu.memref_squeeze %dma_wait3A_926 : memref<1x4x2097152xf32, #tpu.memory_space<hbm>> -> memref<4x2097152xf32, #tpu.memory_space<hbm>>
        %dma_wait3A_928 = arith.constant 0 : i32
        %dma_wait3A_929 = tpu.memref_slice %dma_wait3A_927[%dma_wait3A_915, %dma_wait3A_928] : memref<4x2097152xf32, #tpu.memory_space<hbm>> -> memref<1x2097152xf32, #tpu.memory_space<hbm>>
        %dma_wait3A_930 = tpu.memref_squeeze %dma_wait3A_929 : memref<1x2097152xf32, #tpu.memory_space<hbm>> -> memref<2097152xf32, #tpu.memory_space<hbm>>
        %dma_wait3A_931 = tpu.memref_slice %dma_wait3A_930[%add3A_913] : memref<2097152xf32, #tpu.memory_space<hbm>> -> memref<8192xf32, #tpu.memory_space<hbm>>
        tpu.wait_dma2 semaphore(%arg15 : memref<!tpu.dma_semaphore, #tpu.memory_space<semaphore_mem>>) src(%arg10 : memref<8192xf32, #tpu.memory_space<vmem>>) dst(%dma_wait3A_931 : memref<8192xf32, #tpu.memory_space<hbm>>)
      } else {
      }
      %add3A_868 = arith.addi %multiple_of3A, %multiple_of3A_858 : i32
      %dma_wait3A_869 = tpu.memref_slice %arg6[%add3A_868] : memref<2097152xi32, #tpu.memory_space<hbm>> -> memref<8192xi32, #tpu.memory_space<hbm>>
      %dma_wait3A_870 = tpu.memref_slice %arg6[%add3A_868] : memref<2097152xi32, #tpu.memory_space<hbm>> -> memref<8192xi32, #tpu.memory_space<hbm>>
      tpu.wait_dma2 semaphore(%arg14 : memref<!tpu.dma_semaphore, #tpu.memory_space<semaphore_mem>>) src(%dma_wait3A_870 : memref<8192xi32, #tpu.memory_space<hbm>>) dst(%arg8 : memref<8192xi32, #tpu.memory_space<vmem>>)
      %dma_start3A_871 = arith.constant 0 : i32
      %dma_start3A_872 = tpu.memref_slice %arg12[%dma_start3A_871] : memref<1048576xf32, #tpu.memory_space<vmem_shared>> -> memref<1048576xf32, #tpu.memory_space<vmem_shared>>
      tpu.enqueue_indirect_dma source(%dma_start3A_872 : memref<1048576xf32, #tpu.memory_space<vmem_shared>>) target(%arg10 : memref<8192xf32, #tpu.memory_space<vmem>>) offsets(%arg8 : memref<8192xi32, #tpu.memory_space<vmem>>) semaphore(%arg13 : memref<!tpu.dma_semaphore, #tpu.memory_space<semaphore_mem>>)
      %add3A_873 = arith.constant 1 : i32
      %add3A_874 = arith.addi %add3A_855, %add3A_873 : i32
      %lt3A = arith.constant 16 : i32
      %lt3A_875 = arith.cmpi slt, %add3A_874, %lt3A : i32
      %convert_element_type3A_876 = arith.extui %lt3A_875 : i1 to i32
      %cond3A_877 = arith.constant 0 : i32
      %cond3A_878 = arith.cmpi ne, %convert_element_type3A_876, %cond3A_877 : i32
      scf.if %cond3A_878 {
        %add3A_908 = arith.constant 1 : i32
        %add3A_909 = arith.addi %add3A_855, %add3A_908 : i32
        %mul3A_910 = arith.constant 8192 : i32
        %mul3A_911 = arith.muli %add3A_909, %mul3A_910 : i32
        %multiple_of3A_912 = tpu.assume_multiple %mul3A_911, 8192 : i32
        %add3A_913 = arith.addi %multiple_of3A, %multiple_of3A_912 : i32
        %dma_start3A_914 = tpu.memref_slice %arg6[%add3A_913] : memref<2097152xi32, #tpu.memory_space<hbm>> -> memref<8192xi32, #tpu.memory_space<hbm>>
        %dma_start3A_915 = tpu.memref_slice %arg6[%add3A_913] : memref<2097152xi32, #tpu.memory_space<hbm>> -> memref<8192xi32, #tpu.memory_space<hbm>>
        tpu.enqueue_dma source(%dma_start3A_915 : memref<8192xi32, #tpu.memory_space<hbm>>) target(%arg9 : memref<8192xi32, #tpu.memory_space<vmem>>) target_semaphore(%arg14 : memref<!tpu.dma_semaphore, #tpu.memory_space<semaphore_mem>>)
      } else {
      }
      %mul3A_879 = arith.constant 2 : i32
      %mul3A_880 = arith.muli %scan3A_851, %mul3A_879 : i32
      %add3A_881 = arith.constant 1 : i32
      %add3A_882 = arith.addi %mul3A_880, %add3A_881 : i32
      %mul3A_883 = arith.constant 8192 : i32
      %mul3A_884 = arith.muli %add3A_882, %mul3A_883 : i32
      %multiple_of3A_885 = tpu.assume_multiple %mul3A_884, 8192 : i32
      %gt3A_886 = arith.constant 0 : i32
      %gt3A_887 = arith.cmpi sgt, %add3A_882, %gt3A_886 : i32
      %convert_element_type3A_888 = arith.extui %gt3A_887 : i1 to i32
      %cond3A_889 = arith.constant 0 : i32
      %cond3A_890 = arith.cmpi ne, %convert_element_type3A_888, %cond3A_889 : i32
      scf.if %cond3A_890 {
        %sub3A_908 = arith.constant 1 : i32
        %sub3A_909 = arith.subi %add3A_882, %sub3A_908 : i32
        %mul3A_910 = arith.constant 8192 : i32
        %mul3A_911 = arith.muli %sub3A_909, %mul3A_910 : i32
        %multiple_of3A_912 = tpu.assume_multiple %mul3A_911, 8192 : i32
        %dma_wait3A_913 = arith.constant 0 : i32
        %dma_wait3A_914 = tpu.memref_slice %arg12[%dma_wait3A_913] : memref<1048576xf32, #tpu.memory_space<vmem_shared>> -> memref<1048576xf32, #tpu.memory_space<vmem_shared>>
        tpu.wait_indirect_dma semaphore(%arg13 : memref<!tpu.dma_semaphore, #tpu.memory_space<semaphore_mem>>) src(%dma_wait3A_914 : memref<1048576xf32, #tpu.memory_space<vmem_shared>>) dst(%arg10 : memref<8192xf32, #tpu.memory_space<vmem>>)
        %add3A_915 = arith.addi %multiple_of3A, %multiple_of3A_912 : i32
        %dma_start3A_916 = arith.constant 0 : i32
        %dma_start3A_917 = arith.constant 2 : i32
        %dma_start3A_918 = arith.constant 0 : i32
        %dma_start3A_919 = arith.constant 0 : i32
        %dma_start3A_920 = tpu.memref_slice %arg4[%dma_start3A_916, %dma_start3A_918, %dma_start3A_919] : memref<2x4x2097152xf32, #tpu.memory_space<hbm>> -> memref<1x4x2097152xf32, #tpu.memory_space<hbm>>
        %dma_start3A_921 = tpu.memref_squeeze %dma_start3A_920 : memref<1x4x2097152xf32, #tpu.memory_space<hbm>> -> memref<4x2097152xf32, #tpu.memory_space<hbm>>
        %dma_start3A_922 = arith.constant 0 : i32
        %dma_start3A_923 = tpu.memref_slice %dma_start3A_921[%dma_start3A_917, %dma_start3A_922] : memref<4x2097152xf32, #tpu.memory_space<hbm>> -> memref<1x2097152xf32, #tpu.memory_space<hbm>>
        %dma_start3A_924 = tpu.memref_squeeze %dma_start3A_923 : memref<1x2097152xf32, #tpu.memory_space<hbm>> -> memref<2097152xf32, #tpu.memory_space<hbm>>
        %dma_start3A_925 = tpu.memref_slice %dma_start3A_924[%add3A_915] : memref<2097152xf32, #tpu.memory_space<hbm>> -> memref<8192xf32, #tpu.memory_space<hbm>>
        %dma_start3A_926 = arith.constant 0 : i32
        %dma_start3A_927 = arith.constant 0 : i32
        %dma_start3A_928 = tpu.memref_slice %arg4[%dma_start3A_916, %dma_start3A_926, %dma_start3A_927] : memref<2x4x2097152xf32, #tpu.memory_space<hbm>> -> memref<1x4x2097152xf32, #tpu.memory_space<hbm>>
        %dma_start3A_929 = tpu.memref_squeeze %dma_start3A_928 : memref<1x4x2097152xf32, #tpu.memory_space<hbm>> -> memref<4x2097152xf32, #tpu.memory_space<hbm>>
        %dma_start3A_930 = arith.constant 0 : i32
        %dma_start3A_931 = tpu.memref_slice %dma_start3A_929[%dma_start3A_917, %dma_start3A_930] : memref<4x2097152xf32, #tpu.memory_space<hbm>> -> memref<1x2097152xf32, #tpu.memory_space<hbm>>
        %dma_start3A_932 = tpu.memref_squeeze %dma_start3A_931 : memref<1x2097152xf32, #tpu.memory_space<hbm>> -> memref<2097152xf32, #tpu.memory_space<hbm>>
        %dma_start3A_933 = tpu.memref_slice %dma_start3A_932[%add3A_915] : memref<2097152xf32, #tpu.memory_space<hbm>> -> memref<8192xf32, #tpu.memory_space<hbm>>
        tpu.enqueue_dma source(%arg10 : memref<8192xf32, #tpu.memory_space<vmem>>) target(%dma_start3A_933 : memref<8192xf32, #tpu.memory_space<hbm>>) target_semaphore(%arg15 : memref<!tpu.dma_semaphore, #tpu.memory_space<semaphore_mem>>)
      } else {
      }
      %gt3A_891 = arith.constant 1 : i32
      %gt3A_892 = arith.cmpi sgt, %add3A_882, %gt3A_891 : i32
      %convert_element_type3A_893 = arith.extui %gt3A_892 : i1 to i32
      %cond3A_894 = arith.constant 0 : i32
      %cond3A_895 = arith.cmpi ne, %convert_element_type3A_893, %cond3A_894 : i32
      scf.if %cond3A_895 {
        %sub3A_908 = arith.constant 2 : i32
        %sub3A_909 = arith.subi %add3A_882, %sub3A_908 : i32
        %mul3A_910 = arith.constant 8192 : i32
        %mul3A_911 = arith.muli %sub3A_909, %mul3A_910 : i32
        %multiple_of3A_912 = tpu.assume_multiple %mul3A_911, 8192 : i32
        %add3A_913 = arith.addi %multiple_of3A, %multiple_of3A_912 : i32
        %dma_wait3A_914 = arith.constant 0 : i32
        %dma_wait3A_915 = arith.constant 2 : i32
        %dma_wait3A_916 = arith.constant 0 : i32
        %dma_wait3A_917 = arith.constant 0 : i32
        %dma_wait3A_918 = tpu.memref_slice %arg4[%dma_wait3A_914, %dma_wait3A_916, %dma_wait3A_917] : memref<2x4x2097152xf32, #tpu.memory_space<hbm>> -> memref<1x4x2097152xf32, #tpu.memory_space<hbm>>
        %dma_wait3A_919 = tpu.memref_squeeze %dma_wait3A_918 : memref<1x4x2097152xf32, #tpu.memory_space<hbm>> -> memref<4x2097152xf32, #tpu.memory_space<hbm>>
        %dma_wait3A_920 = arith.constant 0 : i32
        %dma_wait3A_921 = tpu.memref_slice %dma_wait3A_919[%dma_wait3A_915, %dma_wait3A_920] : memref<4x2097152xf32, #tpu.memory_space<hbm>> -> memref<1x2097152xf32, #tpu.memory_space<hbm>>
        %dma_wait3A_922 = tpu.memref_squeeze %dma_wait3A_921 : memref<1x2097152xf32, #tpu.memory_space<hbm>> -> memref<2097152xf32, #tpu.memory_space<hbm>>
        %dma_wait3A_923 = tpu.memref_slice %dma_wait3A_922[%add3A_913] : memref<2097152xf32, #tpu.memory_space<hbm>> -> memref<8192xf32, #tpu.memory_space<hbm>>
        %dma_wait3A_924 = arith.constant 0 : i32
        %dma_wait3A_925 = arith.constant 0 : i32
        %dma_wait3A_926 = tpu.memref_slice %arg4[%dma_wait3A_914, %dma_wait3A_924, %dma_wait3A_925] : memref<2x4x2097152xf32, #tpu.memory_space<hbm>> -> memref<1x4x2097152xf32, #tpu.memory_space<hbm>>
        %dma_wait3A_927 = tpu.memref_squeeze %dma_wait3A_926 : memref<1x4x2097152xf32, #tpu.memory_space<hbm>> -> memref<4x2097152xf32, #tpu.memory_space<hbm>>
        %dma_wait3A_928 = arith.constant 0 : i32
        %dma_wait3A_929 = tpu.memref_slice %dma_wait3A_927[%dma_wait3A_915, %dma_wait3A_928] : memref<4x2097152xf32, #tpu.memory_space<hbm>> -> memref<1x2097152xf32, #tpu.memory_space<hbm>>
        %dma_wait3A_930 = tpu.memref_squeeze %dma_wait3A_929 : memref<1x2097152xf32, #tpu.memory_space<hbm>> -> memref<2097152xf32, #tpu.memory_space<hbm>>
        %dma_wait3A_931 = tpu.memref_slice %dma_wait3A_930[%add3A_913] : memref<2097152xf32, #tpu.memory_space<hbm>> -> memref<8192xf32, #tpu.memory_space<hbm>>
        tpu.wait_dma2 semaphore(%arg15 : memref<!tpu.dma_semaphore, #tpu.memory_space<semaphore_mem>>) src(%arg11 : memref<8192xf32, #tpu.memory_space<vmem>>) dst(%dma_wait3A_931 : memref<8192xf32, #tpu.memory_space<hbm>>)
      } else {
      }
      %add3A_896 = arith.addi %multiple_of3A, %multiple_of3A_885 : i32
      %dma_wait3A_897 = tpu.memref_slice %arg6[%add3A_896] : memref<2097152xi32, #tpu.memory_space<hbm>> -> memref<8192xi32, #tpu.memory_space<hbm>>
      %dma_wait3A_898 = tpu.memref_slice %arg6[%add3A_896] : memref<2097152xi32, #tpu.memory_space<hbm>> -> memref<8192xi32, #tpu.memory_space<hbm>>
      tpu.wait_dma2 semaphore(%arg14 : memref<!tpu.dma_semaphore, #tpu.memory_space<semaphore_mem>>) src(%dma_wait3A_898 : memref<8192xi32, #tpu.memory_space<hbm>>) dst(%arg9 : memref<8192xi32, #tpu.memory_space<vmem>>)
      %dma_start3A_899 = arith.constant 0 : i32
      %dma_start3A_900 = tpu.memref_slice %arg12[%dma_start3A_899] : memref<1048576xf32, #tpu.memory_space<vmem_shared>> -> memref<1048576xf32, #tpu.memory_space<vmem_shared>>
      tpu.enqueue_indirect_dma source(%dma_start3A_900 : memref<1048576xf32, #tpu.memory_space<vmem_shared>>) target(%arg11 : memref<8192xf32, #tpu.memory_space<vmem>>) offsets(%arg9 : memref<8192xi32, #tpu.memory_space<vmem>>) semaphore(%arg13 : memref<!tpu.dma_semaphore, #tpu.memory_space<semaphore_mem>>)
      %add3A_901 = arith.constant 1 : i32
      %add3A_902 = arith.addi %add3A_882, %add3A_901 : i32
      %lt3A_903 = arith.constant 16 : i32
      %lt3A_904 = arith.cmpi slt, %add3A_902, %lt3A_903 : i32
      %convert_element_type3A_905 = arith.extui %lt3A_904 : i1 to i32
      %cond3A_906 = arith.constant 0 : i32
      %cond3A_907 = arith.cmpi ne, %convert_element_type3A_905, %cond3A_906 : i32
      scf.if %cond3A_907 {
        %add3A_908 = arith.constant 1 : i32
        %add3A_909 = arith.addi %add3A_882, %add3A_908 : i32
        %mul3A_910 = arith.constant 8192 : i32
        %mul3A_911 = arith.muli %add3A_909, %mul3A_910 : i32
        %multiple_of3A_912 = tpu.assume_multiple %mul3A_911, 8192 : i32
        %add3A_913 = arith.addi %multiple_of3A, %multiple_of3A_912 : i32
        %dma_start3A_914 = tpu.memref_slice %arg6[%add3A_913] : memref<2097152xi32, #tpu.memory_space<hbm>> -> memref<8192xi32, #tpu.memory_space<hbm>>
        %dma_start3A_915 = tpu.memref_slice %arg6[%add3A_913] : memref<2097152xi32, #tpu.memory_space<hbm>> -> memref<8192xi32, #tpu.memory_space<hbm>>
        tpu.enqueue_dma source(%dma_start3A_915 : memref<8192xi32, #tpu.memory_space<hbm>>) target(%arg8 : memref<8192xi32, #tpu.memory_space<vmem>>) target_semaphore(%arg14 : memref<!tpu.dma_semaphore, #tpu.memory_space<semaphore_mem>>)
      } else {
      }
    }
    %scan3A_525 = arith.constant 8 : i32
    %multiple_of3A_526 = arith.constant 122880 : i32
    %multiple_of3A_527 = tpu.assume_multiple %multiple_of3A_526, 8192 : i32
    %dma_wait3A_528 = arith.constant 0 : i32
    %dma_wait3A_529 = tpu.memref_slice %arg12[%dma_wait3A_528] : memref<1048576xf32, #tpu.memory_space<vmem_shared>> -> memref<1048576xf32, #tpu.memory_space<vmem_shared>>
    tpu.wait_indirect_dma semaphore(%arg13 : memref<!tpu.dma_semaphore, #tpu.memory_space<semaphore_mem>>) src(%dma_wait3A_529 : memref<1048576xf32, #tpu.memory_space<vmem_shared>>) dst(%arg11 : memref<8192xf32, #tpu.memory_space<vmem>>)
    %add3A_530 = arith.addi %multiple_of3A, %multiple_of3A_527 : i32
    %dma_start3A_531 = arith.constant 0 : i32
    %dma_start3A_532 = arith.constant 2 : i32
    %dma_start3A_533 = arith.constant 0 : i32
    %dma_start3A_534 = arith.constant 0 : i32
    %dma_start3A_535 = tpu.memref_slice %arg4[%dma_start3A_531, %dma_start3A_533, %dma_start3A_534] : memref<2x4x2097152xf32, #tpu.memory_space<hbm>> -> memref<1x4x2097152xf32, #tpu.memory_space<hbm>>
    %dma_start3A_536 = tpu.memref_squeeze %dma_start3A_535 : memref<1x4x2097152xf32, #tpu.memory_space<hbm>> -> memref<4x2097152xf32, #tpu.memory_space<hbm>>
    %dma_start3A_537 = arith.constant 0 : i32
    %dma_start3A_538 = tpu.memref_slice %dma_start3A_536[%dma_start3A_532, %dma_start3A_537] : memref<4x2097152xf32, #tpu.memory_space<hbm>> -> memref<1x2097152xf32, #tpu.memory_space<hbm>>
    %dma_start3A_539 = tpu.memref_squeeze %dma_start3A_538 : memref<1x2097152xf32, #tpu.memory_space<hbm>> -> memref<2097152xf32, #tpu.memory_space<hbm>>
    %dma_start3A_540 = tpu.memref_slice %dma_start3A_539[%add3A_530] : memref<2097152xf32, #tpu.memory_space<hbm>> -> memref<8192xf32, #tpu.memory_space<hbm>>
    %dma_start3A_541 = arith.constant 0 : i32
    %dma_start3A_542 = arith.constant 0 : i32
    %dma_start3A_543 = tpu.memref_slice %arg4[%dma_start3A_531, %dma_start3A_541, %dma_start3A_542] : memref<2x4x2097152xf32, #tpu.memory_space<hbm>> -> memref<1x4x2097152xf32, #tpu.memory_space<hbm>>
    %dma_start3A_544 = tpu.memref_squeeze %dma_start3A_543 : memref<1x4x2097152xf32, #tpu.memory_space<hbm>> -> memref<4x2097152xf32, #tpu.memory_space<hbm>>
    %dma_start3A_545 = arith.constant 0 : i32
    %dma_start3A_546 = tpu.memref_slice %dma_start3A_544[%dma_start3A_532, %dma_start3A_545] : memref<4x2097152xf32, #tpu.memory_space<hbm>> -> memref<1x2097152xf32, #tpu.memory_space<hbm>>
    %dma_start3A_547 = tpu.memref_squeeze %dma_start3A_546 : memref<1x2097152xf32, #tpu.memory_space<hbm>> -> memref<2097152xf32, #tpu.memory_space<hbm>>
    %dma_start3A_548 = tpu.memref_slice %dma_start3A_547[%add3A_530] : memref<2097152xf32, #tpu.memory_space<hbm>> -> memref<8192xf32, #tpu.memory_space<hbm>>
    tpu.enqueue_dma source(%arg11 : memref<8192xf32, #tpu.memory_space<vmem>>) target(%dma_start3A_548 : memref<8192xf32, #tpu.memory_space<hbm>>) target_semaphore(%arg15 : memref<!tpu.dma_semaphore, #tpu.memory_space<semaphore_mem>>)
    %multiple_of3A_549 = arith.constant 114688 : i32
    %multiple_of3A_550 = tpu.assume_multiple %multiple_of3A_549, 8192 : i32
    %add3A_551 = arith.addi %multiple_of3A, %multiple_of3A_550 : i32
    %dma_wait3A_552 = arith.constant 0 : i32
    %dma_wait3A_553 = arith.constant 2 : i32
    %dma_wait3A_554 = arith.constant 0 : i32
    %dma_wait3A_555 = arith.constant 0 : i32
    %dma_wait3A_556 = tpu.memref_slice %arg4[%dma_wait3A_552, %dma_wait3A_554, %dma_wait3A_555] : memref<2x4x2097152xf32, #tpu.memory_space<hbm>> -> memref<1x4x2097152xf32, #tpu.memory_space<hbm>>
    %dma_wait3A_557 = tpu.memref_squeeze %dma_wait3A_556 : memref<1x4x2097152xf32, #tpu.memory_space<hbm>> -> memref<4x2097152xf32, #tpu.memory_space<hbm>>
    %dma_wait3A_558 = arith.constant 0 : i32
    %dma_wait3A_559 = tpu.memref_slice %dma_wait3A_557[%dma_wait3A_553, %dma_wait3A_558] : memref<4x2097152xf32, #tpu.memory_space<hbm>> -> memref<1x2097152xf32, #tpu.memory_space<hbm>>
    %dma_wait3A_560 = tpu.memref_squeeze %dma_wait3A_559 : memref<1x2097152xf32, #tpu.memory_space<hbm>> -> memref<2097152xf32, #tpu.memory_space<hbm>>
    %dma_wait3A_561 = tpu.memref_slice %dma_wait3A_560[%add3A_551] : memref<2097152xf32, #tpu.memory_space<hbm>> -> memref<8192xf32, #tpu.memory_space<hbm>>
    %dma_wait3A_562 = arith.constant 0 : i32
    %dma_wait3A_563 = arith.constant 0 : i32
    %dma_wait3A_564 = tpu.memref_slice %arg4[%dma_wait3A_552, %dma_wait3A_562, %dma_wait3A_563] : memref<2x4x2097152xf32, #tpu.memory_space<hbm>> -> memref<1x4x2097152xf32, #tpu.memory_space<hbm>>
    %dma_wait3A_565 = tpu.memref_squeeze %dma_wait3A_564 : memref<1x4x2097152xf32, #tpu.memory_space<hbm>> -> memref<4x2097152xf32, #tpu.memory_space<hbm>>
    %dma_wait3A_566 = arith.constant 0 : i32
    %dma_wait3A_567 = tpu.memref_slice %dma_wait3A_565[%dma_wait3A_553, %dma_wait3A_566] : memref<4x2097152xf32, #tpu.memory_space<hbm>> -> memref<1x2097152xf32, #tpu.memory_space<hbm>>
    %dma_wait3A_568 = tpu.memref_squeeze %dma_wait3A_567 : memref<1x2097152xf32, #tpu.memory_space<hbm>> -> memref<2097152xf32, #tpu.memory_space<hbm>>
    %dma_wait3A_569 = tpu.memref_slice %dma_wait3A_568[%add3A_551] : memref<2097152xf32, #tpu.memory_space<hbm>> -> memref<8192xf32, #tpu.memory_space<hbm>>
    tpu.wait_dma2 semaphore(%arg15 : memref<!tpu.dma_semaphore, #tpu.memory_space<semaphore_mem>>) src(%arg10 : memref<8192xf32, #tpu.memory_space<vmem>>) dst(%dma_wait3A_569 : memref<8192xf32, #tpu.memory_space<hbm>>)
    %add3A_570 = arith.addi %multiple_of3A, %multiple_of3A_527 : i32
    %dma_wait3A_571 = arith.constant 0 : i32
    %dma_wait3A_572 = arith.constant 2 : i32
    %dma_wait3A_573 = arith.constant 0 : i32
    %dma_wait3A_574 = arith.constant 0 : i32
    %dma_wait3A_575 = tpu.memref_slice %arg4[%dma_wait3A_571, %dma_wait3A_573, %dma_wait3A_574] : memref<2x4x2097152xf32, #tpu.memory_space<hbm>> -> memref<1x4x2097152xf32, #tpu.memory_space<hbm>>
    %dma_wait3A_576 = tpu.memref_squeeze %dma_wait3A_575 : memref<1x4x2097152xf32, #tpu.memory_space<hbm>> -> memref<4x2097152xf32, #tpu.memory_space<hbm>>
    %dma_wait3A_577 = arith.constant 0 : i32
    %dma_wait3A_578 = tpu.memref_slice %dma_wait3A_576[%dma_wait3A_572, %dma_wait3A_577] : memref<4x2097152xf32, #tpu.memory_space<hbm>> -> memref<1x2097152xf32, #tpu.memory_space<hbm>>
    %dma_wait3A_579 = tpu.memref_squeeze %dma_wait3A_578 : memref<1x2097152xf32, #tpu.memory_space<hbm>> -> memref<2097152xf32, #tpu.memory_space<hbm>>
    %dma_wait3A_580 = tpu.memref_slice %dma_wait3A_579[%add3A_570] : memref<2097152xf32, #tpu.memory_space<hbm>> -> memref<8192xf32, #tpu.memory_space<hbm>>
    %dma_wait3A_581 = arith.constant 0 : i32
    %dma_wait3A_582 = arith.constant 0 : i32
    %dma_wait3A_583 = tpu.memref_slice %arg4[%dma_wait3A_571, %dma_wait3A_581, %dma_wait3A_582] : memref<2x4x2097152xf32, #tpu.memory_space<hbm>> -> memref<1x4x2097152xf32, #tpu.memory_space<hbm>>
    %dma_wait3A_584 = tpu.memref_squeeze %dma_wait3A_583 : memref<1x4x2097152xf32, #tpu.memory_space<hbm>> -> memref<4x2097152xf32, #tpu.memory_space<hbm>>
    %dma_wait3A_585 = arith.constant 0 : i32
    %dma_wait3A_586 = tpu.memref_slice %dma_wait3A_584[%dma_wait3A_572, %dma_wait3A_585] : memref<4x2097152xf32, #tpu.memory_space<hbm>> -> memref<1x2097152xf32, #tpu.memory_space<hbm>>
    %dma_wait3A_587 = tpu.memref_squeeze %dma_wait3A_586 : memref<1x2097152xf32, #tpu.memory_space<hbm>> -> memref<2097152xf32, #tpu.memory_space<hbm>>
    %dma_wait3A_588 = tpu.memref_slice %dma_wait3A_587[%add3A_570] : memref<2097152xf32, #tpu.memory_space<hbm>> -> memref<8192xf32, #tpu.memory_space<hbm>>
    tpu.wait_dma2 semaphore(%arg15 : memref<!tpu.dma_semaphore, #tpu.memory_space<semaphore_mem>>) src(%arg11 : memref<8192xf32, #tpu.memory_space<vmem>>) dst(%dma_wait3A_588 : memref<8192xf32, #tpu.memory_space<hbm>>)
    %barrier3A_589 = arith.constant 0 : index
    tpu.barrier barrier_id(%barrier3A_589)
    %mul3A_590 = arith.constant 65536 : i32
    %mul3A_591 = arith.muli %arg1, %mul3A_590 : i32
    %add3A_592 = arith.constant 1048576 : i32
    %add3A_593 = arith.addi %add3A_592, %mul3A_591 : i32
    %multiple_of3A_594 = tpu.assume_multiple %add3A_593, 128 : i32
    %mul3A_595 = arith.constant 65536 : i32
    %mul3A_596 = arith.muli %arg1, %mul3A_595 : i32
    %multiple_of3A_597 = tpu.assume_multiple %mul3A_596, 128 : i32
    %run_scoped3A_598 = arith.constant 2 : i32
    "tpu.region"() ({
      %run_scoped3A_851 = tpu.sem_alloc : memref<!tpu.dma_semaphore, #tpu.memory_space<semaphore_mem>>
      %dma_start3A_852 = tpu.memref_slice %arg12[%multiple_of3A_597] : memref<1048576xf32, #tpu.memory_space<vmem_shared>> -> memref<65536xf32, #tpu.memory_space<vmem_shared>>
      %dma_start3A_853 = arith.constant 0 : i32
      %dma_start3A_854 = tpu.memref_slice %arg2[%run_scoped3A_598, %dma_start3A_853] : memref<4x2097152xf32, #tpu.memory_space<hbm>> -> memref<1x2097152xf32, #tpu.memory_space<hbm>>
      %dma_start3A_855 = tpu.memref_squeeze %dma_start3A_854 : memref<1x2097152xf32, #tpu.memory_space<hbm>> -> memref<2097152xf32, #tpu.memory_space<hbm>>
      %dma_start3A_856 = tpu.memref_slice %dma_start3A_855[%multiple_of3A_594] : memref<2097152xf32, #tpu.memory_space<hbm>> -> memref<65536xf32, #tpu.memory_space<hbm>>
      tpu.enqueue_dma source(%dma_start3A_856 : memref<65536xf32, #tpu.memory_space<hbm>>) target(%dma_start3A_852 : memref<65536xf32, #tpu.memory_space<vmem_shared>>) target_semaphore(%run_scoped3A_851 : memref<!tpu.dma_semaphore, #tpu.memory_space<semaphore_mem>>)
      %dma_wait3A_857 = tpu.memref_slice %arg12[%multiple_of3A_597] : memref<1048576xf32, #tpu.memory_space<vmem_shared>> -> memref<65536xf32, #tpu.memory_space<vmem_shared>>
      %dma_wait3A_858 = arith.constant 0 : i32
      %dma_wait3A_859 = tpu.memref_slice %arg2[%run_scoped3A_598, %dma_wait3A_858] : memref<4x2097152xf32, #tpu.memory_space<hbm>> -> memref<1x2097152xf32, #tpu.memory_space<hbm>>
      %dma_wait3A_860 = tpu.memref_squeeze %dma_wait3A_859 : memref<1x2097152xf32, #tpu.memory_space<hbm>> -> memref<2097152xf32, #tpu.memory_space<hbm>>
      %dma_wait3A_861 = tpu.memref_slice %dma_wait3A_860[%multiple_of3A_594] : memref<2097152xf32, #tpu.memory_space<hbm>> -> memref<65536xf32, #tpu.memory_space<hbm>>
      tpu.wait_dma2 semaphore(%run_scoped3A_851 : memref<!tpu.dma_semaphore, #tpu.memory_space<semaphore_mem>>) src(%dma_wait3A_861 : memref<65536xf32, #tpu.memory_space<hbm>>) dst(%dma_wait3A_857 : memref<65536xf32, #tpu.memory_space<vmem_shared>>)
      tpu.yield
    }) : () -> ()
    %barrier3A_599 = arith.constant 0 : index
    tpu.barrier barrier_id(%barrier3A_599)
    %eq3A_600 = arith.constant 1 : i32
    %eq3A_601 = arith.cmpi eq, %select_n3A, %eq3A_600 : i32
    %convert_element_type3A_602 = arith.extui %eq3A_601 : i1 to i32
    %cond3A_603 = arith.constant 0 : i32
    %cond3A_604 = arith.cmpi ne, %convert_element_type3A_602, %cond3A_603 : i32
    scf.if %cond3A_604 {
      %run_scoped3A_851 = arith.constant 2 : i32
      "tpu.region"() ({
        %run_scoped3A_852 = tpu.sem_alloc : memref<!tpu.dma_semaphore, #tpu.memory_space<semaphore_mem>>
        %dma_start3A_853 = arith.constant 0 : i32
        %dma_start3A_854 = tpu.memref_slice %arg5[%run_scoped3A_851, %dma_start3A_853] : memref<4x2097152xf32, #tpu.memory_space<hbm>> -> memref<1x2097152xf32, #tpu.memory_space<hbm>>
        %dma_start3A_855 = tpu.memref_squeeze %dma_start3A_854 : memref<1x2097152xf32, #tpu.memory_space<hbm>> -> memref<2097152xf32, #tpu.memory_space<hbm>>
        %dma_start3A_856 = tpu.memref_slice %dma_start3A_855[%multiple_of3A] : memref<2097152xf32, #tpu.memory_space<hbm>> -> memref<131072xf32, #tpu.memory_space<hbm>>
        %dma_start3A_857 = tpu.memref_slice %arg12[%multiple_of3A_161] : memref<1048576xf32, #tpu.memory_space<vmem_shared>> -> memref<131072xf32, #tpu.memory_space<vmem_shared>>
        tpu.enqueue_dma source(%dma_start3A_857 : memref<131072xf32, #tpu.memory_space<vmem_shared>>) target(%dma_start3A_856 : memref<131072xf32, #tpu.memory_space<hbm>>) target_semaphore(%run_scoped3A_852 : memref<!tpu.dma_semaphore, #tpu.memory_space<semaphore_mem>>)
        %dma_wait3A_858 = arith.constant 0 : i32
        %dma_wait3A_859 = tpu.memref_slice %arg5[%run_scoped3A_851, %dma_wait3A_858] : memref<4x2097152xf32, #tpu.memory_space<hbm>> -> memref<1x2097152xf32, #tpu.memory_space<hbm>>
        %dma_wait3A_860 = tpu.memref_squeeze %dma_wait3A_859 : memref<1x2097152xf32, #tpu.memory_space<hbm>> -> memref<2097152xf32, #tpu.memory_space<hbm>>
        %dma_wait3A_861 = tpu.memref_slice %dma_wait3A_860[%multiple_of3A] : memref<2097152xf32, #tpu.memory_space<hbm>> -> memref<131072xf32, #tpu.memory_space<hbm>>
        %dma_wait3A_862 = tpu.memref_slice %arg12[%multiple_of3A_161] : memref<1048576xf32, #tpu.memory_space<vmem_shared>> -> memref<131072xf32, #tpu.memory_space<vmem_shared>>
        tpu.wait_dma2 semaphore(%run_scoped3A_852 : memref<!tpu.dma_semaphore, #tpu.memory_space<semaphore_mem>>) src(%dma_wait3A_862 : memref<131072xf32, #tpu.memory_space<vmem_shared>>) dst(%dma_wait3A_861 : memref<131072xf32, #tpu.memory_space<hbm>>)
        tpu.yield
      }) : () -> ()
    } else {
    }
    %dma_start3A_605 = tpu.memref_slice %arg6[%multiple_of3A] : memref<2097152xi32, #tpu.memory_space<hbm>> -> memref<8192xi32, #tpu.memory_space<hbm>>
    %dma_start3A_606 = tpu.memref_slice %arg6[%multiple_of3A] : memref<2097152xi32, #tpu.memory_space<hbm>> -> memref<8192xi32, #tpu.memory_space<hbm>>
    tpu.enqueue_dma source(%dma_start3A_606 : memref<8192xi32, #tpu.memory_space<hbm>>) target(%arg8 : memref<8192xi32, #tpu.memory_space<vmem>>) target_semaphore(%arg14 : memref<!tpu.dma_semaphore, #tpu.memory_space<semaphore_mem>>)
    %scan3A_607 = arith.constant 0 : i32
    %scan3A_608 = arith.constant 0 : i32
    %scan3A_609 = arith.constant 8 : i32
    %scan3A_610 = arith.addi %scan3A_608, %scan3A_609 : i32
    %scan3A_611 = arith.constant 1 : i32
    scf.for %scan3A_851 = %scan3A_608 to %scan3A_610 step %scan3A_611  : i32 {
      %mul3A_852 = arith.constant 2 : i32
      %mul3A_853 = arith.muli %scan3A_851, %mul3A_852 : i32
      %add3A_854 = arith.constant 0 : i32
      %add3A_855 = arith.addi %mul3A_853, %add3A_854 : i32
      %mul3A_856 = arith.constant 8192 : i32
      %mul3A_857 = arith.muli %add3A_855, %mul3A_856 : i32
      %multiple_of3A_858 = tpu.assume_multiple %mul3A_857, 8192 : i32
      %gt3A = arith.constant 0 : i32
      %gt3A_859 = arith.cmpi sgt, %add3A_855, %gt3A : i32
      %convert_element_type3A_860 = arith.extui %gt3A_859 : i1 to i32
      %cond3A_861 = arith.constant 0 : i32
      %cond3A_862 = arith.cmpi ne, %convert_element_type3A_860, %cond3A_861 : i32
      scf.if %cond3A_862 {
        %sub3A_908 = arith.constant 1 : i32
        %sub3A_909 = arith.subi %add3A_855, %sub3A_908 : i32
        %mul3A_910 = arith.constant 8192 : i32
        %mul3A_911 = arith.muli %sub3A_909, %mul3A_910 : i32
        %multiple_of3A_912 = tpu.assume_multiple %mul3A_911, 8192 : i32
        %dma_wait3A_913 = arith.constant 0 : i32
        %dma_wait3A_914 = tpu.memref_slice %arg12[%dma_wait3A_913] : memref<1048576xf32, #tpu.memory_space<vmem_shared>> -> memref<1048576xf32, #tpu.memory_space<vmem_shared>>
        tpu.wait_indirect_dma semaphore(%arg13 : memref<!tpu.dma_semaphore, #tpu.memory_space<semaphore_mem>>) src(%dma_wait3A_914 : memref<1048576xf32, #tpu.memory_space<vmem_shared>>) dst(%arg11 : memref<8192xf32, #tpu.memory_space<vmem>>)
        %add3A_915 = arith.addi %multiple_of3A, %multiple_of3A_912 : i32
        %dma_start3A_916 = arith.constant 1 : i32
        %dma_start3A_917 = arith.constant 2 : i32
        %dma_start3A_918 = arith.constant 0 : i32
        %dma_start3A_919 = arith.constant 0 : i32
        %dma_start3A_920 = tpu.memref_slice %arg4[%dma_start3A_916, %dma_start3A_918, %dma_start3A_919] : memref<2x4x2097152xf32, #tpu.memory_space<hbm>> -> memref<1x4x2097152xf32, #tpu.memory_space<hbm>>
        %dma_start3A_921 = tpu.memref_squeeze %dma_start3A_920 : memref<1x4x2097152xf32, #tpu.memory_space<hbm>> -> memref<4x2097152xf32, #tpu.memory_space<hbm>>
        %dma_start3A_922 = arith.constant 0 : i32
        %dma_start3A_923 = tpu.memref_slice %dma_start3A_921[%dma_start3A_917, %dma_start3A_922] : memref<4x2097152xf32, #tpu.memory_space<hbm>> -> memref<1x2097152xf32, #tpu.memory_space<hbm>>
        %dma_start3A_924 = tpu.memref_squeeze %dma_start3A_923 : memref<1x2097152xf32, #tpu.memory_space<hbm>> -> memref<2097152xf32, #tpu.memory_space<hbm>>
        %dma_start3A_925 = tpu.memref_slice %dma_start3A_924[%add3A_915] : memref<2097152xf32, #tpu.memory_space<hbm>> -> memref<8192xf32, #tpu.memory_space<hbm>>
        %dma_start3A_926 = arith.constant 0 : i32
        %dma_start3A_927 = arith.constant 0 : i32
        %dma_start3A_928 = tpu.memref_slice %arg4[%dma_start3A_916, %dma_start3A_926, %dma_start3A_927] : memref<2x4x2097152xf32, #tpu.memory_space<hbm>> -> memref<1x4x2097152xf32, #tpu.memory_space<hbm>>
        %dma_start3A_929 = tpu.memref_squeeze %dma_start3A_928 : memref<1x4x2097152xf32, #tpu.memory_space<hbm>> -> memref<4x2097152xf32, #tpu.memory_space<hbm>>
        %dma_start3A_930 = arith.constant 0 : i32
        %dma_start3A_931 = tpu.memref_slice %dma_start3A_929[%dma_start3A_917, %dma_start3A_930] : memref<4x2097152xf32, #tpu.memory_space<hbm>> -> memref<1x2097152xf32, #tpu.memory_space<hbm>>
        %dma_start3A_932 = tpu.memref_squeeze %dma_start3A_931 : memref<1x2097152xf32, #tpu.memory_space<hbm>> -> memref<2097152xf32, #tpu.memory_space<hbm>>
        %dma_start3A_933 = tpu.memref_slice %dma_start3A_932[%add3A_915] : memref<2097152xf32, #tpu.memory_space<hbm>> -> memref<8192xf32, #tpu.memory_space<hbm>>
        tpu.enqueue_dma source(%arg11 : memref<8192xf32, #tpu.memory_space<vmem>>) target(%dma_start3A_933 : memref<8192xf32, #tpu.memory_space<hbm>>) target_semaphore(%arg15 : memref<!tpu.dma_semaphore, #tpu.memory_space<semaphore_mem>>)
      } else {
      }
      %gt3A_863 = arith.constant 1 : i32
      %gt3A_864 = arith.cmpi sgt, %add3A_855, %gt3A_863 : i32
      %convert_element_type3A_865 = arith.extui %gt3A_864 : i1 to i32
      %cond3A_866 = arith.constant 0 : i32
      %cond3A_867 = arith.cmpi ne, %convert_element_type3A_865, %cond3A_866 : i32
      scf.if %cond3A_867 {
        %sub3A_908 = arith.constant 2 : i32
        %sub3A_909 = arith.subi %add3A_855, %sub3A_908 : i32
        %mul3A_910 = arith.constant 8192 : i32
        %mul3A_911 = arith.muli %sub3A_909, %mul3A_910 : i32
        %multiple_of3A_912 = tpu.assume_multiple %mul3A_911, 8192 : i32
        %add3A_913 = arith.addi %multiple_of3A, %multiple_of3A_912 : i32
        %dma_wait3A_914 = arith.constant 1 : i32
        %dma_wait3A_915 = arith.constant 2 : i32
        %dma_wait3A_916 = arith.constant 0 : i32
        %dma_wait3A_917 = arith.constant 0 : i32
        %dma_wait3A_918 = tpu.memref_slice %arg4[%dma_wait3A_914, %dma_wait3A_916, %dma_wait3A_917] : memref<2x4x2097152xf32, #tpu.memory_space<hbm>> -> memref<1x4x2097152xf32, #tpu.memory_space<hbm>>
        %dma_wait3A_919 = tpu.memref_squeeze %dma_wait3A_918 : memref<1x4x2097152xf32, #tpu.memory_space<hbm>> -> memref<4x2097152xf32, #tpu.memory_space<hbm>>
        %dma_wait3A_920 = arith.constant 0 : i32
        %dma_wait3A_921 = tpu.memref_slice %dma_wait3A_919[%dma_wait3A_915, %dma_wait3A_920] : memref<4x2097152xf32, #tpu.memory_space<hbm>> -> memref<1x2097152xf32, #tpu.memory_space<hbm>>
        %dma_wait3A_922 = tpu.memref_squeeze %dma_wait3A_921 : memref<1x2097152xf32, #tpu.memory_space<hbm>> -> memref<2097152xf32, #tpu.memory_space<hbm>>
        %dma_wait3A_923 = tpu.memref_slice %dma_wait3A_922[%add3A_913] : memref<2097152xf32, #tpu.memory_space<hbm>> -> memref<8192xf32, #tpu.memory_space<hbm>>
        %dma_wait3A_924 = arith.constant 0 : i32
        %dma_wait3A_925 = arith.constant 0 : i32
        %dma_wait3A_926 = tpu.memref_slice %arg4[%dma_wait3A_914, %dma_wait3A_924, %dma_wait3A_925] : memref<2x4x2097152xf32, #tpu.memory_space<hbm>> -> memref<1x4x2097152xf32, #tpu.memory_space<hbm>>
        %dma_wait3A_927 = tpu.memref_squeeze %dma_wait3A_926 : memref<1x4x2097152xf32, #tpu.memory_space<hbm>> -> memref<4x2097152xf32, #tpu.memory_space<hbm>>
        %dma_wait3A_928 = arith.constant 0 : i32
        %dma_wait3A_929 = tpu.memref_slice %dma_wait3A_927[%dma_wait3A_915, %dma_wait3A_928] : memref<4x2097152xf32, #tpu.memory_space<hbm>> -> memref<1x2097152xf32, #tpu.memory_space<hbm>>
        %dma_wait3A_930 = tpu.memref_squeeze %dma_wait3A_929 : memref<1x2097152xf32, #tpu.memory_space<hbm>> -> memref<2097152xf32, #tpu.memory_space<hbm>>
        %dma_wait3A_931 = tpu.memref_slice %dma_wait3A_930[%add3A_913] : memref<2097152xf32, #tpu.memory_space<hbm>> -> memref<8192xf32, #tpu.memory_space<hbm>>
        tpu.wait_dma2 semaphore(%arg15 : memref<!tpu.dma_semaphore, #tpu.memory_space<semaphore_mem>>) src(%arg10 : memref<8192xf32, #tpu.memory_space<vmem>>) dst(%dma_wait3A_931 : memref<8192xf32, #tpu.memory_space<hbm>>)
      } else {
      }
      %add3A_868 = arith.addi %multiple_of3A, %multiple_of3A_858 : i32
      %dma_wait3A_869 = tpu.memref_slice %arg6[%add3A_868] : memref<2097152xi32, #tpu.memory_space<hbm>> -> memref<8192xi32, #tpu.memory_space<hbm>>
      %dma_wait3A_870 = tpu.memref_slice %arg6[%add3A_868] : memref<2097152xi32, #tpu.memory_space<hbm>> -> memref<8192xi32, #tpu.memory_space<hbm>>
      tpu.wait_dma2 semaphore(%arg14 : memref<!tpu.dma_semaphore, #tpu.memory_space<semaphore_mem>>) src(%dma_wait3A_870 : memref<8192xi32, #tpu.memory_space<hbm>>) dst(%arg8 : memref<8192xi32, #tpu.memory_space<vmem>>)
      %dma_start3A_871 = arith.constant 0 : i32
      %dma_start3A_872 = tpu.memref_slice %arg12[%dma_start3A_871] : memref<1048576xf32, #tpu.memory_space<vmem_shared>> -> memref<1048576xf32, #tpu.memory_space<vmem_shared>>
      tpu.enqueue_indirect_dma source(%dma_start3A_872 : memref<1048576xf32, #tpu.memory_space<vmem_shared>>) target(%arg10 : memref<8192xf32, #tpu.memory_space<vmem>>) offsets(%arg8 : memref<8192xi32, #tpu.memory_space<vmem>>) semaphore(%arg13 : memref<!tpu.dma_semaphore, #tpu.memory_space<semaphore_mem>>)
      %add3A_873 = arith.constant 1 : i32
      %add3A_874 = arith.addi %add3A_855, %add3A_873 : i32
      %lt3A = arith.constant 16 : i32
      %lt3A_875 = arith.cmpi slt, %add3A_874, %lt3A : i32
      %convert_element_type3A_876 = arith.extui %lt3A_875 : i1 to i32
      %cond3A_877 = arith.constant 0 : i32
      %cond3A_878 = arith.cmpi ne, %convert_element_type3A_876, %cond3A_877 : i32
      scf.if %cond3A_878 {
        %add3A_908 = arith.constant 1 : i32
        %add3A_909 = arith.addi %add3A_855, %add3A_908 : i32
        %mul3A_910 = arith.constant 8192 : i32
        %mul3A_911 = arith.muli %add3A_909, %mul3A_910 : i32
        %multiple_of3A_912 = tpu.assume_multiple %mul3A_911, 8192 : i32
        %add3A_913 = arith.addi %multiple_of3A, %multiple_of3A_912 : i32
        %dma_start3A_914 = tpu.memref_slice %arg6[%add3A_913] : memref<2097152xi32, #tpu.memory_space<hbm>> -> memref<8192xi32, #tpu.memory_space<hbm>>
        %dma_start3A_915 = tpu.memref_slice %arg6[%add3A_913] : memref<2097152xi32, #tpu.memory_space<hbm>> -> memref<8192xi32, #tpu.memory_space<hbm>>
        tpu.enqueue_dma source(%dma_start3A_915 : memref<8192xi32, #tpu.memory_space<hbm>>) target(%arg9 : memref<8192xi32, #tpu.memory_space<vmem>>) target_semaphore(%arg14 : memref<!tpu.dma_semaphore, #tpu.memory_space<semaphore_mem>>)
      } else {
      }
      %mul3A_879 = arith.constant 2 : i32
      %mul3A_880 = arith.muli %scan3A_851, %mul3A_879 : i32
      %add3A_881 = arith.constant 1 : i32
      %add3A_882 = arith.addi %mul3A_880, %add3A_881 : i32
      %mul3A_883 = arith.constant 8192 : i32
      %mul3A_884 = arith.muli %add3A_882, %mul3A_883 : i32
      %multiple_of3A_885 = tpu.assume_multiple %mul3A_884, 8192 : i32
      %gt3A_886 = arith.constant 0 : i32
      %gt3A_887 = arith.cmpi sgt, %add3A_882, %gt3A_886 : i32
      %convert_element_type3A_888 = arith.extui %gt3A_887 : i1 to i32
      %cond3A_889 = arith.constant 0 : i32
      %cond3A_890 = arith.cmpi ne, %convert_element_type3A_888, %cond3A_889 : i32
      scf.if %cond3A_890 {
        %sub3A_908 = arith.constant 1 : i32
        %sub3A_909 = arith.subi %add3A_882, %sub3A_908 : i32
        %mul3A_910 = arith.constant 8192 : i32
        %mul3A_911 = arith.muli %sub3A_909, %mul3A_910 : i32
        %multiple_of3A_912 = tpu.assume_multiple %mul3A_911, 8192 : i32
        %dma_wait3A_913 = arith.constant 0 : i32
        %dma_wait3A_914 = tpu.memref_slice %arg12[%dma_wait3A_913] : memref<1048576xf32, #tpu.memory_space<vmem_shared>> -> memref<1048576xf32, #tpu.memory_space<vmem_shared>>
        tpu.wait_indirect_dma semaphore(%arg13 : memref<!tpu.dma_semaphore, #tpu.memory_space<semaphore_mem>>) src(%dma_wait3A_914 : memref<1048576xf32, #tpu.memory_space<vmem_shared>>) dst(%arg10 : memref<8192xf32, #tpu.memory_space<vmem>>)
        %add3A_915 = arith.addi %multiple_of3A, %multiple_of3A_912 : i32
        %dma_start3A_916 = arith.constant 1 : i32
        %dma_start3A_917 = arith.constant 2 : i32
        %dma_start3A_918 = arith.constant 0 : i32
        %dma_start3A_919 = arith.constant 0 : i32
        %dma_start3A_920 = tpu.memref_slice %arg4[%dma_start3A_916, %dma_start3A_918, %dma_start3A_919] : memref<2x4x2097152xf32, #tpu.memory_space<hbm>> -> memref<1x4x2097152xf32, #tpu.memory_space<hbm>>
        %dma_start3A_921 = tpu.memref_squeeze %dma_start3A_920 : memref<1x4x2097152xf32, #tpu.memory_space<hbm>> -> memref<4x2097152xf32, #tpu.memory_space<hbm>>
        %dma_start3A_922 = arith.constant 0 : i32
        %dma_start3A_923 = tpu.memref_slice %dma_start3A_921[%dma_start3A_917, %dma_start3A_922] : memref<4x2097152xf32, #tpu.memory_space<hbm>> -> memref<1x2097152xf32, #tpu.memory_space<hbm>>
        %dma_start3A_924 = tpu.memref_squeeze %dma_start3A_923 : memref<1x2097152xf32, #tpu.memory_space<hbm>> -> memref<2097152xf32, #tpu.memory_space<hbm>>
        %dma_start3A_925 = tpu.memref_slice %dma_start3A_924[%add3A_915] : memref<2097152xf32, #tpu.memory_space<hbm>> -> memref<8192xf32, #tpu.memory_space<hbm>>
        %dma_start3A_926 = arith.constant 0 : i32
        %dma_start3A_927 = arith.constant 0 : i32
        %dma_start3A_928 = tpu.memref_slice %arg4[%dma_start3A_916, %dma_start3A_926, %dma_start3A_927] : memref<2x4x2097152xf32, #tpu.memory_space<hbm>> -> memref<1x4x2097152xf32, #tpu.memory_space<hbm>>
        %dma_start3A_929 = tpu.memref_squeeze %dma_start3A_928 : memref<1x4x2097152xf32, #tpu.memory_space<hbm>> -> memref<4x2097152xf32, #tpu.memory_space<hbm>>
        %dma_start3A_930 = arith.constant 0 : i32
        %dma_start3A_931 = tpu.memref_slice %dma_start3A_929[%dma_start3A_917, %dma_start3A_930] : memref<4x2097152xf32, #tpu.memory_space<hbm>> -> memref<1x2097152xf32, #tpu.memory_space<hbm>>
        %dma_start3A_932 = tpu.memref_squeeze %dma_start3A_931 : memref<1x2097152xf32, #tpu.memory_space<hbm>> -> memref<2097152xf32, #tpu.memory_space<hbm>>
        %dma_start3A_933 = tpu.memref_slice %dma_start3A_932[%add3A_915] : memref<2097152xf32, #tpu.memory_space<hbm>> -> memref<8192xf32, #tpu.memory_space<hbm>>
        tpu.enqueue_dma source(%arg10 : memref<8192xf32, #tpu.memory_space<vmem>>) target(%dma_start3A_933 : memref<8192xf32, #tpu.memory_space<hbm>>) target_semaphore(%arg15 : memref<!tpu.dma_semaphore, #tpu.memory_space<semaphore_mem>>)
      } else {
      }
      %gt3A_891 = arith.constant 1 : i32
      %gt3A_892 = arith.cmpi sgt, %add3A_882, %gt3A_891 : i32
      %convert_element_type3A_893 = arith.extui %gt3A_892 : i1 to i32
      %cond3A_894 = arith.constant 0 : i32
      %cond3A_895 = arith.cmpi ne, %convert_element_type3A_893, %cond3A_894 : i32
      scf.if %cond3A_895 {
        %sub3A_908 = arith.constant 2 : i32
        %sub3A_909 = arith.subi %add3A_882, %sub3A_908 : i32
        %mul3A_910 = arith.constant 8192 : i32
        %mul3A_911 = arith.muli %sub3A_909, %mul3A_910 : i32
        %multiple_of3A_912 = tpu.assume_multiple %mul3A_911, 8192 : i32
        %add3A_913 = arith.addi %multiple_of3A, %multiple_of3A_912 : i32
        %dma_wait3A_914 = arith.constant 1 : i32
        %dma_wait3A_915 = arith.constant 2 : i32
        %dma_wait3A_916 = arith.constant 0 : i32
        %dma_wait3A_917 = arith.constant 0 : i32
        %dma_wait3A_918 = tpu.memref_slice %arg4[%dma_wait3A_914, %dma_wait3A_916, %dma_wait3A_917] : memref<2x4x2097152xf32, #tpu.memory_space<hbm>> -> memref<1x4x2097152xf32, #tpu.memory_space<hbm>>
        %dma_wait3A_919 = tpu.memref_squeeze %dma_wait3A_918 : memref<1x4x2097152xf32, #tpu.memory_space<hbm>> -> memref<4x2097152xf32, #tpu.memory_space<hbm>>
        %dma_wait3A_920 = arith.constant 0 : i32
        %dma_wait3A_921 = tpu.memref_slice %dma_wait3A_919[%dma_wait3A_915, %dma_wait3A_920] : memref<4x2097152xf32, #tpu.memory_space<hbm>> -> memref<1x2097152xf32, #tpu.memory_space<hbm>>
        %dma_wait3A_922 = tpu.memref_squeeze %dma_wait3A_921 : memref<1x2097152xf32, #tpu.memory_space<hbm>> -> memref<2097152xf32, #tpu.memory_space<hbm>>
        %dma_wait3A_923 = tpu.memref_slice %dma_wait3A_922[%add3A_913] : memref<2097152xf32, #tpu.memory_space<hbm>> -> memref<8192xf32, #tpu.memory_space<hbm>>
        %dma_wait3A_924 = arith.constant 0 : i32
        %dma_wait3A_925 = arith.constant 0 : i32
        %dma_wait3A_926 = tpu.memref_slice %arg4[%dma_wait3A_914, %dma_wait3A_924, %dma_wait3A_925] : memref<2x4x2097152xf32, #tpu.memory_space<hbm>> -> memref<1x4x2097152xf32, #tpu.memory_space<hbm>>
        %dma_wait3A_927 = tpu.memref_squeeze %dma_wait3A_926 : memref<1x4x2097152xf32, #tpu.memory_space<hbm>> -> memref<4x2097152xf32, #tpu.memory_space<hbm>>
        %dma_wait3A_928 = arith.constant 0 : i32
        %dma_wait3A_929 = tpu.memref_slice %dma_wait3A_927[%dma_wait3A_915, %dma_wait3A_928] : memref<4x2097152xf32, #tpu.memory_space<hbm>> -> memref<1x2097152xf32, #tpu.memory_space<hbm>>
        %dma_wait3A_930 = tpu.memref_squeeze %dma_wait3A_929 : memref<1x2097152xf32, #tpu.memory_space<hbm>> -> memref<2097152xf32, #tpu.memory_space<hbm>>
        %dma_wait3A_931 = tpu.memref_slice %dma_wait3A_930[%add3A_913] : memref<2097152xf32, #tpu.memory_space<hbm>> -> memref<8192xf32, #tpu.memory_space<hbm>>
        tpu.wait_dma2 semaphore(%arg15 : memref<!tpu.dma_semaphore, #tpu.memory_space<semaphore_mem>>) src(%arg11 : memref<8192xf32, #tpu.memory_space<vmem>>) dst(%dma_wait3A_931 : memref<8192xf32, #tpu.memory_space<hbm>>)
      } else {
      }
      %add3A_896 = arith.addi %multiple_of3A, %multiple_of3A_885 : i32
      %dma_wait3A_897 = tpu.memref_slice %arg6[%add3A_896] : memref<2097152xi32, #tpu.memory_space<hbm>> -> memref<8192xi32, #tpu.memory_space<hbm>>
      %dma_wait3A_898 = tpu.memref_slice %arg6[%add3A_896] : memref<2097152xi32, #tpu.memory_space<hbm>> -> memref<8192xi32, #tpu.memory_space<hbm>>
      tpu.wait_dma2 semaphore(%arg14 : memref<!tpu.dma_semaphore, #tpu.memory_space<semaphore_mem>>) src(%dma_wait3A_898 : memref<8192xi32, #tpu.memory_space<hbm>>) dst(%arg9 : memref<8192xi32, #tpu.memory_space<vmem>>)
      %dma_start3A_899 = arith.constant 0 : i32
      %dma_start3A_900 = tpu.memref_slice %arg12[%dma_start3A_899] : memref<1048576xf32, #tpu.memory_space<vmem_shared>> -> memref<1048576xf32, #tpu.memory_space<vmem_shared>>
      tpu.enqueue_indirect_dma source(%dma_start3A_900 : memref<1048576xf32, #tpu.memory_space<vmem_shared>>) target(%arg11 : memref<8192xf32, #tpu.memory_space<vmem>>) offsets(%arg9 : memref<8192xi32, #tpu.memory_space<vmem>>) semaphore(%arg13 : memref<!tpu.dma_semaphore, #tpu.memory_space<semaphore_mem>>)
      %add3A_901 = arith.constant 1 : i32
      %add3A_902 = arith.addi %add3A_882, %add3A_901 : i32
      %lt3A_903 = arith.constant 16 : i32
      %lt3A_904 = arith.cmpi slt, %add3A_902, %lt3A_903 : i32
      %convert_element_type3A_905 = arith.extui %lt3A_904 : i1 to i32
      %cond3A_906 = arith.constant 0 : i32
      %cond3A_907 = arith.cmpi ne, %convert_element_type3A_905, %cond3A_906 : i32
      scf.if %cond3A_907 {
        %add3A_908 = arith.constant 1 : i32
        %add3A_909 = arith.addi %add3A_882, %add3A_908 : i32
        %mul3A_910 = arith.constant 8192 : i32
        %mul3A_911 = arith.muli %add3A_909, %mul3A_910 : i32
        %multiple_of3A_912 = tpu.assume_multiple %mul3A_911, 8192 : i32
        %add3A_913 = arith.addi %multiple_of3A, %multiple_of3A_912 : i32
        %dma_start3A_914 = tpu.memref_slice %arg6[%add3A_913] : memref<2097152xi32, #tpu.memory_space<hbm>> -> memref<8192xi32, #tpu.memory_space<hbm>>
        %dma_start3A_915 = tpu.memref_slice %arg6[%add3A_913] : memref<2097152xi32, #tpu.memory_space<hbm>> -> memref<8192xi32, #tpu.memory_space<hbm>>
        tpu.enqueue_dma source(%dma_start3A_915 : memref<8192xi32, #tpu.memory_space<hbm>>) target(%arg8 : memref<8192xi32, #tpu.memory_space<vmem>>) target_semaphore(%arg14 : memref<!tpu.dma_semaphore, #tpu.memory_space<semaphore_mem>>)
      } else {
      }
    }
    %scan3A_612 = arith.constant 8 : i32
    %multiple_of3A_613 = arith.constant 122880 : i32
    %multiple_of3A_614 = tpu.assume_multiple %multiple_of3A_613, 8192 : i32
    %dma_wait3A_615 = arith.constant 0 : i32
    %dma_wait3A_616 = tpu.memref_slice %arg12[%dma_wait3A_615] : memref<1048576xf32, #tpu.memory_space<vmem_shared>> -> memref<1048576xf32, #tpu.memory_space<vmem_shared>>
    tpu.wait_indirect_dma semaphore(%arg13 : memref<!tpu.dma_semaphore, #tpu.memory_space<semaphore_mem>>) src(%dma_wait3A_616 : memref<1048576xf32, #tpu.memory_space<vmem_shared>>) dst(%arg11 : memref<8192xf32, #tpu.memory_space<vmem>>)
    %add3A_617 = arith.addi %multiple_of3A, %multiple_of3A_614 : i32
    %dma_start3A_618 = arith.constant 1 : i32
    %dma_start3A_619 = arith.constant 2 : i32
    %dma_start3A_620 = arith.constant 0 : i32
    %dma_start3A_621 = arith.constant 0 : i32
    %dma_start3A_622 = tpu.memref_slice %arg4[%dma_start3A_618, %dma_start3A_620, %dma_start3A_621] : memref<2x4x2097152xf32, #tpu.memory_space<hbm>> -> memref<1x4x2097152xf32, #tpu.memory_space<hbm>>
    %dma_start3A_623 = tpu.memref_squeeze %dma_start3A_622 : memref<1x4x2097152xf32, #tpu.memory_space<hbm>> -> memref<4x2097152xf32, #tpu.memory_space<hbm>>
    %dma_start3A_624 = arith.constant 0 : i32
    %dma_start3A_625 = tpu.memref_slice %dma_start3A_623[%dma_start3A_619, %dma_start3A_624] : memref<4x2097152xf32, #tpu.memory_space<hbm>> -> memref<1x2097152xf32, #tpu.memory_space<hbm>>
    %dma_start3A_626 = tpu.memref_squeeze %dma_start3A_625 : memref<1x2097152xf32, #tpu.memory_space<hbm>> -> memref<2097152xf32, #tpu.memory_space<hbm>>
    %dma_start3A_627 = tpu.memref_slice %dma_start3A_626[%add3A_617] : memref<2097152xf32, #tpu.memory_space<hbm>> -> memref<8192xf32, #tpu.memory_space<hbm>>
    %dma_start3A_628 = arith.constant 0 : i32
    %dma_start3A_629 = arith.constant 0 : i32
    %dma_start3A_630 = tpu.memref_slice %arg4[%dma_start3A_618, %dma_start3A_628, %dma_start3A_629] : memref<2x4x2097152xf32, #tpu.memory_space<hbm>> -> memref<1x4x2097152xf32, #tpu.memory_space<hbm>>
    %dma_start3A_631 = tpu.memref_squeeze %dma_start3A_630 : memref<1x4x2097152xf32, #tpu.memory_space<hbm>> -> memref<4x2097152xf32, #tpu.memory_space<hbm>>
    %dma_start3A_632 = arith.constant 0 : i32
    %dma_start3A_633 = tpu.memref_slice %dma_start3A_631[%dma_start3A_619, %dma_start3A_632] : memref<4x2097152xf32, #tpu.memory_space<hbm>> -> memref<1x2097152xf32, #tpu.memory_space<hbm>>
    %dma_start3A_634 = tpu.memref_squeeze %dma_start3A_633 : memref<1x2097152xf32, #tpu.memory_space<hbm>> -> memref<2097152xf32, #tpu.memory_space<hbm>>
    %dma_start3A_635 = tpu.memref_slice %dma_start3A_634[%add3A_617] : memref<2097152xf32, #tpu.memory_space<hbm>> -> memref<8192xf32, #tpu.memory_space<hbm>>
    tpu.enqueue_dma source(%arg11 : memref<8192xf32, #tpu.memory_space<vmem>>) target(%dma_start3A_635 : memref<8192xf32, #tpu.memory_space<hbm>>) target_semaphore(%arg15 : memref<!tpu.dma_semaphore, #tpu.memory_space<semaphore_mem>>)
    %multiple_of3A_636 = arith.constant 114688 : i32
    %multiple_of3A_637 = tpu.assume_multiple %multiple_of3A_636, 8192 : i32
    %add3A_638 = arith.addi %multiple_of3A, %multiple_of3A_637 : i32
    %dma_wait3A_639 = arith.constant 1 : i32
    %dma_wait3A_640 = arith.constant 2 : i32
    %dma_wait3A_641 = arith.constant 0 : i32
    %dma_wait3A_642 = arith.constant 0 : i32
    %dma_wait3A_643 = tpu.memref_slice %arg4[%dma_wait3A_639, %dma_wait3A_641, %dma_wait3A_642] : memref<2x4x2097152xf32, #tpu.memory_space<hbm>> -> memref<1x4x2097152xf32, #tpu.memory_space<hbm>>
    %dma_wait3A_644 = tpu.memref_squeeze %dma_wait3A_643 : memref<1x4x2097152xf32, #tpu.memory_space<hbm>> -> memref<4x2097152xf32, #tpu.memory_space<hbm>>
    %dma_wait3A_645 = arith.constant 0 : i32
    %dma_wait3A_646 = tpu.memref_slice %dma_wait3A_644[%dma_wait3A_640, %dma_wait3A_645] : memref<4x2097152xf32, #tpu.memory_space<hbm>> -> memref<1x2097152xf32, #tpu.memory_space<hbm>>
    %dma_wait3A_647 = tpu.memref_squeeze %dma_wait3A_646 : memref<1x2097152xf32, #tpu.memory_space<hbm>> -> memref<2097152xf32, #tpu.memory_space<hbm>>
    %dma_wait3A_648 = tpu.memref_slice %dma_wait3A_647[%add3A_638] : memref<2097152xf32, #tpu.memory_space<hbm>> -> memref<8192xf32, #tpu.memory_space<hbm>>
    %dma_wait3A_649 = arith.constant 0 : i32
    %dma_wait3A_650 = arith.constant 0 : i32
    %dma_wait3A_651 = tpu.memref_slice %arg4[%dma_wait3A_639, %dma_wait3A_649, %dma_wait3A_650] : memref<2x4x2097152xf32, #tpu.memory_space<hbm>> -> memref<1x4x2097152xf32, #tpu.memory_space<hbm>>
    %dma_wait3A_652 = tpu.memref_squeeze %dma_wait3A_651 : memref<1x4x2097152xf32, #tpu.memory_space<hbm>> -> memref<4x2097152xf32, #tpu.memory_space<hbm>>
    %dma_wait3A_653 = arith.constant 0 : i32
    %dma_wait3A_654 = tpu.memref_slice %dma_wait3A_652[%dma_wait3A_640, %dma_wait3A_653] : memref<4x2097152xf32, #tpu.memory_space<hbm>> -> memref<1x2097152xf32, #tpu.memory_space<hbm>>
    %dma_wait3A_655 = tpu.memref_squeeze %dma_wait3A_654 : memref<1x2097152xf32, #tpu.memory_space<hbm>> -> memref<2097152xf32, #tpu.memory_space<hbm>>
    %dma_wait3A_656 = tpu.memref_slice %dma_wait3A_655[%add3A_638] : memref<2097152xf32, #tpu.memory_space<hbm>> -> memref<8192xf32, #tpu.memory_space<hbm>>
    tpu.wait_dma2 semaphore(%arg15 : memref<!tpu.dma_semaphore, #tpu.memory_space<semaphore_mem>>) src(%arg10 : memref<8192xf32, #tpu.memory_space<vmem>>) dst(%dma_wait3A_656 : memref<8192xf32, #tpu.memory_space<hbm>>)
    %add3A_657 = arith.addi %multiple_of3A, %multiple_of3A_614 : i32
    %dma_wait3A_658 = arith.constant 1 : i32
    %dma_wait3A_659 = arith.constant 2 : i32
    %dma_wait3A_660 = arith.constant 0 : i32
    %dma_wait3A_661 = arith.constant 0 : i32
    %dma_wait3A_662 = tpu.memref_slice %arg4[%dma_wait3A_658, %dma_wait3A_660, %dma_wait3A_661] : memref<2x4x2097152xf32, #tpu.memory_space<hbm>> -> memref<1x4x2097152xf32, #tpu.memory_space<hbm>>
    %dma_wait3A_663 = tpu.memref_squeeze %dma_wait3A_662 : memref<1x4x2097152xf32, #tpu.memory_space<hbm>> -> memref<4x2097152xf32, #tpu.memory_space<hbm>>
    %dma_wait3A_664 = arith.constant 0 : i32
    %dma_wait3A_665 = tpu.memref_slice %dma_wait3A_663[%dma_wait3A_659, %dma_wait3A_664] : memref<4x2097152xf32, #tpu.memory_space<hbm>> -> memref<1x2097152xf32, #tpu.memory_space<hbm>>
    %dma_wait3A_666 = tpu.memref_squeeze %dma_wait3A_665 : memref<1x2097152xf32, #tpu.memory_space<hbm>> -> memref<2097152xf32, #tpu.memory_space<hbm>>
    %dma_wait3A_667 = tpu.memref_slice %dma_wait3A_666[%add3A_657] : memref<2097152xf32, #tpu.memory_space<hbm>> -> memref<8192xf32, #tpu.memory_space<hbm>>
    %dma_wait3A_668 = arith.constant 0 : i32
    %dma_wait3A_669 = arith.constant 0 : i32
    %dma_wait3A_670 = tpu.memref_slice %arg4[%dma_wait3A_658, %dma_wait3A_668, %dma_wait3A_669] : memref<2x4x2097152xf32, #tpu.memory_space<hbm>> -> memref<1x4x2097152xf32, #tpu.memory_space<hbm>>
    %dma_wait3A_671 = tpu.memref_squeeze %dma_wait3A_670 : memref<1x4x2097152xf32, #tpu.memory_space<hbm>> -> memref<4x2097152xf32, #tpu.memory_space<hbm>>
    %dma_wait3A_672 = arith.constant 0 : i32
    %dma_wait3A_673 = tpu.memref_slice %dma_wait3A_671[%dma_wait3A_659, %dma_wait3A_672] : memref<4x2097152xf32, #tpu.memory_space<hbm>> -> memref<1x2097152xf32, #tpu.memory_space<hbm>>
    %dma_wait3A_674 = tpu.memref_squeeze %dma_wait3A_673 : memref<1x2097152xf32, #tpu.memory_space<hbm>> -> memref<2097152xf32, #tpu.memory_space<hbm>>
    %dma_wait3A_675 = tpu.memref_slice %dma_wait3A_674[%add3A_657] : memref<2097152xf32, #tpu.memory_space<hbm>> -> memref<8192xf32, #tpu.memory_space<hbm>>
    tpu.wait_dma2 semaphore(%arg15 : memref<!tpu.dma_semaphore, #tpu.memory_space<semaphore_mem>>) src(%arg11 : memref<8192xf32, #tpu.memory_space<vmem>>) dst(%dma_wait3A_675 : memref<8192xf32, #tpu.memory_space<hbm>>)
    %barrier3A_676 = arith.constant 0 : index
    tpu.barrier barrier_id(%barrier3A_676)
    %mul3A_677 = arith.constant 65536 : i32
    %mul3A_678 = arith.muli %arg1, %mul3A_677 : i32
    %add3A_679 = arith.constant 0 : i32
    %add3A_680 = arith.addi %add3A_679, %mul3A_678 : i32
    %multiple_of3A_681 = tpu.assume_multiple %add3A_680, 128 : i32
    %mul3A_682 = arith.constant 65536 : i32
    %mul3A_683 = arith.muli %arg1, %mul3A_682 : i32
    %multiple_of3A_684 = tpu.assume_multiple %mul3A_683, 128 : i32
    %run_scoped3A_685 = arith.constant 3 : i32
    "tpu.region"() ({
      %run_scoped3A_851 = tpu.sem_alloc : memref<!tpu.dma_semaphore, #tpu.memory_space<semaphore_mem>>
      %dma_start3A_852 = tpu.memref_slice %arg12[%multiple_of3A_684] : memref<1048576xf32, #tpu.memory_space<vmem_shared>> -> memref<65536xf32, #tpu.memory_space<vmem_shared>>
      %dma_start3A_853 = arith.constant 0 : i32
      %dma_start3A_854 = tpu.memref_slice %arg2[%run_scoped3A_685, %dma_start3A_853] : memref<4x2097152xf32, #tpu.memory_space<hbm>> -> memref<1x2097152xf32, #tpu.memory_space<hbm>>
      %dma_start3A_855 = tpu.memref_squeeze %dma_start3A_854 : memref<1x2097152xf32, #tpu.memory_space<hbm>> -> memref<2097152xf32, #tpu.memory_space<hbm>>
      %dma_start3A_856 = tpu.memref_slice %dma_start3A_855[%multiple_of3A_681] : memref<2097152xf32, #tpu.memory_space<hbm>> -> memref<65536xf32, #tpu.memory_space<hbm>>
      tpu.enqueue_dma source(%dma_start3A_856 : memref<65536xf32, #tpu.memory_space<hbm>>) target(%dma_start3A_852 : memref<65536xf32, #tpu.memory_space<vmem_shared>>) target_semaphore(%run_scoped3A_851 : memref<!tpu.dma_semaphore, #tpu.memory_space<semaphore_mem>>)
      %dma_wait3A_857 = tpu.memref_slice %arg12[%multiple_of3A_684] : memref<1048576xf32, #tpu.memory_space<vmem_shared>> -> memref<65536xf32, #tpu.memory_space<vmem_shared>>
      %dma_wait3A_858 = arith.constant 0 : i32
      %dma_wait3A_859 = tpu.memref_slice %arg2[%run_scoped3A_685, %dma_wait3A_858] : memref<4x2097152xf32, #tpu.memory_space<hbm>> -> memref<1x2097152xf32, #tpu.memory_space<hbm>>
      %dma_wait3A_860 = tpu.memref_squeeze %dma_wait3A_859 : memref<1x2097152xf32, #tpu.memory_space<hbm>> -> memref<2097152xf32, #tpu.memory_space<hbm>>
      %dma_wait3A_861 = tpu.memref_slice %dma_wait3A_860[%multiple_of3A_681] : memref<2097152xf32, #tpu.memory_space<hbm>> -> memref<65536xf32, #tpu.memory_space<hbm>>
      tpu.wait_dma2 semaphore(%run_scoped3A_851 : memref<!tpu.dma_semaphore, #tpu.memory_space<semaphore_mem>>) src(%dma_wait3A_861 : memref<65536xf32, #tpu.memory_space<hbm>>) dst(%dma_wait3A_857 : memref<65536xf32, #tpu.memory_space<vmem_shared>>)
      tpu.yield
    }) : () -> ()
    %barrier3A_686 = arith.constant 0 : index
    tpu.barrier barrier_id(%barrier3A_686)
    %eq3A_687 = arith.constant 0 : i32
    %eq3A_688 = arith.cmpi eq, %select_n3A, %eq3A_687 : i32
    %convert_element_type3A_689 = arith.extui %eq3A_688 : i1 to i32
    %cond3A_690 = arith.constant 0 : i32
    %cond3A_691 = arith.cmpi ne, %convert_element_type3A_689, %cond3A_690 : i32
    scf.if %cond3A_691 {
      %run_scoped3A_851 = arith.constant 3 : i32
      "tpu.region"() ({
        %run_scoped3A_852 = tpu.sem_alloc : memref<!tpu.dma_semaphore, #tpu.memory_space<semaphore_mem>>
        %dma_start3A_853 = arith.constant 0 : i32
        %dma_start3A_854 = tpu.memref_slice %arg5[%run_scoped3A_851, %dma_start3A_853] : memref<4x2097152xf32, #tpu.memory_space<hbm>> -> memref<1x2097152xf32, #tpu.memory_space<hbm>>
        %dma_start3A_855 = tpu.memref_squeeze %dma_start3A_854 : memref<1x2097152xf32, #tpu.memory_space<hbm>> -> memref<2097152xf32, #tpu.memory_space<hbm>>
        %dma_start3A_856 = tpu.memref_slice %dma_start3A_855[%multiple_of3A] : memref<2097152xf32, #tpu.memory_space<hbm>> -> memref<131072xf32, #tpu.memory_space<hbm>>
        %dma_start3A_857 = tpu.memref_slice %arg12[%multiple_of3A_161] : memref<1048576xf32, #tpu.memory_space<vmem_shared>> -> memref<131072xf32, #tpu.memory_space<vmem_shared>>
        tpu.enqueue_dma source(%dma_start3A_857 : memref<131072xf32, #tpu.memory_space<vmem_shared>>) target(%dma_start3A_856 : memref<131072xf32, #tpu.memory_space<hbm>>) target_semaphore(%run_scoped3A_852 : memref<!tpu.dma_semaphore, #tpu.memory_space<semaphore_mem>>)
        %dma_wait3A_858 = arith.constant 0 : i32
        %dma_wait3A_859 = tpu.memref_slice %arg5[%run_scoped3A_851, %dma_wait3A_858] : memref<4x2097152xf32, #tpu.memory_space<hbm>> -> memref<1x2097152xf32, #tpu.memory_space<hbm>>
        %dma_wait3A_860 = tpu.memref_squeeze %dma_wait3A_859 : memref<1x2097152xf32, #tpu.memory_space<hbm>> -> memref<2097152xf32, #tpu.memory_space<hbm>>
        %dma_wait3A_861 = tpu.memref_slice %dma_wait3A_860[%multiple_of3A] : memref<2097152xf32, #tpu.memory_space<hbm>> -> memref<131072xf32, #tpu.memory_space<hbm>>
        %dma_wait3A_862 = tpu.memref_slice %arg12[%multiple_of3A_161] : memref<1048576xf32, #tpu.memory_space<vmem_shared>> -> memref<131072xf32, #tpu.memory_space<vmem_shared>>
        tpu.wait_dma2 semaphore(%run_scoped3A_852 : memref<!tpu.dma_semaphore, #tpu.memory_space<semaphore_mem>>) src(%dma_wait3A_862 : memref<131072xf32, #tpu.memory_space<vmem_shared>>) dst(%dma_wait3A_861 : memref<131072xf32, #tpu.memory_space<hbm>>)
        tpu.yield
      }) : () -> ()
    } else {
    }
    %dma_start3A_692 = tpu.memref_slice %arg6[%multiple_of3A] : memref<2097152xi32, #tpu.memory_space<hbm>> -> memref<8192xi32, #tpu.memory_space<hbm>>
    %dma_start3A_693 = tpu.memref_slice %arg6[%multiple_of3A] : memref<2097152xi32, #tpu.memory_space<hbm>> -> memref<8192xi32, #tpu.memory_space<hbm>>
    tpu.enqueue_dma source(%dma_start3A_693 : memref<8192xi32, #tpu.memory_space<hbm>>) target(%arg8 : memref<8192xi32, #tpu.memory_space<vmem>>) target_semaphore(%arg14 : memref<!tpu.dma_semaphore, #tpu.memory_space<semaphore_mem>>)
    %scan3A_694 = arith.constant 0 : i32
    %scan3A_695 = arith.constant 0 : i32
    %scan3A_696 = arith.constant 8 : i32
    %scan3A_697 = arith.addi %scan3A_695, %scan3A_696 : i32
    %scan3A_698 = arith.constant 1 : i32
    scf.for %scan3A_851 = %scan3A_695 to %scan3A_697 step %scan3A_698  : i32 {
      %mul3A_852 = arith.constant 2 : i32
      %mul3A_853 = arith.muli %scan3A_851, %mul3A_852 : i32
      %add3A_854 = arith.constant 0 : i32
      %add3A_855 = arith.addi %mul3A_853, %add3A_854 : i32
      %mul3A_856 = arith.constant 8192 : i32
      %mul3A_857 = arith.muli %add3A_855, %mul3A_856 : i32
      %multiple_of3A_858 = tpu.assume_multiple %mul3A_857, 8192 : i32
      %gt3A = arith.constant 0 : i32
      %gt3A_859 = arith.cmpi sgt, %add3A_855, %gt3A : i32
      %convert_element_type3A_860 = arith.extui %gt3A_859 : i1 to i32
      %cond3A_861 = arith.constant 0 : i32
      %cond3A_862 = arith.cmpi ne, %convert_element_type3A_860, %cond3A_861 : i32
      scf.if %cond3A_862 {
        %sub3A_908 = arith.constant 1 : i32
        %sub3A_909 = arith.subi %add3A_855, %sub3A_908 : i32
        %mul3A_910 = arith.constant 8192 : i32
        %mul3A_911 = arith.muli %sub3A_909, %mul3A_910 : i32
        %multiple_of3A_912 = tpu.assume_multiple %mul3A_911, 8192 : i32
        %dma_wait3A_913 = arith.constant 0 : i32
        %dma_wait3A_914 = tpu.memref_slice %arg12[%dma_wait3A_913] : memref<1048576xf32, #tpu.memory_space<vmem_shared>> -> memref<1048576xf32, #tpu.memory_space<vmem_shared>>
        tpu.wait_indirect_dma semaphore(%arg13 : memref<!tpu.dma_semaphore, #tpu.memory_space<semaphore_mem>>) src(%dma_wait3A_914 : memref<1048576xf32, #tpu.memory_space<vmem_shared>>) dst(%arg11 : memref<8192xf32, #tpu.memory_space<vmem>>)
        %add3A_915 = arith.addi %multiple_of3A, %multiple_of3A_912 : i32
        %dma_start3A_916 = arith.constant 0 : i32
        %dma_start3A_917 = arith.constant 3 : i32
        %dma_start3A_918 = arith.constant 0 : i32
        %dma_start3A_919 = arith.constant 0 : i32
        %dma_start3A_920 = tpu.memref_slice %arg4[%dma_start3A_916, %dma_start3A_918, %dma_start3A_919] : memref<2x4x2097152xf32, #tpu.memory_space<hbm>> -> memref<1x4x2097152xf32, #tpu.memory_space<hbm>>
        %dma_start3A_921 = tpu.memref_squeeze %dma_start3A_920 : memref<1x4x2097152xf32, #tpu.memory_space<hbm>> -> memref<4x2097152xf32, #tpu.memory_space<hbm>>
        %dma_start3A_922 = arith.constant 0 : i32
        %dma_start3A_923 = tpu.memref_slice %dma_start3A_921[%dma_start3A_917, %dma_start3A_922] : memref<4x2097152xf32, #tpu.memory_space<hbm>> -> memref<1x2097152xf32, #tpu.memory_space<hbm>>
        %dma_start3A_924 = tpu.memref_squeeze %dma_start3A_923 : memref<1x2097152xf32, #tpu.memory_space<hbm>> -> memref<2097152xf32, #tpu.memory_space<hbm>>
        %dma_start3A_925 = tpu.memref_slice %dma_start3A_924[%add3A_915] : memref<2097152xf32, #tpu.memory_space<hbm>> -> memref<8192xf32, #tpu.memory_space<hbm>>
        %dma_start3A_926 = arith.constant 0 : i32
        %dma_start3A_927 = arith.constant 0 : i32
        %dma_start3A_928 = tpu.memref_slice %arg4[%dma_start3A_916, %dma_start3A_926, %dma_start3A_927] : memref<2x4x2097152xf32, #tpu.memory_space<hbm>> -> memref<1x4x2097152xf32, #tpu.memory_space<hbm>>
        %dma_start3A_929 = tpu.memref_squeeze %dma_start3A_928 : memref<1x4x2097152xf32, #tpu.memory_space<hbm>> -> memref<4x2097152xf32, #tpu.memory_space<hbm>>
        %dma_start3A_930 = arith.constant 0 : i32
        %dma_start3A_931 = tpu.memref_slice %dma_start3A_929[%dma_start3A_917, %dma_start3A_930] : memref<4x2097152xf32, #tpu.memory_space<hbm>> -> memref<1x2097152xf32, #tpu.memory_space<hbm>>
        %dma_start3A_932 = tpu.memref_squeeze %dma_start3A_931 : memref<1x2097152xf32, #tpu.memory_space<hbm>> -> memref<2097152xf32, #tpu.memory_space<hbm>>
        %dma_start3A_933 = tpu.memref_slice %dma_start3A_932[%add3A_915] : memref<2097152xf32, #tpu.memory_space<hbm>> -> memref<8192xf32, #tpu.memory_space<hbm>>
        tpu.enqueue_dma source(%arg11 : memref<8192xf32, #tpu.memory_space<vmem>>) target(%dma_start3A_933 : memref<8192xf32, #tpu.memory_space<hbm>>) target_semaphore(%arg15 : memref<!tpu.dma_semaphore, #tpu.memory_space<semaphore_mem>>)
      } else {
      }
      %gt3A_863 = arith.constant 1 : i32
      %gt3A_864 = arith.cmpi sgt, %add3A_855, %gt3A_863 : i32
      %convert_element_type3A_865 = arith.extui %gt3A_864 : i1 to i32
      %cond3A_866 = arith.constant 0 : i32
      %cond3A_867 = arith.cmpi ne, %convert_element_type3A_865, %cond3A_866 : i32
      scf.if %cond3A_867 {
        %sub3A_908 = arith.constant 2 : i32
        %sub3A_909 = arith.subi %add3A_855, %sub3A_908 : i32
        %mul3A_910 = arith.constant 8192 : i32
        %mul3A_911 = arith.muli %sub3A_909, %mul3A_910 : i32
        %multiple_of3A_912 = tpu.assume_multiple %mul3A_911, 8192 : i32
        %add3A_913 = arith.addi %multiple_of3A, %multiple_of3A_912 : i32
        %dma_wait3A_914 = arith.constant 0 : i32
        %dma_wait3A_915 = arith.constant 3 : i32
        %dma_wait3A_916 = arith.constant 0 : i32
        %dma_wait3A_917 = arith.constant 0 : i32
        %dma_wait3A_918 = tpu.memref_slice %arg4[%dma_wait3A_914, %dma_wait3A_916, %dma_wait3A_917] : memref<2x4x2097152xf32, #tpu.memory_space<hbm>> -> memref<1x4x2097152xf32, #tpu.memory_space<hbm>>
        %dma_wait3A_919 = tpu.memref_squeeze %dma_wait3A_918 : memref<1x4x2097152xf32, #tpu.memory_space<hbm>> -> memref<4x2097152xf32, #tpu.memory_space<hbm>>
        %dma_wait3A_920 = arith.constant 0 : i32
        %dma_wait3A_921 = tpu.memref_slice %dma_wait3A_919[%dma_wait3A_915, %dma_wait3A_920] : memref<4x2097152xf32, #tpu.memory_space<hbm>> -> memref<1x2097152xf32, #tpu.memory_space<hbm>>
        %dma_wait3A_922 = tpu.memref_squeeze %dma_wait3A_921 : memref<1x2097152xf32, #tpu.memory_space<hbm>> -> memref<2097152xf32, #tpu.memory_space<hbm>>
        %dma_wait3A_923 = tpu.memref_slice %dma_wait3A_922[%add3A_913] : memref<2097152xf32, #tpu.memory_space<hbm>> -> memref<8192xf32, #tpu.memory_space<hbm>>
        %dma_wait3A_924 = arith.constant 0 : i32
        %dma_wait3A_925 = arith.constant 0 : i32
        %dma_wait3A_926 = tpu.memref_slice %arg4[%dma_wait3A_914, %dma_wait3A_924, %dma_wait3A_925] : memref<2x4x2097152xf32, #tpu.memory_space<hbm>> -> memref<1x4x2097152xf32, #tpu.memory_space<hbm>>
        %dma_wait3A_927 = tpu.memref_squeeze %dma_wait3A_926 : memref<1x4x2097152xf32, #tpu.memory_space<hbm>> -> memref<4x2097152xf32, #tpu.memory_space<hbm>>
        %dma_wait3A_928 = arith.constant 0 : i32
        %dma_wait3A_929 = tpu.memref_slice %dma_wait3A_927[%dma_wait3A_915, %dma_wait3A_928] : memref<4x2097152xf32, #tpu.memory_space<hbm>> -> memref<1x2097152xf32, #tpu.memory_space<hbm>>
        %dma_wait3A_930 = tpu.memref_squeeze %dma_wait3A_929 : memref<1x2097152xf32, #tpu.memory_space<hbm>> -> memref<2097152xf32, #tpu.memory_space<hbm>>
        %dma_wait3A_931 = tpu.memref_slice %dma_wait3A_930[%add3A_913] : memref<2097152xf32, #tpu.memory_space<hbm>> -> memref<8192xf32, #tpu.memory_space<hbm>>
        tpu.wait_dma2 semaphore(%arg15 : memref<!tpu.dma_semaphore, #tpu.memory_space<semaphore_mem>>) src(%arg10 : memref<8192xf32, #tpu.memory_space<vmem>>) dst(%dma_wait3A_931 : memref<8192xf32, #tpu.memory_space<hbm>>)
      } else {
      }
      %add3A_868 = arith.addi %multiple_of3A, %multiple_of3A_858 : i32
      %dma_wait3A_869 = tpu.memref_slice %arg6[%add3A_868] : memref<2097152xi32, #tpu.memory_space<hbm>> -> memref<8192xi32, #tpu.memory_space<hbm>>
      %dma_wait3A_870 = tpu.memref_slice %arg6[%add3A_868] : memref<2097152xi32, #tpu.memory_space<hbm>> -> memref<8192xi32, #tpu.memory_space<hbm>>
      tpu.wait_dma2 semaphore(%arg14 : memref<!tpu.dma_semaphore, #tpu.memory_space<semaphore_mem>>) src(%dma_wait3A_870 : memref<8192xi32, #tpu.memory_space<hbm>>) dst(%arg8 : memref<8192xi32, #tpu.memory_space<vmem>>)
      %dma_start3A_871 = arith.constant 0 : i32
      %dma_start3A_872 = tpu.memref_slice %arg12[%dma_start3A_871] : memref<1048576xf32, #tpu.memory_space<vmem_shared>> -> memref<1048576xf32, #tpu.memory_space<vmem_shared>>
      tpu.enqueue_indirect_dma source(%dma_start3A_872 : memref<1048576xf32, #tpu.memory_space<vmem_shared>>) target(%arg10 : memref<8192xf32, #tpu.memory_space<vmem>>) offsets(%arg8 : memref<8192xi32, #tpu.memory_space<vmem>>) semaphore(%arg13 : memref<!tpu.dma_semaphore, #tpu.memory_space<semaphore_mem>>)
      %add3A_873 = arith.constant 1 : i32
      %add3A_874 = arith.addi %add3A_855, %add3A_873 : i32
      %lt3A = arith.constant 16 : i32
      %lt3A_875 = arith.cmpi slt, %add3A_874, %lt3A : i32
      %convert_element_type3A_876 = arith.extui %lt3A_875 : i1 to i32
      %cond3A_877 = arith.constant 0 : i32
      %cond3A_878 = arith.cmpi ne, %convert_element_type3A_876, %cond3A_877 : i32
      scf.if %cond3A_878 {
        %add3A_908 = arith.constant 1 : i32
        %add3A_909 = arith.addi %add3A_855, %add3A_908 : i32
        %mul3A_910 = arith.constant 8192 : i32
        %mul3A_911 = arith.muli %add3A_909, %mul3A_910 : i32
        %multiple_of3A_912 = tpu.assume_multiple %mul3A_911, 8192 : i32
        %add3A_913 = arith.addi %multiple_of3A, %multiple_of3A_912 : i32
        %dma_start3A_914 = tpu.memref_slice %arg6[%add3A_913] : memref<2097152xi32, #tpu.memory_space<hbm>> -> memref<8192xi32, #tpu.memory_space<hbm>>
        %dma_start3A_915 = tpu.memref_slice %arg6[%add3A_913] : memref<2097152xi32, #tpu.memory_space<hbm>> -> memref<8192xi32, #tpu.memory_space<hbm>>
        tpu.enqueue_dma source(%dma_start3A_915 : memref<8192xi32, #tpu.memory_space<hbm>>) target(%arg9 : memref<8192xi32, #tpu.memory_space<vmem>>) target_semaphore(%arg14 : memref<!tpu.dma_semaphore, #tpu.memory_space<semaphore_mem>>)
      } else {
      }
      %mul3A_879 = arith.constant 2 : i32
      %mul3A_880 = arith.muli %scan3A_851, %mul3A_879 : i32
      %add3A_881 = arith.constant 1 : i32
      %add3A_882 = arith.addi %mul3A_880, %add3A_881 : i32
      %mul3A_883 = arith.constant 8192 : i32
      %mul3A_884 = arith.muli %add3A_882, %mul3A_883 : i32
      %multiple_of3A_885 = tpu.assume_multiple %mul3A_884, 8192 : i32
      %gt3A_886 = arith.constant 0 : i32
      %gt3A_887 = arith.cmpi sgt, %add3A_882, %gt3A_886 : i32
      %convert_element_type3A_888 = arith.extui %gt3A_887 : i1 to i32
      %cond3A_889 = arith.constant 0 : i32
      %cond3A_890 = arith.cmpi ne, %convert_element_type3A_888, %cond3A_889 : i32
      scf.if %cond3A_890 {
        %sub3A_908 = arith.constant 1 : i32
        %sub3A_909 = arith.subi %add3A_882, %sub3A_908 : i32
        %mul3A_910 = arith.constant 8192 : i32
        %mul3A_911 = arith.muli %sub3A_909, %mul3A_910 : i32
        %multiple_of3A_912 = tpu.assume_multiple %mul3A_911, 8192 : i32
        %dma_wait3A_913 = arith.constant 0 : i32
        %dma_wait3A_914 = tpu.memref_slice %arg12[%dma_wait3A_913] : memref<1048576xf32, #tpu.memory_space<vmem_shared>> -> memref<1048576xf32, #tpu.memory_space<vmem_shared>>
        tpu.wait_indirect_dma semaphore(%arg13 : memref<!tpu.dma_semaphore, #tpu.memory_space<semaphore_mem>>) src(%dma_wait3A_914 : memref<1048576xf32, #tpu.memory_space<vmem_shared>>) dst(%arg10 : memref<8192xf32, #tpu.memory_space<vmem>>)
        %add3A_915 = arith.addi %multiple_of3A, %multiple_of3A_912 : i32
        %dma_start3A_916 = arith.constant 0 : i32
        %dma_start3A_917 = arith.constant 3 : i32
        %dma_start3A_918 = arith.constant 0 : i32
        %dma_start3A_919 = arith.constant 0 : i32
        %dma_start3A_920 = tpu.memref_slice %arg4[%dma_start3A_916, %dma_start3A_918, %dma_start3A_919] : memref<2x4x2097152xf32, #tpu.memory_space<hbm>> -> memref<1x4x2097152xf32, #tpu.memory_space<hbm>>
        %dma_start3A_921 = tpu.memref_squeeze %dma_start3A_920 : memref<1x4x2097152xf32, #tpu.memory_space<hbm>> -> memref<4x2097152xf32, #tpu.memory_space<hbm>>
        %dma_start3A_922 = arith.constant 0 : i32
        %dma_start3A_923 = tpu.memref_slice %dma_start3A_921[%dma_start3A_917, %dma_start3A_922] : memref<4x2097152xf32, #tpu.memory_space<hbm>> -> memref<1x2097152xf32, #tpu.memory_space<hbm>>
        %dma_start3A_924 = tpu.memref_squeeze %dma_start3A_923 : memref<1x2097152xf32, #tpu.memory_space<hbm>> -> memref<2097152xf32, #tpu.memory_space<hbm>>
        %dma_start3A_925 = tpu.memref_slice %dma_start3A_924[%add3A_915] : memref<2097152xf32, #tpu.memory_space<hbm>> -> memref<8192xf32, #tpu.memory_space<hbm>>
        %dma_start3A_926 = arith.constant 0 : i32
        %dma_start3A_927 = arith.constant 0 : i32
        %dma_start3A_928 = tpu.memref_slice %arg4[%dma_start3A_916, %dma_start3A_926, %dma_start3A_927] : memref<2x4x2097152xf32, #tpu.memory_space<hbm>> -> memref<1x4x2097152xf32, #tpu.memory_space<hbm>>
        %dma_start3A_929 = tpu.memref_squeeze %dma_start3A_928 : memref<1x4x2097152xf32, #tpu.memory_space<hbm>> -> memref<4x2097152xf32, #tpu.memory_space<hbm>>
        %dma_start3A_930 = arith.constant 0 : i32
        %dma_start3A_931 = tpu.memref_slice %dma_start3A_929[%dma_start3A_917, %dma_start3A_930] : memref<4x2097152xf32, #tpu.memory_space<hbm>> -> memref<1x2097152xf32, #tpu.memory_space<hbm>>
        %dma_start3A_932 = tpu.memref_squeeze %dma_start3A_931 : memref<1x2097152xf32, #tpu.memory_space<hbm>> -> memref<2097152xf32, #tpu.memory_space<hbm>>
        %dma_start3A_933 = tpu.memref_slice %dma_start3A_932[%add3A_915] : memref<2097152xf32, #tpu.memory_space<hbm>> -> memref<8192xf32, #tpu.memory_space<hbm>>
        tpu.enqueue_dma source(%arg10 : memref<8192xf32, #tpu.memory_space<vmem>>) target(%dma_start3A_933 : memref<8192xf32, #tpu.memory_space<hbm>>) target_semaphore(%arg15 : memref<!tpu.dma_semaphore, #tpu.memory_space<semaphore_mem>>)
      } else {
      }
      %gt3A_891 = arith.constant 1 : i32
      %gt3A_892 = arith.cmpi sgt, %add3A_882, %gt3A_891 : i32
      %convert_element_type3A_893 = arith.extui %gt3A_892 : i1 to i32
      %cond3A_894 = arith.constant 0 : i32
      %cond3A_895 = arith.cmpi ne, %convert_element_type3A_893, %cond3A_894 : i32
      scf.if %cond3A_895 {
        %sub3A_908 = arith.constant 2 : i32
        %sub3A_909 = arith.subi %add3A_882, %sub3A_908 : i32
        %mul3A_910 = arith.constant 8192 : i32
        %mul3A_911 = arith.muli %sub3A_909, %mul3A_910 : i32
        %multiple_of3A_912 = tpu.assume_multiple %mul3A_911, 8192 : i32
        %add3A_913 = arith.addi %multiple_of3A, %multiple_of3A_912 : i32
        %dma_wait3A_914 = arith.constant 0 : i32
        %dma_wait3A_915 = arith.constant 3 : i32
        %dma_wait3A_916 = arith.constant 0 : i32
        %dma_wait3A_917 = arith.constant 0 : i32
        %dma_wait3A_918 = tpu.memref_slice %arg4[%dma_wait3A_914, %dma_wait3A_916, %dma_wait3A_917] : memref<2x4x2097152xf32, #tpu.memory_space<hbm>> -> memref<1x4x2097152xf32, #tpu.memory_space<hbm>>
        %dma_wait3A_919 = tpu.memref_squeeze %dma_wait3A_918 : memref<1x4x2097152xf32, #tpu.memory_space<hbm>> -> memref<4x2097152xf32, #tpu.memory_space<hbm>>
        %dma_wait3A_920 = arith.constant 0 : i32
        %dma_wait3A_921 = tpu.memref_slice %dma_wait3A_919[%dma_wait3A_915, %dma_wait3A_920] : memref<4x2097152xf32, #tpu.memory_space<hbm>> -> memref<1x2097152xf32, #tpu.memory_space<hbm>>
        %dma_wait3A_922 = tpu.memref_squeeze %dma_wait3A_921 : memref<1x2097152xf32, #tpu.memory_space<hbm>> -> memref<2097152xf32, #tpu.memory_space<hbm>>
        %dma_wait3A_923 = tpu.memref_slice %dma_wait3A_922[%add3A_913] : memref<2097152xf32, #tpu.memory_space<hbm>> -> memref<8192xf32, #tpu.memory_space<hbm>>
        %dma_wait3A_924 = arith.constant 0 : i32
        %dma_wait3A_925 = arith.constant 0 : i32
        %dma_wait3A_926 = tpu.memref_slice %arg4[%dma_wait3A_914, %dma_wait3A_924, %dma_wait3A_925] : memref<2x4x2097152xf32, #tpu.memory_space<hbm>> -> memref<1x4x2097152xf32, #tpu.memory_space<hbm>>
        %dma_wait3A_927 = tpu.memref_squeeze %dma_wait3A_926 : memref<1x4x2097152xf32, #tpu.memory_space<hbm>> -> memref<4x2097152xf32, #tpu.memory_space<hbm>>
        %dma_wait3A_928 = arith.constant 0 : i32
        %dma_wait3A_929 = tpu.memref_slice %dma_wait3A_927[%dma_wait3A_915, %dma_wait3A_928] : memref<4x2097152xf32, #tpu.memory_space<hbm>> -> memref<1x2097152xf32, #tpu.memory_space<hbm>>
        %dma_wait3A_930 = tpu.memref_squeeze %dma_wait3A_929 : memref<1x2097152xf32, #tpu.memory_space<hbm>> -> memref<2097152xf32, #tpu.memory_space<hbm>>
        %dma_wait3A_931 = tpu.memref_slice %dma_wait3A_930[%add3A_913] : memref<2097152xf32, #tpu.memory_space<hbm>> -> memref<8192xf32, #tpu.memory_space<hbm>>
        tpu.wait_dma2 semaphore(%arg15 : memref<!tpu.dma_semaphore, #tpu.memory_space<semaphore_mem>>) src(%arg11 : memref<8192xf32, #tpu.memory_space<vmem>>) dst(%dma_wait3A_931 : memref<8192xf32, #tpu.memory_space<hbm>>)
      } else {
      }
      %add3A_896 = arith.addi %multiple_of3A, %multiple_of3A_885 : i32
      %dma_wait3A_897 = tpu.memref_slice %arg6[%add3A_896] : memref<2097152xi32, #tpu.memory_space<hbm>> -> memref<8192xi32, #tpu.memory_space<hbm>>
      %dma_wait3A_898 = tpu.memref_slice %arg6[%add3A_896] : memref<2097152xi32, #tpu.memory_space<hbm>> -> memref<8192xi32, #tpu.memory_space<hbm>>
      tpu.wait_dma2 semaphore(%arg14 : memref<!tpu.dma_semaphore, #tpu.memory_space<semaphore_mem>>) src(%dma_wait3A_898 : memref<8192xi32, #tpu.memory_space<hbm>>) dst(%arg9 : memref<8192xi32, #tpu.memory_space<vmem>>)
      %dma_start3A_899 = arith.constant 0 : i32
      %dma_start3A_900 = tpu.memref_slice %arg12[%dma_start3A_899] : memref<1048576xf32, #tpu.memory_space<vmem_shared>> -> memref<1048576xf32, #tpu.memory_space<vmem_shared>>
      tpu.enqueue_indirect_dma source(%dma_start3A_900 : memref<1048576xf32, #tpu.memory_space<vmem_shared>>) target(%arg11 : memref<8192xf32, #tpu.memory_space<vmem>>) offsets(%arg9 : memref<8192xi32, #tpu.memory_space<vmem>>) semaphore(%arg13 : memref<!tpu.dma_semaphore, #tpu.memory_space<semaphore_mem>>)
      %add3A_901 = arith.constant 1 : i32
      %add3A_902 = arith.addi %add3A_882, %add3A_901 : i32
      %lt3A_903 = arith.constant 16 : i32
      %lt3A_904 = arith.cmpi slt, %add3A_902, %lt3A_903 : i32
      %convert_element_type3A_905 = arith.extui %lt3A_904 : i1 to i32
      %cond3A_906 = arith.constant 0 : i32
      %cond3A_907 = arith.cmpi ne, %convert_element_type3A_905, %cond3A_906 : i32
      scf.if %cond3A_907 {
        %add3A_908 = arith.constant 1 : i32
        %add3A_909 = arith.addi %add3A_882, %add3A_908 : i32
        %mul3A_910 = arith.constant 8192 : i32
        %mul3A_911 = arith.muli %add3A_909, %mul3A_910 : i32
        %multiple_of3A_912 = tpu.assume_multiple %mul3A_911, 8192 : i32
        %add3A_913 = arith.addi %multiple_of3A, %multiple_of3A_912 : i32
        %dma_start3A_914 = tpu.memref_slice %arg6[%add3A_913] : memref<2097152xi32, #tpu.memory_space<hbm>> -> memref<8192xi32, #tpu.memory_space<hbm>>
        %dma_start3A_915 = tpu.memref_slice %arg6[%add3A_913] : memref<2097152xi32, #tpu.memory_space<hbm>> -> memref<8192xi32, #tpu.memory_space<hbm>>
        tpu.enqueue_dma source(%dma_start3A_915 : memref<8192xi32, #tpu.memory_space<hbm>>) target(%arg8 : memref<8192xi32, #tpu.memory_space<vmem>>) target_semaphore(%arg14 : memref<!tpu.dma_semaphore, #tpu.memory_space<semaphore_mem>>)
      } else {
      }
    }
    %scan3A_699 = arith.constant 8 : i32
    %multiple_of3A_700 = arith.constant 122880 : i32
    %multiple_of3A_701 = tpu.assume_multiple %multiple_of3A_700, 8192 : i32
    %dma_wait3A_702 = arith.constant 0 : i32
    %dma_wait3A_703 = tpu.memref_slice %arg12[%dma_wait3A_702] : memref<1048576xf32, #tpu.memory_space<vmem_shared>> -> memref<1048576xf32, #tpu.memory_space<vmem_shared>>
    tpu.wait_indirect_dma semaphore(%arg13 : memref<!tpu.dma_semaphore, #tpu.memory_space<semaphore_mem>>) src(%dma_wait3A_703 : memref<1048576xf32, #tpu.memory_space<vmem_shared>>) dst(%arg11 : memref<8192xf32, #tpu.memory_space<vmem>>)
    %add3A_704 = arith.addi %multiple_of3A, %multiple_of3A_701 : i32
    %dma_start3A_705 = arith.constant 0 : i32
    %dma_start3A_706 = arith.constant 3 : i32
    %dma_start3A_707 = arith.constant 0 : i32
    %dma_start3A_708 = arith.constant 0 : i32
    %dma_start3A_709 = tpu.memref_slice %arg4[%dma_start3A_705, %dma_start3A_707, %dma_start3A_708] : memref<2x4x2097152xf32, #tpu.memory_space<hbm>> -> memref<1x4x2097152xf32, #tpu.memory_space<hbm>>
    %dma_start3A_710 = tpu.memref_squeeze %dma_start3A_709 : memref<1x4x2097152xf32, #tpu.memory_space<hbm>> -> memref<4x2097152xf32, #tpu.memory_space<hbm>>
    %dma_start3A_711 = arith.constant 0 : i32
    %dma_start3A_712 = tpu.memref_slice %dma_start3A_710[%dma_start3A_706, %dma_start3A_711] : memref<4x2097152xf32, #tpu.memory_space<hbm>> -> memref<1x2097152xf32, #tpu.memory_space<hbm>>
    %dma_start3A_713 = tpu.memref_squeeze %dma_start3A_712 : memref<1x2097152xf32, #tpu.memory_space<hbm>> -> memref<2097152xf32, #tpu.memory_space<hbm>>
    %dma_start3A_714 = tpu.memref_slice %dma_start3A_713[%add3A_704] : memref<2097152xf32, #tpu.memory_space<hbm>> -> memref<8192xf32, #tpu.memory_space<hbm>>
    %dma_start3A_715 = arith.constant 0 : i32
    %dma_start3A_716 = arith.constant 0 : i32
    %dma_start3A_717 = tpu.memref_slice %arg4[%dma_start3A_705, %dma_start3A_715, %dma_start3A_716] : memref<2x4x2097152xf32, #tpu.memory_space<hbm>> -> memref<1x4x2097152xf32, #tpu.memory_space<hbm>>
    %dma_start3A_718 = tpu.memref_squeeze %dma_start3A_717 : memref<1x4x2097152xf32, #tpu.memory_space<hbm>> -> memref<4x2097152xf32, #tpu.memory_space<hbm>>
    %dma_start3A_719 = arith.constant 0 : i32
    %dma_start3A_720 = tpu.memref_slice %dma_start3A_718[%dma_start3A_706, %dma_start3A_719] : memref<4x2097152xf32, #tpu.memory_space<hbm>> -> memref<1x2097152xf32, #tpu.memory_space<hbm>>
    %dma_start3A_721 = tpu.memref_squeeze %dma_start3A_720 : memref<1x2097152xf32, #tpu.memory_space<hbm>> -> memref<2097152xf32, #tpu.memory_space<hbm>>
    %dma_start3A_722 = tpu.memref_slice %dma_start3A_721[%add3A_704] : memref<2097152xf32, #tpu.memory_space<hbm>> -> memref<8192xf32, #tpu.memory_space<hbm>>
    tpu.enqueue_dma source(%arg11 : memref<8192xf32, #tpu.memory_space<vmem>>) target(%dma_start3A_722 : memref<8192xf32, #tpu.memory_space<hbm>>) target_semaphore(%arg15 : memref<!tpu.dma_semaphore, #tpu.memory_space<semaphore_mem>>)
    %multiple_of3A_723 = arith.constant 114688 : i32
    %multiple_of3A_724 = tpu.assume_multiple %multiple_of3A_723, 8192 : i32
    %add3A_725 = arith.addi %multiple_of3A, %multiple_of3A_724 : i32
    %dma_wait3A_726 = arith.constant 0 : i32
    %dma_wait3A_727 = arith.constant 3 : i32
    %dma_wait3A_728 = arith.constant 0 : i32
    %dma_wait3A_729 = arith.constant 0 : i32
    %dma_wait3A_730 = tpu.memref_slice %arg4[%dma_wait3A_726, %dma_wait3A_728, %dma_wait3A_729] : memref<2x4x2097152xf32, #tpu.memory_space<hbm>> -> memref<1x4x2097152xf32, #tpu.memory_space<hbm>>
    %dma_wait3A_731 = tpu.memref_squeeze %dma_wait3A_730 : memref<1x4x2097152xf32, #tpu.memory_space<hbm>> -> memref<4x2097152xf32, #tpu.memory_space<hbm>>
    %dma_wait3A_732 = arith.constant 0 : i32
    %dma_wait3A_733 = tpu.memref_slice %dma_wait3A_731[%dma_wait3A_727, %dma_wait3A_732] : memref<4x2097152xf32, #tpu.memory_space<hbm>> -> memref<1x2097152xf32, #tpu.memory_space<hbm>>
    %dma_wait3A_734 = tpu.memref_squeeze %dma_wait3A_733 : memref<1x2097152xf32, #tpu.memory_space<hbm>> -> memref<2097152xf32, #tpu.memory_space<hbm>>
    %dma_wait3A_735 = tpu.memref_slice %dma_wait3A_734[%add3A_725] : memref<2097152xf32, #tpu.memory_space<hbm>> -> memref<8192xf32, #tpu.memory_space<hbm>>
    %dma_wait3A_736 = arith.constant 0 : i32
    %dma_wait3A_737 = arith.constant 0 : i32
    %dma_wait3A_738 = tpu.memref_slice %arg4[%dma_wait3A_726, %dma_wait3A_736, %dma_wait3A_737] : memref<2x4x2097152xf32, #tpu.memory_space<hbm>> -> memref<1x4x2097152xf32, #tpu.memory_space<hbm>>
    %dma_wait3A_739 = tpu.memref_squeeze %dma_wait3A_738 : memref<1x4x2097152xf32, #tpu.memory_space<hbm>> -> memref<4x2097152xf32, #tpu.memory_space<hbm>>
    %dma_wait3A_740 = arith.constant 0 : i32
    %dma_wait3A_741 = tpu.memref_slice %dma_wait3A_739[%dma_wait3A_727, %dma_wait3A_740] : memref<4x2097152xf32, #tpu.memory_space<hbm>> -> memref<1x2097152xf32, #tpu.memory_space<hbm>>
    %dma_wait3A_742 = tpu.memref_squeeze %dma_wait3A_741 : memref<1x2097152xf32, #tpu.memory_space<hbm>> -> memref<2097152xf32, #tpu.memory_space<hbm>>
    %dma_wait3A_743 = tpu.memref_slice %dma_wait3A_742[%add3A_725] : memref<2097152xf32, #tpu.memory_space<hbm>> -> memref<8192xf32, #tpu.memory_space<hbm>>
    tpu.wait_dma2 semaphore(%arg15 : memref<!tpu.dma_semaphore, #tpu.memory_space<semaphore_mem>>) src(%arg10 : memref<8192xf32, #tpu.memory_space<vmem>>) dst(%dma_wait3A_743 : memref<8192xf32, #tpu.memory_space<hbm>>)
    %add3A_744 = arith.addi %multiple_of3A, %multiple_of3A_701 : i32
    %dma_wait3A_745 = arith.constant 0 : i32
    %dma_wait3A_746 = arith.constant 3 : i32
    %dma_wait3A_747 = arith.constant 0 : i32
    %dma_wait3A_748 = arith.constant 0 : i32
    %dma_wait3A_749 = tpu.memref_slice %arg4[%dma_wait3A_745, %dma_wait3A_747, %dma_wait3A_748] : memref<2x4x2097152xf32, #tpu.memory_space<hbm>> -> memref<1x4x2097152xf32, #tpu.memory_space<hbm>>
    %dma_wait3A_750 = tpu.memref_squeeze %dma_wait3A_749 : memref<1x4x2097152xf32, #tpu.memory_space<hbm>> -> memref<4x2097152xf32, #tpu.memory_space<hbm>>
    %dma_wait3A_751 = arith.constant 0 : i32
    %dma_wait3A_752 = tpu.memref_slice %dma_wait3A_750[%dma_wait3A_746, %dma_wait3A_751] : memref<4x2097152xf32, #tpu.memory_space<hbm>> -> memref<1x2097152xf32, #tpu.memory_space<hbm>>
    %dma_wait3A_753 = tpu.memref_squeeze %dma_wait3A_752 : memref<1x2097152xf32, #tpu.memory_space<hbm>> -> memref<2097152xf32, #tpu.memory_space<hbm>>
    %dma_wait3A_754 = tpu.memref_slice %dma_wait3A_753[%add3A_744] : memref<2097152xf32, #tpu.memory_space<hbm>> -> memref<8192xf32, #tpu.memory_space<hbm>>
    %dma_wait3A_755 = arith.constant 0 : i32
    %dma_wait3A_756 = arith.constant 0 : i32
    %dma_wait3A_757 = tpu.memref_slice %arg4[%dma_wait3A_745, %dma_wait3A_755, %dma_wait3A_756] : memref<2x4x2097152xf32, #tpu.memory_space<hbm>> -> memref<1x4x2097152xf32, #tpu.memory_space<hbm>>
    %dma_wait3A_758 = tpu.memref_squeeze %dma_wait3A_757 : memref<1x4x2097152xf32, #tpu.memory_space<hbm>> -> memref<4x2097152xf32, #tpu.memory_space<hbm>>
    %dma_wait3A_759 = arith.constant 0 : i32
    %dma_wait3A_760 = tpu.memref_slice %dma_wait3A_758[%dma_wait3A_746, %dma_wait3A_759] : memref<4x2097152xf32, #tpu.memory_space<hbm>> -> memref<1x2097152xf32, #tpu.memory_space<hbm>>
    %dma_wait3A_761 = tpu.memref_squeeze %dma_wait3A_760 : memref<1x2097152xf32, #tpu.memory_space<hbm>> -> memref<2097152xf32, #tpu.memory_space<hbm>>
    %dma_wait3A_762 = tpu.memref_slice %dma_wait3A_761[%add3A_744] : memref<2097152xf32, #tpu.memory_space<hbm>> -> memref<8192xf32, #tpu.memory_space<hbm>>
    tpu.wait_dma2 semaphore(%arg15 : memref<!tpu.dma_semaphore, #tpu.memory_space<semaphore_mem>>) src(%arg11 : memref<8192xf32, #tpu.memory_space<vmem>>) dst(%dma_wait3A_762 : memref<8192xf32, #tpu.memory_space<hbm>>)
    %barrier3A_763 = arith.constant 0 : index
    tpu.barrier barrier_id(%barrier3A_763)
    %mul3A_764 = arith.constant 65536 : i32
    %mul3A_765 = arith.muli %arg1, %mul3A_764 : i32
    %add3A_766 = arith.constant 1048576 : i32
    %add3A_767 = arith.addi %add3A_766, %mul3A_765 : i32
    %multiple_of3A_768 = tpu.assume_multiple %add3A_767, 128 : i32
    %mul3A_769 = arith.constant 65536 : i32
    %mul3A_770 = arith.muli %arg1, %mul3A_769 : i32
    %multiple_of3A_771 = tpu.assume_multiple %mul3A_770, 128 : i32
    %run_scoped3A_772 = arith.constant 3 : i32
    "tpu.region"() ({
      %run_scoped3A_851 = tpu.sem_alloc : memref<!tpu.dma_semaphore, #tpu.memory_space<semaphore_mem>>
      %dma_start3A_852 = tpu.memref_slice %arg12[%multiple_of3A_771] : memref<1048576xf32, #tpu.memory_space<vmem_shared>> -> memref<65536xf32, #tpu.memory_space<vmem_shared>>
      %dma_start3A_853 = arith.constant 0 : i32
      %dma_start3A_854 = tpu.memref_slice %arg2[%run_scoped3A_772, %dma_start3A_853] : memref<4x2097152xf32, #tpu.memory_space<hbm>> -> memref<1x2097152xf32, #tpu.memory_space<hbm>>
      %dma_start3A_855 = tpu.memref_squeeze %dma_start3A_854 : memref<1x2097152xf32, #tpu.memory_space<hbm>> -> memref<2097152xf32, #tpu.memory_space<hbm>>
      %dma_start3A_856 = tpu.memref_slice %dma_start3A_855[%multiple_of3A_768] : memref<2097152xf32, #tpu.memory_space<hbm>> -> memref<65536xf32, #tpu.memory_space<hbm>>
      tpu.enqueue_dma source(%dma_start3A_856 : memref<65536xf32, #tpu.memory_space<hbm>>) target(%dma_start3A_852 : memref<65536xf32, #tpu.memory_space<vmem_shared>>) target_semaphore(%run_scoped3A_851 : memref<!tpu.dma_semaphore, #tpu.memory_space<semaphore_mem>>)
      %dma_wait3A_857 = tpu.memref_slice %arg12[%multiple_of3A_771] : memref<1048576xf32, #tpu.memory_space<vmem_shared>> -> memref<65536xf32, #tpu.memory_space<vmem_shared>>
      %dma_wait3A_858 = arith.constant 0 : i32
      %dma_wait3A_859 = tpu.memref_slice %arg2[%run_scoped3A_772, %dma_wait3A_858] : memref<4x2097152xf32, #tpu.memory_space<hbm>> -> memref<1x2097152xf32, #tpu.memory_space<hbm>>
      %dma_wait3A_860 = tpu.memref_squeeze %dma_wait3A_859 : memref<1x2097152xf32, #tpu.memory_space<hbm>> -> memref<2097152xf32, #tpu.memory_space<hbm>>
      %dma_wait3A_861 = tpu.memref_slice %dma_wait3A_860[%multiple_of3A_768] : memref<2097152xf32, #tpu.memory_space<hbm>> -> memref<65536xf32, #tpu.memory_space<hbm>>
      tpu.wait_dma2 semaphore(%run_scoped3A_851 : memref<!tpu.dma_semaphore, #tpu.memory_space<semaphore_mem>>) src(%dma_wait3A_861 : memref<65536xf32, #tpu.memory_space<hbm>>) dst(%dma_wait3A_857 : memref<65536xf32, #tpu.memory_space<vmem_shared>>)
      tpu.yield
    }) : () -> ()
    %barrier3A_773 = arith.constant 0 : index
    tpu.barrier barrier_id(%barrier3A_773)
    %eq3A_774 = arith.constant 1 : i32
    %eq3A_775 = arith.cmpi eq, %select_n3A, %eq3A_774 : i32
    %convert_element_type3A_776 = arith.extui %eq3A_775 : i1 to i32
    %cond3A_777 = arith.constant 0 : i32
    %cond3A_778 = arith.cmpi ne, %convert_element_type3A_776, %cond3A_777 : i32
    scf.if %cond3A_778 {
      %run_scoped3A_851 = arith.constant 3 : i32
      "tpu.region"() ({
        %run_scoped3A_852 = tpu.sem_alloc : memref<!tpu.dma_semaphore, #tpu.memory_space<semaphore_mem>>
        %dma_start3A_853 = arith.constant 0 : i32
        %dma_start3A_854 = tpu.memref_slice %arg5[%run_scoped3A_851, %dma_start3A_853] : memref<4x2097152xf32, #tpu.memory_space<hbm>> -> memref<1x2097152xf32, #tpu.memory_space<hbm>>
        %dma_start3A_855 = tpu.memref_squeeze %dma_start3A_854 : memref<1x2097152xf32, #tpu.memory_space<hbm>> -> memref<2097152xf32, #tpu.memory_space<hbm>>
        %dma_start3A_856 = tpu.memref_slice %dma_start3A_855[%multiple_of3A] : memref<2097152xf32, #tpu.memory_space<hbm>> -> memref<131072xf32, #tpu.memory_space<hbm>>
        %dma_start3A_857 = tpu.memref_slice %arg12[%multiple_of3A_161] : memref<1048576xf32, #tpu.memory_space<vmem_shared>> -> memref<131072xf32, #tpu.memory_space<vmem_shared>>
        tpu.enqueue_dma source(%dma_start3A_857 : memref<131072xf32, #tpu.memory_space<vmem_shared>>) target(%dma_start3A_856 : memref<131072xf32, #tpu.memory_space<hbm>>) target_semaphore(%run_scoped3A_852 : memref<!tpu.dma_semaphore, #tpu.memory_space<semaphore_mem>>)
        %dma_wait3A_858 = arith.constant 0 : i32
        %dma_wait3A_859 = tpu.memref_slice %arg5[%run_scoped3A_851, %dma_wait3A_858] : memref<4x2097152xf32, #tpu.memory_space<hbm>> -> memref<1x2097152xf32, #tpu.memory_space<hbm>>
        %dma_wait3A_860 = tpu.memref_squeeze %dma_wait3A_859 : memref<1x2097152xf32, #tpu.memory_space<hbm>> -> memref<2097152xf32, #tpu.memory_space<hbm>>
        %dma_wait3A_861 = tpu.memref_slice %dma_wait3A_860[%multiple_of3A] : memref<2097152xf32, #tpu.memory_space<hbm>> -> memref<131072xf32, #tpu.memory_space<hbm>>
        %dma_wait3A_862 = tpu.memref_slice %arg12[%multiple_of3A_161] : memref<1048576xf32, #tpu.memory_space<vmem_shared>> -> memref<131072xf32, #tpu.memory_space<vmem_shared>>
        tpu.wait_dma2 semaphore(%run_scoped3A_852 : memref<!tpu.dma_semaphore, #tpu.memory_space<semaphore_mem>>) src(%dma_wait3A_862 : memref<131072xf32, #tpu.memory_space<vmem_shared>>) dst(%dma_wait3A_861 : memref<131072xf32, #tpu.memory_space<hbm>>)
        tpu.yield
      }) : () -> ()
    } else {
    }
    %dma_start3A_779 = tpu.memref_slice %arg6[%multiple_of3A] : memref<2097152xi32, #tpu.memory_space<hbm>> -> memref<8192xi32, #tpu.memory_space<hbm>>
    %dma_start3A_780 = tpu.memref_slice %arg6[%multiple_of3A] : memref<2097152xi32, #tpu.memory_space<hbm>> -> memref<8192xi32, #tpu.memory_space<hbm>>
    tpu.enqueue_dma source(%dma_start3A_780 : memref<8192xi32, #tpu.memory_space<hbm>>) target(%arg8 : memref<8192xi32, #tpu.memory_space<vmem>>) target_semaphore(%arg14 : memref<!tpu.dma_semaphore, #tpu.memory_space<semaphore_mem>>)
    %scan3A_781 = arith.constant 0 : i32
    %scan3A_782 = arith.constant 0 : i32
    %scan3A_783 = arith.constant 8 : i32
    %scan3A_784 = arith.addi %scan3A_782, %scan3A_783 : i32
    %scan3A_785 = arith.constant 1 : i32
    scf.for %scan3A_851 = %scan3A_782 to %scan3A_784 step %scan3A_785  : i32 {
      %mul3A_852 = arith.constant 2 : i32
      %mul3A_853 = arith.muli %scan3A_851, %mul3A_852 : i32
      %add3A_854 = arith.constant 0 : i32
      %add3A_855 = arith.addi %mul3A_853, %add3A_854 : i32
      %mul3A_856 = arith.constant 8192 : i32
      %mul3A_857 = arith.muli %add3A_855, %mul3A_856 : i32
      %multiple_of3A_858 = tpu.assume_multiple %mul3A_857, 8192 : i32
      %gt3A = arith.constant 0 : i32
      %gt3A_859 = arith.cmpi sgt, %add3A_855, %gt3A : i32
      %convert_element_type3A_860 = arith.extui %gt3A_859 : i1 to i32
      %cond3A_861 = arith.constant 0 : i32
      %cond3A_862 = arith.cmpi ne, %convert_element_type3A_860, %cond3A_861 : i32
      scf.if %cond3A_862 {
        %sub3A_908 = arith.constant 1 : i32
        %sub3A_909 = arith.subi %add3A_855, %sub3A_908 : i32
        %mul3A_910 = arith.constant 8192 : i32
        %mul3A_911 = arith.muli %sub3A_909, %mul3A_910 : i32
        %multiple_of3A_912 = tpu.assume_multiple %mul3A_911, 8192 : i32
        %dma_wait3A_913 = arith.constant 0 : i32
        %dma_wait3A_914 = tpu.memref_slice %arg12[%dma_wait3A_913] : memref<1048576xf32, #tpu.memory_space<vmem_shared>> -> memref<1048576xf32, #tpu.memory_space<vmem_shared>>
        tpu.wait_indirect_dma semaphore(%arg13 : memref<!tpu.dma_semaphore, #tpu.memory_space<semaphore_mem>>) src(%dma_wait3A_914 : memref<1048576xf32, #tpu.memory_space<vmem_shared>>) dst(%arg11 : memref<8192xf32, #tpu.memory_space<vmem>>)
        %add3A_915 = arith.addi %multiple_of3A, %multiple_of3A_912 : i32
        %dma_start3A_916 = arith.constant 1 : i32
        %dma_start3A_917 = arith.constant 3 : i32
        %dma_start3A_918 = arith.constant 0 : i32
        %dma_start3A_919 = arith.constant 0 : i32
        %dma_start3A_920 = tpu.memref_slice %arg4[%dma_start3A_916, %dma_start3A_918, %dma_start3A_919] : memref<2x4x2097152xf32, #tpu.memory_space<hbm>> -> memref<1x4x2097152xf32, #tpu.memory_space<hbm>>
        %dma_start3A_921 = tpu.memref_squeeze %dma_start3A_920 : memref<1x4x2097152xf32, #tpu.memory_space<hbm>> -> memref<4x2097152xf32, #tpu.memory_space<hbm>>
        %dma_start3A_922 = arith.constant 0 : i32
        %dma_start3A_923 = tpu.memref_slice %dma_start3A_921[%dma_start3A_917, %dma_start3A_922] : memref<4x2097152xf32, #tpu.memory_space<hbm>> -> memref<1x2097152xf32, #tpu.memory_space<hbm>>
        %dma_start3A_924 = tpu.memref_squeeze %dma_start3A_923 : memref<1x2097152xf32, #tpu.memory_space<hbm>> -> memref<2097152xf32, #tpu.memory_space<hbm>>
        %dma_start3A_925 = tpu.memref_slice %dma_start3A_924[%add3A_915] : memref<2097152xf32, #tpu.memory_space<hbm>> -> memref<8192xf32, #tpu.memory_space<hbm>>
        %dma_start3A_926 = arith.constant 0 : i32
        %dma_start3A_927 = arith.constant 0 : i32
        %dma_start3A_928 = tpu.memref_slice %arg4[%dma_start3A_916, %dma_start3A_926, %dma_start3A_927] : memref<2x4x2097152xf32, #tpu.memory_space<hbm>> -> memref<1x4x2097152xf32, #tpu.memory_space<hbm>>
        %dma_start3A_929 = tpu.memref_squeeze %dma_start3A_928 : memref<1x4x2097152xf32, #tpu.memory_space<hbm>> -> memref<4x2097152xf32, #tpu.memory_space<hbm>>
        %dma_start3A_930 = arith.constant 0 : i32
        %dma_start3A_931 = tpu.memref_slice %dma_start3A_929[%dma_start3A_917, %dma_start3A_930] : memref<4x2097152xf32, #tpu.memory_space<hbm>> -> memref<1x2097152xf32, #tpu.memory_space<hbm>>
        %dma_start3A_932 = tpu.memref_squeeze %dma_start3A_931 : memref<1x2097152xf32, #tpu.memory_space<hbm>> -> memref<2097152xf32, #tpu.memory_space<hbm>>
        %dma_start3A_933 = tpu.memref_slice %dma_start3A_932[%add3A_915] : memref<2097152xf32, #tpu.memory_space<hbm>> -> memref<8192xf32, #tpu.memory_space<hbm>>
        tpu.enqueue_dma source(%arg11 : memref<8192xf32, #tpu.memory_space<vmem>>) target(%dma_start3A_933 : memref<8192xf32, #tpu.memory_space<hbm>>) target_semaphore(%arg15 : memref<!tpu.dma_semaphore, #tpu.memory_space<semaphore_mem>>)
      } else {
      }
      %gt3A_863 = arith.constant 1 : i32
      %gt3A_864 = arith.cmpi sgt, %add3A_855, %gt3A_863 : i32
      %convert_element_type3A_865 = arith.extui %gt3A_864 : i1 to i32
      %cond3A_866 = arith.constant 0 : i32
      %cond3A_867 = arith.cmpi ne, %convert_element_type3A_865, %cond3A_866 : i32
      scf.if %cond3A_867 {
        %sub3A_908 = arith.constant 2 : i32
        %sub3A_909 = arith.subi %add3A_855, %sub3A_908 : i32
        %mul3A_910 = arith.constant 8192 : i32
        %mul3A_911 = arith.muli %sub3A_909, %mul3A_910 : i32
        %multiple_of3A_912 = tpu.assume_multiple %mul3A_911, 8192 : i32
        %add3A_913 = arith.addi %multiple_of3A, %multiple_of3A_912 : i32
        %dma_wait3A_914 = arith.constant 1 : i32
        %dma_wait3A_915 = arith.constant 3 : i32
        %dma_wait3A_916 = arith.constant 0 : i32
        %dma_wait3A_917 = arith.constant 0 : i32
        %dma_wait3A_918 = tpu.memref_slice %arg4[%dma_wait3A_914, %dma_wait3A_916, %dma_wait3A_917] : memref<2x4x2097152xf32, #tpu.memory_space<hbm>> -> memref<1x4x2097152xf32, #tpu.memory_space<hbm>>
        %dma_wait3A_919 = tpu.memref_squeeze %dma_wait3A_918 : memref<1x4x2097152xf32, #tpu.memory_space<hbm>> -> memref<4x2097152xf32, #tpu.memory_space<hbm>>
        %dma_wait3A_920 = arith.constant 0 : i32
        %dma_wait3A_921 = tpu.memref_slice %dma_wait3A_919[%dma_wait3A_915, %dma_wait3A_920] : memref<4x2097152xf32, #tpu.memory_space<hbm>> -> memref<1x2097152xf32, #tpu.memory_space<hbm>>
        %dma_wait3A_922 = tpu.memref_squeeze %dma_wait3A_921 : memref<1x2097152xf32, #tpu.memory_space<hbm>> -> memref<2097152xf32, #tpu.memory_space<hbm>>
        %dma_wait3A_923 = tpu.memref_slice %dma_wait3A_922[%add3A_913] : memref<2097152xf32, #tpu.memory_space<hbm>> -> memref<8192xf32, #tpu.memory_space<hbm>>
        %dma_wait3A_924 = arith.constant 0 : i32
        %dma_wait3A_925 = arith.constant 0 : i32
        %dma_wait3A_926 = tpu.memref_slice %arg4[%dma_wait3A_914, %dma_wait3A_924, %dma_wait3A_925] : memref<2x4x2097152xf32, #tpu.memory_space<hbm>> -> memref<1x4x2097152xf32, #tpu.memory_space<hbm>>
        %dma_wait3A_927 = tpu.memref_squeeze %dma_wait3A_926 : memref<1x4x2097152xf32, #tpu.memory_space<hbm>> -> memref<4x2097152xf32, #tpu.memory_space<hbm>>
        %dma_wait3A_928 = arith.constant 0 : i32
        %dma_wait3A_929 = tpu.memref_slice %dma_wait3A_927[%dma_wait3A_915, %dma_wait3A_928] : memref<4x2097152xf32, #tpu.memory_space<hbm>> -> memref<1x2097152xf32, #tpu.memory_space<hbm>>
        %dma_wait3A_930 = tpu.memref_squeeze %dma_wait3A_929 : memref<1x2097152xf32, #tpu.memory_space<hbm>> -> memref<2097152xf32, #tpu.memory_space<hbm>>
        %dma_wait3A_931 = tpu.memref_slice %dma_wait3A_930[%add3A_913] : memref<2097152xf32, #tpu.memory_space<hbm>> -> memref<8192xf32, #tpu.memory_space<hbm>>
        tpu.wait_dma2 semaphore(%arg15 : memref<!tpu.dma_semaphore, #tpu.memory_space<semaphore_mem>>) src(%arg10 : memref<8192xf32, #tpu.memory_space<vmem>>) dst(%dma_wait3A_931 : memref<8192xf32, #tpu.memory_space<hbm>>)
      } else {
      }
      %add3A_868 = arith.addi %multiple_of3A, %multiple_of3A_858 : i32
      %dma_wait3A_869 = tpu.memref_slice %arg6[%add3A_868] : memref<2097152xi32, #tpu.memory_space<hbm>> -> memref<8192xi32, #tpu.memory_space<hbm>>
      %dma_wait3A_870 = tpu.memref_slice %arg6[%add3A_868] : memref<2097152xi32, #tpu.memory_space<hbm>> -> memref<8192xi32, #tpu.memory_space<hbm>>
      tpu.wait_dma2 semaphore(%arg14 : memref<!tpu.dma_semaphore, #tpu.memory_space<semaphore_mem>>) src(%dma_wait3A_870 : memref<8192xi32, #tpu.memory_space<hbm>>) dst(%arg8 : memref<8192xi32, #tpu.memory_space<vmem>>)
      %dma_start3A_871 = arith.constant 0 : i32
      %dma_start3A_872 = tpu.memref_slice %arg12[%dma_start3A_871] : memref<1048576xf32, #tpu.memory_space<vmem_shared>> -> memref<1048576xf32, #tpu.memory_space<vmem_shared>>
      tpu.enqueue_indirect_dma source(%dma_start3A_872 : memref<1048576xf32, #tpu.memory_space<vmem_shared>>) target(%arg10 : memref<8192xf32, #tpu.memory_space<vmem>>) offsets(%arg8 : memref<8192xi32, #tpu.memory_space<vmem>>) semaphore(%arg13 : memref<!tpu.dma_semaphore, #tpu.memory_space<semaphore_mem>>)
      %add3A_873 = arith.constant 1 : i32
      %add3A_874 = arith.addi %add3A_855, %add3A_873 : i32
      %lt3A = arith.constant 16 : i32
      %lt3A_875 = arith.cmpi slt, %add3A_874, %lt3A : i32
      %convert_element_type3A_876 = arith.extui %lt3A_875 : i1 to i32
      %cond3A_877 = arith.constant 0 : i32
      %cond3A_878 = arith.cmpi ne, %convert_element_type3A_876, %cond3A_877 : i32
      scf.if %cond3A_878 {
        %add3A_908 = arith.constant 1 : i32
        %add3A_909 = arith.addi %add3A_855, %add3A_908 : i32
        %mul3A_910 = arith.constant 8192 : i32
        %mul3A_911 = arith.muli %add3A_909, %mul3A_910 : i32
        %multiple_of3A_912 = tpu.assume_multiple %mul3A_911, 8192 : i32
        %add3A_913 = arith.addi %multiple_of3A, %multiple_of3A_912 : i32
        %dma_start3A_914 = tpu.memref_slice %arg6[%add3A_913] : memref<2097152xi32, #tpu.memory_space<hbm>> -> memref<8192xi32, #tpu.memory_space<hbm>>
        %dma_start3A_915 = tpu.memref_slice %arg6[%add3A_913] : memref<2097152xi32, #tpu.memory_space<hbm>> -> memref<8192xi32, #tpu.memory_space<hbm>>
        tpu.enqueue_dma source(%dma_start3A_915 : memref<8192xi32, #tpu.memory_space<hbm>>) target(%arg9 : memref<8192xi32, #tpu.memory_space<vmem>>) target_semaphore(%arg14 : memref<!tpu.dma_semaphore, #tpu.memory_space<semaphore_mem>>)
      } else {
      }
      %mul3A_879 = arith.constant 2 : i32
      %mul3A_880 = arith.muli %scan3A_851, %mul3A_879 : i32
      %add3A_881 = arith.constant 1 : i32
      %add3A_882 = arith.addi %mul3A_880, %add3A_881 : i32
      %mul3A_883 = arith.constant 8192 : i32
      %mul3A_884 = arith.muli %add3A_882, %mul3A_883 : i32
      %multiple_of3A_885 = tpu.assume_multiple %mul3A_884, 8192 : i32
      %gt3A_886 = arith.constant 0 : i32
      %gt3A_887 = arith.cmpi sgt, %add3A_882, %gt3A_886 : i32
      %convert_element_type3A_888 = arith.extui %gt3A_887 : i1 to i32
      %cond3A_889 = arith.constant 0 : i32
      %cond3A_890 = arith.cmpi ne, %convert_element_type3A_888, %cond3A_889 : i32
      scf.if %cond3A_890 {
        %sub3A_908 = arith.constant 1 : i32
        %sub3A_909 = arith.subi %add3A_882, %sub3A_908 : i32
        %mul3A_910 = arith.constant 8192 : i32
        %mul3A_911 = arith.muli %sub3A_909, %mul3A_910 : i32
        %multiple_of3A_912 = tpu.assume_multiple %mul3A_911, 8192 : i32
        %dma_wait3A_913 = arith.constant 0 : i32
        %dma_wait3A_914 = tpu.memref_slice %arg12[%dma_wait3A_913] : memref<1048576xf32, #tpu.memory_space<vmem_shared>> -> memref<1048576xf32, #tpu.memory_space<vmem_shared>>
        tpu.wait_indirect_dma semaphore(%arg13 : memref<!tpu.dma_semaphore, #tpu.memory_space<semaphore_mem>>) src(%dma_wait3A_914 : memref<1048576xf32, #tpu.memory_space<vmem_shared>>) dst(%arg10 : memref<8192xf32, #tpu.memory_space<vmem>>)
        %add3A_915 = arith.addi %multiple_of3A, %multiple_of3A_912 : i32
        %dma_start3A_916 = arith.constant 1 : i32
        %dma_start3A_917 = arith.constant 3 : i32
        %dma_start3A_918 = arith.constant 0 : i32
        %dma_start3A_919 = arith.constant 0 : i32
        %dma_start3A_920 = tpu.memref_slice %arg4[%dma_start3A_916, %dma_start3A_918, %dma_start3A_919] : memref<2x4x2097152xf32, #tpu.memory_space<hbm>> -> memref<1x4x2097152xf32, #tpu.memory_space<hbm>>
        %dma_start3A_921 = tpu.memref_squeeze %dma_start3A_920 : memref<1x4x2097152xf32, #tpu.memory_space<hbm>> -> memref<4x2097152xf32, #tpu.memory_space<hbm>>
        %dma_start3A_922 = arith.constant 0 : i32
        %dma_start3A_923 = tpu.memref_slice %dma_start3A_921[%dma_start3A_917, %dma_start3A_922] : memref<4x2097152xf32, #tpu.memory_space<hbm>> -> memref<1x2097152xf32, #tpu.memory_space<hbm>>
        %dma_start3A_924 = tpu.memref_squeeze %dma_start3A_923 : memref<1x2097152xf32, #tpu.memory_space<hbm>> -> memref<2097152xf32, #tpu.memory_space<hbm>>
        %dma_start3A_925 = tpu.memref_slice %dma_start3A_924[%add3A_915] : memref<2097152xf32, #tpu.memory_space<hbm>> -> memref<8192xf32, #tpu.memory_space<hbm>>
        %dma_start3A_926 = arith.constant 0 : i32
        %dma_start3A_927 = arith.constant 0 : i32
        %dma_start3A_928 = tpu.memref_slice %arg4[%dma_start3A_916, %dma_start3A_926, %dma_start3A_927] : memref<2x4x2097152xf32, #tpu.memory_space<hbm>> -> memref<1x4x2097152xf32, #tpu.memory_space<hbm>>
        %dma_start3A_929 = tpu.memref_squeeze %dma_start3A_928 : memref<1x4x2097152xf32, #tpu.memory_space<hbm>> -> memref<4x2097152xf32, #tpu.memory_space<hbm>>
        %dma_start3A_930 = arith.constant 0 : i32
        %dma_start3A_931 = tpu.memref_slice %dma_start3A_929[%dma_start3A_917, %dma_start3A_930] : memref<4x2097152xf32, #tpu.memory_space<hbm>> -> memref<1x2097152xf32, #tpu.memory_space<hbm>>
        %dma_start3A_932 = tpu.memref_squeeze %dma_start3A_931 : memref<1x2097152xf32, #tpu.memory_space<hbm>> -> memref<2097152xf32, #tpu.memory_space<hbm>>
        %dma_start3A_933 = tpu.memref_slice %dma_start3A_932[%add3A_915] : memref<2097152xf32, #tpu.memory_space<hbm>> -> memref<8192xf32, #tpu.memory_space<hbm>>
        tpu.enqueue_dma source(%arg10 : memref<8192xf32, #tpu.memory_space<vmem>>) target(%dma_start3A_933 : memref<8192xf32, #tpu.memory_space<hbm>>) target_semaphore(%arg15 : memref<!tpu.dma_semaphore, #tpu.memory_space<semaphore_mem>>)
      } else {
      }
      %gt3A_891 = arith.constant 1 : i32
      %gt3A_892 = arith.cmpi sgt, %add3A_882, %gt3A_891 : i32
      %convert_element_type3A_893 = arith.extui %gt3A_892 : i1 to i32
      %cond3A_894 = arith.constant 0 : i32
      %cond3A_895 = arith.cmpi ne, %convert_element_type3A_893, %cond3A_894 : i32
      scf.if %cond3A_895 {
        %sub3A_908 = arith.constant 2 : i32
        %sub3A_909 = arith.subi %add3A_882, %sub3A_908 : i32
        %mul3A_910 = arith.constant 8192 : i32
        %mul3A_911 = arith.muli %sub3A_909, %mul3A_910 : i32
        %multiple_of3A_912 = tpu.assume_multiple %mul3A_911, 8192 : i32
        %add3A_913 = arith.addi %multiple_of3A, %multiple_of3A_912 : i32
        %dma_wait3A_914 = arith.constant 1 : i32
        %dma_wait3A_915 = arith.constant 3 : i32
        %dma_wait3A_916 = arith.constant 0 : i32
        %dma_wait3A_917 = arith.constant 0 : i32
        %dma_wait3A_918 = tpu.memref_slice %arg4[%dma_wait3A_914, %dma_wait3A_916, %dma_wait3A_917] : memref<2x4x2097152xf32, #tpu.memory_space<hbm>> -> memref<1x4x2097152xf32, #tpu.memory_space<hbm>>
        %dma_wait3A_919 = tpu.memref_squeeze %dma_wait3A_918 : memref<1x4x2097152xf32, #tpu.memory_space<hbm>> -> memref<4x2097152xf32, #tpu.memory_space<hbm>>
        %dma_wait3A_920 = arith.constant 0 : i32
        %dma_wait3A_921 = tpu.memref_slice %dma_wait3A_919[%dma_wait3A_915, %dma_wait3A_920] : memref<4x2097152xf32, #tpu.memory_space<hbm>> -> memref<1x2097152xf32, #tpu.memory_space<hbm>>
        %dma_wait3A_922 = tpu.memref_squeeze %dma_wait3A_921 : memref<1x2097152xf32, #tpu.memory_space<hbm>> -> memref<2097152xf32, #tpu.memory_space<hbm>>
        %dma_wait3A_923 = tpu.memref_slice %dma_wait3A_922[%add3A_913] : memref<2097152xf32, #tpu.memory_space<hbm>> -> memref<8192xf32, #tpu.memory_space<hbm>>
        %dma_wait3A_924 = arith.constant 0 : i32
        %dma_wait3A_925 = arith.constant 0 : i32
        %dma_wait3A_926 = tpu.memref_slice %arg4[%dma_wait3A_914, %dma_wait3A_924, %dma_wait3A_925] : memref<2x4x2097152xf32, #tpu.memory_space<hbm>> -> memref<1x4x2097152xf32, #tpu.memory_space<hbm>>
        %dma_wait3A_927 = tpu.memref_squeeze %dma_wait3A_926 : memref<1x4x2097152xf32, #tpu.memory_space<hbm>> -> memref<4x2097152xf32, #tpu.memory_space<hbm>>
        %dma_wait3A_928 = arith.constant 0 : i32
        %dma_wait3A_929 = tpu.memref_slice %dma_wait3A_927[%dma_wait3A_915, %dma_wait3A_928] : memref<4x2097152xf32, #tpu.memory_space<hbm>> -> memref<1x2097152xf32, #tpu.memory_space<hbm>>
        %dma_wait3A_930 = tpu.memref_squeeze %dma_wait3A_929 : memref<1x2097152xf32, #tpu.memory_space<hbm>> -> memref<2097152xf32, #tpu.memory_space<hbm>>
        %dma_wait3A_931 = tpu.memref_slice %dma_wait3A_930[%add3A_913] : memref<2097152xf32, #tpu.memory_space<hbm>> -> memref<8192xf32, #tpu.memory_space<hbm>>
        tpu.wait_dma2 semaphore(%arg15 : memref<!tpu.dma_semaphore, #tpu.memory_space<semaphore_mem>>) src(%arg11 : memref<8192xf32, #tpu.memory_space<vmem>>) dst(%dma_wait3A_931 : memref<8192xf32, #tpu.memory_space<hbm>>)
      } else {
      }
      %add3A_896 = arith.addi %multiple_of3A, %multiple_of3A_885 : i32
      %dma_wait3A_897 = tpu.memref_slice %arg6[%add3A_896] : memref<2097152xi32, #tpu.memory_space<hbm>> -> memref<8192xi32, #tpu.memory_space<hbm>>
      %dma_wait3A_898 = tpu.memref_slice %arg6[%add3A_896] : memref<2097152xi32, #tpu.memory_space<hbm>> -> memref<8192xi32, #tpu.memory_space<hbm>>
      tpu.wait_dma2 semaphore(%arg14 : memref<!tpu.dma_semaphore, #tpu.memory_space<semaphore_mem>>) src(%dma_wait3A_898 : memref<8192xi32, #tpu.memory_space<hbm>>) dst(%arg9 : memref<8192xi32, #tpu.memory_space<vmem>>)
      %dma_start3A_899 = arith.constant 0 : i32
      %dma_start3A_900 = tpu.memref_slice %arg12[%dma_start3A_899] : memref<1048576xf32, #tpu.memory_space<vmem_shared>> -> memref<1048576xf32, #tpu.memory_space<vmem_shared>>
      tpu.enqueue_indirect_dma source(%dma_start3A_900 : memref<1048576xf32, #tpu.memory_space<vmem_shared>>) target(%arg11 : memref<8192xf32, #tpu.memory_space<vmem>>) offsets(%arg9 : memref<8192xi32, #tpu.memory_space<vmem>>) semaphore(%arg13 : memref<!tpu.dma_semaphore, #tpu.memory_space<semaphore_mem>>)
      %add3A_901 = arith.constant 1 : i32
      %add3A_902 = arith.addi %add3A_882, %add3A_901 : i32
      %lt3A_903 = arith.constant 16 : i32
      %lt3A_904 = arith.cmpi slt, %add3A_902, %lt3A_903 : i32
      %convert_element_type3A_905 = arith.extui %lt3A_904 : i1 to i32
      %cond3A_906 = arith.constant 0 : i32
      %cond3A_907 = arith.cmpi ne, %convert_element_type3A_905, %cond3A_906 : i32
      scf.if %cond3A_907 {
        %add3A_908 = arith.constant 1 : i32
        %add3A_909 = arith.addi %add3A_882, %add3A_908 : i32
        %mul3A_910 = arith.constant 8192 : i32
        %mul3A_911 = arith.muli %add3A_909, %mul3A_910 : i32
        %multiple_of3A_912 = tpu.assume_multiple %mul3A_911, 8192 : i32
        %add3A_913 = arith.addi %multiple_of3A, %multiple_of3A_912 : i32
        %dma_start3A_914 = tpu.memref_slice %arg6[%add3A_913] : memref<2097152xi32, #tpu.memory_space<hbm>> -> memref<8192xi32, #tpu.memory_space<hbm>>
        %dma_start3A_915 = tpu.memref_slice %arg6[%add3A_913] : memref<2097152xi32, #tpu.memory_space<hbm>> -> memref<8192xi32, #tpu.memory_space<hbm>>
        tpu.enqueue_dma source(%dma_start3A_915 : memref<8192xi32, #tpu.memory_space<hbm>>) target(%arg8 : memref<8192xi32, #tpu.memory_space<vmem>>) target_semaphore(%arg14 : memref<!tpu.dma_semaphore, #tpu.memory_space<semaphore_mem>>)
      } else {
      }
    }
    %scan3A_786 = arith.constant 8 : i32
    %multiple_of3A_787 = arith.constant 122880 : i32
    %multiple_of3A_788 = tpu.assume_multiple %multiple_of3A_787, 8192 : i32
    %dma_wait3A_789 = arith.constant 0 : i32
    %dma_wait3A_790 = tpu.memref_slice %arg12[%dma_wait3A_789] : memref<1048576xf32, #tpu.memory_space<vmem_shared>> -> memref<1048576xf32, #tpu.memory_space<vmem_shared>>
    tpu.wait_indirect_dma semaphore(%arg13 : memref<!tpu.dma_semaphore, #tpu.memory_space<semaphore_mem>>) src(%dma_wait3A_790 : memref<1048576xf32, #tpu.memory_space<vmem_shared>>) dst(%arg11 : memref<8192xf32, #tpu.memory_space<vmem>>)
    %add3A_791 = arith.addi %multiple_of3A, %multiple_of3A_788 : i32
    %dma_start3A_792 = arith.constant 1 : i32
    %dma_start3A_793 = arith.constant 3 : i32
    %dma_start3A_794 = arith.constant 0 : i32
    %dma_start3A_795 = arith.constant 0 : i32
    %dma_start3A_796 = tpu.memref_slice %arg4[%dma_start3A_792, %dma_start3A_794, %dma_start3A_795] : memref<2x4x2097152xf32, #tpu.memory_space<hbm>> -> memref<1x4x2097152xf32, #tpu.memory_space<hbm>>
    %dma_start3A_797 = tpu.memref_squeeze %dma_start3A_796 : memref<1x4x2097152xf32, #tpu.memory_space<hbm>> -> memref<4x2097152xf32, #tpu.memory_space<hbm>>
    %dma_start3A_798 = arith.constant 0 : i32
    %dma_start3A_799 = tpu.memref_slice %dma_start3A_797[%dma_start3A_793, %dma_start3A_798] : memref<4x2097152xf32, #tpu.memory_space<hbm>> -> memref<1x2097152xf32, #tpu.memory_space<hbm>>
    %dma_start3A_800 = tpu.memref_squeeze %dma_start3A_799 : memref<1x2097152xf32, #tpu.memory_space<hbm>> -> memref<2097152xf32, #tpu.memory_space<hbm>>
    %dma_start3A_801 = tpu.memref_slice %dma_start3A_800[%add3A_791] : memref<2097152xf32, #tpu.memory_space<hbm>> -> memref<8192xf32, #tpu.memory_space<hbm>>
    %dma_start3A_802 = arith.constant 0 : i32
    %dma_start3A_803 = arith.constant 0 : i32
    %dma_start3A_804 = tpu.memref_slice %arg4[%dma_start3A_792, %dma_start3A_802, %dma_start3A_803] : memref<2x4x2097152xf32, #tpu.memory_space<hbm>> -> memref<1x4x2097152xf32, #tpu.memory_space<hbm>>
    %dma_start3A_805 = tpu.memref_squeeze %dma_start3A_804 : memref<1x4x2097152xf32, #tpu.memory_space<hbm>> -> memref<4x2097152xf32, #tpu.memory_space<hbm>>
    %dma_start3A_806 = arith.constant 0 : i32
    %dma_start3A_807 = tpu.memref_slice %dma_start3A_805[%dma_start3A_793, %dma_start3A_806] : memref<4x2097152xf32, #tpu.memory_space<hbm>> -> memref<1x2097152xf32, #tpu.memory_space<hbm>>
    %dma_start3A_808 = tpu.memref_squeeze %dma_start3A_807 : memref<1x2097152xf32, #tpu.memory_space<hbm>> -> memref<2097152xf32, #tpu.memory_space<hbm>>
    %dma_start3A_809 = tpu.memref_slice %dma_start3A_808[%add3A_791] : memref<2097152xf32, #tpu.memory_space<hbm>> -> memref<8192xf32, #tpu.memory_space<hbm>>
    tpu.enqueue_dma source(%arg11 : memref<8192xf32, #tpu.memory_space<vmem>>) target(%dma_start3A_809 : memref<8192xf32, #tpu.memory_space<hbm>>) target_semaphore(%arg15 : memref<!tpu.dma_semaphore, #tpu.memory_space<semaphore_mem>>)
    %multiple_of3A_810 = arith.constant 114688 : i32
    %multiple_of3A_811 = tpu.assume_multiple %multiple_of3A_810, 8192 : i32
    %add3A_812 = arith.addi %multiple_of3A, %multiple_of3A_811 : i32
    %dma_wait3A_813 = arith.constant 1 : i32
    %dma_wait3A_814 = arith.constant 3 : i32
    %dma_wait3A_815 = arith.constant 0 : i32
    %dma_wait3A_816 = arith.constant 0 : i32
    %dma_wait3A_817 = tpu.memref_slice %arg4[%dma_wait3A_813, %dma_wait3A_815, %dma_wait3A_816] : memref<2x4x2097152xf32, #tpu.memory_space<hbm>> -> memref<1x4x2097152xf32, #tpu.memory_space<hbm>>
    %dma_wait3A_818 = tpu.memref_squeeze %dma_wait3A_817 : memref<1x4x2097152xf32, #tpu.memory_space<hbm>> -> memref<4x2097152xf32, #tpu.memory_space<hbm>>
    %dma_wait3A_819 = arith.constant 0 : i32
    %dma_wait3A_820 = tpu.memref_slice %dma_wait3A_818[%dma_wait3A_814, %dma_wait3A_819] : memref<4x2097152xf32, #tpu.memory_space<hbm>> -> memref<1x2097152xf32, #tpu.memory_space<hbm>>
    %dma_wait3A_821 = tpu.memref_squeeze %dma_wait3A_820 : memref<1x2097152xf32, #tpu.memory_space<hbm>> -> memref<2097152xf32, #tpu.memory_space<hbm>>
    %dma_wait3A_822 = tpu.memref_slice %dma_wait3A_821[%add3A_812] : memref<2097152xf32, #tpu.memory_space<hbm>> -> memref<8192xf32, #tpu.memory_space<hbm>>
    %dma_wait3A_823 = arith.constant 0 : i32
    %dma_wait3A_824 = arith.constant 0 : i32
    %dma_wait3A_825 = tpu.memref_slice %arg4[%dma_wait3A_813, %dma_wait3A_823, %dma_wait3A_824] : memref<2x4x2097152xf32, #tpu.memory_space<hbm>> -> memref<1x4x2097152xf32, #tpu.memory_space<hbm>>
    %dma_wait3A_826 = tpu.memref_squeeze %dma_wait3A_825 : memref<1x4x2097152xf32, #tpu.memory_space<hbm>> -> memref<4x2097152xf32, #tpu.memory_space<hbm>>
    %dma_wait3A_827 = arith.constant 0 : i32
    %dma_wait3A_828 = tpu.memref_slice %dma_wait3A_826[%dma_wait3A_814, %dma_wait3A_827] : memref<4x2097152xf32, #tpu.memory_space<hbm>> -> memref<1x2097152xf32, #tpu.memory_space<hbm>>
    %dma_wait3A_829 = tpu.memref_squeeze %dma_wait3A_828 : memref<1x2097152xf32, #tpu.memory_space<hbm>> -> memref<2097152xf32, #tpu.memory_space<hbm>>
    %dma_wait3A_830 = tpu.memref_slice %dma_wait3A_829[%add3A_812] : memref<2097152xf32, #tpu.memory_space<hbm>> -> memref<8192xf32, #tpu.memory_space<hbm>>
    tpu.wait_dma2 semaphore(%arg15 : memref<!tpu.dma_semaphore, #tpu.memory_space<semaphore_mem>>) src(%arg10 : memref<8192xf32, #tpu.memory_space<vmem>>) dst(%dma_wait3A_830 : memref<8192xf32, #tpu.memory_space<hbm>>)
    %add3A_831 = arith.addi %multiple_of3A, %multiple_of3A_788 : i32
    %dma_wait3A_832 = arith.constant 1 : i32
    %dma_wait3A_833 = arith.constant 3 : i32
    %dma_wait3A_834 = arith.constant 0 : i32
    %dma_wait3A_835 = arith.constant 0 : i32
    %dma_wait3A_836 = tpu.memref_slice %arg4[%dma_wait3A_832, %dma_wait3A_834, %dma_wait3A_835] : memref<2x4x2097152xf32, #tpu.memory_space<hbm>> -> memref<1x4x2097152xf32, #tpu.memory_space<hbm>>
    %dma_wait3A_837 = tpu.memref_squeeze %dma_wait3A_836 : memref<1x4x2097152xf32, #tpu.memory_space<hbm>> -> memref<4x2097152xf32, #tpu.memory_space<hbm>>
    %dma_wait3A_838 = arith.constant 0 : i32
    %dma_wait3A_839 = tpu.memref_slice %dma_wait3A_837[%dma_wait3A_833, %dma_wait3A_838] : memref<4x2097152xf32, #tpu.memory_space<hbm>> -> memref<1x2097152xf32, #tpu.memory_space<hbm>>
    %dma_wait3A_840 = tpu.memref_squeeze %dma_wait3A_839 : memref<1x2097152xf32, #tpu.memory_space<hbm>> -> memref<2097152xf32, #tpu.memory_space<hbm>>
    %dma_wait3A_841 = tpu.memref_slice %dma_wait3A_840[%add3A_831] : memref<2097152xf32, #tpu.memory_space<hbm>> -> memref<8192xf32, #tpu.memory_space<hbm>>
    %dma_wait3A_842 = arith.constant 0 : i32
    %dma_wait3A_843 = arith.constant 0 : i32
    %dma_wait3A_844 = tpu.memref_slice %arg4[%dma_wait3A_832, %dma_wait3A_842, %dma_wait3A_843] : memref<2x4x2097152xf32, #tpu.memory_space<hbm>> -> memref<1x4x2097152xf32, #tpu.memory_space<hbm>>
    %dma_wait3A_845 = tpu.memref_squeeze %dma_wait3A_844 : memref<1x4x2097152xf32, #tpu.memory_space<hbm>> -> memref<4x2097152xf32, #tpu.memory_space<hbm>>
    %dma_wait3A_846 = arith.constant 0 : i32
    %dma_wait3A_847 = tpu.memref_slice %dma_wait3A_845[%dma_wait3A_833, %dma_wait3A_846] : memref<4x2097152xf32, #tpu.memory_space<hbm>> -> memref<1x2097152xf32, #tpu.memory_space<hbm>>
    %dma_wait3A_848 = tpu.memref_squeeze %dma_wait3A_847 : memref<1x2097152xf32, #tpu.memory_space<hbm>> -> memref<2097152xf32, #tpu.memory_space<hbm>>
    %dma_wait3A_849 = tpu.memref_slice %dma_wait3A_848[%add3A_831] : memref<2097152xf32, #tpu.memory_space<hbm>> -> memref<8192xf32, #tpu.memory_space<hbm>>
    tpu.wait_dma2 semaphore(%arg15 : memref<!tpu.dma_semaphore, #tpu.memory_space<semaphore_mem>>) src(%arg11 : memref<8192xf32, #tpu.memory_space<vmem>>) dst(%dma_wait3A_849 : memref<8192xf32, #tpu.memory_space<hbm>>)
    %barrier3A_850 = arith.constant 0 : index
    tpu.barrier barrier_id(%barrier3A_850)
    return
  }
}

module attributes {stable_mosaic.version = 14 : i64} {
  func.func @_tc_merge_body(%arg0: i32, %arg1: memref<512x128xi32, #tpu.memory_space<vmem>>, %arg2: memref<2x4x512x128xf32, #tpu.memory_space<vmem>>, %arg3: memref<4x512x128xf32, #tpu.memory_space<vmem>>) attributes {dimension_semantics = [#tpu.dimension_semantics<arbitrary>], iteration_bounds = array<i64: 32>, scalar_prefetch = 0 : i64, scratch_operands = 0 : i64, tpu.core_type = #tpu.core_type<tc>, window_params = [{transform_indices = @transform_0, window_bounds = array<i64: 512, 128>}, {transform_indices = @transform_1, window_bounds = array<i64: 2, 4, 512, 128>}, {transform_indices = @transform_2, window_bounds = array<i64: 4, 512, 128>}]} {
    %get3A = arith.constant 0 : index
    %get3A_0 = arith.constant 0 : index
    %get3A_1 = vector.load %arg1[%get3A, %get3A_0] : memref<512x128xi32, #tpu.memory_space<vmem>>, vector<512x128xi32>
    %shift_right_arithmetic3A = arith.constant 20 : i32
    %shift_right_arithmetic3A_2 = vector.broadcast %shift_right_arithmetic3A : i32 to vector<512x128xi32>
    %shift_right_arithmetic3A_3 = arith.shrsi %get3A_1, %shift_right_arithmetic3A_2 : vector<512x128xi32>
    %broadcast_in_dim3A = vector.shape_cast %shift_right_arithmetic3A_3 : vector<512x128xi32> to vector<1x512x128xi32>
    %eq3A = arith.constant 0 : i32
    %eq3A_4 = vector.broadcast %eq3A : i32 to vector<1x512x128xi32>
    %eq3A_5 = arith.cmpi eq, %broadcast_in_dim3A, %eq3A_4 : vector<1x512x128xi32>
    %get3A_6 = arith.constant 0 : index
    %get3A_7 = arith.constant 0 : index
    %get3A_8 = arith.constant 0 : index
    %get3A_9 = arith.constant 0 : index
    %get3A_10 = vector.load %arg2[%get3A_6, %get3A_7, %get3A_8, %get3A_9] : memref<2x4x512x128xf32, #tpu.memory_space<vmem>>, vector<1x4x512x128xf32>
    %get3A_11 = vector.shape_cast %get3A_10 : vector<1x4x512x128xf32> to vector<4x512x128xf32>
    %get3A_12 = arith.constant 1 : index
    %get3A_13 = arith.constant 0 : index
    %get3A_14 = arith.constant 0 : index
    %get3A_15 = arith.constant 0 : index
    %get3A_16 = vector.load %arg2[%get3A_12, %get3A_13, %get3A_14, %get3A_15] : memref<2x4x512x128xf32, #tpu.memory_space<vmem>>, vector<1x4x512x128xf32>
    %get3A_17 = vector.shape_cast %get3A_16 : vector<1x4x512x128xf32> to vector<4x512x128xf32>
    %broadcast_in_dim3A_18 = vector.shape_cast %eq3A_5 : vector<1x512x128xi1> to vector<1x512x128xi1>
    %broadcast_in_dim3A_19 = vector.broadcast %broadcast_in_dim3A_18 : vector<1x512x128xi1> to vector<4x512x128xi1>
    %select_n3A = arith.select %broadcast_in_dim3A_19, %get3A_11, %get3A_17 : vector<4x512x128xi1>, vector<4x512x128xf32>
    %swap3A = arith.constant 0 : index
    %swap3A_20 = arith.constant 0 : index
    %swap3A_21 = arith.constant 0 : index
    %swap3A_22 = vector.load %arg3[%swap3A, %swap3A_20, %swap3A_21] : memref<4x512x128xf32, #tpu.memory_space<vmem>>, vector<4x512x128xf32>
    tpu.vector_store %arg3[%swap3A, %swap3A_20, %swap3A_21], %select_n3A {strides = array<i32>} : memref<4x512x128xf32, #tpu.memory_space<vmem>>, vector<4x512x128xf32>,
    return
  }
  func.func @transform_0(%arg0: i32) -> (i32, i32) {
    %c0_i32 = arith.constant 0 : i32
    %c0_i32_0 = arith.constant 0 : i32
    return %arg0, %c0_i32 : i32, i32
  }
  func.func @transform_1(%arg0: i32) -> (i32, i32, i32, i32) {
    %c0_i32 = arith.constant 0 : i32
    %c0_i32_0 = arith.constant 0 : i32
    %c0_i32_1 = arith.constant 0 : i32
    %c0_i32_2 = arith.constant 0 : i32
    return %c0_i32, %c0_i32_0, %arg0, %c0_i32_1 : i32, i32, i32, i32
  }
  func.func @transform_2(%arg0: i32) -> (i32, i32, i32) {
    %c0_i32 = arith.constant 0 : i32
    %c0_i32_0 = arith.constant 0 : i32
    %c0_i32_1 = arith.constant 0 : i32
    return %c0_i32, %arg0, %c0_i32_0 : i32, i32, i32
  }
}

</mosaic_0001>

<sc_bundles>
// kernel: kernel.4.cloned.1.call-start
scs
__scs_entry_jumppad:
0x0: {  	(pc) =	sbr.rel $0x88, $3  }
0x1: {  	(tag) =	ssettag $0x0;
	lr =	simm.s32 $0x1  }
0x2: {  	[smem:$0x3F9F] =	sst lr;
	_ =	strace $0xD0000000  }
0x3: {  	_ = 	snop  }
0x4: {  	_ = 	snop  }
0x5: {  	_ = 	snop  }
0x6: {  	_ = 	snop  }
0x7: {  	_ = 	snop  }
__scs_overlays_trampoline_lowered:
0x8: {  	[smem:$0x3FAE] =	sst s0  }
0x9: {  	[smem:$0x3FAF] =	sst s1  }
0xa: {  	[smem:$0x3FB0] =	sst s2  }
0xb: {  	[smem:$0x3FB1] =	sst s3  }
0xc: {  	[smem:$0x3FB2] =	sst s4  }
0xd: {  	[smem:$0x3FB3] =	sst s5  }
0xe: {  	[smem:$0x3FB4] =	sst s6  }
0xf: {  	[smem:$0x3FB5] =	sst s7  }
0x10: {  	[smem:$0x3FB6] =	sst s8  }
0x11: {  	[smem:$0x3FB7] =	sst s9;
	s0 =	simm.s32 @!p0 $0x0  }
0x12: {  	s1 =	sld [smem:$0x3F9D];
	s0 =	simm.s32 @p0 $0x1  }
0x13: {  	[smem:$0x3FB8] =	sst s0;
	s0 =	simm.s32 @!p1 $0x0  }
0x14: {  	s2 =	sld [smem:$0x3F9C];
	s0 =	simm.s32 @p1 $0x1  }
0x15: {  	[smem:$0x3FB9] =	sst s0;
	s0 =	simm.s32 @!p2 $0x0  }
0x16: {  	s3 =	sld [smem:$0x3FDB];
	s0 =	simm.s32 @p2 $0x1  }
0x17: {  	s4 =	simm.s32 $0x1BF5;
	[smem:$0x3FBB] =	sst s0  }
0x18: {  	s0 =	sld [smem:$0x3F9E];
	_ =	swait.ge [sflag:s4], $0x0  }
0x19: {  	s7 =	sld [smem:$0x3F9F]  }
0x1a: {  	s8 =	sadd.s32 $0xFFFFE003, lr  }
0x1b: {  	s9 =	sadd.s32 $0xFFFFFEF7, lr;
	s5 =	simm.s32 $0xFFFFFFFF;
	p2 =	slt.u32 s8, $0xFFFFF086  }
0x1c: {  	p1 =	slt.u32 s9, $0xF7A;
	s5 =	simm.s32 @!p2 $0x0  }
0x1d: {  	s5 =	simm.s32 @p1 $0x1;
	p0 =	seq.s32 s7, s2  }
0x1e: {  	s7 =	smul.u32 @!p0 $0xF7A, s2;
	p2 =	seq.s32 @!p0 s5, $0x0  }
0x1f: {  	s9 =	smul.u32 $0xF7A, s1;
	s8 =	simm.s32 @!p0 $0x1BF5;
	p2 =	por !p2, p0  }
0x20: {  	[sflag:s8] =	ssyncset.s32 @!p0 $0xFFFFF086;
	s6 =	sadd.s32 @!p0 s3, s7;
	s7 =	simm.s32 @!p0 $0x108  }
0x21: {  	s3 =	sadd.s32 s3, s9;
	s6 =	sadd.s32 @!p0 $0x88, s6;
	s7 =	simm.s32 @p2 $0x1082  }
0x22: {  	[simem:s7], [sflag:s8] =	dma.local @!p0 [hbm:s6], $0xF7A  }
0x23: {  	s9 =	sor.u32 $0xD0000000, s2;
	s6 =	simm.s32 $0x108;
	_ =	swait.ge @!p0 [sflag:s8], $0x0  }
0x24: {  	s3 =	sadd.s32 $0x88, s3;
	s6 =	simm.s32 @!p1 $0x1082;
	[sflag:s4] =	ssyncset.s32 $0xFFFFF086  }
0x25: {  	[simem:s6], [sflag:s4] =	dma.local [hbm:s3], $0xF7A  }
0x26: {  	[smem:$0x3F9F] =	sst s1;
	(tag) =	ssettag s2;
	_ =	strace s9  }
0x27: {  	s1 =	sld [smem:$0x3FAF]  }
0x28: {  	s2 =	sld [smem:$0x3FB0]  }
0x29: {  	s4 =	sld [smem:$0x3FB2]  }
0x2a: {  	p0 =	seq.s32 s5, $0x0;
	s5 =	sld [smem:$0x3FB3]  }
0x2b: {  	s6 =	sld [smem:$0x3FB4]  }
0x2c: {  	s7 =	sld [smem:$0x3FB5]  }
0x2d: {  	s3 =	simm.s32 $0x108;
	s8 =	sld [smem:$0x3FB6]  }
0x2e: {  	s3 =	simm.s32 @!p0 $0x1082;
	s9 =	sld [smem:$0x3FB7]  }
0x2f: {  	lr =	sadd.s32 s0, s3;
	s0 =	sld [smem:$0x3FAE]  }
0x30: {  	s3 =	sld [smem:$0x3FB1]  }
0x31: {  	[smem:$0x3FBA] =	sst s10  }
0x32: {  	s10 =	sld [smem:$0x3FB8];
	_ =	sdelay $0x3  }
0x33: {  	p0 =	seq.s32 s10, $0x1;
	s10 =	sld [smem:$0x3FBA];
	_ =	sdelay $0x3  }
0x34: {  	[smem:$0x3FBA] =	sst s10  }
0x35: {  	s10 =	sld [smem:$0x3FB9];
	_ =	sdelay $0x3  }
0x36: {  	p1 =	seq.s32 s10, $0x1;
	s10 =	sld [smem:$0x3FBA];
	_ =	sdelay $0x3  }
0x37: {  	[smem:$0x3FBA] =	sst s10  }
0x38: {  	s10 =	sld [smem:$0x3FBB]  }
0x39: {  	_ = 	snop;
	(pc) =	sbr.ind lr, $3  }
0x3a: {  	_ = 	snop  }
0x3b: {  	_ = 	snop  }
0x3c: {  	p2 =	seq.s32 s10, $0x1;
	s10 =	sld [smem:$0x3FBA]  }
0x3d: {  	_ =	shalt  }
0x3e: {  	_ =	shalt  }
0x3f: {  	_ =	shalt  }
0x40: {  	_ =	shalt  }
0x41: {  	_ =	shalt  }
0x42: {  	_ =	shalt  }
0x43: {  	_ =	shalt  }
0x44: {  	_ =	shalt  }
0x45: {  	_ =	shalt  }
0x46: {  	_ =	shalt  }
0x47: {  	_ =	shalt  }
0x48: {  	_ =	shalt  }
0x49: {  	_ =	shalt  }
0x4a: {  	_ =	shalt  }
0x4b: {  	_ =	shalt  }
0x4c: {  	_ =	shalt  }
0x4d: {  	_ =	shalt  }
0x4e: {  	_ =	shalt  }
0x4f: {  	_ =	shalt  }
0x50: {  	_ =	shalt  }
0x51: {  	_ =	shalt  }
0x52: {  	_ =	shalt  }
0x53: {  	_ =	shalt  }
0x54: {  	_ =	shalt  }
0x55: {  	_ =	shalt  }
0x56: {  	_ =	shalt  }
0x57: {  	_ =	shalt  }
0x58: {  	_ =	shalt  }
0x59: {  	_ =	shalt  }
0x5a: {  	_ =	shalt  }
0x5b: {  	_ =	shalt  }
0x5c: {  	_ =	shalt  }
0x5d: {  	_ =	shalt  }
0x5e: {  	_ =	shalt  }
0x5f: {  	_ =	shalt  }
0x60: {  	_ =	shalt  }
0x61: {  	_ =	shalt  }
0x62: {  	_ =	shalt  }
0x63: {  	_ =	shalt  }
0x64: {  	_ =	shalt  }
0x65: {  	_ =	shalt  }
0x66: {  	_ =	shalt  }
0x67: {  	_ =	shalt  }
0x68: {  	_ =	shalt  }
0x69: {  	_ =	shalt  }
0x6a: {  	_ =	shalt  }
0x6b: {  	_ =	shalt  }
0x6c: {  	_ =	shalt  }
0x6d: {  	_ =	shalt  }
0x6e: {  	_ =	shalt  }
0x6f: {  	_ =	shalt  }
0x70: {  	_ =	shalt  }
0x71: {  	_ =	shalt  }
0x72: {  	_ =	shalt  }
0x73: {  	_ =	shalt  }
0x74: {  	_ =	shalt  }
0x75: {  	_ =	shalt  }
0x76: {  	_ =	shalt  }
0x77: {  	_ =	shalt  }
0x78: {  	_ =	shalt  }
0x79: {  	_ =	shalt  }
0x7a: {  	_ =	shalt  }
0x7b: {  	_ =	shalt  }
0x7c: {  	_ =	shalt  }
0x7d: {  	_ =	shalt  }
0x7e: {  	_ =	shalt  }
0x7f: {  	_ =	shalt  }
0x80: {  	_ =	shalt  }
0x81: {  	_ =	shalt  }
0x82: {  	_ =	shalt  }
0x83: {  	_ =	shalt  }
0x84: {  	_ =	shalt  }
0x85: {  	_ =	shalt  }
0x86: {  	_ =	shalt  }
0x87: {  	_ =	shalt  }
.Lfunc_end0:
.L_simem_size_0:
called_computation.2_lowered:
.L_overlay_start_0:
0x88: {  	s0 =	sld [smem:$0x3FD9]  }
0x89: {  	s1 =	sld [smem:$0x3FFE];
	_ =	sdelay $0x3  }
0x8a: {  	s0 =	sadd.s32 s1, s0  }
0x8b: {  	[smem:$0x3FC6] =	sst s0  }
0x8c: {  	_ = 	snop  }
0x8d: {  	s0 =	sld [smem:$0x3FD0];
	_ =	sdelay $0x2  }
0x8e: {  	s2 =	simm.s32 $0xA;
	s3 =	simm.s32 $0x10;
	s13 =	sld [smem:$0x3FC8]  }
0x8f: {  	[smem:s3], [sflag:s2] =	dma.local [hbm:s0], $0x1  }
0x90: {  	_ =	swait.eq [sflag:s2], $0x1  }
0x91: {  	[sflag:s2] =	ssyncset.done $0x0  }
0x92: {  	s14 =	sld [smem:$0x10];
	[sflag:s2] =	ssyncadd.s32 $0xFFFFFFFF  }
0x93: {  	s15 =	sld [smem:$0x11];
	(tm) =	ssettm $0x1  }
0x94: {  	s16 =	sld [smem:$0x3FFB];
	_ =	sdelay $0x3  }
0x95: {  	_ =	strace s16  }
0x96: {  	s3 =	sld [smem:$0x3FFC];
	_ =	sdelay $0x3  }
0x97: {  	_ =	strace s3  }
0x98: {  	s3 =	sld [smem:$0x3FFD];
	_ =	sdelay $0x3  }
0x99: {  	_ =	strace s3  }
0x9a: {  	_ =	strace $0x8FFFFFFF  }
0x9b: {  	s17 =	sld [smem:$0x3FDB];
	_ =	sdelay $0x1  }
0x9c: {  	s4 =	simm.s32 $_scs_section_size  }
0x9d: {  	s5 =	simm.s32 $_size__tile_overlayer_lowered;
	s6 =	simm.s32 $_tile_overlayer_lowered  }
0x9e: {  	s20 =	simm.s32 $0x1BFF;
	s19 =	sshll.u32 s6, $0x1;
	s3 =	sadd.s32 s4, s17  }
0x9f: {  	s7 =	simm.s32 $0x0;
	s18 =	sshll.u32 s5, $0x1;
	s5 =	sadd.s32 s19, s3  }
0xa0: {  	[timem:s7], [sflag:s20] =	dma.local [hbm:s5], s18  }
0xa1: {  	_ =	swait.ge [sflag:s20], s18  }
0xa2: {  	s4 =	ssub.s32 $0x0, s18;
	[sflag:s20] =	ssyncset.done $0x0  }
0xa3: {  	[sflag:s20] =	ssyncadd.s32 s4;
	_ =	sdelay $0x1  }
0xa4: {  	s21 =	simm.s32 $0x1B8B  }
0xa5: {  	_ =	swait.ge [sflag:s21], $0x1  }
0xa6: {  	[sflag:s21] =	ssyncset.done $0x0  }
0xa7: {  	s23 =	simm.s32 $0x1B8E;
	s22 =	sld [smem:$0x3FFE];
	[sflag:s21] =	ssyncadd.s32 $0xFFFFFFFF  }
0xa8: {  	s24 =	simm.s32 $execute0_lowered;
	[smem:$0x3FD2] =	sst s23  }
0xa9: {  	s5 =	sshll.u32 s24, $0x1;
	_ =	strace $0x80000049;
	[dreg:$0x1] =	wrdreg $0xFFFFFFFF  }
0xaa: {  	s25 =	simm.s32 $_size_execute0_lowered;
	s3 =	sadd.s32 s3, s5;
	[dreg:$0x0] =	wrdreg $0x0  }
0xab: {  	s5 =	sshll.u32 s25, $0x1;
	[dreg:$0x2] =	wrdreg s3  }
0xac: {  	[dreg:$0x3] =	wrdreg s5  }
0xad: {  	[dreg:$0x4] =	wrdreg $0xC0  }
0xae: {  	_ =	task [dreg:s7], $0x5FFFF  }
0xaf: {  	[dreg:$0x1] =	wrdreg $0xFFFFFFFF  }
0xb0: {  	[dreg:$0x0] =	wrdreg $0x60  }
0xb1: {  	[dreg:$0x2] =	wrdreg s15  }
0xb2: {  	[dreg:$0x3] =	wrdreg s13  }
0xb3: {  	[dreg:$0x4] =	wrdreg s22  }
0xb4: {  	[dreg:$0x5] =	wrdreg s14  }
0xb5: {  	[dreg:$0x6] =	wrdreg $0xA0000  }
0xb6: {  	[dreg:$0x7] =	wrdreg $0x9  }
0xb7: {  	_ =	task.clear_ibuf [dreg:s7], $0x8FFFF;
	_ =	strace $0x90000049  }
0xb8: {  	s26 =	simm.s32 $0x9;
	_ =	strace $0x8000004B  }
0xb9: {  	_ =	swait.ge [sflag:s26], $0x1  }
0xba: {  	[sflag:s26] =	ssyncadd.s32 $0xFFFFFFFF  }
0xbb: {  	_ =	strace $0x9000004B  }
0xbc: {  	_ =	sfence  }
0xbd: {  	s28 =	sld [smem:$0x0];
	_ =	sdelay $0x1  }
0xbe: {  	s29 =	srdreg.scid  }
0xbf: {  	s30 =	sshll.u32 s29, $0xD;
	s31 =	sshrl.u32 s29, $0x2  }
0xc0: {  	s1 =	sand.u32 $0x1, s29;
	s2 =	sand.u32 $0x4000, s30;
	s0 =	sadd.s32 s31, s28  }
0xc1: {  	s1 =	sor.u32 s2, s1;
	s0 =	sshll.u32 s0, $0x11  }
0xc2: {  	s0 =	sor.u32 s0, s1  }
0xc3: {  	s0 =	sadd.s32 $0x8F2B, s0  }
0xc4: {  	[sflag:s0] =	ssyncadd.remote.s32 $0x1  }
0xc5: {  	_ =	sfence.sel $0xFFFF  }
0xc6: {  	[dreg:$0x0] =	wrdreg $0xFFFFFFFF;
	(pc) =	sbr.abs _section_cstart, $3  }
0xc7: {  	[dreg:$0x1] =	wrdreg $0xFFFFFFFF  }
0xc8: {  	_ =	task.clear_ibuf [dreg:s7], $0x2FFFF;
	_ =	strace $0x9FFFFFFF  }
0xc9: {  	(tm) =	ssettm $0x7FFFFFFF  }
tec
execute0_lowered:
.L_overlay_start_1:
0x0: {  	(tag) =	ssettag $0x1  }
0x1: {  	s9 =	rddreg [dreg:$0x0]  }
0x2: {  	s5 =	rddreg [dreg:$0x1]  }
0x3: {  	s0 =	rddreg [dreg:$0x2]  }
0x4: {  	s10 =	rddreg [dreg:$0x3]  }
0x5: {  	s2 =	rddreg [dreg:$0x4];
	s1 =	simm.s32 $0x0;
	s13 =	stileid.u32  }
0x6: {  	[smem:$0x7FF] =	sst s1;
	s11 =	sshll.u32 s13, $0xE  }
0x7: {  	s31 =	simm.s32 $0x4;
	_ =	strace $0x8000004A;
	s3 =	sadd.s32 s5, s11  }
0x8: {  	[tilespmem:s1], [sflag:$0x4] =	stream.linear.gather [hbm4b:s3+s1], $0x2000, $0x38;
	[tilespmem:$0x1A000] =	vst v63  }
0x9: {  	_ =	swait.ge [sflag:s31], $0x2000  }
0xa: {  	s15 =	sadd.s32 $0x1800, s0;
	s14 =	sadd.s32 $0x201800, s0;
	[sflag:s31] =	ssyncset.done $0x0  }
0xb: {  	s0 =	simm.s32 $0x0;
	s1 =	simm.s32 $0x40;
	[sflag:s31] =	ssyncadd.s32 $0xFFFFE000  }
.LBB2_1:
0xc: {  	p0 =	sne.s32 s1, $0x7FC0;
	v0 =	vld [tilespmem:s0+$0x0];
	_ =	sdelay $0x1  }
.Ltmp0:
0xd: {  	(pc) =	sbr.rel @p0 .LBB2_1-.Ltmp0, $3  }
0xe: {  	_ =	sdelay $0x1  }
0xf: {  	v0 =	vand.u32 $0xFFFFF, v0  }
0x10: {  	[tilespmem:s0+$0x0] =	vst v0;
	s0 =	sshra.s32 s1, $0x2;
	s1 =	sadd.s32 $0x40, s1  }
0x11: {  	v0 =	vld [tilespmem:s0+$0x0];
	_ =	sdelay $0x4  }
0x12: {  	v0 =	vand.u32 $0xFFFFF, v0  }
0x13: {  	s16 =	sadd.s32 s10, s11;
	s1 =	simm.s32 $0x0;
	s3 =	simm.s32 $0x4;
	[tilespmem:s0+$0x0] =	vst v0  }
0x14: {  	[hbm4b:s16+s1] =	stream.linear.scatter [tilespmem:s1], [sflag:$0x4], $0x2000, $0x38;
	[tilespmem:$0x1A000] =	vst v63  }
0x15: {  	_ =	swait.ge [sflag:s3], $0x2000  }
0x16: {  	s0 =	sor.u32 $0x400, s11;
	[sflag:s3] =	ssyncset.done $0x0  }
0x17: {  	s4 =	sadd.s32 s5, s0;
	[sflag:s3] =	ssyncadd.s32 $0xFFFFE000  }
0x18: {  	[tilespmem:s1], [sflag:$0x4] =	stream.linear.gather [hbm4b:s4+s1], $0x2000, $0x38;
	[tilespmem:$0x1A000] =	vst v63  }
0x19: {  	_ =	swait.ge [sflag:s3], $0x2000  }
0x1a: {  	[sflag:s3] =	ssyncset.done $0x0  }
0x1b: {  	s1 =	simm.s32 $0x0;
	[sflag:s3] =	ssyncadd.s32 $0xFFFFE000;
	s3 =	simm.s32 $0x40  }
.LBB2_3:
0x1c: {  	p0 =	sne.s32 s3, $0x7FC0;
	v0 =	vld [tilespmem:s1+$0x0];
	_ =	sdelay $0x1  }
.Ltmp1:
0x1d: {  	(pc) =	sbr.rel @p0 .LBB2_3-.Ltmp1, $3  }
0x1e: {  	_ =	sdelay $0x1  }
0x1f: {  	v0 =	vand.u32 $0xFFFFF, v0  }
0x20: {  	[tilespmem:s1+$0x0] =	vst v0;
	s1 =	sshra.s32 s3, $0x2;
	s3 =	sadd.s32 $0x40, s3  }
0x21: {  	v0 =	vld [tilespmem:s1+$0x0];
	_ =	sdelay $0x4  }
0x22: {  	v0 =	vand.u32 $0xFFFFF, v0  }
0x23: {  	s22 =	sadd.s32 s10, s0;
	s31 =	simm.s32 $0x0;
	s3 =	simm.s32 $0x4;
	[tilespmem:s1+$0x0] =	vst v0  }
0x24: {  	[hbm4b:s22+s31] =	stream.linear.scatter [tilespmem:s31], [sflag:$0x4], $0x2000, $0x38;
	[tilespmem:$0x1A000] =	vst v63  }
0x25: {  	_ =	swait.ge [sflag:s3], $0x2000  }
0x26: {  	s0 =	sor.u32 $0x800, s11;
	[sflag:s3] =	ssyncset.done $0x0  }
0x27: {  	s6 =	sadd.s32 s5, s0;
	[sflag:s3] =	ssyncadd.s32 $0xFFFFE000  }
0x28: {  	[tilespmem:s31], [sflag:$0x4] =	stream.linear.gather [hbm4b:s6+s31], $0x2000, $0x38;
	[tilespmem:$0x1A000] =	vst v63  }
0x29: {  	_ =	swait.ge [sflag:s3], $0x2000  }
0x2a: {  	[sflag:s3] =	ssyncset.done $0x0  }
0x2b: {  	s1 =	simm.s32 $0x0;
	[sflag:s3] =	ssyncadd.s32 $0xFFFFE000;
	s3 =	simm.s32 $0x40  }
.LBB2_5:
0x2c: {  	p0 =	sne.s32 s3, $0x7FC0;
	v0 =	vld [tilespmem:s1+$0x0];
	_ =	sdelay $0x1  }
.Ltmp2:
0x2d: {  	(pc) =	sbr.rel @p0 .LBB2_5-.Ltmp2, $3  }
0x2e: {  	_ =	sdelay $0x1  }
0x2f: {  	v0 =	vand.u32 $0xFFFFF, v0  }
0x30: {  	[tilespmem:s1+$0x0] =	vst v0;
	s1 =	sshra.s32 s3, $0x2;
	s3 =	sadd.s32 $0x40, s3  }
0x31: {  	v0 =	vld [tilespmem:s1+$0x0];
	_ =	sdelay $0x4  }
0x32: {  	v0 =	vand.u32 $0xFFFFF, v0  }
0x33: {  	s0 =	sadd.s32 s10, s0;
	s31 =	simm.s32 $0x0;
	s3 =	simm.s32 $0x4;
	[tilespmem:s1+$0x0] =	vst v0  }
0x34: {  	[hbm4b:s0+s31] =	stream.linear.scatter [tilespmem:s31], [sflag:$0x4], $0x2000, $0x38;
	[tilespmem:$0x1A000] =	vst v63  }
0x35: {  	_ =	swait.ge [sflag:s3], $0x2000  }
0x36: {  	s0 =	sor.u32 $0xC00, s11;
	[sflag:s3] =	ssyncset.done $0x0  }
0x37: {  	s6 =	sadd.s32 s5, s0;
	[sflag:s3] =	ssyncadd.s32 $0xFFFFE000  }
0x38: {  	[tilespmem:s31], [sflag:$0x4] =	stream.linear.gather [hbm4b:s6+s31], $0x2000, $0x38;
	[tilespmem:$0x1A000] =	vst v63  }
0x39: {  	_ =	swait.ge [sflag:s3], $0x2000  }
0x3a: {  	[sflag:s3] =	ssyncset.done $0x0  }
0x3b: {  	s1 =	simm.s32 $0x0;
	[sflag:s3] =	ssyncadd.s32 $0xFFFFE000;
	s3 =	simm.s32 $0x40  }
.LBB2_7:
0x3c: {  	p0 =	sne.s32 s3, $0x7FC0;
	v0 =	vld [tilespmem:s1+$0x0];
	_ =	sdelay $0x1  }
.Ltmp3:
0x3d: {  	(pc) =	sbr.rel @p0 .LBB2_7-.Ltmp3, $3  }
0x3e: {  	_ =	sdelay $0x1  }
0x3f: {  	v0 =	vand.u32 $0xFFFFF, v0  }
0x40: {  	[tilespmem:s1+$0x0] =	vst v0;
	s1 =	sshra.s32 s3, $0x2;
	s3 =	sadd.s32 $0x40, s3  }
0x41: {  	v0 =	vld [tilespmem:s1+$0x0];
	_ =	sdelay $0x4  }
0x42: {  	v0 =	vand.u32 $0xFFFFF, v0  }
0x43: {  	s0 =	sadd.s32 s10, s0;
	s31 =	simm.s32 $0x0;
	s3 =	simm.s32 $0x4;
	[tilespmem:s1+$0x0] =	vst v0  }
0x44: {  	[hbm4b:s0+s31] =	stream.linear.scatter [tilespmem:s31], [sflag:$0x4], $0x2000, $0x38;
	[tilespmem:$0x1A000] =	vst v63  }
0x45: {  	_ =	swait.ge [sflag:s3], $0x2000  }
0x46: {  	s0 =	sor.u32 $0x1000, s11;
	[sflag:s3] =	ssyncset.done $0x0  }
0x47: {  	s6 =	sadd.s32 s5, s0;
	[sflag:s3] =	ssyncadd.s32 $0xFFFFE000  }
0x48: {  	[tilespmem:s31], [sflag:$0x4] =	stream.linear.gather [hbm4b:s6+s31], $0x2000, $0x38;
	[tilespmem:$0x1A000] =	vst v63  }
0x49: {  	_ =	swait.ge [sflag:s3], $0x2000  }
0x4a: {  	[sflag:s3] =	ssyncset.done $0x0  }
0x4b: {  	s1 =	simm.s32 $0x0;
	[sflag:s3] =	ssyncadd.s32 $0xFFFFE000;
	s3 =	simm.s32 $0x40  }
.LBB2_9:
0x4c: {  	p0 =	sne.s32 s3, $0x7FC0;
	v0 =	vld [tilespmem:s1+$0x0];
	_ =	sdelay $0x1  }
.Ltmp4:
0x4d: {  	(pc) =	sbr.rel @p0 .LBB2_9-.Ltmp4, $3  }
0x4e: {  	_ =	sdelay $0x1  }
0x4f: {  	v0 =	vand.u32 $0xFFFFF, v0  }
0x50: {  	[tilespmem:s1+$0x0] =	vst v0;
	s1 =	sshra.s32 s3, $0x2;
	s3 =	sadd.s32 $0x40, s3  }
0x51: {  	v0 =	vld [tilespmem:s1+$0x0];
	_ =	sdelay $0x4  }
0x52: {  	v0 =	vand.u32 $0xFFFFF, v0  }
0x53: {  	s0 =	sadd.s32 s10, s0;
	s31 =	simm.s32 $0x0;
	s3 =	simm.s32 $0x4;
	[tilespmem:s1+$0x0] =	vst v0  }
0x54: {  	[hbm4b:s0+s31] =	stream.linear.scatter [tilespmem:s31], [sflag:$0x4], $0x2000, $0x38;
	[tilespmem:$0x1A000] =	vst v63  }
0x55: {  	_ =	swait.ge [sflag:s3], $0x2000  }
0x56: {  	s0 =	sor.u32 $0x1400, s11;
	[sflag:s3] =	ssyncset.done $0x0  }
0x57: {  	s6 =	sadd.s32 s5, s0;
	[sflag:s3] =	ssyncadd.s32 $0xFFFFE000  }
0x58: {  	[tilespmem:s31], [sflag:$0x4] =	stream.linear.gather [hbm4b:s6+s31], $0x2000, $0x38;
	[tilespmem:$0x1A000] =	vst v63  }
0x59: {  	_ =	swait.ge [sflag:s3], $0x2000  }
0x5a: {  	[sflag:s3] =	ssyncset.done $0x0  }
0x5b: {  	s1 =	simm.s32 $0x0;
	[sflag:s3] =	ssyncadd.s32 $0xFFFFE000;
	s3 =	simm.s32 $0x40  }
.LBB2_11:
0x5c: {  	p0 =	sne.s32 s3, $0x7FC0;
	v0 =	vld [tilespmem:s1+$0x0];
	_ =	sdelay $0x1  }
.Ltmp5:
0x5d: {  	(pc) =	sbr.rel @p0 .LBB2_11-.Ltmp5, $3  }
0x5e: {  	_ =	sdelay $0x1  }
0x5f: {  	v0 =	vand.u32 $0xFFFFF, v0  }
0x60: {  	[tilespmem:s1+$0x0] =	vst v0;
	s1 =	sshra.s32 s3, $0x2;
	s3 =	sadd.s32 $0x40, s3  }
0x61: {  	v0 =	vld [tilespmem:s1+$0x0];
	_ =	sdelay $0x4  }
0x62: {  	v0 =	vand.u32 $0xFFFFF, v0  }
0x63: {  	s0 =	sadd.s32 s10, s0;
	s31 =	simm.s32 $0x0;
	s3 =	simm.s32 $0x4;
	[tilespmem:s1+$0x0] =	vst v0  }
0x64: {  	[hbm4b:s0+s31] =	stream.linear.scatter [tilespmem:s31], [sflag:$0x4], $0x2000, $0x38;
	[tilespmem:$0x1A000] =	vst v63  }
0x65: {  	_ =	swait.ge [sflag:s3], $0x2000  }
0x66: {  	s0 =	sor.u32 $0x1800, s11;
	[sflag:s3] =	ssyncset.done $0x0  }
0x67: {  	s6 =	sadd.s32 s5, s0;
	[sflag:s3] =	ssyncadd.s32 $0xFFFFE000  }
0x68: {  	[tilespmem:s31], [sflag:$0x4] =	stream.linear.gather [hbm4b:s6+s31], $0x2000, $0x38;
	[tilespmem:$0x1A000] =	vst v63  }
0x69: {  	_ =	swait.ge [sflag:s3], $0x2000  }
0x6a: {  	[sflag:s3] =	ssyncset.done $0x0  }
0x6b: {  	s1 =	simm.s32 $0x0;
	[sflag:s3] =	ssyncadd.s32 $0xFFFFE000;
	s3 =	simm.s32 $0x40  }
.LBB2_13:
0x6c: {  	p0 =	sne.s32 s3, $0x7FC0;
	v0 =	vld [tilespmem:s1+$0x0];
	_ =	sdelay $0x1  }
.Ltmp6:
0x6d: {  	(pc) =	sbr.rel @p0 .LBB2_13-.Ltmp6, $3  }
0x6e: {  	_ =	sdelay $0x1  }
0x6f: {  	v0 =	vand.u32 $0xFFFFF, v0  }
0x70: {  	[tilespmem:s1+$0x0] =	vst v0;
	s1 =	sshra.s32 s3, $0x2;
	s3 =	sadd.s32 $0x40, s3  }
0x71: {  	v0 =	vld [tilespmem:s1+$0x0];
	_ =	sdelay $0x4  }
0x72: {  	v0 =	vand.u32 $0xFFFFF, v0  }
0x73: {  	s0 =	sadd.s32 s10, s0;
	s31 =	simm.s32 $0x0;
	s3 =	simm.s32 $0x4;
	[tilespmem:s1+$0x0] =	vst v0  }
0x74: {  	[hbm4b:s0+s31] =	stream.linear.scatter [tilespmem:s31], [sflag:$0x4], $0x2000, $0x38;
	[tilespmem:$0x1A000] =	vst v63  }
0x75: {  	_ =	swait.ge [sflag:s3], $0x2000  }
0x76: {  	s0 =	sor.u32 $0x1C00, s11;
	[sflag:s3] =	ssyncset.done $0x0  }
0x77: {  	s6 =	sadd.s32 s5, s0;
	[sflag:s3] =	ssyncadd.s32 $0xFFFFE000  }
0x78: {  	[tilespmem:s31], [sflag:$0x4] =	stream.linear.gather [hbm4b:s6+s31], $0x2000, $0x38;
	[tilespmem:$0x1A000] =	vst v63  }
0x79: {  	_ =	swait.ge [sflag:s3], $0x2000  }
0x7a: {  	[sflag:s3] =	ssyncset.done $0x0  }
0x7b: {  	s1 =	simm.s32 $0x0;
	[sflag:s3] =	ssyncadd.s32 $0xFFFFE000;
	s3 =	simm.s32 $0x40  }
.LBB2_15:
0x7c: {  	p0 =	sne.s32 s3, $0x7FC0;
	v0 =	vld [tilespmem:s1+$0x0];
	_ =	sdelay $0x1  }
.Ltmp7:
0x7d: {  	(pc) =	sbr.rel @p0 .LBB2_15-.Ltmp7, $3  }
0x7e: {  	_ =	sdelay $0x1  }
0x7f: {  	v0 =	vand.u32 $0xFFFFF, v0  }
0x80: {  	[tilespmem:s1+$0x0] =	vst v0;
	s1 =	sshra.s32 s3, $0x2;
	s3 =	sadd.s32 $0x40, s3  }
0x81: {  	v0 =	vld [tilespmem:s1+$0x0];
	_ =	sdelay $0x4  }
0x82: {  	v0 =	vand.u32 $0xFFFFF, v0  }
0x83: {  	s0 =	sadd.s32 s10, s0;
	s31 =	simm.s32 $0x0;
	s3 =	simm.s32 $0x4;
	[tilespmem:s1+$0x0] =	vst v0  }
0x84: {  	[hbm4b:s0+s31] =	stream.linear.scatter [tilespmem:s31], [sflag:$0x4], $0x2000, $0x38;
	[tilespmem:$0x1A000] =	vst v63  }
0x85: {  	_ =	swait.ge [sflag:s3], $0x2000  }
0x86: {  	s0 =	sor.u32 $0x2000, s11;
	[sflag:s3] =	ssyncset.done $0x0  }
0x87: {  	s6 =	sadd.s32 s5, s0;
	[sflag:s3] =	ssyncadd.s32 $0xFFFFE000  }
0x88: {  	[tilespmem:s31], [sflag:$0x4] =	stream.linear.gather [hbm4b:s6+s31], $0x2000, $0x38;
	[tilespmem:$0x1A000] =	vst v63  }
0x89: {  	_ =	swait.ge [sflag:s3], $0x2000  }
0x8a: {  	[sflag:s3] =	ssyncset.done $0x0  }
0x8b: {  	s1 =	simm.s32 $0x0;
	[sflag:s3] =	ssyncadd.s32 $0xFFFFE000;
	s3 =	simm.s32 $0x40  }
.LBB2_17:
0x8c: {  	p0 =	sne.s32 s3, $0x7FC0;
	v0 =	vld [tilespmem:s1+$0x0];
	_ =	sdelay $0x1  }
.Ltmp8:
0x8d: {  	(pc) =	sbr.rel @p0 .LBB2_17-.Ltmp8, $3  }
0x8e: {  	_ =	sdelay $0x1  }
0x8f: {  	v0 =	vand.u32 $0xFFFFF, v0  }
0x90: {  	[tilespmem:s1+$0x0] =	vst v0;
	s1 =	sshra.s32 s3, $0x2;
	s3 =	sadd.s32 $0x40, s3  }
0x91: {  	v0 =	vld [tilespmem:s1+$0x0];
	_ =	sdelay $0x4  }
0x92: {  	v0 =	vand.u32 $0xFFFFF, v0  }
0x93: {  	s0 =	sadd.s32 s10, s0;
	s31 =	simm.s32 $0x0;
	s3 =	simm.s32 $0x4;
	[tilespmem:s1+$0x0] =	vst v0  }
0x94: {  	[hbm4b:s0+s31] =	stream.linear.scatter [tilespmem:s31], [sflag:$0x4], $0x2000, $0x38;
	[tilespmem:$0x1A000] =	vst v63  }
0x95: {  	_ =	swait.ge [sflag:s3], $0x2000  }
0x96: {  	s0 =	sor.u32 $0x2400, s11;
	[sflag:s3] =	ssyncset.done $0x0  }
0x97: {  	s6 =	sadd.s32 s5, s0;
	[sflag:s3] =	ssyncadd.s32 $0xFFFFE000  }
0x98: {  	[tilespmem:s31], [sflag:$0x4] =	stream.linear.gather [hbm4b:s6+s31], $0x2000, $0x38;
	[tilespmem:$0x1A000] =	vst v63  }
0x99: {  	_ =	swait.ge [sflag:s3], $0x2000  }
0x9a: {  	[sflag:s3] =	ssyncset.done $0x0  }
0x9b: {  	s1 =	simm.s32 $0x0;
	[sflag:s3] =	ssyncadd.s32 $0xFFFFE000;
	s3 =	simm.s32 $0x40  }
.LBB2_19:
0x9c: {  	p0 =	sne.s32 s3, $0x7FC0;
	v0 =	vld [tilespmem:s1+$0x0];
	_ =	sdelay $0x1  }
.Ltmp9:
0x9d: {  	(pc) =	sbr.rel @p0 .LBB2_19-.Ltmp9, $3  }
0x9e: {  	_ =	sdelay $0x1  }
0x9f: {  	v0 =	vand.u32 $0xFFFFF, v0  }
0xa0: {  	[tilespmem:s1+$0x0] =	vst v0;
	s1 =	sshra.s32 s3, $0x2;
	s3 =	sadd.s32 $0x40, s3  }
0xa1: {  	v0 =	vld [tilespmem:s1+$0x0];
	_ =	sdelay $0x4  }
0xa2: {  	v0 =	vand.u32 $0xFFFFF, v0  }
0xa3: {  	s0 =	sadd.s32 s10, s0;
	s31 =	simm.s32 $0x0;
	s3 =	simm.s32 $0x4;
	[tilespmem:s1+$0x0] =	vst v0  }
0xa4: {  	[hbm4b:s0+s31] =	stream.linear.scatter [tilespmem:s31], [sflag:$0x4], $0x2000, $0x38;
	[tilespmem:$0x1A000] =	vst v63  }
0xa5: {  	_ =	swait.ge [sflag:s3], $0x2000  }
0xa6: {  	s0 =	sor.u32 $0x2800, s11;
	[sflag:s3] =	ssyncset.done $0x0  }
0xa7: {  	s6 =	sadd.s32 s5, s0;
	[sflag:s3] =	ssyncadd.s32 $0xFFFFE000  }
0xa8: {  	[tilespmem:s31], [sflag:$0x4] =	stream.linear.gather [hbm4b:s6+s31], $0x2000, $0x38;
	[tilespmem:$0x1A000] =	vst v63  }
0xa9: {  	_ =	swait.ge [sflag:s3], $0x2000  }
0xaa: {  	[sflag:s3] =	ssyncset.done $0x0  }
0xab: {  	s1 =	simm.s32 $0x0;
	[sflag:s3] =	ssyncadd.s32 $0xFFFFE000;
	s3 =	simm.s32 $0x40  }
.LBB2_21:
0xac: {  	p0 =	sne.s32 s3, $0x7FC0;
	v0 =	vld [tilespmem:s1+$0x0];
	_ =	sdelay $0x1  }
.Ltmp10:
0xad: {  	(pc) =	sbr.rel @p0 .LBB2_21-.Ltmp10, $3  }
0xae: {  	_ =	sdelay $0x1  }
0xaf: {  	v0 =	vand.u32 $0xFFFFF, v0  }
0xb0: {  	[tilespmem:s1+$0x0] =	vst v0;
	s1 =	sshra.s32 s3, $0x2;
	s3 =	sadd.s32 $0x40, s3  }
0xb1: {  	v0 =	vld [tilespmem:s1+$0x0];
	_ =	sdelay $0x4  }
0xb2: {  	v0 =	vand.u32 $0xFFFFF, v0  }
0xb3: {  	s0 =	sadd.s32 s10, s0;
	s31 =	simm.s32 $0x0;
	s3 =	simm.s32 $0x4;
	[tilespmem:s1+$0x0] =	vst v0  }
0xb4: {  	[hbm4b:s0+s31] =	stream.linear.scatter [tilespmem:s31], [sflag:$0x4], $0x2000, $0x38;
	[tilespmem:$0x1A000] =	vst v63  }
0xb5: {  	_ =	swait.ge [sflag:s3], $0x2000  }
0xb6: {  	s0 =	sor.u32 $0x2C00, s11;
	[sflag:s3] =	ssyncset.done $0x0  }
0xb7: {  	s6 =	sadd.s32 s5, s0;
	[sflag:s3] =	ssyncadd.s32 $0xFFFFE000  }
0xb8: {  	[tilespmem:s31], [sflag:$0x4] =	stream.linear.gather [hbm4b:s6+s31], $0x2000, $0x38;
	[tilespmem:$0x1A000] =	vst v63  }
0xb9: {  	_ =	swait.ge [sflag:s3], $0x2000  }
0xba: {  	[sflag:s3] =	ssyncset.done $0x0  }
0xbb: {  	s1 =	simm.s32 $0x0;
	[sflag:s3] =	ssyncadd.s32 $0xFFFFE000;
	s3 =	simm.s32 $0x40  }
.LBB2_23:
0xbc: {  	p0 =	sne.s32 s3, $0x7FC0;
	v0 =	vld [tilespmem:s1+$0x0];
	_ =	sdelay $0x1  }
.Ltmp11:
0xbd: {  	(pc) =	sbr.rel @p0 .LBB2_23-.Ltmp11, $3  }
0xbe: {  	_ =	sdelay $0x1  }
0xbf: {  	v0 =	vand.u32 $0xFFFFF, v0  }
0xc0: {  	[tilespmem:s1+$0x0] =	vst v0;
	s1 =	sshra.s32 s3, $0x2;
	s3 =	sadd.s32 $0x40, s3  }
0xc1: {  	v0 =	vld [tilespmem:s1+$0x0];
	_ =	sdelay $0x4  }
0xc2: {  	v0 =	vand.u32 $0xFFFFF, v0  }
0xc3: {  	s0 =	sadd.s32 s10, s0;
	s31 =	simm.s32 $0x0;
	s3 =	simm.s32 $0x4;
	[tilespmem:s1+$0x0] =	vst v0  }
0xc4: {  	[hbm4b:s0+s31] =	stream.linear.scatter [tilespmem:s31], [sflag:$0x4], $0x2000, $0x38;
	[tilespmem:$0x1A000] =	vst v63  }
0xc5: {  	_ =	swait.ge [sflag:s3], $0x2000  }
0xc6: {  	s0 =	sor.u32 $0x3000, s11;
	[sflag:s3] =	ssyncset.done $0x0  }
0xc7: {  	s6 =	sadd.s32 s5, s0;
	[sflag:s3] =	ssyncadd.s32 $0xFFFFE000  }
0xc8: {  	[tilespmem:s31], [sflag:$0x4] =	stream.linear.gather [hbm4b:s6+s31], $0x2000, $0x38;
	[tilespmem:$0x1A000] =	vst v63  }
0xc9: {  	_ =	swait.ge [sflag:s3], $0x2000  }
0xca: {  	[sflag:s3] =	ssyncset.done $0x0  }
0xcb: {  	s1 =	simm.s32 $0x0;
	[sflag:s3] =	ssyncadd.s32 $0xFFFFE000;
	s3 =	simm.s32 $0x40  }
.LBB2_25:
0xcc: {  	p0 =	sne.s32 s3, $0x7FC0;
	v0 =	vld [tilespmem:s1+$0x0];
	_ =	sdelay $0x1  }
.Ltmp12:
0xcd: {  	(pc) =	sbr.rel @p0 .LBB2_25-.Ltmp12, $3  }
0xce: {  	_ =	sdelay $0x1  }
0xcf: {  	v0 =	vand.u32 $0xFFFFF, v0  }
0xd0: {  	[tilespmem:s1+$0x0] =	vst v0;
	s1 =	sshra.s32 s3, $0x2;
	s3 =	sadd.s32 $0x40, s3  }
0xd1: {  	v0 =	vld [tilespmem:s1+$0x0];
	_ =	sdelay $0x4  }
0xd2: {  	v0 =	vand.u32 $0xFFFFF, v0  }
0xd3: {  	s0 =	sadd.s32 s10, s0;
	s31 =	simm.s32 $0x0;
	s3 =	simm.s32 $0x4;
	[tilespmem:s1+$0x0] =	vst v0  }
0xd4: {  	[hbm4b:s0+s31] =	stream.linear.scatter [tilespmem:s31], [sflag:$0x4], $0x2000, $0x38;
	[tilespmem:$0x1A000] =	vst v63  }
0xd5: {  	_ =	swait.ge [sflag:s3], $0x2000  }
0xd6: {  	s0 =	sor.u32 $0x3400, s11;
	[sflag:s3] =	ssyncset.done $0x0  }
0xd7: {  	s6 =	sadd.s32 s5, s0;
	[sflag:s3] =	ssyncadd.s32 $0xFFFFE000  }
0xd8: {  	[tilespmem:s31], [sflag:$0x4] =	stream.linear.gather [hbm4b:s6+s31], $0x2000, $0x38;
	[tilespmem:$0x1A000] =	vst v63  }
0xd9: {  	_ =	swait.ge [sflag:s3], $0x2000  }
0xda: {  	[sflag:s3] =	ssyncset.done $0x0  }
0xdb: {  	s1 =	simm.s32 $0x0;
	[sflag:s3] =	ssyncadd.s32 $0xFFFFE000;
	s3 =	simm.s32 $0x40  }
.LBB2_27:
0xdc: {  	p0 =	sne.s32 s3, $0x7FC0;
	v0 =	vld [tilespmem:s1+$0x0];
	_ =	sdelay $0x1  }
.Ltmp13:
0xdd: {  	(pc) =	sbr.rel @p0 .LBB2_27-.Ltmp13, $3  }
0xde: {  	_ =	sdelay $0x1  }
0xdf: {  	v0 =	vand.u32 $0xFFFFF, v0  }
0xe0: {  	[tilespmem:s1+$0x0] =	vst v0;
	s1 =	sshra.s32 s3, $0x2;
	s3 =	sadd.s32 $0x40, s3  }
0xe1: {  	v0 =	vld [tilespmem:s1+$0x0];
	_ =	sdelay $0x4  }
0xe2: {  	v0 =	vand.u32 $0xFFFFF, v0  }
0xe3: {  	s0 =	sadd.s32 s10, s0;
	s31 =	simm.s32 $0x0;
	s3 =	simm.s32 $0x4;
	[tilespmem:s1+$0x0] =	vst v0  }
0xe4: {  	[hbm4b:s0+s31] =	stream.linear.scatter [tilespmem:s31], [sflag:$0x4], $0x2000, $0x38;
	[tilespmem:$0x1A000] =	vst v63  }
0xe5: {  	_ =	swait.ge [sflag:s3], $0x2000  }
0xe6: {  	s0 =	sor.u32 $0x3800, s11;
	[sflag:s3] =	ssyncset.done $0x0  }
0xe7: {  	s6 =	sadd.s32 s5, s0;
	[sflag:s3] =	ssyncadd.s32 $0xFFFFE000  }
0xe8: {  	[tilespmem:s31], [sflag:$0x4] =	stream.linear.gather [hbm4b:s6+s31], $0x2000, $0x38;
	[tilespmem:$0x1A000] =	vst v63  }
0xe9: {  	_ =	swait.ge [sflag:s3], $0x2000  }
0xea: {  	[sflag:s3] =	ssyncset.done $0x0  }
0xeb: {  	s1 =	simm.s32 $0x0;
	[sflag:s3] =	ssyncadd.s32 $0xFFFFE000;
	s3 =	simm.s32 $0x40  }
.LBB2_29:
0xec: {  	p0 =	sne.s32 s3, $0x7FC0;
	v0 =	vld [tilespmem:s1+$0x0];
	_ =	sdelay $0x1  }
.Ltmp14:
0xed: {  	(pc) =	sbr.rel @p0 .LBB2_29-.Ltmp14, $3  }
0xee: {  	_ =	sdelay $0x1  }
0xef: {  	v0 =	vand.u32 $0xFFFFF, v0  }
0xf0: {  	[tilespmem:s1+$0x0] =	vst v0;
	s1 =	sshra.s32 s3, $0x2;
	s3 =	sadd.s32 $0x40, s3  }
0xf1: {  	v0 =	vld [tilespmem:s1+$0x0];
	_ =	sdelay $0x4  }
0xf2: {  	s0 =	sadd.s32 s10, s0;
	v0 =	vand.u32 $0xFFFFF, v0  }
0xf3: {  	s30 =	simm.s32 $0x0;
	s31 =	sshll.u32 s13, $0xA;
	s3 =	simm.s32 $0x4;
	[tilespmem:s1+$0x0] =	vst v0  }
0xf4: {  	[hbm4b:s0+s30] =	stream.linear.scatter [tilespmem:s30], [sflag:$0x4], $0x2000, $0x38;
	[tilespmem:$0x1A000] =	vst v63  }
0xf5: {  	s6 =	sor.u32 $0x3C0, s31;
	_ =	swait.ge [sflag:s3], $0x2000  }
0xf6: {  	s0 =	sshll.u32 s6, $0x4;
	[sflag:s3] =	ssyncset.done $0x0  }
0xf7: {  	s5 =	sadd.s32 s5, s0;
	[sflag:s3] =	ssyncadd.s32 $0xFFFFE000  }
0xf8: {  	[tilespmem:s30], [sflag:$0x4] =	stream.linear.gather [hbm4b:s5+s30], $0x2000, $0x38;
	[tilespmem:$0x1A000] =	vst v63  }
0xf9: {  	_ =	swait.ge [sflag:s3], $0x2000  }
0xfa: {  	[sflag:s3] =	ssyncset.done $0x0  }
0xfb: {  	s1 =	simm.s32 $0x0;
	[sflag:s3] =	ssyncadd.s32 $0xFFFFE000;
	s3 =	simm.s32 $0x40  }
.LBB2_31:
0xfc: {  	p0 =	sne.s32 s3, $0x7FC0;
	v0 =	vld [tilespmem:s1+$0x0];
	_ =	sdelay $0x1  }
.Ltmp15:
0xfd: {  	(pc) =	sbr.rel @p0 .LBB2_31-.Ltmp15, $3  }
0xfe: {  	_ =	sdelay $0x1  }
0xff: {  	v0 =	vand.u32 $0xFFFFF, v0  }
0x100: {  	[tilespmem:s1+$0x0] =	vst v0;
	s1 =	sshra.s32 s3, $0x2;
	s3 =	sadd.s32 $0x40, s3  }
0x101: {  	v0 =	vld [tilespmem:s1+$0x0];
	_ =	sdelay $0x3  }
0x102: {  	s0 =	sadd.s32 s10, s0  }
0x103: {  	s28 =	simm.s32 $0x0;
	s5 =	sshll.u32 s13, $0x10;
	s20 =	simm.s32 $0x4;
	v0 =	vand.u32 $0xFFFFF, v0  }
0x104: {  	s4 =	sshll.u32 s13, $0xF;
	s7 =	sshll.u32 s13, $0x6;
	s29 =	simm.s32 $0x1;
	[tilespmem:s1+$0x0] =	vst v0  }
0x105: {  	[hbm4b:s0+s28] =	stream.linear.scatter [tilespmem:s28], [sflag:$0x4], $0x2000, $0x38;
	[tilespmem:$0x1A000] =	vst v63  }
0x106: {  	s23 =	simm.s32 $0x10;
	s12 =	simm.s32 $0x40;
	_ =	swait.ge [sflag:s20], $0x2000  }
0x107: {  	s21 =	sadd.s32 s5, s2;
	s3 =	sadd.s32 s9, s4;
	[sflag:s20] =	ssyncset.done $0x0  }
0x108: {  	s7 =	sor.u32 $0x1C04, s7;
	s8 =	sshrl.u32 s21, $0x3;
	[sflag:s20] =	ssyncadd.s32 $0xFFFFE000  }
0x109: {  	[spmem:s8@s23], [sflag:s7] =	dma.strided [hbm:s3@s12], $0x2000, s29, $0x10   }
0x10a: {  	s24 =	sshll.u32 s13, $0x11;
	_ =	swait.ge [sflag:s20], $0x2000  }
0x10b: {  	p0 =	sgt.u32 s13, $0x7;
	s17 =	sand.u32 $0xE0000, s24;
	[sflag:s20] =	ssyncset.done $0x0  }
0x10c: {  	s25 =	sadd.s32 s14, s5;
	s26 =	sadd.s32 s17, s2;
	[sflag:s20] =	ssyncadd.s32 $0xFFFFE000  }
0x10d: {  	s13 =	sshrl.u32 @!p0 s26, $0x3;
	s0 =	simm.s32 @!p0 $0x1;
	[bflag:$0x0] =	sbarrier.arrive $0xFFFF  }
0x10e: {  	s3 =	simm.s32 @!p0 $0x40;
	s12 =	simm.s32 @!p0 $0x10;
	[dreg:$0xb] =	wrdreg s13  }
0x10f: {  	[hbm:s25@s3], [sflag:s7] =	dma.strided @!p0 [spmem:s13@s12], $0x4000, s0, $0x10   }
0x110: {  	s0 =	simm.s32 @!p0 $0x4  }
0x111: {  	_ =	swait.ge @!p0 [sflag:s0], $0x4000  }
0x112: {  	s30 =	simm.s32 $0x2;
	s31 =	simm.s32 $0x6000;
	[sflag:s0] =	ssyncset.done @!p0 $0x0  }
0x113: {  	s19 =	simm.s32 $0x200;
	[sflag:s0] =	ssyncadd.s32 @!p0 $0xFFFFC000;
	s0 =	simm.s32 $0x2000  }
0x114: {  	[tilespmem:s0], [sflag:$0x2] =	stream.linear.gather [hbm4b:s16+s28], $0x2000, $0x38;
	[tilespmem:$0x1A000] =	vst v63  }
0x115: {  	s6 =	sshll.u32 s6, $0x6;
	s18 =	sadd.s32 s15, s5;
	_ =	swait.ge [sflag:s30], $0x2000  }
0x116: {  	s17 =	smov.u32 s16;
	s21 =	sor.u32 $0x80000, s4;
	[sflag:s30] =	ssyncset.done $0x0  }
0x117: {  	s1 =	sadd.s32 s9, s21;
	s23 =	sadd.s32 $0x20, s9;
	[sflag:s30] =	ssyncadd.s32 $0xFFFFE000  }
0x118: {  	[tilespmem:s31], [sflag:$0x1] =	stream.indirect.gather [spmem:s2], $0x1, s0, s0, $0xb8;
	[tilespmem:$0x1A000] =	vst v63  }
0x119: {  	s20 =	sor.u32 $0x4000, s24;
	s24 =	sadd.s32 $0x10, s9;
	s13 =	simm.s32 $0x4000  }
0x11a: {  	[tilespmem:s13], [sflag:$0x2] =	stream.linear.gather [hbm4b:s22+s28], $0x2000, $0x38;
	[tilespmem:$0x1A000] =	vst v63  }
0x11b: {  	s12 =	sadd.s32 $0x20, s14;
	_ =	swait.ge [sflag:s29], $0x2000;
	[dreg:$0xa] =	wrdreg s4  }
0x11c: {  	s16 =	simm.s32 $0x80;
	[dreg:$0x6] =	wrdreg s21;
	[sflag:s29] =	ssyncset.done $0x0  }
0x11d: {  	s4 =	sadd.s32 $0x30, s9;
	s9 =	sshrl.u32 s20, $0x3;
	[sflag:s29] =	ssyncadd.s32 $0xFFFFE000  }
0x11e: {  	[hbm4b:s18+s16] =	stream.strided.scatter [tilespmem:s31], [sflag:$0x3], $0x2000, s19, s16, $0x38;
	[tilespmem:$0x1A000] =	vst v63  }
0x11f: {  	s9 =	sadd.s32 s10, s9;
	_ =	swait.ge [sflag:s30], $0x2000;
	[dreg:$0xc] =	wrdreg s23  }
0x120: {  	s10 =	sadd.s32 s11, s10;
	s11 =	sadd.s32 $0x10, s14;
	[dreg:$0x7] =	wrdreg s4  }
0x121: {  	s3 =	simm.s32 $0x0;
	s20 =	simm.s32 $0x8000;
	[dreg:$0xe] =	wrdreg s11  }
0x122: {  	s21 =	sadd.s32 $0x30, s15;
	s14 =	sadd.s32 $0x30, s14;
	[dreg:$0xd] =	wrdreg s12  }
0x123: {  	s18 =	sadd.s32 $0x10, s15;
	[dreg:$0x8] =	wrdreg s14;
	s14 =	sadd.s32 s15, s6  }
0x124: {  	s11 =	sadd.s32 $0x100000, s15;
	[dreg:$0xf] =	wrdreg s18;
	[sflag:s30] =	ssyncset.done $0x0  }
0x125: {  	s23 =	sadd.s32 $0x20, s15;
	[dreg:$0x9] =	wrdreg s21;
	[sflag:s30] =	ssyncadd.s32 $0xFFFFE000  }
0x126: {  	[tilespmem:s20], [sflag:$0x1] =	stream.indirect.gather [spmem:s2], $0x1, s13, s0, $0xb8;
	[tilespmem:$0x1A000] =	vst v63  }
0x127: {  	s15 =	sadd.s32 s5, s15;
	s21 =	sadd.s32 $0xC00, s10;
	s12 =	simm.s32 $0x3  }
0x128: {  	[tilespmem:s0], [sflag:$0x2] =	stream.linear.gather [hbm4b:s9+s28], $0x2000, $0x38;
	[tilespmem:$0x1A000] =	vst v63  }
.LBB2_33:
0x129: {  	_ =	swait.ge [sflag:s29], $0x2000  }
0x12a: {  	s4 =	sadd.s32 s3, s15;
	[sflag:s29] =	ssyncset.done $0x0  }
0x12b: {  	s18 =	sadd.s32 $0x1000, s4;
	[sflag:s29] =	ssyncadd.s32 $0xFFFFE000  }
0x12c: {  	[hbm4b:s18+s16] =	stream.strided.scatter [tilespmem:s20], [sflag:$0x3], $0x2000, s19, s16, $0x38;
	[tilespmem:$0x1A000] =	vst v63  }
0x12d: {  	_ =	swait.ge [sflag:s12], $0x2000  }
0x12e: {  	[sflag:s12] =	ssyncset.done $0x0  }
0x12f: {  	[sflag:s12] =	ssyncadd.s32 $0xFFFFE000  }
0x130: {  	_ =	swait.ge [sflag:s30], $0x2000  }
0x131: {  	[sflag:s30] =	ssyncset.done $0x0  }
0x132: {  	[sflag:s30] =	ssyncadd.s32 $0xFFFFE000  }
0x133: {  	[tilespmem:s31], [sflag:$0x1] =	stream.indirect.gather [spmem:s2], $0x1, s0, s0, $0xb8;
	[tilespmem:$0x1A000] =	vst v63  }
0x134: {  	_ = 	snop  }
0x135: {  	[tilespmem:s13], [sflag:$0x2] =	stream.linear.gather [hbm4b:s21+s28], $0x2000, $0x38;
	[tilespmem:$0x1A000] =	vst v63  }
0x136: {  	_ =	swait.ge [sflag:s29], $0x2000  }
0x137: {  	[sflag:s29] =	ssyncset.done $0x0  }
0x138: {  	s4 =	sadd.s32 $0x2000, s4;
	[sflag:s29] =	ssyncadd.s32 $0xFFFFE000  }
0x139: {  	[hbm4b:s4+s16] =	stream.strided.scatter [tilespmem:s31], [sflag:$0x3], $0x2000, s19, s16, $0x38;
	[tilespmem:$0x1A000] =	vst v63  }
0x13a: {  	_ =	swait.ge [sflag:s12], $0x2000  }
0x13b: {  	p1 =	seq.s32 s3, $0xC000;
	[sflag:s12] =	ssyncset.done $0x0  }
.Ltmp16:
0x13c: {  	[sflag:s12] =	ssyncadd.s32 $0xFFFFE000;
	(pc) =	sbr.rel @p1 .LBB2_35-.Ltmp16, $4  }
0x13d: {  	_ =	swait.ge [sflag:s30], $0x2000  }
0x13e: {  	[sflag:s30] =	ssyncset.done $0x0  }
0x13f: {  	[sflag:s30] =	ssyncadd.s32 $0xFFFFE000  }
0x140: {  	[tilespmem:s20], [sflag:$0x1] =	stream.indirect.gather [spmem:s2], $0x1, s13, s0, $0xb8;
	[tilespmem:$0x1A000] =	vst v63  }
.Ltmp17:
0x141: {  	(pc) =	sbr.rel .LBB2_33-.Ltmp17, $3  }
0x142: {  	_ =	sdelay $0x1  }
0x143: {  	s4 =	sadd.s32 $0x400, s21;
	s3 =	sadd.s32 $0x2000, s3;
	s21 =	sadd.s32 $0x800, s21  }
0x144: {  	[tilespmem:s0], [sflag:$0x2] =	stream.linear.gather [hbm4b:s4+s28], $0x2000, $0x38;
	[tilespmem:$0x1A000] =	vst v63  }
.LBB2_35:
0x145: {  	s28 =	simm.s32 $0x1  }
0x146: {  	_ =	swait.ge [sflag:s28], $0x2000  }
0x147: {  	s29 =	simm.s32 $0x80;
	s30 =	simm.s32 $0x200;
	[sflag:s28] =	ssyncset.done $0x0  }
0x148: {  	s31 =	simm.s32 $0x8000;
	s0 =	simm.s32 $0x3;
	[sflag:s28] =	ssyncadd.s32 $0xFFFFE000  }
0x149: {  	[hbm4b:s14+s29] =	stream.strided.scatter [tilespmem:s31], [sflag:$0x3], $0x2000, s30, s29, $0x38;
	[tilespmem:$0x1A000] =	vst v63  }
0x14a: {  	_ =	swait.ge [sflag:s0], $0x2000  }
0x14b: {  	[sflag:s0] =	ssyncset.done $0x0  }
0x14c: {  	[sflag:s0] =	ssyncadd.s32 $0xFFFFE000  }
0x14d: {  	_ =	swait.ge [sflag:s0], $0x2000  }
0x14e: {  	[sflag:s0] =	ssyncset.done $0x0  }
0x14f: {  	s3 =	simm.s32 $0x10;
	[sflag:s0] =	ssyncadd.s32 $0xFFFFE000  }
0x150: {  	s4 =	simm.s32 $0x40;
	s20 =	simm.s32 $0x4;
	[bflag:$0x0] =	sbarrier.arrive $0xFFFF  }
0x151: {  	[spmem:s8@s3], [sflag:s7] =	dma.strided [hbm:s1@s4], $0x2000, s28, $0x10   }
0x152: {  	s21 =	stileid.u32;
	_ =	swait.ge [sflag:s20], $0x2000  }
0x153: {  	p1 =	slt.u32 s21, $0x8;
	[sflag:s20] =	ssyncset.done $0x0  }
0x154: {  	s15 =	sshrl.u32 @!p1 s26, $0x3;
	s1 =	simm.s32 @!p1 $0x1;
	[sflag:s20] =	ssyncadd.s32 $0xFFFFE000  }
0x155: {  	s3 =	simm.s32 @!p1 $0x40;
	s4 =	simm.s32 @!p1 $0x10;
	[bflag:$0x0] =	sbarrier.arrive $0xFFFF  }
0x156: {  	[hbm:s25@s3], [sflag:s7] =	dma.strided @!p1 [spmem:s15@s4], $0x4000, s1, $0x10   }
0x157: {  	s1 =	simm.s32 @!p1 $0x4  }
0x158: {  	_ =	swait.ge @!p1 [sflag:s1], $0x4000  }
0x159: {  	s13 =	simm.s32 $0x2000;
	[sflag:s1] =	ssyncset.done @!p1 $0x0  }
0x15a: {  	s16 =	simm.s32 $0x2;
	[sflag:s1] =	ssyncadd.s32 @!p1 $0xFFFFC000;
	s1 =	simm.s32 $0x0  }
0x15b: {  	[tilespmem:s13], [sflag:$0x2] =	stream.linear.gather [hbm4b:s17+s1], $0x2000, $0x38;
	[tilespmem:$0x1A000] =	vst v63  }
0x15c: {  	_ =	swait.ge [sflag:s16], $0x2000  }
0x15d: {  	[sflag:s16] =	ssyncset.done $0x0  }
0x15e: {  	s14 =	simm.s32 $0x6000;
	[sflag:s16] =	ssyncadd.s32 $0xFFFFE000  }
0x15f: {  	[tilespmem:s14], [sflag:$0x1] =	stream.indirect.gather [spmem:s2], $0x1, s13, s13, $0xb8;
	[tilespmem:$0x1A000] =	vst v63  }
0x160: {  	s19 =	simm.s32 $0x4000  }
0x161: {  	[tilespmem:s19], [sflag:$0x2] =	stream.linear.gather [hbm4b:s22+s1], $0x2000, $0x38;
	[tilespmem:$0x1A000] =	vst v63  }
0x162: {  	_ =	swait.ge [sflag:s28], $0x2000  }
0x163: {  	[sflag:s28] =	ssyncset.done $0x0  }
0x164: {  	s20 =	sadd.s32 s11, s5;
	[sflag:s28] =	ssyncadd.s32 $0xFFFFE000  }
0x165: {  	[hbm4b:s20+s29] =	stream.strided.scatter [tilespmem:s14], [sflag:$0x3], $0x2000, s30, s29, $0x38;
	[tilespmem:$0x1A000] =	vst v63  }
0x166: {  	_ =	swait.ge [sflag:s16], $0x2000  }
0x167: {  	[sflag:s16] =	ssyncset.done $0x0  }
0x168: {  	s12 =	sadd.s32 $0xC00, s10;
	[sflag:s16] =	ssyncadd.s32 $0xFFFFE000  }
0x169: {  	[tilespmem:s31], [sflag:$0x1] =	stream.indirect.gather [spmem:s2], $0x1, s19, s13, $0xb8;
	[tilespmem:$0x1A000] =	vst v63  }
0x16a: {  	s21 =	smov.u32 s23;
	s23 =	smov.u32 s24;
	s3 =	simm.s32 $0x0  }
0x16b: {  	[tilespmem:s13], [sflag:$0x2] =	stream.linear.gather [hbm4b:s9+s1], $0x2000, $0x38;
	[tilespmem:$0x1A000] =	vst v63  }
.LBB2_36:
0x16c: {  	_ =	swait.ge [sflag:s28], $0x2000  }
0x16d: {  	s4 =	sadd.s32 s3, s20;
	[sflag:s28] =	ssyncset.done $0x0  }
0x16e: {  	s18 =	sadd.s32 $0x1000, s4;
	[sflag:s28] =	ssyncadd.s32 $0xFFFFE000  }
0x16f: {  	[hbm4b:s18+s29] =	stream.strided.scatter [tilespmem:s31], [sflag:$0x3], $0x2000, s30, s29, $0x38;
	[tilespmem:$0x1A000] =	vst v63  }
0x170: {  	_ =	swait.ge [sflag:s0], $0x2000  }
0x171: {  	[sflag:s0] =	ssyncset.done $0x0  }
0x172: {  	[sflag:s0] =	ssyncadd.s32 $0xFFFFE000  }
0x173: {  	_ =	swait.ge [sflag:s16], $0x2000  }
0x174: {  	[sflag:s16] =	ssyncset.done $0x0  }
0x175: {  	[sflag:s16] =	ssyncadd.s32 $0xFFFFE000  }
0x176: {  	[tilespmem:s14], [sflag:$0x1] =	stream.indirect.gather [spmem:s2], $0x1, s13, s13, $0xb8;
	[tilespmem:$0x1A000] =	vst v63  }
0x177: {  	_ = 	snop  }
0x178: {  	[tilespmem:s19], [sflag:$0x2] =	stream.linear.gather [hbm4b:s12+s1], $0x2000, $0x38;
	[tilespmem:$0x1A000] =	vst v63  }
0x179: {  	_ =	swait.ge [sflag:s28], $0x2000  }
0x17a: {  	[sflag:s28] =	ssyncset.done $0x0  }
0x17b: {  	s4 =	sadd.s32 $0x2000, s4;
	[sflag:s28] =	ssyncadd.s32 $0xFFFFE000  }
0x17c: {  	[hbm4b:s4+s29] =	stream.strided.scatter [tilespmem:s14], [sflag:$0x3], $0x2000, s30, s29, $0x38;
	[tilespmem:$0x1A000] =	vst v63  }
0x17d: {  	_ =	swait.ge [sflag:s0], $0x2000  }
0x17e: {  	p2 =	seq.s32 s3, $0xC000;
	[sflag:s0] =	ssyncset.done $0x0  }
.Ltmp18:
0x17f: {  	[sflag:s0] =	ssyncadd.s32 $0xFFFFE000;
	(pc) =	sbr.rel @p2 .LBB2_38-.Ltmp18, $4  }
0x180: {  	_ =	swait.ge [sflag:s16], $0x2000  }
0x181: {  	[sflag:s16] =	ssyncset.done $0x0  }
0x182: {  	[sflag:s16] =	ssyncadd.s32 $0xFFFFE000  }
0x183: {  	[tilespmem:s31], [sflag:$0x1] =	stream.indirect.gather [spmem:s2], $0x1, s19, s13, $0xb8;
	[tilespmem:$0x1A000] =	vst v63  }
.Ltmp19:
0x184: {  	(pc) =	sbr.rel .LBB2_36-.Ltmp19, $3  }
0x185: {  	_ =	sdelay $0x1  }
0x186: {  	s4 =	sadd.s32 $0x400, s12;
	s3 =	sadd.s32 $0x2000, s3;
	s12 =	sadd.s32 $0x800, s12  }
0x187: {  	[tilespmem:s13], [sflag:$0x2] =	stream.linear.gather [hbm4b:s4+s1], $0x2000, $0x38;
	[tilespmem:$0x1A000] =	vst v63  }
.LBB2_38:
0x188: {  	s25 =	simm.s32 $0x1  }
0x189: {  	_ =	swait.ge [sflag:s25], $0x2000  }
0x18a: {  	s0 =	sadd.s32 s6, s11;
	s26 =	simm.s32 $0x80;
	[sflag:s25] =	ssyncset.done $0x0  }
0x18b: {  	s28 =	simm.s32 $0x200;
	s29 =	simm.s32 $0x8000;
	[sflag:s25] =	ssyncadd.s32 $0xFFFFE000  }
0x18c: {  	[hbm4b:s0+s26] =	stream.strided.scatter [tilespmem:s29], [sflag:$0x3], $0x2000, s28, s26, $0x38;
	[tilespmem:$0x1A000] =	vst v63  }
0x18d: {  	s0 =	simm.s32 $0x3  }
0x18e: {  	_ =	swait.ge [sflag:s0], $0x2000  }
0x18f: {  	[sflag:s0] =	ssyncset.done $0x0  }
0x190: {  	[sflag:s0] =	ssyncadd.s32 $0xFFFFE000  }
0x191: {  	_ =	swait.ge [sflag:s0], $0x2000  }
0x192: {  	[sflag:s0] =	ssyncset.done $0x0  }
0x193: {  	[sflag:s0] =	ssyncadd.s32 $0xFFFFE000  }
0x194: {  	[bflag:$0x0] =	sbarrier.arrive $0xFFFF  }
0x195: {  	s3 =	simm.s32 $0x10;
	s1 =	rddreg [dreg:$0xa]  }
0x196: {  	s4 =	simm.s32 $0x40;
	s24 =	simm.s32 $0x4;
	s1 =	sadd.s32 s1, s23  }
0x197: {  	[spmem:s8@s3], [sflag:s7] =	dma.strided [hbm:s1@s4], $0x2000, s25, $0x10   }
0x198: {  	_ =	swait.ge [sflag:s24], $0x2000  }
0x199: {  	[sflag:s24] =	ssyncset.done $0x0  }
0x19a: {  	[sflag:s24] =	ssyncadd.s32 $0xFFFFE000  }
0x19b: {  	[bflag:$0x0] =	sbarrier.arrive $0xFFFF  }
0x19c: {  	s12 =	simm.s32 @!p0 $0x10;
	s3 =	simm.s32 @!p0 $0x1;
	s1 =	rddreg [dreg:$0xe]  }
0x19d: {  	s4 =	simm.s32 @!p0 $0x40;
	s13 =	rddreg [dreg:$0xb];
	s1 =	sadd.s32 @!p0 s5, s1  }
0x19e: {  	[hbm:s1@s4], [sflag:s7] =	dma.strided @!p0 [spmem:s13@s12], $0x4000, s3, $0x10   }
0x19f: {  	s1 =	simm.s32 @!p0 $0x4  }
0x1a0: {  	_ =	swait.ge @!p0 [sflag:s1], $0x4000  }
0x1a1: {  	s16 =	simm.s32 $0x2;
	[sflag:s1] =	ssyncset.done @!p0 $0x0  }
0x1a2: {  	s13 =	simm.s32 $0x2000;
	[sflag:s1] =	ssyncadd.s32 @!p0 $0xFFFFC000;
	s1 =	simm.s32 $0x0  }
0x1a3: {  	[tilespmem:s13], [sflag:$0x2] =	stream.linear.gather [hbm4b:s17+s1], $0x2000, $0x38;
	[tilespmem:$0x1A000] =	vst v63  }
0x1a4: {  	_ =	swait.ge [sflag:s16], $0x2000  }
0x1a5: {  	[sflag:s16] =	ssyncset.done $0x0  }
0x1a6: {  	s14 =	simm.s32 $0x6000;
	[sflag:s16] =	ssyncadd.s32 $0xFFFFE000  }
0x1a7: {  	[tilespmem:s14], [sflag:$0x1] =	stream.indirect.gather [spmem:s2], $0x1, s13, s13, $0xb8;
	[tilespmem:$0x1A000] =	vst v63  }
0x1a8: {  	s19 =	simm.s32 $0x4000  }
0x1a9: {  	[tilespmem:s19], [sflag:$0x2] =	stream.linear.gather [hbm4b:s22+s1], $0x2000, $0x38;
	[tilespmem:$0x1A000] =	vst v63  }
0x1aa: {  	_ =	swait.ge [sflag:s25], $0x2000  }
0x1ab: {  	s31 =	smov.u32 s22;
	[sflag:s25] =	ssyncset.done $0x0;
	s22 =	rddreg [dreg:$0xf]  }
0x1ac: {  	[sflag:s25] =	ssyncadd.s32 $0xFFFFE000;
	s20 =	sadd.s32 s22, s5  }
0x1ad: {  	[hbm4b:s20+s26] =	stream.strided.scatter [tilespmem:s14], [sflag:$0x3], $0x2000, s28, s26, $0x38;
	[tilespmem:$0x1A000] =	vst v63  }
0x1ae: {  	_ =	swait.ge [sflag:s16], $0x2000  }
0x1af: {  	[sflag:s16] =	ssyncset.done $0x0  }
0x1b0: {  	s30 =	smov.u32 s17;
	[sflag:s16] =	ssyncadd.s32 $0xFFFFE000  }
0x1b1: {  	[tilespmem:s29], [sflag:$0x1] =	stream.indirect.gather [spmem:s2], $0x1, s19, s13, $0xb8;
	[tilespmem:$0x1A000] =	vst v63  }
0x1b2: {  	s12 =	sadd.s32 $0xC00, s10;
	s3 =	simm.s32 $0x0;
	s17 =	rddreg [dreg:$0xc]  }
0x1b3: {  	[tilespmem:s13], [sflag:$0x2] =	stream.linear.gather [hbm4b:s9+s1], $0x2000, $0x38;
	[tilespmem:$0x1A000] =	vst v63  }
.LBB2_39:
0x1b4: {  	_ =	swait.ge [sflag:s25], $0x2000  }
0x1b5: {  	s4 =	sadd.s32 s3, s20;
	[sflag:s25] =	ssyncset.done $0x0  }
0x1b6: {  	s18 =	sadd.s32 $0x1000, s4;
	[sflag:s25] =	ssyncadd.s32 $0xFFFFE000  }
0x1b7: {  	[hbm4b:s18+s26] =	stream.strided.scatter [tilespmem:s29], [sflag:$0x3], $0x2000, s28, s26, $0x38;
	[tilespmem:$0x1A000] =	vst v63  }
0x1b8: {  	_ =	swait.ge [sflag:s0], $0x2000  }
0x1b9: {  	[sflag:s0] =	ssyncset.done $0x0  }
0x1ba: {  	[sflag:s0] =	ssyncadd.s32 $0xFFFFE000  }
0x1bb: {  	_ =	swait.ge [sflag:s16], $0x2000  }
0x1bc: {  	[sflag:s16] =	ssyncset.done $0x0  }
0x1bd: {  	[sflag:s16] =	ssyncadd.s32 $0xFFFFE000  }
0x1be: {  	[tilespmem:s14], [sflag:$0x1] =	stream.indirect.gather [spmem:s2], $0x1, s13, s13, $0xb8;
	[tilespmem:$0x1A000] =	vst v63  }
0x1bf: {  	_ = 	snop  }
0x1c0: {  	[tilespmem:s19], [sflag:$0x2] =	stream.linear.gather [hbm4b:s12+s1], $0x2000, $0x38;
	[tilespmem:$0x1A000] =	vst v63  }
0x1c1: {  	_ =	swait.ge [sflag:s25], $0x2000  }
0x1c2: {  	[sflag:s25] =	ssyncset.done $0x0  }
0x1c3: {  	s4 =	sadd.s32 $0x2000, s4;
	[sflag:s25] =	ssyncadd.s32 $0xFFFFE000  }
0x1c4: {  	[hbm4b:s4+s26] =	stream.strided.scatter [tilespmem:s14], [sflag:$0x3], $0x2000, s28, s26, $0x38;
	[tilespmem:$0x1A000] =	vst v63  }
0x1c5: {  	_ =	swait.ge [sflag:s0], $0x2000  }
0x1c6: {  	p2 =	seq.s32 s3, $0xC000;
	[sflag:s0] =	ssyncset.done $0x0  }
.Ltmp20:
0x1c7: {  	[sflag:s0] =	ssyncadd.s32 $0xFFFFE000;
	(pc) =	sbr.rel @p2 .LBB2_41-.Ltmp20, $4  }
0x1c8: {  	_ =	swait.ge [sflag:s16], $0x2000  }
0x1c9: {  	[sflag:s16] =	ssyncset.done $0x0  }
0x1ca: {  	[sflag:s16] =	ssyncadd.s32 $0xFFFFE000  }
0x1cb: {  	[tilespmem:s29], [sflag:$0x1] =	stream.indirect.gather [spmem:s2], $0x1, s19, s13, $0xb8;
	[tilespmem:$0x1A000] =	vst v63  }
.Ltmp21:
0x1cc: {  	(pc) =	sbr.rel .LBB2_39-.Ltmp21, $3  }
0x1cd: {  	_ =	sdelay $0x1  }
0x1ce: {  	s4 =	sadd.s32 $0x400, s12;
	s3 =	sadd.s32 $0x2000, s3;
	s12 =	sadd.s32 $0x800, s12  }
0x1cf: {  	[tilespmem:s13], [sflag:$0x2] =	stream.linear.gather [hbm4b:s4+s1], $0x2000, $0x38;
	[tilespmem:$0x1A000] =	vst v63  }
.LBB2_41:
0x1d0: {  	s25 =	simm.s32 $0x1  }
0x1d1: {  	s0 =	sadd.s32 s6, s22;
	_ =	swait.ge [sflag:s25], $0x2000  }
0x1d2: {  	s24 =	simm.s32 $0x80;
	s26 =	simm.s32 $0x200;
	[sflag:s25] =	ssyncset.done $0x0  }
0x1d3: {  	s28 =	simm.s32 $0x8000;
	s29 =	simm.s32 $0x3;
	[sflag:s25] =	ssyncadd.s32 $0xFFFFE000  }
0x1d4: {  	[hbm4b:s0+s24] =	stream.strided.scatter [tilespmem:s28], [sflag:$0x3], $0x2000, s26, s24, $0x38;
	[tilespmem:$0x1A000] =	vst v63  }
0x1d5: {  	_ =	swait.ge [sflag:s29], $0x2000  }
0x1d6: {  	[sflag:s29] =	ssyncset.done $0x0  }
0x1d7: {  	[sflag:s29] =	ssyncadd.s32 $0xFFFFE000  }
0x1d8: {  	_ =	swait.ge [sflag:s29], $0x2000  }
0x1d9: {  	[sflag:s29] =	ssyncset.done $0x0  }
0x1da: {  	[sflag:s29] =	ssyncadd.s32 $0xFFFFE000  }
0x1db: {  	[bflag:$0x0] =	sbarrier.arrive $0xFFFF  }
0x1dc: {  	s1 =	simm.s32 $0x10;
	s22 =	rddreg [dreg:$0x6]  }
0x1dd: {  	s3 =	simm.s32 $0x40;
	s0 =	sadd.s32 s22, s23;
	s23 =	simm.s32 $0x4  }
0x1de: {  	[spmem:s8@s1], [sflag:s7] =	dma.strided [hbm:s0@s3], $0x2000, s25, $0x10   }
0x1df: {  	_ =	swait.ge [sflag:s23], $0x2000  }
0x1e0: {  	[sflag:s23] =	ssyncset.done $0x0  }
0x1e1: {  	[sflag:s23] =	ssyncadd.s32 $0xFFFFE000  }
0x1e2: {  	[bflag:$0x0] =	sbarrier.arrive $0xFFFF  }
0x1e3: {  	s4 =	simm.s32 @!p1 $0x10;
	s0 =	rddreg [dreg:$0xe]  }
0x1e4: {  	s1 =	simm.s32 @!p1 $0x1;
	s3 =	simm.s32 @!p1 $0x40;
	s0 =	sadd.s32 @!p1 s5, s0  }
0x1e5: {  	[hbm:s0@s3], [sflag:s7] =	dma.strided @!p1 [spmem:s15@s4], $0x4000, s1, $0x10   }
0x1e6: {  	s0 =	simm.s32 @!p1 $0x4  }
0x1e7: {  	_ =	swait.ge @!p1 [sflag:s0], $0x4000  }
0x1e8: {  	s13 =	simm.s32 $0x2;
	[sflag:s0] =	ssyncset.done @!p1 $0x0  }
0x1e9: {  	s1 =	simm.s32 $0x2000;
	[sflag:s0] =	ssyncadd.s32 @!p1 $0xFFFFC000;
	s0 =	simm.s32 $0x0  }
0x1ea: {  	[tilespmem:s1], [sflag:$0x2] =	stream.linear.gather [hbm4b:s30+s0], $0x2000, $0x38;
	[tilespmem:$0x1A000] =	vst v63  }
0x1eb: {  	_ =	swait.ge [sflag:s13], $0x2000  }
0x1ec: {  	[sflag:s13] =	ssyncset.done $0x0  }
0x1ed: {  	s16 =	simm.s32 $0x6000;
	[sflag:s13] =	ssyncadd.s32 $0xFFFFE000  }
0x1ee: {  	[tilespmem:s16], [sflag:$0x1] =	stream.indirect.gather [spmem:s2], $0x1, s1, s1, $0xb8;
	[tilespmem:$0x1A000] =	vst v63  }
0x1ef: {  	s19 =	simm.s32 $0x4000  }
0x1f0: {  	[tilespmem:s19], [sflag:$0x2] =	stream.linear.gather [hbm4b:s31+s0], $0x2000, $0x38;
	[tilespmem:$0x1A000] =	vst v63  }
0x1f1: {  	_ =	swait.ge [sflag:s25], $0x2000  }
0x1f2: {  	s14 =	sadd.s32 $0x10, s11;
	[sflag:s25] =	ssyncset.done $0x0  }
0x1f3: {  	s20 =	sadd.s32 s14, s5;
	[sflag:s25] =	ssyncadd.s32 $0xFFFFE000  }
0x1f4: {  	[hbm4b:s20+s24] =	stream.strided.scatter [tilespmem:s16], [sflag:$0x3], $0x2000, s26, s24, $0x38;
	[tilespmem:$0x1A000] =	vst v63  }
0x1f5: {  	_ =	swait.ge [sflag:s13], $0x2000  }
0x1f6: {  	[sflag:s13] =	ssyncset.done $0x0  }
0x1f7: {  	[sflag:s13] =	ssyncadd.s32 $0xFFFFE000  }
0x1f8: {  	[tilespmem:s28], [sflag:$0x1] =	stream.indirect.gather [spmem:s2], $0x1, s19, s1, $0xb8;
	[tilespmem:$0x1A000] =	vst v63  }
0x1f9: {  	s12 =	sadd.s32 $0xC00, s10;
	s3 =	simm.s32 $0x0  }
0x1fa: {  	[tilespmem:s1], [sflag:$0x2] =	stream.linear.gather [hbm4b:s9+s0], $0x2000, $0x38;
	[tilespmem:$0x1A000] =	vst v63  }
.LBB2_42:
0x1fb: {  	_ =	swait.ge [sflag:s25], $0x2000  }
0x1fc: {  	s4 =	sadd.s32 s3, s20;
	[sflag:s25] =	ssyncset.done $0x0  }
0x1fd: {  	s18 =	sadd.s32 $0x1000, s4;
	[sflag:s25] =	ssyncadd.s32 $0xFFFFE000  }
0x1fe: {  	[hbm4b:s18+s24] =	stream.strided.scatter [tilespmem:s28], [sflag:$0x3], $0x2000, s26, s24, $0x38;
	[tilespmem:$0x1A000] =	vst v63  }
0x1ff: {  	_ =	swait.ge [sflag:s29], $0x2000  }
0x200: {  	[sflag:s29] =	ssyncset.done $0x0  }
0x201: {  	[sflag:s29] =	ssyncadd.s32 $0xFFFFE000  }
0x202: {  	_ =	swait.ge [sflag:s13], $0x2000  }
0x203: {  	[sflag:s13] =	ssyncset.done $0x0  }
0x204: {  	[sflag:s13] =	ssyncadd.s32 $0xFFFFE000  }
0x205: {  	[tilespmem:s16], [sflag:$0x1] =	stream.indirect.gather [spmem:s2], $0x1, s1, s1, $0xb8;
	[tilespmem:$0x1A000] =	vst v63  }
0x206: {  	_ = 	snop  }
0x207: {  	[tilespmem:s19], [sflag:$0x2] =	stream.linear.gather [hbm4b:s12+s0], $0x2000, $0x38;
	[tilespmem:$0x1A000] =	vst v63  }
0x208: {  	_ =	swait.ge [sflag:s25], $0x2000  }
0x209: {  	[sflag:s25] =	ssyncset.done $0x0  }
0x20a: {  	s4 =	sadd.s32 $0x2000, s4;
	[sflag:s25] =	ssyncadd.s32 $0xFFFFE000  }
0x20b: {  	[hbm4b:s4+s24] =	stream.strided.scatter [tilespmem:s16], [sflag:$0x3], $0x2000, s26, s24, $0x38;
	[tilespmem:$0x1A000] =	vst v63  }
0x20c: {  	_ =	swait.ge [sflag:s29], $0x2000  }
0x20d: {  	p2 =	seq.s32 s3, $0xC000;
	[sflag:s29] =	ssyncset.done $0x0  }
.Ltmp22:
0x20e: {  	[sflag:s29] =	ssyncadd.s32 $0xFFFFE000;
	(pc) =	sbr.rel @p2 .LBB2_44-.Ltmp22, $4  }
0x20f: {  	_ =	swait.ge [sflag:s13], $0x2000  }
0x210: {  	[sflag:s13] =	ssyncset.done $0x0  }
0x211: {  	[sflag:s13] =	ssyncadd.s32 $0xFFFFE000  }
0x212: {  	[tilespmem:s28], [sflag:$0x1] =	stream.indirect.gather [spmem:s2], $0x1, s19, s1, $0xb8;
	[tilespmem:$0x1A000] =	vst v63  }
.Ltmp23:
0x213: {  	(pc) =	sbr.rel .LBB2_42-.Ltmp23, $3  }
0x214: {  	_ =	sdelay $0x1  }
0x215: {  	s4 =	sadd.s32 $0x400, s12;
	s3 =	sadd.s32 $0x2000, s3;
	s12 =	sadd.s32 $0x800, s12  }
0x216: {  	[tilespmem:s1], [sflag:$0x2] =	stream.linear.gather [hbm4b:s4+s0], $0x2000, $0x38;
	[tilespmem:$0x1A000] =	vst v63  }
.LBB2_44:
0x217: {  	s22 =	simm.s32 $0x1  }
0x218: {  	_ =	swait.ge [sflag:s22], $0x2000  }
0x219: {  	s0 =	sadd.s32 s6, s14;
	s23 =	simm.s32 $0x80;
	[sflag:s22] =	ssyncset.done $0x0  }
0x21a: {  	s24 =	simm.s32 $0x200;
	s25 =	simm.s32 $0x8000;
	[sflag:s22] =	ssyncadd.s32 $0xFFFFE000  }
0x21b: {  	[hbm4b:s0+s23] =	stream.strided.scatter [tilespmem:s25], [sflag:$0x3], $0x2000, s24, s23, $0x38;
	[tilespmem:$0x1A000] =	vst v63  }
0x21c: {  	s0 =	simm.s32 $0x3  }
0x21d: {  	_ =	swait.ge [sflag:s0], $0x2000  }
0x21e: {  	[sflag:s0] =	ssyncset.done $0x0  }
0x21f: {  	[sflag:s0] =	ssyncadd.s32 $0xFFFFE000  }
0x220: {  	_ =	swait.ge [sflag:s0], $0x2000  }
0x221: {  	[sflag:s0] =	ssyncset.done $0x0  }
0x222: {  	[sflag:s0] =	ssyncadd.s32 $0xFFFFE000  }
0x223: {  	[bflag:$0x0] =	sbarrier.arrive $0xFFFF  }
0x224: {  	s3 =	simm.s32 $0x10;
	s1 =	rddreg [dreg:$0xa]  }
0x225: {  	s4 =	simm.s32 $0x40;
	s29 =	simm.s32 $0x4;
	s1 =	sadd.s32 s1, s17  }
0x226: {  	[spmem:s8@s3], [sflag:s7] =	dma.strided [hbm:s1@s4], $0x2000, s22, $0x10   }
0x227: {  	_ =	swait.ge [sflag:s29], $0x2000  }
0x228: {  	[sflag:s29] =	ssyncset.done $0x0  }
0x229: {  	[sflag:s29] =	ssyncadd.s32 $0xFFFFE000  }
0x22a: {  	[bflag:$0x0] =	sbarrier.arrive $0xFFFF  }
0x22b: {  	s12 =	simm.s32 @!p0 $0x10;
	s3 =	simm.s32 @!p0 $0x1;
	s28 =	rddreg [dreg:$0xd]  }
0x22c: {  	s4 =	simm.s32 @!p0 $0x40;
	s13 =	rddreg [dreg:$0xb];
	s1 =	sadd.s32 @!p0 s5, s28  }
0x22d: {  	[hbm:s1@s4], [sflag:s7] =	dma.strided @!p0 [spmem:s13@s12], $0x4000, s3, $0x10   }
0x22e: {  	s1 =	simm.s32 @!p0 $0x4  }
0x22f: {  	_ =	swait.ge @!p0 [sflag:s1], $0x4000  }
0x230: {  	s16 =	simm.s32 $0x2;
	[sflag:s1] =	ssyncset.done @!p0 $0x0  }
0x231: {  	s13 =	simm.s32 $0x2000;
	[sflag:s1] =	ssyncadd.s32 @!p0 $0xFFFFC000;
	s1 =	simm.s32 $0x0  }
0x232: {  	[tilespmem:s13], [sflag:$0x2] =	stream.linear.gather [hbm4b:s30+s1], $0x2000, $0x38;
	[tilespmem:$0x1A000] =	vst v63  }
0x233: {  	_ =	swait.ge [sflag:s16], $0x2000  }
0x234: {  	[sflag:s16] =	ssyncset.done $0x0  }
0x235: {  	s14 =	simm.s32 $0x6000;
	[sflag:s16] =	ssyncadd.s32 $0xFFFFE000  }
0x236: {  	[tilespmem:s14], [sflag:$0x1] =	stream.indirect.gather [spmem:s2], $0x1, s13, s13, $0xb8;
	[tilespmem:$0x1A000] =	vst v63  }
0x237: {  	s19 =	simm.s32 $0x4000  }
0x238: {  	[tilespmem:s19], [sflag:$0x2] =	stream.linear.gather [hbm4b:s31+s1], $0x2000, $0x38;
	[tilespmem:$0x1A000] =	vst v63  }
0x239: {  	_ =	swait.ge [sflag:s22], $0x2000  }
0x23a: {  	[sflag:s22] =	ssyncset.done $0x0  }
0x23b: {  	s20 =	sadd.s32 s21, s5;
	[sflag:s22] =	ssyncadd.s32 $0xFFFFE000  }
0x23c: {  	[hbm4b:s20+s23] =	stream.strided.scatter [tilespmem:s14], [sflag:$0x3], $0x2000, s24, s23, $0x38;
	[tilespmem:$0x1A000] =	vst v63  }
0x23d: {  	_ =	swait.ge [sflag:s16], $0x2000  }
0x23e: {  	[sflag:s16] =	ssyncset.done $0x0  }
0x23f: {  	[sflag:s16] =	ssyncadd.s32 $0xFFFFE000  }
0x240: {  	[tilespmem:s25], [sflag:$0x1] =	stream.indirect.gather [spmem:s2], $0x1, s19, s13, $0xb8;
	[tilespmem:$0x1A000] =	vst v63  }
0x241: {  	s12 =	sadd.s32 $0xC00, s10;
	s3 =	simm.s32 $0x0;
	s26 =	rddreg [dreg:$0x9]  }
0x242: {  	[tilespmem:s13], [sflag:$0x2] =	stream.linear.gather [hbm4b:s9+s1], $0x2000, $0x38;
	[tilespmem:$0x1A000] =	vst v63  }
.LBB2_45:
0x243: {  	_ =	swait.ge [sflag:s22], $0x2000  }
0x244: {  	s4 =	sadd.s32 s3, s20;
	[sflag:s22] =	ssyncset.done $0x0  }
0x245: {  	s18 =	sadd.s32 $0x1000, s4;
	[sflag:s22] =	ssyncadd.s32 $0xFFFFE000  }
0x246: {  	[hbm4b:s18+s23] =	stream.strided.scatter [tilespmem:s25], [sflag:$0x3], $0x2000, s24, s23, $0x38;
	[tilespmem:$0x1A000] =	vst v63  }
0x247: {  	_ =	swait.ge [sflag:s0], $0x2000  }
0x248: {  	[sflag:s0] =	ssyncset.done $0x0  }
0x249: {  	[sflag:s0] =	ssyncadd.s32 $0xFFFFE000  }
0x24a: {  	_ =	swait.ge [sflag:s16], $0x2000  }
0x24b: {  	[sflag:s16] =	ssyncset.done $0x0  }
0x24c: {  	[sflag:s16] =	ssyncadd.s32 $0xFFFFE000  }
0x24d: {  	[tilespmem:s14], [sflag:$0x1] =	stream.indirect.gather [spmem:s2], $0x1, s13, s13, $0xb8;
	[tilespmem:$0x1A000] =	vst v63  }
0x24e: {  	_ = 	snop  }
0x24f: {  	[tilespmem:s19], [sflag:$0x2] =	stream.linear.gather [hbm4b:s12+s1], $0x2000, $0x38;
	[tilespmem:$0x1A000] =	vst v63  }
0x250: {  	_ =	swait.ge [sflag:s22], $0x2000  }
0x251: {  	[sflag:s22] =	ssyncset.done $0x0  }
0x252: {  	s4 =	sadd.s32 $0x2000, s4;
	[sflag:s22] =	ssyncadd.s32 $0xFFFFE000  }
0x253: {  	[hbm4b:s4+s23] =	stream.strided.scatter [tilespmem:s14], [sflag:$0x3], $0x2000, s24, s23, $0x38;
	[tilespmem:$0x1A000] =	vst v63  }
0x254: {  	_ =	swait.ge [sflag:s0], $0x2000  }
0x255: {  	p2 =	seq.s32 s3, $0xC000;
	[sflag:s0] =	ssyncset.done $0x0  }
.Ltmp24:
0x256: {  	[sflag:s0] =	ssyncadd.s32 $0xFFFFE000;
	(pc) =	sbr.rel @p2 .LBB2_47-.Ltmp24, $4  }
0x257: {  	_ =	swait.ge [sflag:s16], $0x2000  }
0x258: {  	[sflag:s16] =	ssyncset.done $0x0  }
0x259: {  	[sflag:s16] =	ssyncadd.s32 $0xFFFFE000  }
0x25a: {  	[tilespmem:s25], [sflag:$0x1] =	stream.indirect.gather [spmem:s2], $0x1, s19, s13, $0xb8;
	[tilespmem:$0x1A000] =	vst v63  }
.Ltmp25:
0x25b: {  	(pc) =	sbr.rel .LBB2_45-.Ltmp25, $3  }
0x25c: {  	_ =	sdelay $0x1  }
0x25d: {  	s4 =	sadd.s32 $0x400, s12;
	s3 =	sadd.s32 $0x2000, s3;
	s12 =	sadd.s32 $0x800, s12  }
0x25e: {  	[tilespmem:s13], [sflag:$0x2] =	stream.linear.gather [hbm4b:s4+s1], $0x2000, $0x38;
	[tilespmem:$0x1A000] =	vst v63  }
.LBB2_47:
0x25f: {  	s22 =	simm.s32 $0x1  }
0x260: {  	s0 =	sadd.s32 s6, s21;
	_ =	swait.ge [sflag:s22], $0x2000  }
0x261: {  	s21 =	simm.s32 $0x80;
	s23 =	simm.s32 $0x200;
	[sflag:s22] =	ssyncset.done $0x0  }
0x262: {  	s24 =	simm.s32 $0x8000;
	s25 =	simm.s32 $0x3;
	[sflag:s22] =	ssyncadd.s32 $0xFFFFE000  }
0x263: {  	[hbm4b:s0+s21] =	stream.strided.scatter [tilespmem:s24], [sflag:$0x3], $0x2000, s23, s21, $0x38;
	[tilespmem:$0x1A000] =	vst v63  }
0x264: {  	_ =	swait.ge [sflag:s25], $0x2000  }
0x265: {  	[sflag:s25] =	ssyncset.done $0x0  }
0x266: {  	[sflag:s25] =	ssyncadd.s32 $0xFFFFE000  }
0x267: {  	_ =	swait.ge [sflag:s25], $0x2000  }
0x268: {  	[sflag:s25] =	ssyncset.done $0x0  }
0x269: {  	[sflag:s25] =	ssyncadd.s32 $0xFFFFE000  }
0x26a: {  	[bflag:$0x0] =	sbarrier.arrive $0xFFFF  }
0x26b: {  	s1 =	simm.s32 $0x10;
	s20 =	rddreg [dreg:$0x6]  }
0x26c: {  	s3 =	simm.s32 $0x40;
	s29 =	simm.s32 $0x4;
	s0 =	sadd.s32 s20, s17  }
0x26d: {  	[spmem:s8@s1], [sflag:s7] =	dma.strided [hbm:s0@s3], $0x2000, s22, $0x10   }
0x26e: {  	_ =	swait.ge [sflag:s29], $0x2000  }
0x26f: {  	[sflag:s29] =	ssyncset.done $0x0  }
0x270: {  	s4 =	simm.s32 @!p1 $0x10;
	s0 =	sadd.s32 @!p1 s5, s28;
	[sflag:s29] =	ssyncadd.s32 $0xFFFFE000  }
0x271: {  	s1 =	simm.s32 @!p1 $0x1;
	s3 =	simm.s32 @!p1 $0x40;
	[bflag:$0x0] =	sbarrier.arrive $0xFFFF  }
0x272: {  	[hbm:s0@s3], [sflag:s7] =	dma.strided @!p1 [spmem:s15@s4], $0x4000, s1, $0x10   }
0x273: {  	s0 =	simm.s32 @!p1 $0x4  }
0x274: {  	_ =	swait.ge @!p1 [sflag:s0], $0x4000  }
0x275: {  	s13 =	simm.s32 $0x2;
	[sflag:s0] =	ssyncset.done @!p1 $0x0  }
0x276: {  	s1 =	simm.s32 $0x2000;
	[sflag:s0] =	ssyncadd.s32 @!p1 $0xFFFFC000;
	s0 =	simm.s32 $0x0  }
0x277: {  	[tilespmem:s1], [sflag:$0x2] =	stream.linear.gather [hbm4b:s30+s0], $0x2000, $0x38;
	[tilespmem:$0x1A000] =	vst v63  }
0x278: {  	_ =	swait.ge [sflag:s13], $0x2000  }
0x279: {  	[sflag:s13] =	ssyncset.done $0x0  }
0x27a: {  	s16 =	simm.s32 $0x6000;
	[sflag:s13] =	ssyncadd.s32 $0xFFFFE000  }
0x27b: {  	[tilespmem:s16], [sflag:$0x1] =	stream.indirect.gather [spmem:s2], $0x1, s1, s1, $0xb8;
	[tilespmem:$0x1A000] =	vst v63  }
0x27c: {  	s19 =	simm.s32 $0x4000  }
0x27d: {  	[tilespmem:s19], [sflag:$0x2] =	stream.linear.gather [hbm4b:s31+s0], $0x2000, $0x38;
	[tilespmem:$0x1A000] =	vst v63  }
0x27e: {  	_ =	swait.ge [sflag:s22], $0x2000  }
0x27f: {  	s14 =	sadd.s32 $0x20, s11;
	[sflag:s22] =	ssyncset.done $0x0  }
0x280: {  	s20 =	sadd.s32 s14, s5;
	[sflag:s22] =	ssyncadd.s32 $0xFFFFE000  }
0x281: {  	[hbm4b:s20+s21] =	stream.strided.scatter [tilespmem:s16], [sflag:$0x3], $0x2000, s23, s21, $0x38;
	[tilespmem:$0x1A000] =	vst v63  }
0x282: {  	_ =	swait.ge [sflag:s13], $0x2000  }
0x283: {  	[sflag:s13] =	ssyncset.done $0x0  }
0x284: {  	[sflag:s13] =	ssyncadd.s32 $0xFFFFE000  }
0x285: {  	[tilespmem:s24], [sflag:$0x1] =	stream.indirect.gather [spmem:s2], $0x1, s19, s1, $0xb8;
	[tilespmem:$0x1A000] =	vst v63  }
0x286: {  	s12 =	sadd.s32 $0xC00, s10;
	s3 =	simm.s32 $0x0  }
0x287: {  	[tilespmem:s1], [sflag:$0x2] =	stream.linear.gather [hbm4b:s9+s0], $0x2000, $0x38;
	[tilespmem:$0x1A000] =	vst v63  }
.LBB2_48:
0x288: {  	_ =	swait.ge [sflag:s22], $0x2000  }
0x289: {  	s4 =	sadd.s32 s3, s20;
	[sflag:s22] =	ssyncset.done $0x0  }
0x28a: {  	s18 =	sadd.s32 $0x1000, s4;
	[sflag:s22] =	ssyncadd.s32 $0xFFFFE000  }
0x28b: {  	[hbm4b:s18+s21] =	stream.strided.scatter [tilespmem:s24], [sflag:$0x3], $0x2000, s23, s21, $0x38;
	[tilespmem:$0x1A000] =	vst v63  }
0x28c: {  	_ =	swait.ge [sflag:s25], $0x2000  }
0x28d: {  	[sflag:s25] =	ssyncset.done $0x0  }
0x28e: {  	[sflag:s25] =	ssyncadd.s32 $0xFFFFE000  }
0x28f: {  	_ =	swait.ge [sflag:s13], $0x2000  }
0x290: {  	[sflag:s13] =	ssyncset.done $0x0  }
0x291: {  	[sflag:s13] =	ssyncadd.s32 $0xFFFFE000  }
0x292: {  	[tilespmem:s16], [sflag:$0x1] =	stream.indirect.gather [spmem:s2], $0x1, s1, s1, $0xb8;
	[tilespmem:$0x1A000] =	vst v63  }
0x293: {  	_ = 	snop  }
0x294: {  	[tilespmem:s19], [sflag:$0x2] =	stream.linear.gather [hbm4b:s12+s0], $0x2000, $0x38;
	[tilespmem:$0x1A000] =	vst v63  }
0x295: {  	_ =	swait.ge [sflag:s22], $0x2000  }
0x296: {  	[sflag:s22] =	ssyncset.done $0x0  }
0x297: {  	s4 =	sadd.s32 $0x2000, s4;
	[sflag:s22] =	ssyncadd.s32 $0xFFFFE000  }
0x298: {  	[hbm4b:s4+s21] =	stream.strided.scatter [tilespmem:s16], [sflag:$0x3], $0x2000, s23, s21, $0x38;
	[tilespmem:$0x1A000] =	vst v63  }
0x299: {  	_ =	swait.ge [sflag:s25], $0x2000  }
0x29a: {  	p2 =	seq.s32 s3, $0xC000;
	[sflag:s25] =	ssyncset.done $0x0  }
.Ltmp26:
0x29b: {  	[sflag:s25] =	ssyncadd.s32 $0xFFFFE000;
	(pc) =	sbr.rel @p2 .LBB2_50-.Ltmp26, $4  }
0x29c: {  	_ =	swait.ge [sflag:s13], $0x2000  }
0x29d: {  	[sflag:s13] =	ssyncset.done $0x0  }
0x29e: {  	[sflag:s13] =	ssyncadd.s32 $0xFFFFE000  }
0x29f: {  	[tilespmem:s24], [sflag:$0x1] =	stream.indirect.gather [spmem:s2], $0x1, s19, s1, $0xb8;
	[tilespmem:$0x1A000] =	vst v63  }
.Ltmp27:
0x2a0: {  	(pc) =	sbr.rel .LBB2_48-.Ltmp27, $3  }
0x2a1: {  	_ =	sdelay $0x1  }
0x2a2: {  	s4 =	sadd.s32 $0x400, s12;
	s3 =	sadd.s32 $0x2000, s3;
	s12 =	sadd.s32 $0x800, s12  }
0x2a3: {  	[tilespmem:s1], [sflag:$0x2] =	stream.linear.gather [hbm4b:s4+s0], $0x2000, $0x38;
	[tilespmem:$0x1A000] =	vst v63  }
.LBB2_50:
0x2a4: {  	s19 =	simm.s32 $0x1  }
0x2a5: {  	_ =	swait.ge [sflag:s19], $0x2000  }
0x2a6: {  	s0 =	sadd.s32 s6, s14;
	s20 =	simm.s32 $0x80;
	[sflag:s19] =	ssyncset.done $0x0  }
0x2a7: {  	s21 =	simm.s32 $0x200;
	s22 =	simm.s32 $0x8000;
	[sflag:s19] =	ssyncadd.s32 $0xFFFFE000  }
0x2a8: {  	[hbm4b:s0+s20] =	stream.strided.scatter [tilespmem:s22], [sflag:$0x3], $0x2000, s21, s20, $0x38;
	[tilespmem:$0x1A000] =	vst v63  }
0x2a9: {  	s0 =	simm.s32 $0x3  }
0x2aa: {  	_ =	swait.ge [sflag:s0], $0x2000  }
0x2ab: {  	[sflag:s0] =	ssyncset.done $0x0  }
0x2ac: {  	[sflag:s0] =	ssyncadd.s32 $0xFFFFE000  }
0x2ad: {  	_ =	swait.ge [sflag:s0], $0x2000  }
0x2ae: {  	[sflag:s0] =	ssyncset.done $0x0  }
0x2af: {  	[sflag:s0] =	ssyncadd.s32 $0xFFFFE000  }
0x2b0: {  	[bflag:$0x0] =	sbarrier.arrive $0xFFFF  }
0x2b1: {  	s24 =	rddreg [dreg:$0x7]  }
0x2b2: {  	s3 =	simm.s32 $0x10;
	s1 =	rddreg [dreg:$0xa]  }
0x2b3: {  	s4 =	simm.s32 $0x40;
	s29 =	simm.s32 $0x4;
	s1 =	sadd.s32 s1, s24  }
0x2b4: {  	[spmem:s8@s3], [sflag:s7] =	dma.strided [hbm:s1@s4], $0x2000, s19, $0x10   }
0x2b5: {  	_ =	swait.ge [sflag:s29], $0x2000  }
0x2b6: {  	[sflag:s29] =	ssyncset.done $0x0  }
0x2b7: {  	[sflag:s29] =	ssyncadd.s32 $0xFFFFE000  }
0x2b8: {  	[bflag:$0x0] =	sbarrier.arrive $0xFFFF  }
0x2b9: {  	s12 =	simm.s32 @!p0 $0x10;
	s3 =	simm.s32 @!p0 $0x1;
	s25 =	rddreg [dreg:$0x8]  }
0x2ba: {  	s4 =	simm.s32 @!p0 $0x40;
	s13 =	rddreg [dreg:$0xb];
	s1 =	sadd.s32 @!p0 s5, s25  }
0x2bb: {  	[hbm:s1@s4], [sflag:s7] =	dma.strided @!p0 [spmem:s13@s12], $0x4000, s3, $0x10   }
0x2bc: {  	s1 =	simm.s32 @!p0 $0x4  }
0x2bd: {  	_ =	swait.ge @!p0 [sflag:s1], $0x4000  }
0x2be: {  	s16 =	simm.s32 $0x2;
	[sflag:s1] =	ssyncset.done @!p0 $0x0  }
0x2bf: {  	s13 =	simm.s32 $0x2000;
	[sflag:s1] =	ssyncadd.s32 @!p0 $0xFFFFC000;
	s1 =	simm.s32 $0x0  }
0x2c0: {  	[tilespmem:s13], [sflag:$0x2] =	stream.linear.gather [hbm4b:s30+s1], $0x2000, $0x38;
	[tilespmem:$0x1A000] =	vst v63  }
0x2c1: {  	_ =	swait.ge [sflag:s16], $0x2000  }
0x2c2: {  	[sflag:s16] =	ssyncset.done $0x0  }
0x2c3: {  	s14 =	simm.s32 $0x6000;
	[sflag:s16] =	ssyncadd.s32 $0xFFFFE000  }
0x2c4: {  	[tilespmem:s14], [sflag:$0x1] =	stream.indirect.gather [spmem:s2], $0x1, s13, s13, $0xb8;
	[tilespmem:$0x1A000] =	vst v63  }
0x2c5: {  	s17 =	simm.s32 $0x4000  }
0x2c6: {  	[tilespmem:s17], [sflag:$0x2] =	stream.linear.gather [hbm4b:s31+s1], $0x2000, $0x38;
	[tilespmem:$0x1A000] =	vst v63  }
0x2c7: {  	_ =	swait.ge [sflag:s19], $0x2000  }
0x2c8: {  	[sflag:s19] =	ssyncset.done $0x0  }
0x2c9: {  	s18 =	sadd.s32 s26, s5;
	[sflag:s19] =	ssyncadd.s32 $0xFFFFE000  }
0x2ca: {  	[hbm4b:s18+s20] =	stream.strided.scatter [tilespmem:s14], [sflag:$0x3], $0x2000, s21, s20, $0x38;
	[tilespmem:$0x1A000] =	vst v63  }
0x2cb: {  	_ =	swait.ge [sflag:s16], $0x2000  }
0x2cc: {  	[sflag:s16] =	ssyncset.done $0x0  }
0x2cd: {  	[sflag:s16] =	ssyncadd.s32 $0xFFFFE000  }
0x2ce: {  	[tilespmem:s22], [sflag:$0x1] =	stream.indirect.gather [spmem:s2], $0x1, s17, s13, $0xb8;
	[tilespmem:$0x1A000] =	vst v63  }
0x2cf: {  	s12 =	sadd.s32 $0xC00, s10;
	s3 =	simm.s32 $0x0  }
0x2d0: {  	[tilespmem:s13], [sflag:$0x2] =	stream.linear.gather [hbm4b:s9+s1], $0x2000, $0x38;
	[tilespmem:$0x1A000] =	vst v63  }
.LBB2_51:
0x2d1: {  	_ =	swait.ge [sflag:s19], $0x2000  }
0x2d2: {  	s4 =	sadd.s32 s3, s18;
	[sflag:s19] =	ssyncset.done $0x0  }
0x2d3: {  	s23 =	sadd.s32 $0x1000, s4;
	[sflag:s19] =	ssyncadd.s32 $0xFFFFE000  }
0x2d4: {  	[hbm4b:s23+s20] =	stream.strided.scatter [tilespmem:s22], [sflag:$0x3], $0x2000, s21, s20, $0x38;
	[tilespmem:$0x1A000] =	vst v63  }
0x2d5: {  	_ =	swait.ge [sflag:s0], $0x2000  }
0x2d6: {  	[sflag:s0] =	ssyncset.done $0x0  }
0x2d7: {  	[sflag:s0] =	ssyncadd.s32 $0xFFFFE000  }
0x2d8: {  	_ =	swait.ge [sflag:s16], $0x2000  }
0x2d9: {  	[sflag:s16] =	ssyncset.done $0x0  }
0x2da: {  	[sflag:s16] =	ssyncadd.s32 $0xFFFFE000  }
0x2db: {  	[tilespmem:s14], [sflag:$0x1] =	stream.indirect.gather [spmem:s2], $0x1, s13, s13, $0xb8;
	[tilespmem:$0x1A000] =	vst v63  }
0x2dc: {  	_ = 	snop  }
0x2dd: {  	[tilespmem:s17], [sflag:$0x2] =	stream.linear.gather [hbm4b:s12+s1], $0x2000, $0x38;
	[tilespmem:$0x1A000] =	vst v63  }
0x2de: {  	_ =	swait.ge [sflag:s19], $0x2000  }
0x2df: {  	[sflag:s19] =	ssyncset.done $0x0  }
0x2e0: {  	s4 =	sadd.s32 $0x2000, s4;
	[sflag:s19] =	ssyncadd.s32 $0xFFFFE000  }
0x2e1: {  	[hbm4b:s4+s20] =	stream.strided.scatter [tilespmem:s14], [sflag:$0x3], $0x2000, s21, s20, $0x38;
	[tilespmem:$0x1A000] =	vst v63  }
0x2e2: {  	_ =	swait.ge [sflag:s0], $0x2000  }
0x2e3: {  	p0 =	seq.s32 s3, $0xC000;
	[sflag:s0] =	ssyncset.done $0x0  }
.Ltmp28:
0x2e4: {  	[sflag:s0] =	ssyncadd.s32 $0xFFFFE000;
	(pc) =	sbr.rel @p0 .LBB2_53-.Ltmp28, $4  }
0x2e5: {  	_ =	swait.ge [sflag:s16], $0x2000  }
0x2e6: {  	[sflag:s16] =	ssyncset.done $0x0  }
0x2e7: {  	[sflag:s16] =	ssyncadd.s32 $0xFFFFE000  }
0x2e8: {  	[tilespmem:s22], [sflag:$0x1] =	stream.indirect.gather [spmem:s2], $0x1, s17, s13, $0xb8;
	[tilespmem:$0x1A000] =	vst v63  }
.Ltmp29:
0x2e9: {  	(pc) =	sbr.rel .LBB2_51-.Ltmp29, $3  }
0x2ea: {  	_ =	sdelay $0x1  }
0x2eb: {  	s4 =	sadd.s32 $0x400, s12;
	s3 =	sadd.s32 $0x2000, s3;
	s12 =	sadd.s32 $0x800, s12  }
0x2ec: {  	[tilespmem:s13], [sflag:$0x2] =	stream.linear.gather [hbm4b:s4+s1], $0x2000, $0x38;
	[tilespmem:$0x1A000] =	vst v63  }
.LBB2_53:
0x2ed: {  	s17 =	simm.s32 $0x1  }
0x2ee: {  	s0 =	sadd.s32 s6, s26;
	_ =	swait.ge [sflag:s17], $0x2000  }
0x2ef: {  	s16 =	simm.s32 $0x80;
	s18 =	simm.s32 $0x200;
	[sflag:s17] =	ssyncset.done $0x0  }
0x2f0: {  	s19 =	simm.s32 $0x8000;
	s20 =	simm.s32 $0x3;
	[sflag:s17] =	ssyncadd.s32 $0xFFFFE000  }
0x2f1: {  	[hbm4b:s0+s16] =	stream.strided.scatter [tilespmem:s19], [sflag:$0x3], $0x2000, s18, s16, $0x38;
	[tilespmem:$0x1A000] =	vst v63  }
0x2f2: {  	_ =	swait.ge [sflag:s20], $0x2000  }
0x2f3: {  	[sflag:s20] =	ssyncset.done $0x0  }
0x2f4: {  	[sflag:s20] =	ssyncadd.s32 $0xFFFFE000  }
0x2f5: {  	_ =	swait.ge [sflag:s20], $0x2000  }
0x2f6: {  	[sflag:s20] =	ssyncset.done $0x0  }
0x2f7: {  	[sflag:s20] =	ssyncadd.s32 $0xFFFFE000  }
0x2f8: {  	[bflag:$0x0] =	sbarrier.arrive $0xFFFF  }
0x2f9: {  	s1 =	simm.s32 $0x10;
	s28 =	rddreg [dreg:$0x6]  }
0x2fa: {  	s3 =	simm.s32 $0x40;
	s29 =	simm.s32 $0x4;
	s0 =	sadd.s32 s28, s24  }
0x2fb: {  	[spmem:s8@s1], [sflag:s7] =	dma.strided [hbm:s0@s3], $0x2000, s17, $0x10   }
0x2fc: {  	_ =	swait.ge [sflag:s29], $0x2000  }
0x2fd: {  	[sflag:s29] =	ssyncset.done $0x0  }
0x2fe: {  	s4 =	simm.s32 @!p1 $0x10;
	s0 =	sadd.s32 @!p1 s5, s25;
	[sflag:s29] =	ssyncadd.s32 $0xFFFFE000  }
0x2ff: {  	s1 =	simm.s32 @!p1 $0x1;
	s3 =	simm.s32 @!p1 $0x40;
	[bflag:$0x0] =	sbarrier.arrive $0xFFFF  }
0x300: {  	[hbm:s0@s3], [sflag:s7] =	dma.strided @!p1 [spmem:s15@s4], $0x4000, s1, $0x10   }
0x301: {  	s0 =	simm.s32 @!p1 $0x4  }
0x302: {  	_ =	swait.ge @!p1 [sflag:s0], $0x4000  }
0x303: {  	s1 =	simm.s32 $0x2000;
	[sflag:s0] =	ssyncset.done @!p1 $0x0  }
0x304: {  	s3 =	simm.s32 $0x2;
	[sflag:s0] =	ssyncadd.s32 @!p1 $0xFFFFC000;
	s0 =	simm.s32 $0x0  }
0x305: {  	[tilespmem:s1], [sflag:$0x2] =	stream.linear.gather [hbm4b:s30+s0], $0x2000, $0x38;
	[tilespmem:$0x1A000] =	vst v63  }
0x306: {  	_ =	swait.ge [sflag:s3], $0x2000  }
0x307: {  	[sflag:s3] =	ssyncset.done $0x0  }
0x308: {  	s7 =	simm.s32 $0x6000;
	[sflag:s3] =	ssyncadd.s32 $0xFFFFE000  }
0x309: {  	[tilespmem:s7], [sflag:$0x1] =	stream.indirect.gather [spmem:s2], $0x1, s1, s1, $0xb8;
	[tilespmem:$0x1A000] =	vst v63  }
0x30a: {  	s8 =	simm.s32 $0x4000  }
0x30b: {  	[tilespmem:s8], [sflag:$0x2] =	stream.linear.gather [hbm4b:s31+s0], $0x2000, $0x38;
	[tilespmem:$0x1A000] =	vst v63  }
0x30c: {  	_ =	swait.ge [sflag:s17], $0x2000  }
0x30d: {  	s4 =	sadd.s32 $0x30, s11;
	[sflag:s17] =	ssyncset.done $0x0  }
0x30e: {  	s5 =	sadd.s32 s4, s5;
	[sflag:s17] =	ssyncadd.s32 $0xFFFFE000  }
0x30f: {  	[hbm4b:s5+s16] =	stream.strided.scatter [tilespmem:s7], [sflag:$0x3], $0x2000, s18, s16, $0x38;
	[tilespmem:$0x1A000] =	vst v63  }
0x310: {  	_ =	swait.ge [sflag:s3], $0x2000  }
0x311: {  	[sflag:s3] =	ssyncset.done $0x0  }
0x312: {  	[sflag:s3] =	ssyncadd.s32 $0xFFFFE000  }
0x313: {  	[tilespmem:s19], [sflag:$0x1] =	stream.indirect.gather [spmem:s2], $0x1, s8, s1, $0xb8;
	[tilespmem:$0x1A000] =	vst v63  }
0x314: {  	_ = 	snop  }
0x315: {  	[tilespmem:s1], [sflag:$0x2] =	stream.linear.gather [hbm4b:s9+s0], $0x2000, $0x38;
	[tilespmem:$0x1A000] =	vst v63  }
0x316: {  	s13 =	stileid.u32;
	s9 =	sadd.s32 $0xC00, s10;
	s10 =	simm.s32 $0x0  }
.LBB2_54:
0x317: {  	_ =	swait.ge [sflag:s17], $0x2000  }
0x318: {  	s11 =	sadd.s32 s10, s5;
	[sflag:s17] =	ssyncset.done $0x0  }
0x319: {  	s12 =	sadd.s32 $0x1000, s11;
	[sflag:s17] =	ssyncadd.s32 $0xFFFFE000  }
0x31a: {  	[hbm4b:s12+s16] =	stream.strided.scatter [tilespmem:s19], [sflag:$0x3], $0x2000, s18, s16, $0x38;
	[tilespmem:$0x1A000] =	vst v63  }
0x31b: {  	_ =	swait.ge [sflag:s20], $0x2000  }
0x31c: {  	[sflag:s20] =	ssyncset.done $0x0  }
0x31d: {  	[sflag:s20] =	ssyncadd.s32 $0xFFFFE000  }
0x31e: {  	_ =	swait.ge [sflag:s3], $0x2000  }
0x31f: {  	[sflag:s3] =	ssyncset.done $0x0  }
0x320: {  	[sflag:s3] =	ssyncadd.s32 $0xFFFFE000  }
0x321: {  	[tilespmem:s7], [sflag:$0x1] =	stream.indirect.gather [spmem:s2], $0x1, s1, s1, $0xb8;
	[tilespmem:$0x1A000] =	vst v63  }
0x322: {  	_ = 	snop  }
0x323: {  	[tilespmem:s8], [sflag:$0x2] =	stream.linear.gather [hbm4b:s9+s0], $0x2000, $0x38;
	[tilespmem:$0x1A000] =	vst v63  }
0x324: {  	_ =	swait.ge [sflag:s17], $0x2000  }
0x325: {  	[sflag:s17] =	ssyncset.done $0x0  }
0x326: {  	s11 =	sadd.s32 $0x2000, s11;
	[sflag:s17] =	ssyncadd.s32 $0xFFFFE000  }
0x327: {  	[hbm4b:s11+s16] =	stream.strided.scatter [tilespmem:s7], [sflag:$0x3], $0x2000, s18, s16, $0x38;
	[tilespmem:$0x1A000] =	vst v63  }
0x328: {  	_ =	swait.ge [sflag:s20], $0x2000  }
0x329: {  	p0 =	seq.s32 s10, $0xC000;
	[sflag:s20] =	ssyncset.done $0x0  }
.Ltmp30:
0x32a: {  	[sflag:s20] =	ssyncadd.s32 $0xFFFFE000;
	(pc) =	sbr.rel @p0 .LBB2_56-.Ltmp30, $4  }
0x32b: {  	_ =	swait.ge [sflag:s3], $0x2000  }
0x32c: {  	[sflag:s3] =	ssyncset.done $0x0  }
0x32d: {  	[sflag:s3] =	ssyncadd.s32 $0xFFFFE000  }
0x32e: {  	[tilespmem:s19], [sflag:$0x1] =	stream.indirect.gather [spmem:s2], $0x1, s8, s1, $0xb8;
	[tilespmem:$0x1A000] =	vst v63  }
.Ltmp31:
0x32f: {  	(pc) =	sbr.rel .LBB2_54-.Ltmp31, $3  }
0x330: {  	_ =	sdelay $0x1  }
0x331: {  	s11 =	sadd.s32 $0x400, s9;
	s10 =	sadd.s32 $0x2000, s10;
	s9 =	sadd.s32 $0x800, s9  }
0x332: {  	[tilespmem:s1], [sflag:$0x2] =	stream.linear.gather [hbm4b:s11+s0], $0x2000, $0x38;
	[tilespmem:$0x1A000] =	vst v63  }
.LBB2_56:
0x333: {  	s0 =	simm.s32 $0x1  }
0x334: {  	s30 =	sadd.s32 s6, s4;
	_ =	swait.ge [sflag:s0], $0x2000  }
0x335: {  	s1 =	simm.s32 $0x80;
	s2 =	simm.s32 $0x200;
	[sflag:s0] =	ssyncset.done $0x0  }
0x336: {  	s3 =	simm.s32 $0x8000;
	s31 =	simm.s32 $0x3;
	[sflag:s0] =	ssyncadd.s32 $0xFFFFE000  }
0x337: {  	[hbm4b:s30+s1] =	stream.strided.scatter [tilespmem:s3], [sflag:$0x3], $0x2000, s2, s1, $0x38;
	[tilespmem:$0x1A000] =	vst v63  }
0x338: {  	_ =	swait.ge [sflag:s31], $0x2000  }
0x339: {  	[sflag:s31] =	ssyncset.done $0x0  }
0x33a: {  	[sflag:s31] =	ssyncadd.s32 $0xFFFFE000  }
0x33b: {  	_ =	swait.ge [sflag:s31], $0x2000  }
0x33c: {  	[sflag:s31] =	ssyncset.done $0x0  }
0x33d: {  	[sflag:s31] =	ssyncadd.s32 $0xFFFFE000  }
0x33e: {  	[bflag:$0x0] =	sbarrier.arrive $0xFFFF  }
0x33f: {  	_ =	sfence.sel $0x180000  }
0x340: {  	[bflag:$0x0] =	sbarrier.arrive $0xFFFF  }
0x341: {  	_ =	strace $0x9000004A  }
0x342: {  	[bflag:$0x2] =	sbarrier.arrive $0xFFFF  }
0x343: {  	p0 =	sne.s32 s13, $0x0;
	s0 =	rddreg [dreg:$0x5]  }
0x344: {  	s0 =	sadd.s32 @!p0 $0x100000, s0  }
0x345: {  	[sflag:s0] =	ssyncadd.tile.s32 @!p0 $0x1;
	_ =	shalt  }
.Lfunc_end2:
_tile_overlayer_lowered:
.L_overlay_start_2:
0x346: {  	(tag) =	ssettag $0x2  }
0x347: {  	s0 =	rddreg [dreg:$0x0];
	s2 =	stileid.u32  }
0x348: {  	s1 =	rddreg [dreg:$0x1];
	p0 =	sne.s32 s2, $0x0  }
0x349: {  	s3 =	rddreg [dreg:$0x2];
	[bflag:$0x3] =	sbarrier.arrive $0xFFFF;
	s2 =	simm.s32 @!p0 $0x1C04  }
0x34a: {  	[timem:s3], [sflag:s2] =	dma.local @!p0 [hbm:s0], s1  }
0x34b: {  	s0 =	simm.s32 @!p0 $0x4  }
0x34c: {  	_ =	swait.ge @!p0 [sflag:s0], s1  }
0x34d: {  	s1 =	ssub.s32 @!p0 $0x0, s1;
	[sflag:s0] =	ssyncset.done @!p0 $0x0  }
0x34e: {  	[sflag:s0] =	ssyncadd.s32 @!p0 s1  }
0x34f: {  	[bflag:$0x3] =	sbarrier.arrive $0xFFFF  }
0x350: {  	_ =	shalt  }

// kernel: sparse-core-data-format-call.1.cloned.1.call-start
scs
called_computation.1_lowered:
.L_overlay_start_0:
0x0: {  	s2 =	sld [smem:$0x3FD9]  }
0x1: {  	s3 =	sld [smem:$0x3FFE];
	_ =	sdelay $0x1  }
0x2: {  	s1 =	srdreg.scid  }
0x3: {  	s0 =	sand.u32 $0x1, s1  }
0x4: {  	s16 =	sshll.u32 s0, $0xA;
	s2 =	sadd.s32 s3, s2  }
0x5: {  	s2 =	sadd.s32 s2, s16  }
0x6: {  	[smem:$0x3FC6] =	sst s2  }
0x7: {  	_ = 	snop  }
0x8: {  	s2 =	sld [smem:$0x3FD0];
	_ =	sdelay $0x2  }
0x9: {  	s4 =	simm.s32 $0xA;
	s5 =	simm.s32 $0x10;
	s17 =	sld [smem:$0x3FC9]  }
0xa: {  	[smem:s5], [sflag:s4] =	dma.local [hbm:s2], $0x1  }
0xb: {  	_ =	swait.eq [sflag:s4], $0x1  }
0xc: {  	[sflag:s4] =	ssyncset.done $0x0  }
0xd: {  	[sflag:s4] =	ssyncadd.s32 $0xFFFFFFFF  }
0xe: {  	s18 =	sld [smem:$0x11];
	(tm) =	ssettm $0x1  }
0xf: {  	s19 =	sld [smem:$0x3FFB];
	_ =	sdelay $0x3  }
0x10: {  	_ =	strace s19  }
0x11: {  	s4 =	sld [smem:$0x3FFC];
	_ =	sdelay $0x3  }
0x12: {  	_ =	strace s4  }
0x13: {  	s4 =	sld [smem:$0x3FFD];
	_ =	sdelay $0x3  }
0x14: {  	_ =	strace s4  }
0x15: {  	_ =	strace $0x8FFFFFFF  }
0x16: {  	s20 =	sld [smem:$0x3FDB];
	_ =	sdelay $0x1  }
0x17: {  	s21 =	simm.s32 $_scs_section_size  }
0x18: {  	s6 =	simm.s32 $_size__tile_overlayer_lowered;
	s7 =	simm.s32 $_tile_overlayer_lowered  }
0x19: {  	s24 =	simm.s32 $0x1BFF;
	s23 =	sshll.u32 s7, $0x1;
	s4 =	sadd.s32 s21, s20  }
0x1a: {  	s8 =	simm.s32 $0x0;
	s22 =	sshll.u32 s6, $0x1;
	s6 =	sadd.s32 s23, s4  }
0x1b: {  	[timem:s8], [sflag:s24] =	dma.local [hbm:s6], s22  }
0x1c: {  	_ =	swait.ge [sflag:s24], s22  }
0x1d: {  	s5 =	ssub.s32 $0x0, s22;
	[sflag:s24] =	ssyncset.done $0x0  }
0x1e: {  	[sflag:s24] =	ssyncadd.s32 s5;
	_ =	sdelay $0x1  }
0x1f: {  	s25 =	simm.s32 $0x1B8B  }
0x20: {  	_ =	swait.ge [sflag:s25], $0x1  }
0x21: {  	[sflag:s25] =	ssyncset.done $0x0  }
0x22: {  	s26 =	simm.s32 $0x1B8E;
	[sflag:s25] =	ssyncadd.s32 $0xFFFFFFFF  }
0x23: {  	s27 =	simm.s32 $execute0_lowered;
	[smem:$0x3FD2] =	sst s26  }
0x24: {  	s5 =	sshll.u32 s27, $0x1;
	_ =	strace $0x80000046;
	[dreg:$0x1] =	wrdreg $0xFFFFFFFF  }
0x25: {  	s28 =	simm.s32 $_size_execute0_lowered;
	s4 =	sadd.s32 s4, s5;
	[dreg:$0x0] =	wrdreg $0x0  }
0x26: {  	s5 =	sshll.u32 s28, $0x1;
	[dreg:$0x2] =	wrdreg s4  }
0x27: {  	[dreg:$0x3] =	wrdreg s5  }
0x28: {  	[dreg:$0x4] =	wrdreg $0xC0  }
0x29: {  	_ =	task [dreg:s8], $0x5FFFF  }
0x2a: {  	[dreg:$0x1] =	wrdreg $0xFFFFFFFF  }
0x2b: {  	[dreg:$0x0] =	wrdreg $0x60  }
0x2c: {  	[dreg:$0x2] =	wrdreg s17  }
0x2d: {  	[dreg:$0x3] =	wrdreg s18  }
0x2e: {  	[dreg:$0x4] =	wrdreg $0x9  }
0x2f: {  	_ =	task.clear_ibuf [dreg:s8], $0x5FFFF;
	_ =	strace $0x90000046  }
0x30: {  	s29 =	simm.s32 $0x9;
	_ =	strace $0x80000048  }
0x31: {  	_ =	swait.ge [sflag:s29], $0x1  }
0x32: {  	[sflag:s29] =	ssyncadd.s32 $0xFFFFFFFF  }
0x33: {  	_ =	strace $0x90000048  }
0x34: {  	_ =	sfence  }
0x35: {  	s30 =	sld [smem:$0x0];
	_ =	sdelay $0x2  }
0x36: {  	s31 =	sshll.u32 s1, $0xD;
	s1 =	sshrl.u32 s1, $0x2  }
0x37: {  	s3 =	sand.u32 $0x4000, s31;
	s1 =	sadd.s32 s1, s30  }
0x38: {  	s0 =	sor.u32 s3, s0;
	s1 =	sshll.u32 s1, $0x11  }
0x39: {  	s0 =	sor.u32 s1, s0  }
0x3a: {  	s0 =	sadd.s32 $0x8F2B, s0  }
0x3b: {  	[sflag:s0] =	ssyncadd.remote.s32 $0x1  }
0x3c: {  	_ =	sfence.sel $0xFFFF  }
0x3d: {  	[dreg:$0x0] =	wrdreg $0xFFFFFFFF;
	(pc) =	sbr.abs _section_cstart, $3  }
0x3e: {  	[dreg:$0x1] =	wrdreg $0xFFFFFFFF  }
0x3f: {  	_ =	task.clear_ibuf [dreg:s8], $0x2FFFF;
	_ =	strace $0x9FFFFFFF  }
0x40: {  	(tm) =	ssettm $0x7FFFFFFF  }
0x41: {  	_ =	shalt  }
tec
execute0_lowered:
.L_overlay_start_1:
0x0: {  	(tag) =	ssettag $0x1  }
0x1: {  	s0 =	stileid.u32;
	s3 =	rddreg [dreg:$0x0]  }
0x2: {  	s1 =	srdreg.scid;
	s4 =	rddreg [dreg:$0x1]  }
0x3: {  	s7 =	simm.s32 $0x1;
	s2 =	sshll.u32 s0, $0x5;
	s1 =	sshll.u32 s1, $0x9  }
0x4: {  	s31 =	simm.s32 $0x2;
	s15 =	simm.s32 $0x0;
	s1 =	sor.u32 s2, s1  }
0x5: {  	s9 =	simm.s32 $0x1000;
	s10 =	simm.s32 $0x0;
	s2 =	sand.u32 $0x380, s1  }
0x6: {  	s16 =	simm.s32 $0x0;
	s17 =	simm.s32 $0x0;
	s5 =	ssub.s32 $0x800, s2  }
0x7: {  	s11 =	simm.s32 $0x0;
	s14 =	simm.s32 $0x0;
	s6 =	sand.u32 $0x380, s5  }
.Ltmp0:
0x8: {  	s1 =	rddreg [dreg:$0x2];
	p0 =	sne.s32 s6, $0x0;
	(pc) =	sbr.rel .LBB1_1-.Ltmp0, $4  }
0x9: {  	_ =	strace $0x80000047;
	s8 =	sshrl.u32 s5, $0xA;
	s7 =	simm.s32 @!p0 $0x0  }
0xa: {  	s12 =	smov.u32 s2;
	s6 =	simm.s32 $0x1;
	s7 =	sadd.s32 s7, s8  }
0xb: {  	s5 =	sand.u32 $0x3, s0;
	[sflag:s6] =	ssyncpa.u1 $0x0;
	s7 =	sshll.u32 s7, $0x3  }
0xc: {  	s13 =	smov.u32 s5;
	[sflag:s31] =	ssyncpa.u1 $0x0;
	s8 =	sor.u32 $0x1, s7  }
.LBB1_4:
0xd: {  	_ =	sdelay $0x3  }
0xe: {  	[tilespmem:v0+s20+$0xFFFFFFA0 ss:$0x1] =	vst.idx.msk $0xffff, v6  }
0xf: {  	v56 =	vld.idx.msk [tilespmem:v1+s19+$0x30 ss:$0x1], $0xffff;
	[tilespmem:v0+s20+$0xFFFFFFB0 ss:$0x1] =	vst.idx.msk $0xffff, v4  }
0x10: {  	v57 =	vld.idx.msk [tilespmem:v1+s19+$0xFFFFFFC0 ss:$0x1], $0xffff;
	[tilespmem:v0+s20+$0xFFFFFFC0 ss:$0x1] =	vst.idx.msk $0xffff, v2  }
0x11: {  	v58 =	vld.idx.msk [tilespmem:v1+s19+$0xFFFFFFD0 ss:$0x1], $0xffff;
	[tilespmem:v0+s20+$0xFFFFFFD0 ss:$0x1] =	vst.idx.msk $0xffff, v3  }
0x12: {  	v59 =	vld.idx.msk [tilespmem:v1+s19+$0xFFFFFFE0 ss:$0x1], $0xffff;
	[tilespmem:v0+s20+$0xFFFFFFE0 ss:$0x1] =	vst.idx.msk $0xffff, v5  }
0x13: {  	v60 =	vld.idx.msk [tilespmem:v1+s19+$0xFFFFFFF0 ss:$0x1], $0xffff;
	[tilespmem:v0+s20+$0xFFFFFFF0 ss:$0x1] =	vst.idx.msk $0xffff, v7  }
0x14: {  	v61 =	vld.idx.msk [tilespmem:v1+s19+$0x0 ss:$0x1], $0xffff;
	[tilespmem:v0+s19+$0x0 ss:$0x1] =	vst.idx.msk $0xffff, v56  }
0x15: {  	v62 =	vld.idx.msk [tilespmem:v1+s19+$0x10 ss:$0x1], $0xffff;
	[tilespmem:v0+s19+$0xFFFFFF90 ss:$0x1] =	vst.idx.msk $0xffff, v57  }
0x16: {  	s17 =	sshll.u32 s17, $0x7;
	v63 =	vld.idx.msk [tilespmem:v1+s19+$0x20 ss:$0x1], $0xffff;
	s28 =	sand.u32 $0x78, s15;
	s21 =	sshll.u32 s15, $0x2;
	[tilespmem:v0+s19+$0xFFFFFFA0 ss:$0x1] =	vst.idx.msk $0xffff, v58  }
0x17: {  	s16 =	sshll.u32 s16, $0x9;
	s30 =	sshrl.u32 s15, $0x1;
	s17 =	sand.u32 $0x180, s17;
	[tilespmem:v0+s19+$0xFFFFFFB0 ss:$0x1] =	vst.idx.msk $0xffff, v59  }
0x18: {  	s31 =	sand.u32 $0x7, s15;
	s29 =	sand.u32 $0x200, s21;
	s17 =	sor.u32 s17, s28;
	[tilespmem:v0+s19+$0xFFFFFFC0 ss:$0x1] =	vst.idx.msk $0xffff, v60  }
0x19: {  	s20 =	sand.u32 $0x180, s30;
	s16 =	sadd.s32 s4, s16;
	s17 =	sor.u32 s29, s17;
	[tilespmem:v0+s19+$0xFFFFFFD0 ss:$0x1] =	vst.idx.msk $0xffff, v61  }
0x1a: {  	s15 =	sshll.u32 s31, $0x12;
	s16 =	sadd.s32 s20, s16;
	s17 =	sshrl.u32 s17, $0x3;
	[tilespmem:v0+s19+$0xFFFFFFE0 ss:$0x1] =	vst.idx.msk $0xffff, v62  }
0x1b: {  	s15 =	sor.u32 $0x80, s15;
	[tilespmem:v0+s19+$0xFFFFFFF0 ss:$0x1] =	vst.idx.msk $0xffff, v63;
	s16 =	sadd.s32 s17, s16  }
0x1c: {  	[hbm4b:s16+s15] =	stream.strided.scatter [tilespmem:s18], [sflag:$0x2], $0x4000, s9, s15, $0x38;
	[tilespmem:$0x10000] =	vst v63  }
.LBB1_5:
0x1d: {  	s18 =	sadd.s32 $0x80, s11  }
0x1e: {  	s15 =	sadd.s32 $0x400, s12;
	s19 =	smov.u32 s12;
	p1 =	sgt.s32 s18, $0x3FF  }
0x1f: {  	s19 =	smov.u32 @p1 s15  }
0x20: {  	s21 =	smov.u32 s13;
	s15 =	sadd.s32 $0x4, s13;
	p2 =	sgt.s32 s19, $0x7FF  }
0x21: {  	s21 =	smov.u32 @p2 s15  }
0x22: {  	s18 =	simm.s32 @p1 $0x0;
	p1 =	sgt.s32 s21, $0x3  }
0x23: {  	p0 =	slt.u32 s14, $0x2;
	s21 =	smov.u32 @p1 s5;
	p1 =	sne.s32 s14, s8  }
.Ltmp1:
0x24: {  	s20 =	simm.s32 @!p0 $0x2;
	(pc) =	sbr.rel @!p1 .LBB1_6-.Ltmp1, $4  }
0x25: {  	s16 =	smov.u32 s12;
	s17 =	smov.u32 s13;
	_ =	swait.ge @!p0 [sflag:s20], $0x4000  }
0x26: {  	s10 =	sadd.s32 $0x4000, s10;
	[sflag:s20] =	ssyncset.done @!p0 $0x0;
	s19 =	smov.u32 @p2 s2  }
0x27: {  	s15 =	smov.u32 s11;
	[sflag:s20] =	ssyncadd.s32 @!p0 $0xFFFFC000;
	s11 =	smov.u32 s18  }
0x28: {  	s12 =	smov.u32 s19;
	s14 =	sadd.s32 $0x1, s14;
	s13 =	smov.u32 s21  }
.LBB1_1:
0x29: {  	p0 =	sge.u32 s14, s7  }
0x2a: {  	s31 =	sadd.s32 $0xFFFFFFFF, s14;
	s18 =	sshll.u32 @!p0 s12, $0x7  }
0x2b: {  	s19 =	sxor.u32 @!p0 $0xFFFFFFFF, s14;
	s20 =	sand.u32 @!p0 $0x78, s11;
	s21 =	sand.u32 @!p0 $0x380, s18  }
0x2c: {  	s19 =	sshll.u32 @!p0 s19, $0xE;
	s20 =	sor.u32 @!p0 s20, s21;
	s21 =	sshll.u32 @!p0 s13, $0x12  }
0x2d: {  	s18 =	sand.u32 @!p0 $0x3FC00, s18;
	s20 =	sshrl.u32 @!p0 s20, $0x3;
	s21 =	sadd.s32 @!p0 s3, s21  }
0x2e: {  	s18 =	sadd.s32 @!p0 s11, s18;
	s20 =	sadd.s32 @!p0 s20, s21;
	s21 =	sand.u32 @!p0 $0x7, s11  }
0x2f: {  	s19 =	sand.u32 @!p0 $0x4000, s19;
	s18 =	sand.u32 @!p0 $0x3FF80, s18;
	s21 =	sshll.u32 @!p0 s21, $0x12  }
0x30: {  	s18 =	sadd.s32 @!p0 s18, s20;
	s20 =	sor.u32 @!p0 $0x400, s21;
	s21 =	simm.s32 @!p0 $0x2000  }
0x31: {  	[tilespmem:s19], [sflag:$0x1] =	stream.strided.gather @!p0 [hbm4b:s18+s20], $0x4000, s21, s20, $0x38;
	[tilespmem:$0x10000] =	vst v63  }
0x32: {  	p0 =	sge.u32 s31, s7  }
.Ltmp2:
0x33: {  	_ = 	snop;
	(pc) =	sbr.rel @p0 .LBB1_5-.Ltmp2, $1  }
0x34: {  	_ =	sdelay $0x3  }
0x35: {  	s18 =	sand.u32 $0x4000, s10  }
0x36: {  	s19 =	sor.u32 $0x40, s18  }
0x37: {  	v1 =	vmov s19;
	_ =	sdelay $0x1  }
0x38: {  	_ =	swait.ge [sflag:s6], $0x4000  }
0x39: {  	[sflag:s6] =	ssyncset.done $0x0  }
0x3a: {  	s20 =	simm.s32 $0x0;
	[sflag:s6] =	ssyncadd.s32 $0xFFFFC000  }
0x3b: {  	s18 =	sor.u32 $0x8070, s18;
	v7 =	vld.idx.msk [tilespmem:v1+s20+$0x30 ss:$0x1], $0xffff  }
0x3c: {  	v0 =	vmov s18;
	v8 =	vld.idx.msk [tilespmem:v1+s20+$0xFFFFFFC0 ss:$0x1], $0xffff  }
0x3d: {  	v6 =	vld.idx.msk [tilespmem:v1+s20+$0xFFFFFFD0 ss:$0x1], $0xffff  }
0x3e: {  	v4 =	vld.idx.msk [tilespmem:v1+s20+$0xFFFFFFE0 ss:$0x1], $0xffff  }
0x3f: {  	v2 =	vld.idx.msk [tilespmem:v1+s20+$0xFFFFFFF0 ss:$0x1], $0xffff  }
0x40: {  	s31 =	sshll.u32 s14, $0xE;
	v3 =	vld.idx.msk [tilespmem:v1+s20+$0x0 ss:$0x1], $0xffff  }
0x41: {  	s18 =	sand.u32 $0x4000, s31;
	v5 =	vld.idx.msk [tilespmem:v1+s20+$0x10 ss:$0x1], $0xffff;
	[tilespmem:v0+s20+$0x0 ss:$0x1] =	vst.idx.msk $0xffff, v7  }
0x42: {  	s21 =	simm.s32 $0x400;
	s19 =	simm.s32 $0x80;
	s18 =	sor.u32 $0x8000, s18;
	[tilespmem:v0+s20+$0xFFFFFF90 ss:$0x1] =	vst.idx.msk $0xffff, v8;
	v7 =	vld.idx.msk [tilespmem:v1+s20+$0x20 ss:$0x1], $0xffff  }
.LBB1_3:
0x43: {  	p0 =	sne.s32 s21, $0xFE00;
	v8 =	vld.idx.msk [tilespmem:v1+s19+$0x30 ss:$0x1], $0xffff;
	[tilespmem:v0+s20+$0xFFFFFFA0 ss:$0x1] =	vst.idx.msk $0xffff, v6  }
0x44: {  	v9 =	vld.idx.msk [tilespmem:v1+s19+$0xFFFFFFC0 ss:$0x1], $0xffff;
	[tilespmem:v0+s20+$0xFFFFFFB0 ss:$0x1] =	vst.idx.msk $0xffff, v4  }
0x45: {  	v6 =	vld.idx.msk [tilespmem:v1+s19+$0xFFFFFFD0 ss:$0x1], $0xffff;
	[tilespmem:v0+s20+$0xFFFFFFC0 ss:$0x1] =	vst.idx.msk $0xffff, v2  }
.Ltmp3:
0x46: {  	v4 =	vld.idx.msk [tilespmem:v1+s19+$0xFFFFFFE0 ss:$0x1], $0xffff;
	[tilespmem:v0+s20+$0xFFFFFFD0 ss:$0x1] =	vst.idx.msk $0xffff, v3;
	(pc) =	sbr.rel @p0 .LBB1_3-.Ltmp3, $4  }
0x47: {  	v2 =	vld.idx.msk [tilespmem:v1+s19+$0xFFFFFFF0 ss:$0x1], $0xffff;
	[tilespmem:v0+s20+$0xFFFFFFE0 ss:$0x1] =	vst.idx.msk $0xffff, v5  }
0x48: {  	v3 =	vld.idx.msk [tilespmem:v1+s19+$0x0 ss:$0x1], $0xffff;
	[tilespmem:v0+s20+$0xFFFFFFF0 ss:$0x1] =	vst.idx.msk $0xffff, v7;
	s20 =	smov.u32 s19  }
0x49: {  	v5 =	vld.idx.msk [tilespmem:v1+s20+$0x10 ss:$0x1], $0xffff;
	[tilespmem:v0+s20+$0x0 ss:$0x1] =	vst.idx.msk $0xffff, v8  }
0x4a: {  	s19 =	sshra.s32 s21, $0x2;
	s21 =	sadd.s32 $0x200, s21;
	[tilespmem:v0+s20+$0xFFFFFF90 ss:$0x1] =	vst.idx.msk $0xffff, v9;
	v7 =	vld.idx.msk [tilespmem:v1+s20+$0x20 ss:$0x1], $0xffff  }
.Ltmp4:
0x4b: {  	_ = 	snop;
	(pc) =	sbr.rel .LBB1_4-.Ltmp4, $1  }
0x4c: {  	_ =	sdelay $0x3  }
.LBB1_6:
0x4d: {  	_ =	sfence.sel $0x180000  }
0x4e: {  	s2 =	simm.s32 $0x1;
	[bflag:$0x0] =	sbarrier.arrive $0xFFFF  }
0x4f: {  	s31 =	simm.s32 $0x2;
	[sflag:s2] =	ssyncpa.u1 $0x1  }
0x50: {  	[sflag:s31] =	ssyncpa.u1 $0x1  }
0x51: {  	p0 =	sne.s32 s0, $0x0;
	_ =	strace $0x90000047  }
0x52: {  	s0 =	sadd.s32 @!p0 $0x100000, s1;
	[bflag:$0x2] =	sbarrier.arrive $0xFFFF  }
0x53: {  	[sflag:s0] =	ssyncadd.tile.s32 @!p0 $0x1;
	_ =	shalt  }
.Lfunc_end1:
_tile_overlayer_lowered:
.L_overlay_start_2:
0x54: {  	(tag) =	ssettag $0x2  }
0x55: {  	s0 =	rddreg [dreg:$0x0];
	s2 =	stileid.u32  }
0x56: {  	s1 =	rddreg [dreg:$0x1];
	p0 =	sne.s32 s2, $0x0  }
0x57: {  	s3 =	rddreg [dreg:$0x2];
	[bflag:$0x3] =	sbarrier.arrive $0xFFFF;
	s2 =	simm.s32 @!p0 $0x1C01  }
0x58: {  	[timem:s3], [sflag:s2] =	dma.local @!p0 [hbm:s0], s1  }
0x59: {  	s0 =	simm.s32 @!p0 $0x1  }
0x5a: {  	_ =	swait.ge @!p0 [sflag:s0], s1  }
0x5b: {  	s1 =	ssub.s32 @!p0 $0x0, s1;
	[sflag:s0] =	ssyncset.done @!p0 $0x0  }
0x5c: {  	[sflag:s0] =	ssyncadd.s32 @!p0 s1  }
0x5d: {  	[bflag:$0x3] =	sbarrier.arrive $0xFFFF  }
0x5e: {  	_ =	shalt  }

// kernel: sparse-core-data-format-call.cloned.1.call-start
scs
called_computation_lowered:
.L_overlay_start_0:
0x0: {  	s2 =	sld [smem:$0x3FD9]  }
0x1: {  	s3 =	sld [smem:$0x3FFE];
	_ =	sdelay $0x1  }
0x2: {  	s1 =	srdreg.scid  }
0x3: {  	s0 =	sand.u32 $0x1, s1  }
0x4: {  	s15 =	sshll.u32 s0, $0xA;
	s2 =	sadd.s32 s3, s2  }
0x5: {  	s2 =	sadd.s32 s2, s15  }
0x6: {  	[smem:$0x3FC6] =	sst s2  }
0x7: {  	_ = 	snop  }
0x8: {  	s2 =	sld [smem:$0x3FD0];
	_ =	sdelay $0x2  }
0x9: {  	s16 =	simm.s32 $0xA;
	s4 =	simm.s32 $0x10  }
0xa: {  	[smem:s4], [sflag:s16] =	dma.local [hbm:s2], $0x1  }
0xb: {  	_ =	swait.eq [sflag:s16], $0x1  }
0xc: {  	[sflag:s16] =	ssyncset.done $0x0  }
0xd: {  	[sflag:s16] =	ssyncadd.s32 $0xFFFFFFFF  }
0xe: {  	s17 =	sld [smem:$0x11];
	(tm) =	ssettm $0x1  }
0xf: {  	s18 =	sld [smem:$0x3FFB];
	_ =	sdelay $0x3  }
0x10: {  	_ =	strace s18  }
0x11: {  	s3 =	sld [smem:$0x3FFC];
	_ =	sdelay $0x3  }
0x12: {  	_ =	strace s3  }
0x13: {  	s3 =	sld [smem:$0x3FFD];
	_ =	sdelay $0x3  }
0x14: {  	_ =	strace s3  }
0x15: {  	_ =	strace $0x8FFFFFFF  }
0x16: {  	s19 =	sld [smem:$0x3FDB];
	_ =	sdelay $0x1  }
0x17: {  	s20 =	simm.s32 $_scs_section_size  }
0x18: {  	s5 =	simm.s32 $_size__tile_overlayer_lowered;
	s6 =	simm.s32 $_tile_overlayer_lowered  }
0x19: {  	s23 =	simm.s32 $0x1BFF;
	s22 =	sshll.u32 s6, $0x1;
	s3 =	sadd.s32 s20, s19  }
0x1a: {  	s7 =	simm.s32 $0x0;
	s21 =	sshll.u32 s5, $0x1;
	s5 =	sadd.s32 s22, s3  }
0x1b: {  	[timem:s7], [sflag:s23] =	dma.local [hbm:s5], s21  }
0x1c: {  	_ =	swait.ge [sflag:s23], s21  }
0x1d: {  	s4 =	ssub.s32 $0x0, s21;
	[sflag:s23] =	ssyncset.done $0x0  }
0x1e: {  	[sflag:s23] =	ssyncadd.s32 s4;
	_ =	sdelay $0x1  }
0x1f: {  	s24 =	simm.s32 $0x1B8B  }
0x20: {  	_ =	swait.ge [sflag:s24], $0x1  }
0x21: {  	[sflag:s24] =	ssyncset.done $0x0  }
0x22: {  	s26 =	simm.s32 $0x1B8E;
	s25 =	sld [smem:$0x3FFE];
	[sflag:s24] =	ssyncadd.s32 $0xFFFFFFFF  }
0x23: {  	s27 =	simm.s32 $execute0_lowered;
	[smem:$0x3FD2] =	sst s26  }
0x24: {  	s5 =	sshll.u32 s27, $0x1;
	_ =	strace $0x8000004C;
	[dreg:$0x1] =	wrdreg $0xFFFFFFFF  }
0x25: {  	s28 =	simm.s32 $_size_execute0_lowered;
	s3 =	sadd.s32 s3, s5;
	[dreg:$0x0] =	wrdreg $0x0  }
0x26: {  	s5 =	sshll.u32 s28, $0x1;
	[dreg:$0x2] =	wrdreg s3  }
0x27: {  	[dreg:$0x3] =	wrdreg s5  }
0x28: {  	[dreg:$0x4] =	wrdreg $0xC0  }
0x29: {  	_ =	task [dreg:s7], $0x5FFFF  }
0x2a: {  	[dreg:$0x1] =	wrdreg $0xFFFFFFFF  }
0x2b: {  	[dreg:$0x0] =	wrdreg $0x60  }
0x2c: {  	[dreg:$0x2] =	wrdreg s25  }
0x2d: {  	[dreg:$0x3] =	wrdreg s17  }
0x2e: {  	[dreg:$0x4] =	wrdreg $0x9  }
0x2f: {  	_ =	task.clear_ibuf [dreg:s7], $0x5FFFF;
	_ =	strace $0x9000004C  }
0x30: {  	s29 =	simm.s32 $0x9;
	_ =	strace $0x8000004E  }
0x31: {  	_ =	swait.ge [sflag:s29], $0x1  }
0x32: {  	[sflag:s29] =	ssyncadd.s32 $0xFFFFFFFF  }
0x33: {  	_ =	strace $0x9000004E  }
0x34: {  	_ =	sfence  }
0x35: {  	s30 =	sld [smem:$0x0];
	_ =	sdelay $0x2  }
0x36: {  	s31 =	sshll.u32 s1, $0xD;
	s1 =	sshrl.u32 s1, $0x2  }
0x37: {  	s3 =	sand.u32 $0x4000, s31;
	s1 =	sadd.s32 s1, s30  }
0x38: {  	s0 =	sor.u32 s3, s0;
	s1 =	sshll.u32 s1, $0x11  }
0x39: {  	s0 =	sor.u32 s1, s0  }
0x3a: {  	s0 =	sadd.s32 $0x8F2B, s0  }
0x3b: {  	[sflag:s0] =	ssyncadd.remote.s32 $0x1  }
0x3c: {  	_ =	sfence.sel $0xFFFF  }
0x3d: {  	[dreg:$0x0] =	wrdreg $0xFFFFFFFF;
	(pc) =	sbr.abs _section_cstart, $3  }
0x3e: {  	[dreg:$0x1] =	wrdreg $0xFFFFFFFF  }
0x3f: {  	_ =	task.clear_ibuf [dreg:s7], $0x2FFFF;
	_ =	strace $0x9FFFFFFF  }
0x40: {  	(tm) =	ssettm $0x7FFFFFFF  }
0x41: {  	_ =	shalt  }
tec
execute0_lowered:
.L_overlay_start_1:
0x0: {  	(tag) =	ssettag $0x1  }
0x1: {  	s5 =	rddreg [dreg:$0x0]  }
0x2: {  	s0 =	srdreg.scid;
	s3 =	rddreg [dreg:$0x1];
	s7 =	simm.s32 $0x1  }
0x3: {  	s8 =	simm.s32 $0x2;
	s14 =	simm.s32 $0x0;
	s1 =	sshll.u32 s0, $0x4  }
0x4: {  	s9 =	simm.s32 $0x0;
	s0 =	stileid.u32;
	s1 =	sand.u32 $0x10, s1  }
0x5: {  	s15 =	simm.s32 $0x0;
	s16 =	simm.s32 $0x0;
	s1 =	sor.u32 s0, s1  }
0x6: {  	s10 =	simm.s32 $0x0;
	s11 =	simm.s32 $0x0;
	s2 =	sshll.u32 s1, $0x3  }
0x7: {  	s13 =	simm.s32 $0x0;
	s5 =	sadd.s32 $0x201800, s5;
	s6 =	ssub.s32 $0x800, s2  }
.Ltmp0:
0x8: {  	s1 =	rddreg [dreg:$0x2];
	s4 =	sand.u32 $0xF8, s6;
	(pc) =	sbr.rel .LBB1_1-.Ltmp0, $4  }
0x9: {  	_ =	strace $0x8000004D;
	p0 =	sne.s32 s4, $0x0;
	s4 =	simm.s32 $0x1  }
0xa: {  	s6 =	sshrl.u32 s6, $0x8;
	s7 =	simm.s32 @!p0 $0x0;
	[sflag:s4] =	ssyncpa.u1 $0x0  }
0xb: {  	s12 =	smov.u32 s2;
	s7 =	sadd.s32 s7, s6;
	[sflag:s8] =	ssyncpa.u1 $0x0  }
0xc: {  	s8 =	simm.s32 $0x200000;
	s6 =	sshll.u32 s7, $0x1;
	s7 =	sshllo.u32 s7, $0x1  }
.LBB1_7:
0xd: {  	s17 =	sadd.s32 $0x200, s10  }
0xe: {  	s14 =	sadd.s32 $0x4, s11;
	s18 =	smov.u32 s11;
	p1 =	sgt.s32 s17, $0x3FF  }
0xf: {  	s18 =	smov.u32 @p1 s14  }
0x10: {  	s20 =	smov.u32 s12;
	s14 =	sadd.s32 $0x100, s12;
	p2 =	sgt.s32 s18, $0x3  }
0x11: {  	s20 =	smov.u32 @p2 s14  }
0x12: {  	s17 =	simm.s32 @p1 $0x0;
	p1 =	sgt.s32 s20, $0x7FF  }
0x13: {  	p0 =	slt.u32 s13, $0x2;
	s20 =	smov.u32 @p1 s2;
	p1 =	sne.s32 s13, s7  }
.Ltmp1:
0x14: {  	s19 =	simm.s32 @!p0 $0x2;
	(pc) =	sbr.rel @!p1 .LBB1_8-.Ltmp1, $4  }
0x15: {  	s15 =	smov.u32 s11;
	s16 =	smov.u32 s12;
	_ =	swait.ge @!p0 [sflag:s19], $0x4000  }
0x16: {  	s9 =	sadd.s32 $0x4000, s9;
	[sflag:s19] =	ssyncset.done @!p0 $0x0;
	s18 =	simm.s32 @p2 $0x0  }
0x17: {  	s14 =	smov.u32 s10;
	[sflag:s19] =	ssyncadd.s32 @!p0 $0xFFFFC000;
	s10 =	smov.u32 s17  }
0x18: {  	s11 =	smov.u32 s18;
	s13 =	sadd.s32 $0x1, s13;
	s12 =	smov.u32 s20  }
.LBB1_1:
0x19: {  	p0 =	sge.u32 s13, s6  }
0x1a: {  	s17 =	sshll.u32 @!p0 s11, $0x7  }
0x1b: {  	s18 =	sand.u32 @!p0 $0x78, s10;
	s19 =	sshll.u32 @!p0 s10, $0x2;
	s17 =	sand.u32 @!p0 $0x180, s17  }
0x1c: {  	s31 =	sadd.s32 $0xFFFFFFFF, s13;
	s19 =	sand.u32 @!p0 $0x200, s19;
	s17 =	sor.u32 @!p0 s17, s18  }
0x1d: {  	s18 =	sshll.u32 @!p0 s12, $0x9;
	s17 =	sor.u32 @!p0 s19, s17;
	s19 =	sshrl.u32 @!p0 s10, $0x1  }
0x1e: {  	s20 =	sxor.u32 @!p0 $0xFFFFFFFF, s13;
	s18 =	sadd.s32 @!p0 s5, s18;
	s19 =	sand.u32 @!p0 $0x180, s19  }
0x1f: {  	s20 =	sshll.u32 @!p0 s20, $0xE;
	s18 =	sadd.s32 @!p0 s19, s18;
	s19 =	sand.u32 @!p0 $0x7, s10  }
0x20: {  	s20 =	sand.u32 @!p0 $0x4000, s20;
	s17 =	sshrl.u32 @!p0 s17, $0x3;
	s19 =	sshll.u32 @!p0 s19, $0x12  }
0x21: {  	s17 =	sadd.s32 @!p0 s17, s18;
	s18 =	sor.u32 @!p0 $0x800, s19;
	s19 =	simm.s32 @!p0 $0x1000  }
0x22: {  	[tilespmem:s20], [sflag:$0x1] =	stream.strided.gather @!p0 [hbm4b:s17+s18], $0x4000, s19, s18, $0x38;
	[tilespmem:$0x10000] =	vst v63  }
0x23: {  	p0 =	sge.u32 s31, s6  }
.Ltmp2:
0x24: {  	_ = 	snop;
	(pc) =	sbr.rel @p0 .LBB1_7-.Ltmp2, $1  }
0x25: {  	_ =	sdelay $0x3  }
0x26: {  	s17 =	sshll.u32 s9, $0x2;
	_ =	swait.ge [sflag:s4], $0x4000;
	s31 =	sshll.u32 s13, $0xE  }
0x27: {  	s21 =	simm.s32 $0x0;
	s22 =	simm.s32 $0x0;
	s17 =	sand.u32 $0x10000, s17  }
0x28: {  	s23 =	simm.s32 $0x0;
	[sflag:s4] =	ssyncset.done $0x0;
	s20 =	sshrl.u32 s17, $0x2  }
0x29: {  	s17 =	sand.u32 $0x4000, s31;
	[sflag:s4] =	ssyncadd.s32 $0xFFFFC000;
	s18 =	sor.u32 $0x400, s20  }
0x2a: {  	s19 =	sor.u32 $0x8000, s20;
	s17 =	sor.u32 $0x8000, s17;
	s20 =	sadd.s32 $0x8C00, s20  }
.LBB1_3:
0x2b: {  	v0 =	vmov s19;
	v1 =	vld [tilespmem:s18+$0x270]  }
0x2c: {  	v2 =	vld [tilespmem:s18+$0xFFFFFC10]  }
0x2d: {  	v3 =	vld [tilespmem:s18+$0xFFFFFC20]  }
0x2e: {  	s24 =	sshll.u32 s22, $0x2;
	s25 =	sand.u32 $0x3, s21;
	v4 =	vld [tilespmem:s18+$0xFFFFFC30]  }
0x2f: {  	v5 =	vld [tilespmem:s18+$0xFFFFFC40];
	s26 =	sand.u32 $0xFFFFF800, s24;
	s25 =	sshll.u32 s25, $0x9;
	s24 =	simm.s32 $0x0  }
0x30: {  	v6 =	vld [tilespmem:s18+$0xFFFFFC50];
	s25 =	sor.u32 s25, s26;
	[tilespmem:v0+s24+$0xC70 ss:$0x1] =	vst.idx.msk $0xffff, v1  }
0x31: {  	v7 =	vld [tilespmem:s18+$0x220];
	s25 =	sshrl.u32 s25, $0x2;
	[tilespmem:v0+s24+$0x10 ss:$0x1] =	vst.idx.msk $0xffff, v2  }
0x32: {  	v8 =	vld [tilespmem:s18+$0x230];
	s25 =	sadd.s32 s25, s20;
	[tilespmem:v0+s24+$0x20 ss:$0x1] =	vst.idx.msk $0xffff, v3  }
0x33: {  	v1 =	vmov s25;
	[tilespmem:v0+s24+$0x30 ss:$0x1] =	vst.idx.msk $0xffff, v4;
	v4 =	vld [tilespmem:s18+$0xFFFFFE00]  }
0x34: {  	[tilespmem:v0+s24+$0x40 ss:$0x1] =	vst.idx.msk $0xffff, v5;
	v5 =	vld [tilespmem:s18+$0xFFFFFE10]  }
0x35: {  	[tilespmem:v0+s24+$0x50 ss:$0x1] =	vst.idx.msk $0xffff, v6;
	v6 =	vld [tilespmem:s18+$0xFFFFFE20]  }
0x36: {  	v2 =	vld [tilespmem:s18+$0xFFFFFC60];
	[tilespmem:v0+s24+$0xC20 ss:$0x1] =	vst.idx.msk $0xffff, v7  }
0x37: {  	v3 =	vld [tilespmem:s18+$0xFFFFFC70];
	[tilespmem:v0+s24+$0xC30 ss:$0x1] =	vst.idx.msk $0xffff, v8  }
0x38: {  	[tilespmem:v1+s24+$0xFFFFF800 ss:$0x1] =	vst.idx.msk $0xffff, v4;
	v4 =	vld [tilespmem:s18+$0xFFFFFE50]  }
0x39: {  	[tilespmem:v0+s24+$0x410 ss:$0x1] =	vst.idx.msk $0xffff, v5;
	v5 =	vld [tilespmem:s18+$0xFFFFFE60]  }
0x3a: {  	[tilespmem:v0+s24+$0x420 ss:$0x1] =	vst.idx.msk $0xffff, v6;
	v6 =	vld [tilespmem:s18+$0xFFFFFE70]  }
0x3b: {  	[tilespmem:v0+s24+$0x60 ss:$0x1] =	vst.idx.msk $0xffff, v2;
	v2 =	vld [tilespmem:s18+$0xFFFFFE30]  }
0x3c: {  	[tilespmem:v0+s24+$0x70 ss:$0x1] =	vst.idx.msk $0xffff, v3;
	v3 =	vld [tilespmem:s18+$0xFFFFFE40]  }
0x3d: {  	[tilespmem:v0+s24+$0x450 ss:$0x1] =	vst.idx.msk $0xffff, v4;
	v4 =	vld [tilespmem:s18+$0x20]  }
0x3e: {  	[tilespmem:v0+s24+$0x460 ss:$0x1] =	vst.idx.msk $0xffff, v5;
	v5 =	vld [tilespmem:s18+$0x30]  }
0x3f: {  	[tilespmem:v0+s24+$0x470 ss:$0x1] =	vst.idx.msk $0xffff, v6;
	v6 =	vld [tilespmem:s18+$0x40]  }
0x40: {  	[tilespmem:v0+s24+$0x430 ss:$0x1] =	vst.idx.msk $0xffff, v2;
	v2 =	vld [tilespmem:s18+$0x0]  }
0x41: {  	[tilespmem:v0+s24+$0x440 ss:$0x1] =	vst.idx.msk $0xffff, v3;
	v3 =	vld [tilespmem:s18+$0x10]  }
0x42: {  	[tilespmem:v0+s24+$0x820 ss:$0x1] =	vst.idx.msk $0xffff, v4;
	v4 =	vld [tilespmem:s18+$0x70]  }
0x43: {  	[tilespmem:v0+s24+$0x830 ss:$0x1] =	vst.idx.msk $0xffff, v5;
	v5 =	vld [tilespmem:s18+$0x200]  }
0x44: {  	[tilespmem:v0+s24+$0x840 ss:$0x1] =	vst.idx.msk $0xffff, v6;
	v6 =	vld [tilespmem:s18+$0x210]  }
0x45: {  	[tilespmem:v1+s24+$0xFFFFFC00 ss:$0x1] =	vst.idx.msk $0xffff, v2;
	v2 =	vld [tilespmem:s18+$0x50]  }
0x46: {  	[tilespmem:v0+s24+$0x810 ss:$0x1] =	vst.idx.msk $0xffff, v3;
	v3 =	vld [tilespmem:s18+$0x60]  }
0x47: {  	[tilespmem:v0+s24+$0x870 ss:$0x1] =	vst.idx.msk $0xffff, v4;
	v4 =	vld [tilespmem:s18+$0x240]  }
0x48: {  	[tilespmem:v1+s24+$0x0 ss:$0x1] =	vst.idx.msk $0xffff, v5;
	v5 =	vld [tilespmem:s18+$0x250]  }
0x49: {  	[tilespmem:v0+s24+$0xC10 ss:$0x1] =	vst.idx.msk $0xffff, v6;
	v6 =	vld [tilespmem:s18+$0x260]  }
0x4a: {  	s25 =	sadd.s32 $0x80, s18;
	[tilespmem:v0+s24+$0x850 ss:$0x1] =	vst.idx.msk $0xffff, v2;
	v2 =	vld [tilespmem:s18+$0xFFFFFC00]  }
0x4b: {  	s27 =	simm.s32 $0x8000;
	s26 =	simm.s32 $0x4000;
	[tilespmem:v0+s24+$0x860 ss:$0x1] =	vst.idx.msk $0xffff, v3;
	v3 =	vld [tilespmem:s25+$0x270]  }
.LBB1_4:
0x4c: {  	p0 =	sne.s32 s27, $0xC000;
	v7 =	vld [tilespmem:s25+$0xFFFFFC10];
	[tilespmem:v0+s24+$0xC40 ss:$0x1] =	vst.idx.msk $0xffff, v4  }
0x4d: {  	v4 =	vld [tilespmem:s25+$0xFFFFFC20];
	[tilespmem:v0+s24+$0xC50 ss:$0x1] =	vst.idx.msk $0xffff, v5  }
0x4e: {  	v5 =	vld [tilespmem:s25+$0xFFFFFC30];
	[tilespmem:v0+s24+$0xC60 ss:$0x1] =	vst.idx.msk $0xffff, v6  }
0x4f: {  	v6 =	vld [tilespmem:s25+$0xFFFFFC40];
	[tilespmem:v0+s24+$0x0 ss:$0x1] =	vst.idx.msk $0xffff, v2;
	s24 =	sshra.s32 s26, $0x2;
	s26 =	smov.u32 s27  }
0x50: {  	v2 =	vld [tilespmem:s25+$0xFFFFFC50];
	[tilespmem:v0+s24+$0xC70 ss:$0x1] =	vst.idx.msk $0xffff, v3  }
0x51: {  	[tilespmem:v0+s24+$0x10 ss:$0x1] =	vst.idx.msk $0xffff, v7;
	v3 =	vld [tilespmem:s25+$0xFFFFFC60]  }
0x52: {  	[tilespmem:v0+s24+$0x20 ss:$0x1] =	vst.idx.msk $0xffff, v4;
	v4 =	vld [tilespmem:s25+$0xFFFFFC70]  }
0x53: {  	[tilespmem:v0+s24+$0x30 ss:$0x1] =	vst.idx.msk $0xffff, v5;
	v5 =	vld [tilespmem:s25+$0xFFFFFE00]  }
0x54: {  	[tilespmem:v0+s24+$0x40 ss:$0x1] =	vst.idx.msk $0xffff, v6;
	v6 =	vld [tilespmem:s25+$0xFFFFFE10]  }
0x55: {  	[tilespmem:v0+s24+$0x50 ss:$0x1] =	vst.idx.msk $0xffff, v2;
	v2 =	vld [tilespmem:s25+$0xFFFFFE20]  }
0x56: {  	[tilespmem:v0+s24+$0x60 ss:$0x1] =	vst.idx.msk $0xffff, v3;
	v3 =	vld [tilespmem:s25+$0xFFFFFE30]  }
0x57: {  	[tilespmem:v0+s24+$0x70 ss:$0x1] =	vst.idx.msk $0xffff, v4;
	v4 =	vld [tilespmem:s25+$0xFFFFFE40]  }
0x58: {  	[tilespmem:v1+s24+$0xFFFFF800 ss:$0x1] =	vst.idx.msk $0xffff, v5;
	v5 =	vld [tilespmem:s25+$0xFFFFFE50]  }
0x59: {  	[tilespmem:v0+s24+$0x410 ss:$0x1] =	vst.idx.msk $0xffff, v6;
	v6 =	vld [tilespmem:s25+$0xFFFFFE60]  }
0x5a: {  	[tilespmem:v0+s24+$0x420 ss:$0x1] =	vst.idx.msk $0xffff, v2;
	v2 =	vld [tilespmem:s25+$0xFFFFFE70]  }
0x5b: {  	[tilespmem:v0+s24+$0x430 ss:$0x1] =	vst.idx.msk $0xffff, v3;
	v3 =	vld [tilespmem:s25+$0x0]  }
0x5c: {  	[tilespmem:v0+s24+$0x440 ss:$0x1] =	vst.idx.msk $0xffff, v4;
	v4 =	vld [tilespmem:s25+$0x10]  }
0x5d: {  	[tilespmem:v0+s24+$0x450 ss:$0x1] =	vst.idx.msk $0xffff, v5;
	v5 =	vld [tilespmem:s25+$0x20]  }
0x5e: {  	[tilespmem:v0+s24+$0x460 ss:$0x1] =	vst.idx.msk $0xffff, v6;
	v6 =	vld [tilespmem:s25+$0x30]  }
0x5f: {  	[tilespmem:v0+s24+$0x470 ss:$0x1] =	vst.idx.msk $0xffff, v2;
	v2 =	vld [tilespmem:s25+$0x40]  }
0x60: {  	[tilespmem:v1+s24+$0xFFFFFC00 ss:$0x1] =	vst.idx.msk $0xffff, v3;
	v3 =	vld [tilespmem:s25+$0x50]  }
0x61: {  	[tilespmem:v0+s24+$0x810 ss:$0x1] =	vst.idx.msk $0xffff, v4;
	v4 =	vld [tilespmem:s25+$0x60]  }
0x62: {  	[tilespmem:v0+s24+$0x820 ss:$0x1] =	vst.idx.msk $0xffff, v5;
	v5 =	vld [tilespmem:s25+$0x70]  }
0x63: {  	[tilespmem:v0+s24+$0x830 ss:$0x1] =	vst.idx.msk $0xffff, v6;
	v6 =	vld [tilespmem:s25+$0x200]  }
0x64: {  	[tilespmem:v0+s24+$0x840 ss:$0x1] =	vst.idx.msk $0xffff, v2;
	v2 =	vld [tilespmem:s25+$0x210]  }
0x65: {  	[tilespmem:v0+s24+$0x850 ss:$0x1] =	vst.idx.msk $0xffff, v3;
	v3 =	vld [tilespmem:s25+$0x220]  }
0x66: {  	[tilespmem:v0+s24+$0x860 ss:$0x1] =	vst.idx.msk $0xffff, v4;
	v7 =	vld [tilespmem:s25+$0x230]  }
.Ltmp3:
0x67: {  	[tilespmem:v0+s24+$0x870 ss:$0x1] =	vst.idx.msk $0xffff, v5;
	v4 =	vld [tilespmem:s25+$0x240];
	(pc) =	sbr.rel @p0 .LBB1_4-.Ltmp3, $4  }
0x68: {  	[tilespmem:v1+s24+$0x0 ss:$0x1] =	vst.idx.msk $0xffff, v6;
	v5 =	vld [tilespmem:s25+$0x250]  }
0x69: {  	[tilespmem:v0+s24+$0xC10 ss:$0x1] =	vst.idx.msk $0xffff, v2;
	v6 =	vld [tilespmem:s25+$0x260]  }
0x6a: {  	v2 =	vld [tilespmem:s25+$0xFFFFFC00];
	[tilespmem:v0+s24+$0xC20 ss:$0x1] =	vst.idx.msk $0xffff, v3;
	s25 =	sadd.s32 $0x80, s25  }
0x6b: {  	s27 =	sadd.s32 $0x4000, s27;
	v3 =	vld [tilespmem:s25+$0x270];
	[tilespmem:v0+s24+$0xC30 ss:$0x1] =	vst.idx.msk $0xffff, v7  }
0x6c: {  	_ =	sdelay $0x3  }
0x6d: {  	v7 =	vld [tilespmem:s25+$0xFFFFFC10];
	[tilespmem:v0+s24+$0xC40 ss:$0x1] =	vst.idx.msk $0xffff, v4  }
0x6e: {  	v34 =	vld [tilespmem:s25+$0xFFFFFC20];
	[tilespmem:v0+s24+$0xC50 ss:$0x1] =	vst.idx.msk $0xffff, v5  }
0x6f: {  	v35 =	vld [tilespmem:s25+$0xFFFFFC30];
	[tilespmem:v0+s24+$0xC60 ss:$0x1] =	vst.idx.msk $0xffff, v6  }
0x70: {  	s26 =	sshra.s32 s26, $0x2;
	v36 =	vld [tilespmem:s25+$0xFFFFFC40];
	[tilespmem:v0+s24+$0x0 ss:$0x1] =	vst.idx.msk $0xffff, v2  }
0x71: {  	v37 =	vld [tilespmem:s25+$0xFFFFFC50];
	[tilespmem:v0+s26+$0xC70 ss:$0x1] =	vst.idx.msk $0xffff, v3  }
0x72: {  	v38 =	vld [tilespmem:s25+$0xFFFFFC60];
	[tilespmem:v0+s26+$0x10 ss:$0x1] =	vst.idx.msk $0xffff, v7  }
0x73: {  	v39 =	vld [tilespmem:s25+$0xFFFFFC70];
	[tilespmem:v0+s26+$0x20 ss:$0x1] =	vst.idx.msk $0xffff, v34  }
0x74: {  	v40 =	vld [tilespmem:s25+$0xFFFFFE00];
	[tilespmem:v0+s26+$0x30 ss:$0x1] =	vst.idx.msk $0xffff, v35  }
0x75: {  	v41 =	vld [tilespmem:s25+$0xFFFFFE10];
	[tilespmem:v0+s26+$0x40 ss:$0x1] =	vst.idx.msk $0xffff, v36  }
0x76: {  	v42 =	vld [tilespmem:s25+$0xFFFFFE20];
	[tilespmem:v0+s26+$0x50 ss:$0x1] =	vst.idx.msk $0xffff, v37  }
0x77: {  	v43 =	vld [tilespmem:s25+$0xFFFFFE30];
	[tilespmem:v0+s26+$0x60 ss:$0x1] =	vst.idx.msk $0xffff, v38  }
0x78: {  	v44 =	vld [tilespmem:s25+$0xFFFFFE40];
	[tilespmem:v0+s26+$0x70 ss:$0x1] =	vst.idx.msk $0xffff, v39  }
0x79: {  	v45 =	vld [tilespmem:s25+$0xFFFFFE50];
	[tilespmem:v1+s26+$0xFFFFF800 ss:$0x1] =	vst.idx.msk $0xffff, v40  }
0x7a: {  	v46 =	vld [tilespmem:s25+$0xFFFFFE60];
	[tilespmem:v0+s26+$0x410 ss:$0x1] =	vst.idx.msk $0xffff, v41  }
0x7b: {  	v47 =	vld [tilespmem:s25+$0xFFFFFE70];
	[tilespmem:v0+s26+$0x420 ss:$0x1] =	vst.idx.msk $0xffff, v42  }
0x7c: {  	v48 =	vld [tilespmem:s25+$0x0];
	[tilespmem:v0+s26+$0x430 ss:$0x1] =	vst.idx.msk $0xffff, v43  }
0x7d: {  	v49 =	vld [tilespmem:s25+$0x10];
	[tilespmem:v0+s26+$0x440 ss:$0x1] =	vst.idx.msk $0xffff, v44  }
0x7e: {  	v50 =	vld [tilespmem:s25+$0x20];
	[tilespmem:v0+s26+$0x450 ss:$0x1] =	vst.idx.msk $0xffff, v45  }
0x7f: {  	v51 =	vld [tilespmem:s25+$0x30];
	[tilespmem:v0+s26+$0x460 ss:$0x1] =	vst.idx.msk $0xffff, v46  }
0x80: {  	v52 =	vld [tilespmem:s25+$0x40];
	[tilespmem:v0+s26+$0x470 ss:$0x1] =	vst.idx.msk $0xffff, v47  }
0x81: {  	v53 =	vld [tilespmem:s25+$0x50];
	[tilespmem:v1+s26+$0xFFFFFC00 ss:$0x1] =	vst.idx.msk $0xffff, v48  }
0x82: {  	v54 =	vld [tilespmem:s25+$0x60];
	[tilespmem:v0+s26+$0x810 ss:$0x1] =	vst.idx.msk $0xffff, v49  }
0x83: {  	v55 =	vld [tilespmem:s25+$0x70];
	[tilespmem:v0+s26+$0x820 ss:$0x1] =	vst.idx.msk $0xffff, v50  }
0x84: {  	v56 =	vld [tilespmem:s25+$0x200];
	[tilespmem:v0+s26+$0x830 ss:$0x1] =	vst.idx.msk $0xffff, v51  }
0x85: {  	v57 =	vld [tilespmem:s25+$0x210];
	[tilespmem:v0+s26+$0x840 ss:$0x1] =	vst.idx.msk $0xffff, v52  }
0x86: {  	v58 =	vld [tilespmem:s25+$0x220];
	[tilespmem:v0+s26+$0x850 ss:$0x1] =	vst.idx.msk $0xffff, v53  }
0x87: {  	v59 =	vld [tilespmem:s25+$0x230];
	[tilespmem:v0+s26+$0x860 ss:$0x1] =	vst.idx.msk $0xffff, v54  }
0x88: {  	v60 =	vld [tilespmem:s25+$0x240];
	[tilespmem:v0+s26+$0x870 ss:$0x1] =	vst.idx.msk $0xffff, v55  }
0x89: {  	v61 =	vld [tilespmem:s25+$0x250];
	[tilespmem:v1+s26+$0x0 ss:$0x1] =	vst.idx.msk $0xffff, v56  }
0x8a: {  	v62 =	vld [tilespmem:s25+$0x260];
	s23 =	sadd.s32 $0x1, s23;
	[tilespmem:v0+s26+$0xC10 ss:$0x1] =	vst.idx.msk $0xffff, v57  }
0x8b: {  	v63 =	vld [tilespmem:s25+$0xFFFFFC00];
	p0 =	sne.s32 s23, $0x8;
	[tilespmem:v0+s26+$0xC20 ss:$0x1] =	vst.idx.msk $0xffff, v58  }
.Ltmp4:
0x8c: {  	[tilespmem:v0+s26+$0xC30 ss:$0x1] =	vst.idx.msk $0xffff, v59;
	(pc) =	sbr.rel @p0 .LBB1_3-.Ltmp4, $4  }
0x8d: {  	[tilespmem:v0+s26+$0xC40 ss:$0x1] =	vst.idx.msk $0xffff, v60  }
0x8e: {  	[tilespmem:v0+s26+$0xC50 ss:$0x1] =	vst.idx.msk $0xffff, v61  }
0x8f: {  	s18 =	sadd.s32 $0x800, s18;
	[tilespmem:v0+s26+$0xC60 ss:$0x1] =	vst.idx.msk $0xffff, v62  }
0x90: {  	s22 =	sadd.s32 $0x80, s22;
	s21 =	sadd.s32 $0x1, s21;
	s19 =	sadd.s32 $0x80, s19;
	[tilespmem:v0+s26+$0x0 ss:$0x1] =	vst.idx.msk $0xffff, v63  }
0x91: {  	s16 =	sshll.u32 s16, $0x7;
	s18 =	sand.u32 $0x78, s14  }
0x92: {  	s15 =	sshll.u32 s15, $0x12;
	s31 =	sand.u32 $0x7, s14;
	s19 =	sand.u32 $0x380, s16  }
.Ltmp5:
0x93: {  	s16 =	sand.u32 $0x3FC00, s16;
	s18 =	sor.u32 s19, s18;
	(pc) =	sbr.rel .LBB1_7-.Ltmp5, $4  }
0x94: {  	s15 =	sadd.s32 s3, s15;
	s16 =	sadd.s32 s14, s16;
	s18 =	sshrl.u32 s18, $0x3  }
0x95: {  	s14 =	sshll.u32 s31, $0x12;
	s16 =	sand.u32 $0x3FF80, s16;
	s15 =	sadd.s32 s18, s15  }
0x96: {  	s14 =	sor.u32 $0x1000, s14;
	s15 =	sadd.s32 s16, s15  }
0x97: {  	[hbm4b:s15+s14] =	stream.strided.scatter [tilespmem:s17], [sflag:$0x2], $0x4000, s8, s14, $0x38;
	[tilespmem:$0x10000] =	vst v63  }
.LBB1_8:
0x98: {  	_ =	sfence.sel $0x180000  }
0x99: {  	s2 =	simm.s32 $0x1;
	[bflag:$0x0] =	sbarrier.arrive $0xFFFF  }
0x9a: {  	s31 =	simm.s32 $0x2;
	[sflag:s2] =	ssyncpa.u1 $0x1  }
0x9b: {  	[sflag:s31] =	ssyncpa.u1 $0x1  }
0x9c: {  	p0 =	sne.s32 s0, $0x0;
	_ =	strace $0x9000004D  }
0x9d: {  	s0 =	sadd.s32 @!p0 $0x100000, s1;
	[bflag:$0x2] =	sbarrier.arrive $0xFFFF  }
0x9e: {  	[sflag:s0] =	ssyncadd.tile.s32 @!p0 $0x1;
	_ =	shalt  }
.Lfunc_end1:
_tile_overlayer_lowered:
.L_overlay_start_2:
0x9f: {  	(tag) =	ssettag $0x2  }
0xa0: {  	s0 =	rddreg [dreg:$0x0];
	s2 =	stileid.u32  }
0xa1: {  	s1 =	rddreg [dreg:$0x1];
	p0 =	sne.s32 s2, $0x0  }
0xa2: {  	s3 =	rddreg [dreg:$0x2];
	[bflag:$0x3] =	sbarrier.arrive $0xFFFF;
	s2 =	simm.s32 @!p0 $0x1C01  }
0xa3: {  	[timem:s3], [sflag:s2] =	dma.local @!p0 [hbm:s0], s1  }
0xa4: {  	s0 =	simm.s32 @!p0 $0x1  }
0xa5: {  	_ =	swait.ge @!p0 [sflag:s0], s1  }
0xa6: {  	s1 =	ssub.s32 @!p0 $0x0, s1;
	[sflag:s0] =	ssyncset.done @!p0 $0x0  }
0xa7: {  	[sflag:s0] =	ssyncadd.s32 @!p0 s1  }
0xa8: {  	[bflag:$0x3] =	sbarrier.arrive $0xFFFF  }
0xa9: {  	_ =	shalt  }

</sc_bundles>
